<compile_context>
chip_gen: v7x
topology: tpu7x:2x2x1
jax: 0.10.2.dev20260603
libtpu: 0.0.44.dev20260713+nightly
codegen_flags: <defaults>
</compile_context>

<pallas_src>
import functools

import jax
import jax.numpy as jnp
from jax import lax
from jax.experimental import pallas as pl
from jax.experimental.pallas import tpu as pltpu
from jax.experimental.pallas import tpu_sc as plsc

N = 10000
E = 320000
D = 128
H = 8
F = 16
HF = H * F
ALPHA = 0.2
AW = HF + 16
BW = 16
LANES = 16

CHUNK = 40
NTILES = 32
EDGES_PER_TILE = E // NTILES
NK = EDGES_PER_TILE // CHUNK
ROWS_PER_TILE = N // 16


def _prep_body(feat_ref, ma_ref, mb_ref, a_ref, b_ref):
    f = feat_ref[...]
    dn = (((1,), (0,)), ((), ()))
    a_ref[...] = lax.dot_general(f, ma_ref[...], dn,
                                 preferred_element_type=jnp.float32)
    b_ref[...] = lax.dot_general(f, mb_ref[...], dn,
                                 preferred_element_type=jnp.float32)


def _prep(feat, ma, mb):
    return pl.pallas_call(
        _prep_body,
        out_shape=(
            jax.ShapeDtypeStruct((N, AW), jnp.float32),
            jax.ShapeDtypeStruct((N, BW), jnp.float32),
        ),
    )(feat, ma, mb)


def _bcast_lane(vec, lane):
    idx = jnp.full((LANES, 1), lane, dtype=jnp.int32)
    dn = lax.GatherDimensionNumbers(
        offset_dims=(), collapsed_slice_dims=(0,), start_index_map=(0,))
    return lax.gather(vec, idx, dn, (1,),
                      mode=lax.GatherScatterMode.PROMISE_IN_BOUNDS)


def _sc_edge_body(a_hbm, b_hbm, ei_hbm, z_hbm, out_hbm,
                  src0, src1, src2, dst0, dst1, dst2, dsts0, dsts1,
                  ar0, ar1, ar2, br0, br1, br2, mr0, mr1, acc,
                  g0, g1, g2, gi0, gi1, gi2, sc0, sc1):
    c = lax.axis_index("c")
    s = lax.axis_index("s")
    wid = s * 2 + c
    base = wid * EDGES_PER_TILE

    src = (src0, src1, src2)
    dst = (dst0, dst1, dst2)
    dsts = (dsts0, dsts1)
    ar = (ar0, ar1, ar2)
    br = (br0, br1, br2)
    mr = (mr0, mr1)
    g = (g0, g1, g2)
    gi = (gi0, gi1, gi2)
    sc = (sc0, sc1)

    r0 = s * ROWS_PER_TILE

    def issue_idx(k, m):
        off = base + k * CHUNK
        pltpu.async_copy(ei_hbm.at[0, pl.ds(off, CHUNK)], src[m], gi[m])
        pltpu.async_copy(ei_hbm.at[1, pl.ds(off, CHUNK)], dst[m], gi[m])

    def wait_idx(m):
        pltpu.make_async_copy(ei_hbm.at[0, pl.ds(0, CHUNK)], src[m], gi[m]).wait()
        pltpu.make_async_copy(ei_hbm.at[1, pl.ds(0, CHUNK)], dst[m], gi[m]).wait()

    def issue_gather(m):
        pltpu.async_copy(a_hbm.at[src[m]], ar[m], g[m])
        pltpu.async_copy(b_hbm.at[dst[m]], br[m], g[m])

    def wait_gather(m):
        pltpu.make_async_copy(a_hbm.at[src[m]], ar[m], g[m]).wait()
        pltpu.make_async_copy(b_hbm.at[dst[m]], br[m], g[m]).wait()

    def issue_scatter(m):
        pltpu.async_copy(mr[m], acc.at[dsts[m]], sc[m], add=True)

    def wait_scatter(m):
        pltpu.make_async_copy(mr[m], acc.at[dsts[m]], sc[m]).wait()

    def one_iter(k, gp, pp, pref_gather, pref_idx, wait_sc):
        wait_gather(gp)
        if wait_sc:
            wait_scatter(pp)
        for j in (0, LANES, CHUNK - LANES):
            dsts[pp][pl.ds(j, LANES)] = dst[gp][pl.ds(j, LANES)]
        if pref_idx:
            issue_idx(k + 3, gp)
        if pref_gather:
            m2 = (gp + 2) % 3
            wait_idx(m2)
            issue_gather(m2)

        @pl.loop(0, CHUNK)
        def _(i):
            elv = ar[gp][i, pl.ds(HF, LANES)]
            erv = br[gp][i, :]
            sv = elv + erv
            wv = jnp.exp(jnp.maximum(sv, sv * ALPHA))
            mr[pp][i, pl.ds(HF, LANES)] = wv
            for h in range(H):
                wb = _bcast_lane(wv, h)
                ftv = ar[gp][i, pl.ds(h * F, LANES)]
                mr[pp][i, pl.ds(h * F, LANES)] = ftv * wb

        issue_scatter(pp)

    issue_idx(0, 0)
    issue_idx(1, 1)
    issue_idx(2, 2)
    pltpu.sync_copy(z_hbm, acc.at[pl.ds(r0, ROWS_PER_TILE)])
    wait_idx(0)
    issue_gather(0)
    wait_idx(1)
    issue_gather(1)
    plsc.subcore_barrier()
    one_iter(0, 0, 0, True, True, False)
    one_iter(1, 1, 1, True, True, False)

    @pl.loop(0, (NK - 10) // 6)
    def _(j):
        k = 2 + j * 6
        for u in range(6):
            one_iter(k + u, (2 + u) % 3, u % 2, True, True, True)

    for k in range(NK - 8, NK):
        one_iter(k, k % 3, k % 2,
                 k + 2 <= NK - 1, k + 3 <= NK - 1, True)
    wait_scatter(0)
    wait_scatter(1)

    plsc.subcore_barrier()
    pltpu.sync_copy(acc.at[pl.ds(r0, ROWS_PER_TILE)],
                    out_hbm.at[c, pl.ds(r0, ROWS_PER_TILE)])


def _sc_edge(a, b, edge_index, zeros):
    mesh = plsc.VectorSubcoreMesh(core_axis_name="c", subcore_axis_name="s")
    kern = pl.kernel(
        _sc_edge_body,
        out_type=jax.ShapeDtypeStruct((2, N, AW), jnp.float32),
        mesh=mesh,
        scratch_types=(
            [pltpu.VMEM((CHUNK,), jnp.int32)] * 6
            + [pltpu.VMEM((CHUNK,), jnp.int32)] * 2
            + [pltpu.VMEM((CHUNK, AW), jnp.float32)] * 3
            + [pltpu.VMEM((CHUNK, BW), jnp.float32)] * 3
            + [pltpu.VMEM((CHUNK, AW), jnp.float32)] * 2
            + [pltpu.VMEM_SHARED((N, AW), jnp.float32)]
            + [pltpu.SemaphoreType.DMA] * 8
        ),
        compiler_params=pltpu.CompilerParams(use_tc_tiling_on_sc=False),
    )
    return kern(a, b, edge_index, zeros)


def _div_body(acc_ref, r_ref, o_ref):
    sacc = acc_ref[0] + acc_ref[1]
    den = sacc[:, HF:HF + H]
    dn = (((1,), (0,)), ((), ()))
    denb = lax.dot_general(den, r_ref[...], dn,
                           preferred_element_type=jnp.float32)
    num = sacc[:, :HF]
    o_ref[...] = jnp.where(denb > 0.0, num / denb, 0.0)


def _div(acc, r):
    return pl.pallas_call(
        _div_body,
        out_shape=jax.ShapeDtypeStruct((N, HF), jnp.float32),
    )(acc, r)


def kernel(feat, edge_index, W, attn_l, attn_r):
    f32 = jnp.float32
    wt = W.T.astype(f32)
    eye = jnp.eye(H, dtype=f32)
    wl = (attn_l[0][:, :, None] * eye[:, None, :]).reshape(HF, H)
    wr = (attn_r[0][:, :, None] * eye[:, None, :]).reshape(HF, H)
    wl = jnp.pad(wl, ((0, 0), (0, BW - H)))
    wr = jnp.pad(wr, ((0, 0), (0, BW - H)))
    ma = jnp.concatenate([wt, wt @ wl], axis=1)
    mb = wt @ wr

    a, b = _prep(feat, ma, mb)
    zeros = jnp.zeros((ROWS_PER_TILE, AW), f32)
    acc = _sc_edge(a, b, edge_index, zeros)

    r = jnp.repeat(eye, F, axis=1)
    out = _div(acc, r)
    return out.reshape(N, H, F)

# --- scband reference (transcript-rebuilt; emitter-appended) ---
"""Pipeline reference for scband-gatconv-26216480375291 (READ-ONLY COPY).

The authoritative reference and input builder live on the scoring server;
editing this copy changes nothing except your own understanding.
"""

import jax, jax.numpy as jnp
import numpy as np

N = 10000
E = 320000
D = 128
H = 8
F = 16
ALPHA = 0.2


def setup_inputs(seed: int = 0) -> dict:
    key = jax.random.key(seed)
    k1, k2, k3, k4, k5 = jax.random.split(key, 5)
    feat = jax.random.normal(k1, (N, D), dtype=jnp.float32)
    edge_index = jax.random.randint(k2, (2, E), 0, N, dtype=jnp.int32)
    # learned params (xavier-ish scale)
    W = jax.random.normal(k3, (H * F, D), dtype=jnp.float32) * (1.4142 * (2.0 / (D + H * F)) ** 0.5)
    attn_l = jax.random.normal(k4, (1, H, F), dtype=jnp.float32) * (1.4142 * (2.0 / (1 + F)) ** 0.5)
    attn_r = jax.random.normal(k5, (1, H, F), dtype=jnp.float32) * (1.4142 * (2.0 / (1 + F)) ** 0.5)
    return {"feat": feat, "edge_index": edge_index, "W": W, "attn_l": attn_l, "attn_r": attn_r}


def reference(feat, edge_index, W, attn_l, attn_r):
    src = edge_index[0]
    dst = edge_index[1]
    # fc: feat_drop is identity (p=0)
    ft = (feat @ W.T).reshape(-1, H, F)  # [N, H, F]
    el = jnp.sum(ft * attn_l, axis=-1, keepdims=True)  # [N, H, 1]
    er = jnp.sum(ft * attn_r, axis=-1, keepdims=True)  # [N, H, 1]
    # u_add_v: el[src] + er[dst] per edge
    e = el[src] + er[dst]  # [E, H, 1]
    e = jax.nn.leaky_relu(e, ALPHA)
    e2 = e[..., 0]  # [E, H]
    # edge_softmax: normalize over edges sharing the same destination node
    emax = jax.ops.segment_max(e2, dst, num_segments=N)  # [N, H]
    emax = jnp.where(jnp.isfinite(emax), emax, 0.0)
    emax = jax.lax.stop_gradient(emax)
    ee = jnp.exp(e2 - emax[dst])  # [E, H]
    denom = jax.ops.segment_sum(ee, dst, num_segments=N)  # [N, H]
    a = ee / denom[dst]  # [E, H]  (attn_drop is identity, p=0)
    # u_mul_e then sum over incoming edges
    m = ft[src] * a[..., None]  # [E, H, F]
    rst = jax.ops.segment_sum(m, dst, num_segments=N)  # [N, H, F]
    return rst

if __name__ == "__main__":
    import jax
    _d = setup_inputs()
    print(jax.jit(kernel)(*tuple(_d.values())))

</pallas_src>

<mosaic_0001>
#map = affine_map<(d0, d1) -> (0, 0)>
#map1 = affine_map<(d0, d1) -> (0, 0, 0)>
module attributes {stable_mosaic.version = 14 : i64} {
  func.func @_sc_edge_body(%arg0: i32, %arg1: i32, %arg2: memref<10000x144xf32, #tpu.memory_space<hbm>>, %arg3: memref<10000x16xf32, #tpu.memory_space<hbm>>, %arg4: memref<2x320000xi32, #tpu.memory_space<hbm>>, %arg5: memref<625x144xf32, #tpu.memory_space<hbm>>, %arg6: memref<2x10000x144xf32, #tpu.memory_space<hbm>>, %arg7: memref<40xi32, #tpu.memory_space<vmem>>, %arg8: memref<40xi32, #tpu.memory_space<vmem>>, %arg9: memref<40xi32, #tpu.memory_space<vmem>>, %arg10: memref<40xi32, #tpu.memory_space<vmem>>, %arg11: memref<40xi32, #tpu.memory_space<vmem>>, %arg12: memref<40xi32, #tpu.memory_space<vmem>>, %arg13: memref<40xi32, #tpu.memory_space<vmem>>, %arg14: memref<40xi32, #tpu.memory_space<vmem>>, %arg15: memref<40x144xf32, #tpu.memory_space<vmem>>, %arg16: memref<40x144xf32, #tpu.memory_space<vmem>>, %arg17: memref<40x144xf32, #tpu.memory_space<vmem>>, %arg18: memref<40x16xf32, #tpu.memory_space<vmem>>, %arg19: memref<40x16xf32, #tpu.memory_space<vmem>>, %arg20: memref<40x16xf32, #tpu.memory_space<vmem>>, %arg21: memref<40x144xf32, #tpu.memory_space<vmem>>, %arg22: memref<40x144xf32, #tpu.memory_space<vmem>>, %arg23: memref<10000x144xf32, #tpu.memory_space<vmem_shared>>, %arg24: memref<!tpu.dma_semaphore, #tpu.memory_space<semaphore_mem>>, %arg25: memref<!tpu.dma_semaphore, #tpu.memory_space<semaphore_mem>>, %arg26: memref<!tpu.dma_semaphore, #tpu.memory_space<semaphore_mem>>, %arg27: memref<!tpu.dma_semaphore, #tpu.memory_space<semaphore_mem>>, %arg28: memref<!tpu.dma_semaphore, #tpu.memory_space<semaphore_mem>>, %arg29: memref<!tpu.dma_semaphore, #tpu.memory_space<semaphore_mem>>, %arg30: memref<!tpu.dma_semaphore, #tpu.memory_space<semaphore_mem>>, %arg31: memref<!tpu.dma_semaphore, #tpu.memory_space<semaphore_mem>>) attributes {dimension_semantics = [#tpu.dimension_semantics<core_parallel>, #tpu.dimension_semantics<subcore_parallel>], iteration_bounds = array<i64: 2, 16>, scalar_prefetch = 0 : i64, scratch_operands = 25 : i64, tpu.core_type = #tpu.core_type<sc_vector_subcore>, window_params = [{transform_indices = #map}, {transform_indices = #map}, {transform_indices = #map}, {transform_indices = #map}, {transform_indices = #map1}]} {
    %mul3A = arith.constant 2 : i32
    %mul3A_0 = arith.muli %arg1, %mul3A : i32
    %add3A = arith.addi %mul3A_0, %arg0 : i32
    %mul3A_1 = arith.constant 10000 : i32
    %mul3A_2 = arith.muli %add3A, %mul3A_1 : i32
    %mul3A_3 = arith.constant 625 : i32
    %mul3A_4 = arith.muli %arg1, %mul3A_3 : i32
    %add3A_5 = arith.constant 0 : i32
    %add3A_6 = arith.addi %mul3A_2, %add3A_5 : i32
    %dma_start3A = arith.constant 0 : i32
    %dma_start3A_7 = tpu.memref_slice %arg4[%dma_start3A, %add3A_6] : memref<2x320000xi32, #tpu.memory_space<hbm>> -> memref<1x40xi32, #tpu.memory_space<hbm>>
    %dma_start3A_8 = tpu.memref_squeeze %dma_start3A_7 : memref<1x40xi32, #tpu.memory_space<hbm>> -> memref<40xi32, #tpu.memory_space<hbm>>
    %dma_start3A_9 = tpu.memref_slice %arg4[%dma_start3A, %add3A_6] : memref<2x320000xi32, #tpu.memory_space<hbm>> -> memref<1x40xi32, #tpu.memory_space<hbm>>
    %dma_start3A_10 = tpu.memref_squeeze %dma_start3A_9 : memref<1x40xi32, #tpu.memory_space<hbm>> -> memref<40xi32, #tpu.memory_space<hbm>>
    tpu.enqueue_dma source(%dma_start3A_10 : memref<40xi32, #tpu.memory_space<hbm>>) target(%arg7 : memref<40xi32, #tpu.memory_space<vmem>>) target_semaphore(%arg27 : memref<!tpu.dma_semaphore, #tpu.memory_space<semaphore_mem>>)
    %dma_start3A_11 = arith.constant 1 : i32
    %dma_start3A_12 = tpu.memref_slice %arg4[%dma_start3A_11, %add3A_6] : memref<2x320000xi32, #tpu.memory_space<hbm>> -> memref<1x40xi32, #tpu.memory_space<hbm>>
    %dma_start3A_13 = tpu.memref_squeeze %dma_start3A_12 : memref<1x40xi32, #tpu.memory_space<hbm>> -> memref<40xi32, #tpu.memory_space<hbm>>
    %dma_start3A_14 = tpu.memref_slice %arg4[%dma_start3A_11, %add3A_6] : memref<2x320000xi32, #tpu.memory_space<hbm>> -> memref<1x40xi32, #tpu.memory_space<hbm>>
    %dma_start3A_15 = tpu.memref_squeeze %dma_start3A_14 : memref<1x40xi32, #tpu.memory_space<hbm>> -> memref<40xi32, #tpu.memory_space<hbm>>
    tpu.enqueue_dma source(%dma_start3A_15 : memref<40xi32, #tpu.memory_space<hbm>>) target(%arg10 : memref<40xi32, #tpu.memory_space<vmem>>) target_semaphore(%arg27 : memref<!tpu.dma_semaphore, #tpu.memory_space<semaphore_mem>>)
    %add3A_16 = arith.constant 40 : i32
    %add3A_17 = arith.addi %mul3A_2, %add3A_16 : i32
    %dma_start3A_18 = arith.constant 0 : i32
    %dma_start3A_19 = tpu.memref_slice %arg4[%dma_start3A_18, %add3A_17] : memref<2x320000xi32, #tpu.memory_space<hbm>> -> memref<1x40xi32, #tpu.memory_space<hbm>>
    %dma_start3A_20 = tpu.memref_squeeze %dma_start3A_19 : memref<1x40xi32, #tpu.memory_space<hbm>> -> memref<40xi32, #tpu.memory_space<hbm>>
    %dma_start3A_21 = tpu.memref_slice %arg4[%dma_start3A_18, %add3A_17] : memref<2x320000xi32, #tpu.memory_space<hbm>> -> memref<1x40xi32, #tpu.memory_space<hbm>>
    %dma_start3A_22 = tpu.memref_squeeze %dma_start3A_21 : memref<1x40xi32, #tpu.memory_space<hbm>> -> memref<40xi32, #tpu.memory_space<hbm>>
    tpu.enqueue_dma source(%dma_start3A_22 : memref<40xi32, #tpu.memory_space<hbm>>) target(%arg8 : memref<40xi32, #tpu.memory_space<vmem>>) target_semaphore(%arg28 : memref<!tpu.dma_semaphore, #tpu.memory_space<semaphore_mem>>)
    %dma_start3A_23 = arith.constant 1 : i32
    %dma_start3A_24 = tpu.memref_slice %arg4[%dma_start3A_23, %add3A_17] : memref<2x320000xi32, #tpu.memory_space<hbm>> -> memref<1x40xi32, #tpu.memory_space<hbm>>
    %dma_start3A_25 = tpu.memref_squeeze %dma_start3A_24 : memref<1x40xi32, #tpu.memory_space<hbm>> -> memref<40xi32, #tpu.memory_space<hbm>>
    %dma_start3A_26 = tpu.memref_slice %arg4[%dma_start3A_23, %add3A_17] : memref<2x320000xi32, #tpu.memory_space<hbm>> -> memref<1x40xi32, #tpu.memory_space<hbm>>
    %dma_start3A_27 = tpu.memref_squeeze %dma_start3A_26 : memref<1x40xi32, #tpu.memory_space<hbm>> -> memref<40xi32, #tpu.memory_space<hbm>>
    tpu.enqueue_dma source(%dma_start3A_27 : memref<40xi32, #tpu.memory_space<hbm>>) target(%arg11 : memref<40xi32, #tpu.memory_space<vmem>>) target_semaphore(%arg28 : memref<!tpu.dma_semaphore, #tpu.memory_space<semaphore_mem>>)
    %add3A_28 = arith.constant 80 : i32
    %add3A_29 = arith.addi %mul3A_2, %add3A_28 : i32
    %dma_start3A_30 = arith.constant 0 : i32
    %dma_start3A_31 = tpu.memref_slice %arg4[%dma_start3A_30, %add3A_29] : memref<2x320000xi32, #tpu.memory_space<hbm>> -> memref<1x40xi32, #tpu.memory_space<hbm>>
    %dma_start3A_32 = tpu.memref_squeeze %dma_start3A_31 : memref<1x40xi32, #tpu.memory_space<hbm>> -> memref<40xi32, #tpu.memory_space<hbm>>
    %dma_start3A_33 = tpu.memref_slice %arg4[%dma_start3A_30, %add3A_29] : memref<2x320000xi32, #tpu.memory_space<hbm>> -> memref<1x40xi32, #tpu.memory_space<hbm>>
    %dma_start3A_34 = tpu.memref_squeeze %dma_start3A_33 : memref<1x40xi32, #tpu.memory_space<hbm>> -> memref<40xi32, #tpu.memory_space<hbm>>
    tpu.enqueue_dma source(%dma_start3A_34 : memref<40xi32, #tpu.memory_space<hbm>>) target(%arg9 : memref<40xi32, #tpu.memory_space<vmem>>) target_semaphore(%arg29 : memref<!tpu.dma_semaphore, #tpu.memory_space<semaphore_mem>>)
    %dma_start3A_35 = arith.constant 1 : i32
    %dma_start3A_36 = tpu.memref_slice %arg4[%dma_start3A_35, %add3A_29] : memref<2x320000xi32, #tpu.memory_space<hbm>> -> memref<1x40xi32, #tpu.memory_space<hbm>>
    %dma_start3A_37 = tpu.memref_squeeze %dma_start3A_36 : memref<1x40xi32, #tpu.memory_space<hbm>> -> memref<40xi32, #tpu.memory_space<hbm>>
    %dma_start3A_38 = tpu.memref_slice %arg4[%dma_start3A_35, %add3A_29] : memref<2x320000xi32, #tpu.memory_space<hbm>> -> memref<1x40xi32, #tpu.memory_space<hbm>>
    %dma_start3A_39 = tpu.memref_squeeze %dma_start3A_38 : memref<1x40xi32, #tpu.memory_space<hbm>> -> memref<40xi32, #tpu.memory_space<hbm>>
    tpu.enqueue_dma source(%dma_start3A_39 : memref<40xi32, #tpu.memory_space<hbm>>) target(%arg12 : memref<40xi32, #tpu.memory_space<vmem>>) target_semaphore(%arg29 : memref<!tpu.dma_semaphore, #tpu.memory_space<semaphore_mem>>)
    "tpu.region"() ({
      %run_scoped3A = tpu.sem_alloc : memref<!tpu.dma_semaphore, #tpu.memory_space<semaphore_mem>>
      %dma_start3A_706 = arith.constant 0 : i32
      %dma_start3A_707 = tpu.memref_slice %arg23[%mul3A_4, %dma_start3A_706] : memref<10000x144xf32, #tpu.memory_space<vmem_shared>> -> memref<625x144xf32, #tpu.memory_space<vmem_shared>>
      tpu.enqueue_dma source(%arg5 : memref<625x144xf32, #tpu.memory_space<hbm>>) target(%dma_start3A_707 : memref<625x144xf32, #tpu.memory_space<vmem_shared>>) target_semaphore(%run_scoped3A : memref<!tpu.dma_semaphore, #tpu.memory_space<semaphore_mem>>)
      %dma_wait3A_708 = arith.constant 0 : i32
      %dma_wait3A_709 = tpu.memref_slice %arg23[%mul3A_4, %dma_wait3A_708] : memref<10000x144xf32, #tpu.memory_space<vmem_shared>> -> memref<625x144xf32, #tpu.memory_space<vmem_shared>>
      tpu.wait_dma2 semaphore(%run_scoped3A : memref<!tpu.dma_semaphore, #tpu.memory_space<semaphore_mem>>) src(%arg5 : memref<625x144xf32, #tpu.memory_space<hbm>>) dst(%dma_wait3A_709 : memref<625x144xf32, #tpu.memory_space<vmem_shared>>)
      tpu.yield
    }) : () -> ()
    %dma_wait3A = arith.constant 0 : i32
    %dma_wait3A_40 = arith.constant 0 : i32
    %dma_wait3A_41 = tpu.memref_slice %arg4[%dma_wait3A, %dma_wait3A_40] : memref<2x320000xi32, #tpu.memory_space<hbm>> -> memref<1x40xi32, #tpu.memory_space<hbm>>
    %dma_wait3A_42 = tpu.memref_squeeze %dma_wait3A_41 : memref<1x40xi32, #tpu.memory_space<hbm>> -> memref<40xi32, #tpu.memory_space<hbm>>
    %dma_wait3A_43 = arith.constant 0 : i32
    %dma_wait3A_44 = tpu.memref_slice %arg4[%dma_wait3A, %dma_wait3A_43] : memref<2x320000xi32, #tpu.memory_space<hbm>> -> memref<1x40xi32, #tpu.memory_space<hbm>>
    %dma_wait3A_45 = tpu.memref_squeeze %dma_wait3A_44 : memref<1x40xi32, #tpu.memory_space<hbm>> -> memref<40xi32, #tpu.memory_space<hbm>>
    tpu.wait_dma2 semaphore(%arg27 : memref<!tpu.dma_semaphore, #tpu.memory_space<semaphore_mem>>) src(%dma_wait3A_45 : memref<40xi32, #tpu.memory_space<hbm>>) dst(%arg7 : memref<40xi32, #tpu.memory_space<vmem>>)
    %dma_wait3A_46 = arith.constant 1 : i32
    %dma_wait3A_47 = arith.constant 0 : i32
    %dma_wait3A_48 = tpu.memref_slice %arg4[%dma_wait3A_46, %dma_wait3A_47] : memref<2x320000xi32, #tpu.memory_space<hbm>> -> memref<1x40xi32, #tpu.memory_space<hbm>>
    %dma_wait3A_49 = tpu.memref_squeeze %dma_wait3A_48 : memref<1x40xi32, #tpu.memory_space<hbm>> -> memref<40xi32, #tpu.memory_space<hbm>>
    %dma_wait3A_50 = arith.constant 0 : i32
    %dma_wait3A_51 = tpu.memref_slice %arg4[%dma_wait3A_46, %dma_wait3A_50] : memref<2x320000xi32, #tpu.memory_space<hbm>> -> memref<1x40xi32, #tpu.memory_space<hbm>>
    %dma_wait3A_52 = tpu.memref_squeeze %dma_wait3A_51 : memref<1x40xi32, #tpu.memory_space<hbm>> -> memref<40xi32, #tpu.memory_space<hbm>>
    tpu.wait_dma2 semaphore(%arg27 : memref<!tpu.dma_semaphore, #tpu.memory_space<semaphore_mem>>) src(%dma_wait3A_52 : memref<40xi32, #tpu.memory_space<hbm>>) dst(%arg10 : memref<40xi32, #tpu.memory_space<vmem>>)
    %dma_start3A_53 = arith.constant 0 : i32
    %dma_start3A_54 = arith.constant 0 : i32
    %dma_start3A_55 = tpu.memref_slice %arg2[%dma_start3A_53, %dma_start3A_54] : memref<10000x144xf32, #tpu.memory_space<hbm>> -> memref<10000x144xf32, #tpu.memory_space<hbm>>
    tpu.enqueue_indirect_dma source(%dma_start3A_55 : memref<10000x144xf32, #tpu.memory_space<hbm>>) target(%arg15 : memref<40x144xf32, #tpu.memory_space<vmem>>) offsets(%arg7 : memref<40xi32, #tpu.memory_space<vmem>>) semaphore(%arg24 : memref<!tpu.dma_semaphore, #tpu.memory_space<semaphore_mem>>)
    %dma_start3A_56 = arith.constant 0 : i32
    %dma_start3A_57 = arith.constant 0 : i32
    %dma_start3A_58 = tpu.memref_slice %arg3[%dma_start3A_56, %dma_start3A_57] : memref<10000x16xf32, #tpu.memory_space<hbm>> -> memref<10000x16xf32, #tpu.memory_space<hbm>>
    tpu.enqueue_indirect_dma source(%dma_start3A_58 : memref<10000x16xf32, #tpu.memory_space<hbm>>) target(%arg18 : memref<40x16xf32, #tpu.memory_space<vmem>>) offsets(%arg10 : memref<40xi32, #tpu.memory_space<vmem>>) semaphore(%arg24 : memref<!tpu.dma_semaphore, #tpu.memory_space<semaphore_mem>>)
    %dma_wait3A_59 = arith.constant 0 : i32
    %dma_wait3A_60 = arith.constant 0 : i32
    %dma_wait3A_61 = tpu.memref_slice %arg4[%dma_wait3A_59, %dma_wait3A_60] : memref<2x320000xi32, #tpu.memory_space<hbm>> -> memref<1x40xi32, #tpu.memory_space<hbm>>
    %dma_wait3A_62 = tpu.memref_squeeze %dma_wait3A_61 : memref<1x40xi32, #tpu.memory_space<hbm>> -> memref<40xi32, #tpu.memory_space<hbm>>
    %dma_wait3A_63 = arith.constant 0 : i32
    %dma_wait3A_64 = tpu.memref_slice %arg4[%dma_wait3A_59, %dma_wait3A_63] : memref<2x320000xi32, #tpu.memory_space<hbm>> -> memref<1x40xi32, #tpu.memory_space<hbm>>
    %dma_wait3A_65 = tpu.memref_squeeze %dma_wait3A_64 : memref<1x40xi32, #tpu.memory_space<hbm>> -> memref<40xi32, #tpu.memory_space<hbm>>
    tpu.wait_dma2 semaphore(%arg28 : memref<!tpu.dma_semaphore, #tpu.memory_space<semaphore_mem>>) src(%dma_wait3A_65 : memref<40xi32, #tpu.memory_space<hbm>>) dst(%arg8 : memref<40xi32, #tpu.memory_space<vmem>>)
    %dma_wait3A_66 = arith.constant 1 : i32
    %dma_wait3A_67 = arith.constant 0 : i32
    %dma_wait3A_68 = tpu.memref_slice %arg4[%dma_wait3A_66, %dma_wait3A_67] : memref<2x320000xi32, #tpu.memory_space<hbm>> -> memref<1x40xi32, #tpu.memory_space<hbm>>
    %dma_wait3A_69 = tpu.memref_squeeze %dma_wait3A_68 : memref<1x40xi32, #tpu.memory_space<hbm>> -> memref<40xi32, #tpu.memory_space<hbm>>
    %dma_wait3A_70 = arith.constant 0 : i32
    %dma_wait3A_71 = tpu.memref_slice %arg4[%dma_wait3A_66, %dma_wait3A_70] : memref<2x320000xi32, #tpu.memory_space<hbm>> -> memref<1x40xi32, #tpu.memory_space<hbm>>
    %dma_wait3A_72 = tpu.memref_squeeze %dma_wait3A_71 : memref<1x40xi32, #tpu.memory_space<hbm>> -> memref<40xi32, #tpu.memory_space<hbm>>
    tpu.wait_dma2 semaphore(%arg28 : memref<!tpu.dma_semaphore, #tpu.memory_space<semaphore_mem>>) src(%dma_wait3A_72 : memref<40xi32, #tpu.memory_space<hbm>>) dst(%arg11 : memref<40xi32, #tpu.memory_space<vmem>>)
    %dma_start3A_73 = arith.constant 0 : i32
    %dma_start3A_74 = arith.constant 0 : i32
    %dma_start3A_75 = tpu.memref_slice %arg2[%dma_start3A_73, %dma_start3A_74] : memref<10000x144xf32, #tpu.memory_space<hbm>> -> memref<10000x144xf32, #tpu.memory_space<hbm>>
    tpu.enqueue_indirect_dma source(%dma_start3A_75 : memref<10000x144xf32, #tpu.memory_space<hbm>>) target(%arg16 : memref<40x144xf32, #tpu.memory_space<vmem>>) offsets(%arg8 : memref<40xi32, #tpu.memory_space<vmem>>) semaphore(%arg25 : memref<!tpu.dma_semaphore, #tpu.memory_space<semaphore_mem>>)
    %dma_start3A_76 = arith.constant 0 : i32
    %dma_start3A_77 = arith.constant 0 : i32
    %dma_start3A_78 = tpu.memref_slice %arg3[%dma_start3A_76, %dma_start3A_77] : memref<10000x16xf32, #tpu.memory_space<hbm>> -> memref<10000x16xf32, #tpu.memory_space<hbm>>
    tpu.enqueue_indirect_dma source(%dma_start3A_78 : memref<10000x16xf32, #tpu.memory_space<hbm>>) target(%arg19 : memref<40x16xf32, #tpu.memory_space<vmem>>) offsets(%arg11 : memref<40xi32, #tpu.memory_space<vmem>>) semaphore(%arg25 : memref<!tpu.dma_semaphore, #tpu.memory_space<semaphore_mem>>)
    %barrier3A = arith.constant 0 : index
    tpu.barrier barrier_id(%barrier3A)
    %dma_wait3A_79 = arith.constant 0 : i32
    %dma_wait3A_80 = arith.constant 0 : i32
    %dma_wait3A_81 = tpu.memref_slice %arg2[%dma_wait3A_79, %dma_wait3A_80] : memref<10000x144xf32, #tpu.memory_space<hbm>> -> memref<10000x144xf32, #tpu.memory_space<hbm>>
    tpu.wait_indirect_dma semaphore(%arg24 : memref<!tpu.dma_semaphore, #tpu.memory_space<semaphore_mem>>) src(%dma_wait3A_81 : memref<10000x144xf32, #tpu.memory_space<hbm>>) dst(%arg15 : memref<40x144xf32, #tpu.memory_space<vmem>>)
    %dma_wait3A_82 = arith.constant 0 : i32
    %dma_wait3A_83 = arith.constant 0 : i32
    %dma_wait3A_84 = tpu.memref_slice %arg3[%dma_wait3A_82, %dma_wait3A_83] : memref<10000x16xf32, #tpu.memory_space<hbm>> -> memref<10000x16xf32, #tpu.memory_space<hbm>>
    tpu.wait_indirect_dma semaphore(%arg24 : memref<!tpu.dma_semaphore, #tpu.memory_space<semaphore_mem>>) src(%dma_wait3A_84 : memref<10000x16xf32, #tpu.memory_space<hbm>>) dst(%arg18 : memref<40x16xf32, #tpu.memory_space<vmem>>)
    %get3A = arith.constant 0 : index
    %get3A_85 = tpu.vector_load %arg10[%get3A] {strides = array<i32>} : memref<40xi32, #tpu.memory_space<vmem>>, vector<16xi32>,
    %get3A_86 = vector.shape_cast %get3A_85 : vector<16xi32> to vector<16xi32>
    %swap3A = arith.constant 0 : index
    %swap3A_87 = tpu.vector_load %arg13[%swap3A] {strides = array<i32>} : memref<40xi32, #tpu.memory_space<vmem>>, vector<16xi32>,
    %swap3A_88 = vector.shape_cast %swap3A_87 : vector<16xi32> to vector<16xi32>
    %swap3A_89 = vector.shape_cast %get3A_86 : vector<16xi32> to vector<16xi32>
    tpu.vector_store %arg13[%swap3A], %swap3A_89 {strides = array<i32>} : memref<40xi32, #tpu.memory_space<vmem>>, vector<16xi32>,
    %get3A_90 = arith.constant 16 : index
    %get3A_91 = tpu.vector_load %arg10[%get3A_90] {strides = array<i32>} : memref<40xi32, #tpu.memory_space<vmem>>, vector<16xi32>,
    %get3A_92 = vector.shape_cast %get3A_91 : vector<16xi32> to vector<16xi32>
    %swap3A_93 = arith.constant 16 : index
    %swap3A_94 = tpu.vector_load %arg13[%swap3A_93] {strides = array<i32>} : memref<40xi32, #tpu.memory_space<vmem>>, vector<16xi32>,
    %swap3A_95 = vector.shape_cast %swap3A_94 : vector<16xi32> to vector<16xi32>
    %swap3A_96 = vector.shape_cast %get3A_92 : vector<16xi32> to vector<16xi32>
    tpu.vector_store %arg13[%swap3A_93], %swap3A_96 {strides = array<i32>} : memref<40xi32, #tpu.memory_space<vmem>>, vector<16xi32>,
    %get3A_97 = arith.constant 24 : index
    %get3A_98 = tpu.vector_load %arg10[%get3A_97] {strides = array<i32>} : memref<40xi32, #tpu.memory_space<vmem>>, vector<16xi32>,
    %get3A_99 = vector.shape_cast %get3A_98 : vector<16xi32> to vector<16xi32>
    %swap3A_100 = arith.constant 24 : index
    %swap3A_101 = tpu.vector_load %arg13[%swap3A_100] {strides = array<i32>} : memref<40xi32, #tpu.memory_space<vmem>>, vector<16xi32>,
    %swap3A_102 = vector.shape_cast %swap3A_101 : vector<16xi32> to vector<16xi32>
    %swap3A_103 = vector.shape_cast %get3A_99 : vector<16xi32> to vector<16xi32>
    tpu.vector_store %arg13[%swap3A_100], %swap3A_103 {strides = array<i32>} : memref<40xi32, #tpu.memory_space<vmem>>, vector<16xi32>,
    %add3A_104 = arith.constant 120 : i32
    %add3A_105 = arith.addi %mul3A_2, %add3A_104 : i32
    %dma_start3A_106 = arith.constant 0 : i32
    %dma_start3A_107 = tpu.memref_slice %arg4[%dma_start3A_106, %add3A_105] : memref<2x320000xi32, #tpu.memory_space<hbm>> -> memref<1x40xi32, #tpu.memory_space<hbm>>
    %dma_start3A_108 = tpu.memref_squeeze %dma_start3A_107 : memref<1x40xi32, #tpu.memory_space<hbm>> -> memref<40xi32, #tpu.memory_space<hbm>>
    %dma_start3A_109 = tpu.memref_slice %arg4[%dma_start3A_106, %add3A_105] : memref<2x320000xi32, #tpu.memory_space<hbm>> -> memref<1x40xi32, #tpu.memory_space<hbm>>
    %dma_start3A_110 = tpu.memref_squeeze %dma_start3A_109 : memref<1x40xi32, #tpu.memory_space<hbm>> -> memref<40xi32, #tpu.memory_space<hbm>>
    tpu.enqueue_dma source(%dma_start3A_110 : memref<40xi32, #tpu.memory_space<hbm>>) target(%arg7 : memref<40xi32, #tpu.memory_space<vmem>>) target_semaphore(%arg27 : memref<!tpu.dma_semaphore, #tpu.memory_space<semaphore_mem>>)
    %dma_start3A_111 = arith.constant 1 : i32
    %dma_start3A_112 = tpu.memref_slice %arg4[%dma_start3A_111, %add3A_105] : memref<2x320000xi32, #tpu.memory_space<hbm>> -> memref<1x40xi32, #tpu.memory_space<hbm>>
    %dma_start3A_113 = tpu.memref_squeeze %dma_start3A_112 : memref<1x40xi32, #tpu.memory_space<hbm>> -> memref<40xi32, #tpu.memory_space<hbm>>
    %dma_start3A_114 = tpu.memref_slice %arg4[%dma_start3A_111, %add3A_105] : memref<2x320000xi32, #tpu.memory_space<hbm>> -> memref<1x40xi32, #tpu.memory_space<hbm>>
    %dma_start3A_115 = tpu.memref_squeeze %dma_start3A_114 : memref<1x40xi32, #tpu.memory_space<hbm>> -> memref<40xi32, #tpu.memory_space<hbm>>
    tpu.enqueue_dma source(%dma_start3A_115 : memref<40xi32, #tpu.memory_space<hbm>>) target(%arg10 : memref<40xi32, #tpu.memory_space<vmem>>) target_semaphore(%arg27 : memref<!tpu.dma_semaphore, #tpu.memory_space<semaphore_mem>>)
    %dma_wait3A_116 = arith.constant 0 : i32
    %dma_wait3A_117 = arith.constant 0 : i32
    %dma_wait3A_118 = tpu.memref_slice %arg4[%dma_wait3A_116, %dma_wait3A_117] : memref<2x320000xi32, #tpu.memory_space<hbm>> -> memref<1x40xi32, #tpu.memory_space<hbm>>
    %dma_wait3A_119 = tpu.memref_squeeze %dma_wait3A_118 : memref<1x40xi32, #tpu.memory_space<hbm>> -> memref<40xi32, #tpu.memory_space<hbm>>
    %dma_wait3A_120 = arith.constant 0 : i32
    %dma_wait3A_121 = tpu.memref_slice %arg4[%dma_wait3A_116, %dma_wait3A_120] : memref<2x320000xi32, #tpu.memory_space<hbm>> -> memref<1x40xi32, #tpu.memory_space<hbm>>
    %dma_wait3A_122 = tpu.memref_squeeze %dma_wait3A_121 : memref<1x40xi32, #tpu.memory_space<hbm>> -> memref<40xi32, #tpu.memory_space<hbm>>
    tpu.wait_dma2 semaphore(%arg29 : memref<!tpu.dma_semaphore, #tpu.memory_space<semaphore_mem>>) src(%dma_wait3A_122 : memref<40xi32, #tpu.memory_space<hbm>>) dst(%arg9 : memref<40xi32, #tpu.memory_space<vmem>>)
    %dma_wait3A_123 = arith.constant 1 : i32
    %dma_wait3A_124 = arith.constant 0 : i32
    %dma_wait3A_125 = tpu.memref_slice %arg4[%dma_wait3A_123, %dma_wait3A_124] : memref<2x320000xi32, #tpu.memory_space<hbm>> -> memref<1x40xi32, #tpu.memory_space<hbm>>
    %dma_wait3A_126 = tpu.memref_squeeze %dma_wait3A_125 : memref<1x40xi32, #tpu.memory_space<hbm>> -> memref<40xi32, #tpu.memory_space<hbm>>
    %dma_wait3A_127 = arith.constant 0 : i32
    %dma_wait3A_128 = tpu.memref_slice %arg4[%dma_wait3A_123, %dma_wait3A_127] : memref<2x320000xi32, #tpu.memory_space<hbm>> -> memref<1x40xi32, #tpu.memory_space<hbm>>
    %dma_wait3A_129 = tpu.memref_squeeze %dma_wait3A_128 : memref<1x40xi32, #tpu.memory_space<hbm>> -> memref<40xi32, #tpu.memory_space<hbm>>
    tpu.wait_dma2 semaphore(%arg29 : memref<!tpu.dma_semaphore, #tpu.memory_space<semaphore_mem>>) src(%dma_wait3A_129 : memref<40xi32, #tpu.memory_space<hbm>>) dst(%arg12 : memref<40xi32, #tpu.memory_space<vmem>>)
    %dma_start3A_130 = arith.constant 0 : i32
    %dma_start3A_131 = arith.constant 0 : i32
    %dma_start3A_132 = tpu.memref_slice %arg2[%dma_start3A_130, %dma_start3A_131] : memref<10000x144xf32, #tpu.memory_space<hbm>> -> memref<10000x144xf32, #tpu.memory_space<hbm>>
    tpu.enqueue_indirect_dma source(%dma_start3A_132 : memref<10000x144xf32, #tpu.memory_space<hbm>>) target(%arg17 : memref<40x144xf32, #tpu.memory_space<vmem>>) offsets(%arg9 : memref<40xi32, #tpu.memory_space<vmem>>) semaphore(%arg26 : memref<!tpu.dma_semaphore, #tpu.memory_space<semaphore_mem>>)
    %dma_start3A_133 = arith.constant 0 : i32
    %dma_start3A_134 = arith.constant 0 : i32
    %dma_start3A_135 = tpu.memref_slice %arg3[%dma_start3A_133, %dma_start3A_134] : memref<10000x16xf32, #tpu.memory_space<hbm>> -> memref<10000x16xf32, #tpu.memory_space<hbm>>
    tpu.enqueue_indirect_dma source(%dma_start3A_135 : memref<10000x16xf32, #tpu.memory_space<hbm>>) target(%arg20 : memref<40x16xf32, #tpu.memory_space<vmem>>) offsets(%arg12 : memref<40xi32, #tpu.memory_space<vmem>>) semaphore(%arg26 : memref<!tpu.dma_semaphore, #tpu.memory_space<semaphore_mem>>)
    %scan3A = arith.constant 0 : i32
    %scan3A_136 = arith.constant 40 : i32
    %scan3A_137 = arith.addi %scan3A, %scan3A_136 : i32
    %scan3A_138 = arith.constant 1 : i32
    scf.for %scan3A_706 = %scan3A to %scan3A_137 step %scan3A_138  : i32 {
      %mul3A_707 = arith.constant 1 : i32
      %mul3A_708 = arith.muli %scan3A_706, %mul3A_707 : i32
      %add3A_709 = arith.constant 0 : i32
      %add3A_710 = arith.addi %add3A_709, %mul3A_708 : i32
      %get3A_711 = arith.index_cast %add3A_710 : i32 to index
      %get3A_712 = arith.constant 128 : index
      %get3A_713 = tpu.vector_load %arg15[%get3A_711, %get3A_712] {strides = array<i32>} : memref<40x144xf32, #tpu.memory_space<vmem>>, vector<1x16xf32>,
      %get3A_714 = vector.shape_cast %get3A_713 : vector<1x16xf32> to vector<16xf32>
      %get3A_715 = arith.index_cast %add3A_710 : i32 to index
      %get3A_716 = arith.constant 0 : index
      %get3A_717 = tpu.vector_load %arg18[%get3A_715, %get3A_716] {strides = array<i32>} : memref<40x16xf32, #tpu.memory_space<vmem>>, vector<1x16xf32>,
      %get3A_718 = vector.shape_cast %get3A_717 : vector<1x16xf32> to vector<16xf32>
      %add3A_719 = arith.addf %get3A_714, %get3A_718 : vector<16xf32>
      %mul3A_720 = arith.constant 2.000000e-01 : f32
      %mul3A_721 = vector.broadcast %mul3A_720 : f32 to vector<16xf32>
      %mul3A_722 = arith.mulf %add3A_719, %mul3A_721 : vector<16xf32>
      %max3A = arith.maximumf %add3A_719, %mul3A_722 : vector<16xf32>
      %exp3A = math.exp %max3A : vector<16xf32>
      %swap3A_723 = arith.index_cast %add3A_710 : i32 to index
      %swap3A_724 = arith.constant 128 : index
      %swap3A_725 = tpu.vector_load %arg21[%swap3A_723, %swap3A_724] {strides = array<i32>} : memref<40x144xf32, #tpu.memory_space<vmem>>, vector<1x16xf32>,
      %swap3A_726 = vector.shape_cast %swap3A_725 : vector<1x16xf32> to vector<16xf32>
      %swap3A_727 = vector.shape_cast %exp3A : vector<16xf32> to vector<1x16xf32>
      tpu.vector_store %arg21[%swap3A_723, %swap3A_724], %swap3A_727 {strides = array<i32>} : memref<40x144xf32, #tpu.memory_space<vmem>>, vector<1x16xf32>,
      %broadcast_in_dim3A = arith.constant 0 : i32
      %broadcast_in_dim3A_728 = vector.broadcast %broadcast_in_dim3A : i32 to vector<16x1xi32>
      %gather3A = vector.shape_cast %broadcast_in_dim3A_728 : vector<16x1xi32> to vector<16xi32>
      %gather3A_729 = tpu.dynamic_gather %exp3A[%gather3A] in [0] : vector<16xf32>, vector<16xi32> -> vector<16xf32>
      %get3A_730 = arith.index_cast %add3A_710 : i32 to index
      %get3A_731 = arith.constant 0 : index
      %get3A_732 = tpu.vector_load %arg15[%get3A_730, %get3A_731] {strides = array<i32>} : memref<40x144xf32, #tpu.memory_space<vmem>>, vector<1x16xf32>,
      %get3A_733 = vector.shape_cast %get3A_732 : vector<1x16xf32> to vector<16xf32>
      %mul3A_734 = arith.mulf %get3A_733, %gather3A_729 : vector<16xf32>
      %swap3A_735 = arith.index_cast %add3A_710 : i32 to index
      %swap3A_736 = arith.constant 0 : index
      %swap3A_737 = tpu.vector_load %arg21[%swap3A_735, %swap3A_736] {strides = array<i32>} : memref<40x144xf32, #tpu.memory_space<vmem>>, vector<1x16xf32>,
      %swap3A_738 = vector.shape_cast %swap3A_737 : vector<1x16xf32> to vector<16xf32>
      %swap3A_739 = vector.shape_cast %mul3A_734 : vector<16xf32> to vector<1x16xf32>
      tpu.vector_store %arg21[%swap3A_735, %swap3A_736], %swap3A_739 {strides = array<i32>} : memref<40x144xf32, #tpu.memory_space<vmem>>, vector<1x16xf32>,
      %broadcast_in_dim3A_740 = arith.constant 1 : i32
      %broadcast_in_dim3A_741 = vector.broadcast %broadcast_in_dim3A_740 : i32 to vector<16x1xi32>
      %gather3A_742 = vector.shape_cast %broadcast_in_dim3A_741 : vector<16x1xi32> to vector<16xi32>
      %gather3A_743 = tpu.dynamic_gather %exp3A[%gather3A_742] in [0] : vector<16xf32>, vector<16xi32> -> vector<16xf32>
      %get3A_744 = arith.index_cast %add3A_710 : i32 to index
      %get3A_745 = arith.constant 16 : index
      %get3A_746 = tpu.vector_load %arg15[%get3A_744, %get3A_745] {strides = array<i32>} : memref<40x144xf32, #tpu.memory_space<vmem>>, vector<1x16xf32>,
      %get3A_747 = vector.shape_cast %get3A_746 : vector<1x16xf32> to vector<16xf32>
      %mul3A_748 = arith.mulf %get3A_747, %gather3A_743 : vector<16xf32>
      %swap3A_749 = arith.index_cast %add3A_710 : i32 to index
      %swap3A_750 = arith.constant 16 : index
      %swap3A_751 = tpu.vector_load %arg21[%swap3A_749, %swap3A_750] {strides = array<i32>} : memref<40x144xf32, #tpu.memory_space<vmem>>, vector<1x16xf32>,
      %swap3A_752 = vector.shape_cast %swap3A_751 : vector<1x16xf32> to vector<16xf32>
      %swap3A_753 = vector.shape_cast %mul3A_748 : vector<16xf32> to vector<1x16xf32>
      tpu.vector_store %arg21[%swap3A_749, %swap3A_750], %swap3A_753 {strides = array<i32>} : memref<40x144xf32, #tpu.memory_space<vmem>>, vector<1x16xf32>,
      %broadcast_in_dim3A_754 = arith.constant 2 : i32
      %broadcast_in_dim3A_755 = vector.broadcast %broadcast_in_dim3A_754 : i32 to vector<16x1xi32>
      %gather3A_756 = vector.shape_cast %broadcast_in_dim3A_755 : vector<16x1xi32> to vector<16xi32>
      %gather3A_757 = tpu.dynamic_gather %exp3A[%gather3A_756] in [0] : vector<16xf32>, vector<16xi32> -> vector<16xf32>
      %get3A_758 = arith.index_cast %add3A_710 : i32 to index
      %get3A_759 = arith.constant 32 : index
      %get3A_760 = tpu.vector_load %arg15[%get3A_758, %get3A_759] {strides = array<i32>} : memref<40x144xf32, #tpu.memory_space<vmem>>, vector<1x16xf32>,
      %get3A_761 = vector.shape_cast %get3A_760 : vector<1x16xf32> to vector<16xf32>
      %mul3A_762 = arith.mulf %get3A_761, %gather3A_757 : vector<16xf32>
      %swap3A_763 = arith.index_cast %add3A_710 : i32 to index
      %swap3A_764 = arith.constant 32 : index
      %swap3A_765 = tpu.vector_load %arg21[%swap3A_763, %swap3A_764] {strides = array<i32>} : memref<40x144xf32, #tpu.memory_space<vmem>>, vector<1x16xf32>,
      %swap3A_766 = vector.shape_cast %swap3A_765 : vector<1x16xf32> to vector<16xf32>
      %swap3A_767 = vector.shape_cast %mul3A_762 : vector<16xf32> to vector<1x16xf32>
      tpu.vector_store %arg21[%swap3A_763, %swap3A_764], %swap3A_767 {strides = array<i32>} : memref<40x144xf32, #tpu.memory_space<vmem>>, vector<1x16xf32>,
      %broadcast_in_dim3A_768 = arith.constant 3 : i32
      %broadcast_in_dim3A_769 = vector.broadcast %broadcast_in_dim3A_768 : i32 to vector<16x1xi32>
      %gather3A_770 = vector.shape_cast %broadcast_in_dim3A_769 : vector<16x1xi32> to vector<16xi32>
      %gather3A_771 = tpu.dynamic_gather %exp3A[%gather3A_770] in [0] : vector<16xf32>, vector<16xi32> -> vector<16xf32>
      %get3A_772 = arith.index_cast %add3A_710 : i32 to index
      %get3A_773 = arith.constant 48 : index
      %get3A_774 = tpu.vector_load %arg15[%get3A_772, %get3A_773] {strides = array<i32>} : memref<40x144xf32, #tpu.memory_space<vmem>>, vector<1x16xf32>,
      %get3A_775 = vector.shape_cast %get3A_774 : vector<1x16xf32> to vector<16xf32>
      %mul3A_776 = arith.mulf %get3A_775, %gather3A_771 : vector<16xf32>
      %swap3A_777 = arith.index_cast %add3A_710 : i32 to index
      %swap3A_778 = arith.constant 48 : index
      %swap3A_779 = tpu.vector_load %arg21[%swap3A_777, %swap3A_778] {strides = array<i32>} : memref<40x144xf32, #tpu.memory_space<vmem>>, vector<1x16xf32>,
      %swap3A_780 = vector.shape_cast %swap3A_779 : vector<1x16xf32> to vector<16xf32>
      %swap3A_781 = vector.shape_cast %mul3A_776 : vector<16xf32> to vector<1x16xf32>
      tpu.vector_store %arg21[%swap3A_777, %swap3A_778], %swap3A_781 {strides = array<i32>} : memref<40x144xf32, #tpu.memory_space<vmem>>, vector<1x16xf32>,
      %broadcast_in_dim3A_782 = arith.constant 4 : i32
      %broadcast_in_dim3A_783 = vector.broadcast %broadcast_in_dim3A_782 : i32 to vector<16x1xi32>
      %gather3A_784 = vector.shape_cast %broadcast_in_dim3A_783 : vector<16x1xi32> to vector<16xi32>
      %gather3A_785 = tpu.dynamic_gather %exp3A[%gather3A_784] in [0] : vector<16xf32>, vector<16xi32> -> vector<16xf32>
      %get3A_786 = arith.index_cast %add3A_710 : i32 to index
      %get3A_787 = arith.constant 64 : index
      %get3A_788 = tpu.vector_load %arg15[%get3A_786, %get3A_787] {strides = array<i32>} : memref<40x144xf32, #tpu.memory_space<vmem>>, vector<1x16xf32>,
      %get3A_789 = vector.shape_cast %get3A_788 : vector<1x16xf32> to vector<16xf32>
      %mul3A_790 = arith.mulf %get3A_789, %gather3A_785 : vector<16xf32>
      %swap3A_791 = arith.index_cast %add3A_710 : i32 to index
      %swap3A_792 = arith.constant 64 : index
      %swap3A_793 = tpu.vector_load %arg21[%swap3A_791, %swap3A_792] {strides = array<i32>} : memref<40x144xf32, #tpu.memory_space<vmem>>, vector<1x16xf32>,
      %swap3A_794 = vector.shape_cast %swap3A_793 : vector<1x16xf32> to vector<16xf32>
      %swap3A_795 = vector.shape_cast %mul3A_790 : vector<16xf32> to vector<1x16xf32>
      tpu.vector_store %arg21[%swap3A_791, %swap3A_792], %swap3A_795 {strides = array<i32>} : memref<40x144xf32, #tpu.memory_space<vmem>>, vector<1x16xf32>,
      %broadcast_in_dim3A_796 = arith.constant 5 : i32
      %broadcast_in_dim3A_797 = vector.broadcast %broadcast_in_dim3A_796 : i32 to vector<16x1xi32>
      %gather3A_798 = vector.shape_cast %broadcast_in_dim3A_797 : vector<16x1xi32> to vector<16xi32>
      %gather3A_799 = tpu.dynamic_gather %exp3A[%gather3A_798] in [0] : vector<16xf32>, vector<16xi32> -> vector<16xf32>
      %get3A_800 = arith.index_cast %add3A_710 : i32 to index
      %get3A_801 = arith.constant 80 : index
      %get3A_802 = tpu.vector_load %arg15[%get3A_800, %get3A_801] {strides = array<i32>} : memref<40x144xf32, #tpu.memory_space<vmem>>, vector<1x16xf32>,
      %get3A_803 = vector.shape_cast %get3A_802 : vector<1x16xf32> to vector<16xf32>
      %mul3A_804 = arith.mulf %get3A_803, %gather3A_799 : vector<16xf32>
      %swap3A_805 = arith.index_cast %add3A_710 : i32 to index
      %swap3A_806 = arith.constant 80 : index
      %swap3A_807 = tpu.vector_load %arg21[%swap3A_805, %swap3A_806] {strides = array<i32>} : memref<40x144xf32, #tpu.memory_space<vmem>>, vector<1x16xf32>,
      %swap3A_808 = vector.shape_cast %swap3A_807 : vector<1x16xf32> to vector<16xf32>
      %swap3A_809 = vector.shape_cast %mul3A_804 : vector<16xf32> to vector<1x16xf32>
      tpu.vector_store %arg21[%swap3A_805, %swap3A_806], %swap3A_809 {strides = array<i32>} : memref<40x144xf32, #tpu.memory_space<vmem>>, vector<1x16xf32>,
      %broadcast_in_dim3A_810 = arith.constant 6 : i32
      %broadcast_in_dim3A_811 = vector.broadcast %broadcast_in_dim3A_810 : i32 to vector<16x1xi32>
      %gather3A_812 = vector.shape_cast %broadcast_in_dim3A_811 : vector<16x1xi32> to vector<16xi32>
      %gather3A_813 = tpu.dynamic_gather %exp3A[%gather3A_812] in [0] : vector<16xf32>, vector<16xi32> -> vector<16xf32>
      %get3A_814 = arith.index_cast %add3A_710 : i32 to index
      %get3A_815 = arith.constant 96 : index
      %get3A_816 = tpu.vector_load %arg15[%get3A_814, %get3A_815] {strides = array<i32>} : memref<40x144xf32, #tpu.memory_space<vmem>>, vector<1x16xf32>,
      %get3A_817 = vector.shape_cast %get3A_816 : vector<1x16xf32> to vector<16xf32>
      %mul3A_818 = arith.mulf %get3A_817, %gather3A_813 : vector<16xf32>
      %swap3A_819 = arith.index_cast %add3A_710 : i32 to index
      %swap3A_820 = arith.constant 96 : index
      %swap3A_821 = tpu.vector_load %arg21[%swap3A_819, %swap3A_820] {strides = array<i32>} : memref<40x144xf32, #tpu.memory_space<vmem>>, vector<1x16xf32>,
      %swap3A_822 = vector.shape_cast %swap3A_821 : vector<1x16xf32> to vector<16xf32>
      %swap3A_823 = vector.shape_cast %mul3A_818 : vector<16xf32> to vector<1x16xf32>
      tpu.vector_store %arg21[%swap3A_819, %swap3A_820], %swap3A_823 {strides = array<i32>} : memref<40x144xf32, #tpu.memory_space<vmem>>, vector<1x16xf32>,
      %broadcast_in_dim3A_824 = arith.constant 7 : i32
      %broadcast_in_dim3A_825 = vector.broadcast %broadcast_in_dim3A_824 : i32 to vector<16x1xi32>
      %gather3A_826 = vector.shape_cast %broadcast_in_dim3A_825 : vector<16x1xi32> to vector<16xi32>
      %gather3A_827 = tpu.dynamic_gather %exp3A[%gather3A_826] in [0] : vector<16xf32>, vector<16xi32> -> vector<16xf32>
      %get3A_828 = arith.index_cast %add3A_710 : i32 to index
      %get3A_829 = arith.constant 112 : index
      %get3A_830 = tpu.vector_load %arg15[%get3A_828, %get3A_829] {strides = array<i32>} : memref<40x144xf32, #tpu.memory_space<vmem>>, vector<1x16xf32>,
      %get3A_831 = vector.shape_cast %get3A_830 : vector<1x16xf32> to vector<16xf32>
      %mul3A_832 = arith.mulf %get3A_831, %gather3A_827 : vector<16xf32>
      %swap3A_833 = arith.index_cast %add3A_710 : i32 to index
      %swap3A_834 = arith.constant 112 : index
      %swap3A_835 = tpu.vector_load %arg21[%swap3A_833, %swap3A_834] {strides = array<i32>} : memref<40x144xf32, #tpu.memory_space<vmem>>, vector<1x16xf32>,
      %swap3A_836 = vector.shape_cast %swap3A_835 : vector<1x16xf32> to vector<16xf32>
      %swap3A_837 = vector.shape_cast %mul3A_832 : vector<16xf32> to vector<1x16xf32>
      tpu.vector_store %arg21[%swap3A_833, %swap3A_834], %swap3A_837 {strides = array<i32>} : memref<40x144xf32, #tpu.memory_space<vmem>>, vector<1x16xf32>,
    }
    %scan3A_139 = arith.constant 40 : i32
    %dma_start3A_140 = arith.constant 0 : i32
    %dma_start3A_141 = arith.constant 0 : i32
    %dma_start3A_142 = tpu.memref_slice %arg23[%dma_start3A_140, %dma_start3A_141] : memref<10000x144xf32, #tpu.memory_space<vmem_shared>> -> memref<10000x144xf32, #tpu.memory_space<vmem_shared>>
    tpu.enqueue_indirect_dma source(%arg21 : memref<40x144xf32, #tpu.memory_space<vmem>>) target(%dma_start3A_142 : memref<10000x144xf32, #tpu.memory_space<vmem_shared>>) offsets(%arg13 : memref<40xi32, #tpu.memory_space<vmem>>) semaphore(%arg30 : memref<!tpu.dma_semaphore, #tpu.memory_space<semaphore_mem>>) {add = true}
    %dma_wait3A_143 = arith.constant 0 : i32
    %dma_wait3A_144 = arith.constant 0 : i32
    %dma_wait3A_145 = tpu.memref_slice %arg2[%dma_wait3A_143, %dma_wait3A_144] : memref<10000x144xf32, #tpu.memory_space<hbm>> -> memref<10000x144xf32, #tpu.memory_space<hbm>>
    tpu.wait_indirect_dma semaphore(%arg25 : memref<!tpu.dma_semaphore, #tpu.memory_space<semaphore_mem>>) src(%dma_wait3A_145 : memref<10000x144xf32, #tpu.memory_space<hbm>>) dst(%arg16 : memref<40x144xf32, #tpu.memory_space<vmem>>)
    %dma_wait3A_146 = arith.constant 0 : i32
    %dma_wait3A_147 = arith.constant 0 : i32
    %dma_wait3A_148 = tpu.memref_slice %arg3[%dma_wait3A_146, %dma_wait3A_147] : memref<10000x16xf32, #tpu.memory_space<hbm>> -> memref<10000x16xf32, #tpu.memory_space<hbm>>
    tpu.wait_indirect_dma semaphore(%arg25 : memref<!tpu.dma_semaphore, #tpu.memory_space<semaphore_mem>>) src(%dma_wait3A_148 : memref<10000x16xf32, #tpu.memory_space<hbm>>) dst(%arg19 : memref<40x16xf32, #tpu.memory_space<vmem>>)
    %get3A_149 = arith.constant 0 : index
    %get3A_150 = tpu.vector_load %arg11[%get3A_149] {strides = array<i32>} : memref<40xi32, #tpu.memory_space<vmem>>, vector<16xi32>,
    %get3A_151 = vector.shape_cast %get3A_150 : vector<16xi32> to vector<16xi32>
    %swap3A_152 = arith.constant 0 : index
    %swap3A_153 = tpu.vector_load %arg14[%swap3A_152] {strides = array<i32>} : memref<40xi32, #tpu.memory_space<vmem>>, vector<16xi32>,
    %swap3A_154 = vector.shape_cast %swap3A_153 : vector<16xi32> to vector<16xi32>
    %swap3A_155 = vector.shape_cast %get3A_151 : vector<16xi32> to vector<16xi32>
    tpu.vector_store %arg14[%swap3A_152], %swap3A_155 {strides = array<i32>} : memref<40xi32, #tpu.memory_space<vmem>>, vector<16xi32>,
    %get3A_156 = arith.constant 16 : index
    %get3A_157 = tpu.vector_load %arg11[%get3A_156] {strides = array<i32>} : memref<40xi32, #tpu.memory_space<vmem>>, vector<16xi32>,
    %get3A_158 = vector.shape_cast %get3A_157 : vector<16xi32> to vector<16xi32>
    %swap3A_159 = arith.constant 16 : index
    %swap3A_160 = tpu.vector_load %arg14[%swap3A_159] {strides = array<i32>} : memref<40xi32, #tpu.memory_space<vmem>>, vector<16xi32>,
    %swap3A_161 = vector.shape_cast %swap3A_160 : vector<16xi32> to vector<16xi32>
    %swap3A_162 = vector.shape_cast %get3A_158 : vector<16xi32> to vector<16xi32>
    tpu.vector_store %arg14[%swap3A_159], %swap3A_162 {strides = array<i32>} : memref<40xi32, #tpu.memory_space<vmem>>, vector<16xi32>,
    %get3A_163 = arith.constant 24 : index
    %get3A_164 = tpu.vector_load %arg11[%get3A_163] {strides = array<i32>} : memref<40xi32, #tpu.memory_space<vmem>>, vector<16xi32>,
    %get3A_165 = vector.shape_cast %get3A_164 : vector<16xi32> to vector<16xi32>
    %swap3A_166 = arith.constant 24 : index
    %swap3A_167 = tpu.vector_load %arg14[%swap3A_166] {strides = array<i32>} : memref<40xi32, #tpu.memory_space<vmem>>, vector<16xi32>,
    %swap3A_168 = vector.shape_cast %swap3A_167 : vector<16xi32> to vector<16xi32>
    %swap3A_169 = vector.shape_cast %get3A_165 : vector<16xi32> to vector<16xi32>
    tpu.vector_store %arg14[%swap3A_166], %swap3A_169 {strides = array<i32>} : memref<40xi32, #tpu.memory_space<vmem>>, vector<16xi32>,
    %add3A_170 = arith.constant 160 : i32
    %add3A_171 = arith.addi %mul3A_2, %add3A_170 : i32
    %dma_start3A_172 = arith.constant 0 : i32
    %dma_start3A_173 = tpu.memref_slice %arg4[%dma_start3A_172, %add3A_171] : memref<2x320000xi32, #tpu.memory_space<hbm>> -> memref<1x40xi32, #tpu.memory_space<hbm>>
    %dma_start3A_174 = tpu.memref_squeeze %dma_start3A_173 : memref<1x40xi32, #tpu.memory_space<hbm>> -> memref<40xi32, #tpu.memory_space<hbm>>
    %dma_start3A_175 = tpu.memref_slice %arg4[%dma_start3A_172, %add3A_171] : memref<2x320000xi32, #tpu.memory_space<hbm>> -> memref<1x40xi32, #tpu.memory_space<hbm>>
    %dma_start3A_176 = tpu.memref_squeeze %dma_start3A_175 : memref<1x40xi32, #tpu.memory_space<hbm>> -> memref<40xi32, #tpu.memory_space<hbm>>
    tpu.enqueue_dma source(%dma_start3A_176 : memref<40xi32, #tpu.memory_space<hbm>>) target(%arg8 : memref<40xi32, #tpu.memory_space<vmem>>) target_semaphore(%arg28 : memref<!tpu.dma_semaphore, #tpu.memory_space<semaphore_mem>>)
    %dma_start3A_177 = arith.constant 1 : i32
    %dma_start3A_178 = tpu.memref_slice %arg4[%dma_start3A_177, %add3A_171] : memref<2x320000xi32, #tpu.memory_space<hbm>> -> memref<1x40xi32, #tpu.memory_space<hbm>>
    %dma_start3A_179 = tpu.memref_squeeze %dma_start3A_178 : memref<1x40xi32, #tpu.memory_space<hbm>> -> memref<40xi32, #tpu.memory_space<hbm>>
    %dma_start3A_180 = tpu.memref_slice %arg4[%dma_start3A_177, %add3A_171] : memref<2x320000xi32, #tpu.memory_space<hbm>> -> memref<1x40xi32, #tpu.memory_space<hbm>>
    %dma_start3A_181 = tpu.memref_squeeze %dma_start3A_180 : memref<1x40xi32, #tpu.memory_space<hbm>> -> memref<40xi32, #tpu.memory_space<hbm>>
    tpu.enqueue_dma source(%dma_start3A_181 : memref<40xi32, #tpu.memory_space<hbm>>) target(%arg11 : memref<40xi32, #tpu.memory_space<vmem>>) target_semaphore(%arg28 : memref<!tpu.dma_semaphore, #tpu.memory_space<semaphore_mem>>)
    %dma_wait3A_182 = arith.constant 0 : i32
    %dma_wait3A_183 = arith.constant 0 : i32
    %dma_wait3A_184 = tpu.memref_slice %arg4[%dma_wait3A_182, %dma_wait3A_183] : memref<2x320000xi32, #tpu.memory_space<hbm>> -> memref<1x40xi32, #tpu.memory_space<hbm>>
    %dma_wait3A_185 = tpu.memref_squeeze %dma_wait3A_184 : memref<1x40xi32, #tpu.memory_space<hbm>> -> memref<40xi32, #tpu.memory_space<hbm>>
    %dma_wait3A_186 = arith.constant 0 : i32
    %dma_wait3A_187 = tpu.memref_slice %arg4[%dma_wait3A_182, %dma_wait3A_186] : memref<2x320000xi32, #tpu.memory_space<hbm>> -> memref<1x40xi32, #tpu.memory_space<hbm>>
    %dma_wait3A_188 = tpu.memref_squeeze %dma_wait3A_187 : memref<1x40xi32, #tpu.memory_space<hbm>> -> memref<40xi32, #tpu.memory_space<hbm>>
    tpu.wait_dma2 semaphore(%arg27 : memref<!tpu.dma_semaphore, #tpu.memory_space<semaphore_mem>>) src(%dma_wait3A_188 : memref<40xi32, #tpu.memory_space<hbm>>) dst(%arg7 : memref<40xi32, #tpu.memory_space<vmem>>)
    %dma_wait3A_189 = arith.constant 1 : i32
    %dma_wait3A_190 = arith.constant 0 : i32
    %dma_wait3A_191 = tpu.memref_slice %arg4[%dma_wait3A_189, %dma_wait3A_190] : memref<2x320000xi32, #tpu.memory_space<hbm>> -> memref<1x40xi32, #tpu.memory_space<hbm>>
    %dma_wait3A_192 = tpu.memref_squeeze %dma_wait3A_191 : memref<1x40xi32, #tpu.memory_space<hbm>> -> memref<40xi32, #tpu.memory_space<hbm>>
    %dma_wait3A_193 = arith.constant 0 : i32
    %dma_wait3A_194 = tpu.memref_slice %arg4[%dma_wait3A_189, %dma_wait3A_193] : memref<2x320000xi32, #tpu.memory_space<hbm>> -> memref<1x40xi32, #tpu.memory_space<hbm>>
    %dma_wait3A_195 = tpu.memref_squeeze %dma_wait3A_194 : memref<1x40xi32, #tpu.memory_space<hbm>> -> memref<40xi32, #tpu.memory_space<hbm>>
    tpu.wait_dma2 semaphore(%arg27 : memref<!tpu.dma_semaphore, #tpu.memory_space<semaphore_mem>>) src(%dma_wait3A_195 : memref<40xi32, #tpu.memory_space<hbm>>) dst(%arg10 : memref<40xi32, #tpu.memory_space<vmem>>)
    %dma_start3A_196 = arith.constant 0 : i32
    %dma_start3A_197 = arith.constant 0 : i32
    %dma_start3A_198 = tpu.memref_slice %arg2[%dma_start3A_196, %dma_start3A_197] : memref<10000x144xf32, #tpu.memory_space<hbm>> -> memref<10000x144xf32, #tpu.memory_space<hbm>>
    tpu.enqueue_indirect_dma source(%dma_start3A_198 : memref<10000x144xf32, #tpu.memory_space<hbm>>) target(%arg15 : memref<40x144xf32, #tpu.memory_space<vmem>>) offsets(%arg7 : memref<40xi32, #tpu.memory_space<vmem>>) semaphore(%arg24 : memref<!tpu.dma_semaphore, #tpu.memory_space<semaphore_mem>>)
    %dma_start3A_199 = arith.constant 0 : i32
    %dma_start3A_200 = arith.constant 0 : i32
    %dma_start3A_201 = tpu.memref_slice %arg3[%dma_start3A_199, %dma_start3A_200] : memref<10000x16xf32, #tpu.memory_space<hbm>> -> memref<10000x16xf32, #tpu.memory_space<hbm>>
    tpu.enqueue_indirect_dma source(%dma_start3A_201 : memref<10000x16xf32, #tpu.memory_space<hbm>>) target(%arg18 : memref<40x16xf32, #tpu.memory_space<vmem>>) offsets(%arg10 : memref<40xi32, #tpu.memory_space<vmem>>) semaphore(%arg24 : memref<!tpu.dma_semaphore, #tpu.memory_space<semaphore_mem>>)
    %scan3A_202 = arith.constant 0 : i32
    %scan3A_203 = arith.constant 40 : i32
    %scan3A_204 = arith.addi %scan3A_202, %scan3A_203 : i32
    %scan3A_205 = arith.constant 1 : i32
    scf.for %scan3A_706 = %scan3A_202 to %scan3A_204 step %scan3A_205  : i32 {
      %mul3A_707 = arith.constant 1 : i32
      %mul3A_708 = arith.muli %scan3A_706, %mul3A_707 : i32
      %add3A_709 = arith.constant 0 : i32
      %add3A_710 = arith.addi %add3A_709, %mul3A_708 : i32
      %get3A_711 = arith.index_cast %add3A_710 : i32 to index
      %get3A_712 = arith.constant 128 : index
      %get3A_713 = tpu.vector_load %arg16[%get3A_711, %get3A_712] {strides = array<i32>} : memref<40x144xf32, #tpu.memory_space<vmem>>, vector<1x16xf32>,
      %get3A_714 = vector.shape_cast %get3A_713 : vector<1x16xf32> to vector<16xf32>
      %get3A_715 = arith.index_cast %add3A_710 : i32 to index
      %get3A_716 = arith.constant 0 : index
      %get3A_717 = tpu.vector_load %arg19[%get3A_715, %get3A_716] {strides = array<i32>} : memref<40x16xf32, #tpu.memory_space<vmem>>, vector<1x16xf32>,
      %get3A_718 = vector.shape_cast %get3A_717 : vector<1x16xf32> to vector<16xf32>
      %add3A_719 = arith.addf %get3A_714, %get3A_718 : vector<16xf32>
      %mul3A_720 = arith.constant 2.000000e-01 : f32
      %mul3A_721 = vector.broadcast %mul3A_720 : f32 to vector<16xf32>
      %mul3A_722 = arith.mulf %add3A_719, %mul3A_721 : vector<16xf32>
      %max3A = arith.maximumf %add3A_719, %mul3A_722 : vector<16xf32>
      %exp3A = math.exp %max3A : vector<16xf32>
      %swap3A_723 = arith.index_cast %add3A_710 : i32 to index
      %swap3A_724 = arith.constant 128 : index
      %swap3A_725 = tpu.vector_load %arg22[%swap3A_723, %swap3A_724] {strides = array<i32>} : memref<40x144xf32, #tpu.memory_space<vmem>>, vector<1x16xf32>,
      %swap3A_726 = vector.shape_cast %swap3A_725 : vector<1x16xf32> to vector<16xf32>
      %swap3A_727 = vector.shape_cast %exp3A : vector<16xf32> to vector<1x16xf32>
      tpu.vector_store %arg22[%swap3A_723, %swap3A_724], %swap3A_727 {strides = array<i32>} : memref<40x144xf32, #tpu.memory_space<vmem>>, vector<1x16xf32>,
      %broadcast_in_dim3A = arith.constant 0 : i32
      %broadcast_in_dim3A_728 = vector.broadcast %broadcast_in_dim3A : i32 to vector<16x1xi32>
      %gather3A = vector.shape_cast %broadcast_in_dim3A_728 : vector<16x1xi32> to vector<16xi32>
      %gather3A_729 = tpu.dynamic_gather %exp3A[%gather3A] in [0] : vector<16xf32>, vector<16xi32> -> vector<16xf32>
      %get3A_730 = arith.index_cast %add3A_710 : i32 to index
      %get3A_731 = arith.constant 0 : index
      %get3A_732 = tpu.vector_load %arg16[%get3A_730, %get3A_731] {strides = array<i32>} : memref<40x144xf32, #tpu.memory_space<vmem>>, vector<1x16xf32>,
      %get3A_733 = vector.shape_cast %get3A_732 : vector<1x16xf32> to vector<16xf32>
      %mul3A_734 = arith.mulf %get3A_733, %gather3A_729 : vector<16xf32>
      %swap3A_735 = arith.index_cast %add3A_710 : i32 to index
      %swap3A_736 = arith.constant 0 : index
      %swap3A_737 = tpu.vector_load %arg22[%swap3A_735, %swap3A_736] {strides = array<i32>} : memref<40x144xf32, #tpu.memory_space<vmem>>, vector<1x16xf32>,
      %swap3A_738 = vector.shape_cast %swap3A_737 : vector<1x16xf32> to vector<16xf32>
      %swap3A_739 = vector.shape_cast %mul3A_734 : vector<16xf32> to vector<1x16xf32>
      tpu.vector_store %arg22[%swap3A_735, %swap3A_736], %swap3A_739 {strides = array<i32>} : memref<40x144xf32, #tpu.memory_space<vmem>>, vector<1x16xf32>,
      %broadcast_in_dim3A_740 = arith.constant 1 : i32
      %broadcast_in_dim3A_741 = vector.broadcast %broadcast_in_dim3A_740 : i32 to vector<16x1xi32>
      %gather3A_742 = vector.shape_cast %broadcast_in_dim3A_741 : vector<16x1xi32> to vector<16xi32>
      %gather3A_743 = tpu.dynamic_gather %exp3A[%gather3A_742] in [0] : vector<16xf32>, vector<16xi32> -> vector<16xf32>
      %get3A_744 = arith.index_cast %add3A_710 : i32 to index
      %get3A_745 = arith.constant 16 : index
      %get3A_746 = tpu.vector_load %arg16[%get3A_744, %get3A_745] {strides = array<i32>} : memref<40x144xf32, #tpu.memory_space<vmem>>, vector<1x16xf32>,
      %get3A_747 = vector.shape_cast %get3A_746 : vector<1x16xf32> to vector<16xf32>
      %mul3A_748 = arith.mulf %get3A_747, %gather3A_743 : vector<16xf32>
      %swap3A_749 = arith.index_cast %add3A_710 : i32 to index
      %swap3A_750 = arith.constant 16 : index
      %swap3A_751 = tpu.vector_load %arg22[%swap3A_749, %swap3A_750] {strides = array<i32>} : memref<40x144xf32, #tpu.memory_space<vmem>>, vector<1x16xf32>,
      %swap3A_752 = vector.shape_cast %swap3A_751 : vector<1x16xf32> to vector<16xf32>
      %swap3A_753 = vector.shape_cast %mul3A_748 : vector<16xf32> to vector<1x16xf32>
      tpu.vector_store %arg22[%swap3A_749, %swap3A_750], %swap3A_753 {strides = array<i32>} : memref<40x144xf32, #tpu.memory_space<vmem>>, vector<1x16xf32>,
      %broadcast_in_dim3A_754 = arith.constant 2 : i32
      %broadcast_in_dim3A_755 = vector.broadcast %broadcast_in_dim3A_754 : i32 to vector<16x1xi32>
      %gather3A_756 = vector.shape_cast %broadcast_in_dim3A_755 : vector<16x1xi32> to vector<16xi32>
      %gather3A_757 = tpu.dynamic_gather %exp3A[%gather3A_756] in [0] : vector<16xf32>, vector<16xi32> -> vector<16xf32>
      %get3A_758 = arith.index_cast %add3A_710 : i32 to index
      %get3A_759 = arith.constant 32 : index
      %get3A_760 = tpu.vector_load %arg16[%get3A_758, %get3A_759] {strides = array<i32>} : memref<40x144xf32, #tpu.memory_space<vmem>>, vector<1x16xf32>,
      %get3A_761 = vector.shape_cast %get3A_760 : vector<1x16xf32> to vector<16xf32>
      %mul3A_762 = arith.mulf %get3A_761, %gather3A_757 : vector<16xf32>
      %swap3A_763 = arith.index_cast %add3A_710 : i32 to index
      %swap3A_764 = arith.constant 32 : index
      %swap3A_765 = tpu.vector_load %arg22[%swap3A_763, %swap3A_764] {strides = array<i32>} : memref<40x144xf32, #tpu.memory_space<vmem>>, vector<1x16xf32>,
      %swap3A_766 = vector.shape_cast %swap3A_765 : vector<1x16xf32> to vector<16xf32>
      %swap3A_767 = vector.shape_cast %mul3A_762 : vector<16xf32> to vector<1x16xf32>
      tpu.vector_store %arg22[%swap3A_763, %swap3A_764], %swap3A_767 {strides = array<i32>} : memref<40x144xf32, #tpu.memory_space<vmem>>, vector<1x16xf32>,
      %broadcast_in_dim3A_768 = arith.constant 3 : i32
      %broadcast_in_dim3A_769 = vector.broadcast %broadcast_in_dim3A_768 : i32 to vector<16x1xi32>
      %gather3A_770 = vector.shape_cast %broadcast_in_dim3A_769 : vector<16x1xi32> to vector<16xi32>
      %gather3A_771 = tpu.dynamic_gather %exp3A[%gather3A_770] in [0] : vector<16xf32>, vector<16xi32> -> vector<16xf32>
      %get3A_772 = arith.index_cast %add3A_710 : i32 to index
      %get3A_773 = arith.constant 48 : index
      %get3A_774 = tpu.vector_load %arg16[%get3A_772, %get3A_773] {strides = array<i32>} : memref<40x144xf32, #tpu.memory_space<vmem>>, vector<1x16xf32>,
      %get3A_775 = vector.shape_cast %get3A_774 : vector<1x16xf32> to vector<16xf32>
      %mul3A_776 = arith.mulf %get3A_775, %gather3A_771 : vector<16xf32>
      %swap3A_777 = arith.index_cast %add3A_710 : i32 to index
      %swap3A_778 = arith.constant 48 : index
      %swap3A_779 = tpu.vector_load %arg22[%swap3A_777, %swap3A_778] {strides = array<i32>} : memref<40x144xf32, #tpu.memory_space<vmem>>, vector<1x16xf32>,
      %swap3A_780 = vector.shape_cast %swap3A_779 : vector<1x16xf32> to vector<16xf32>
      %swap3A_781 = vector.shape_cast %mul3A_776 : vector<16xf32> to vector<1x16xf32>
      tpu.vector_store %arg22[%swap3A_777, %swap3A_778], %swap3A_781 {strides = array<i32>} : memref<40x144xf32, #tpu.memory_space<vmem>>, vector<1x16xf32>,
      %broadcast_in_dim3A_782 = arith.constant 4 : i32
      %broadcast_in_dim3A_783 = vector.broadcast %broadcast_in_dim3A_782 : i32 to vector<16x1xi32>
      %gather3A_784 = vector.shape_cast %broadcast_in_dim3A_783 : vector<16x1xi32> to vector<16xi32>
      %gather3A_785 = tpu.dynamic_gather %exp3A[%gather3A_784] in [0] : vector<16xf32>, vector<16xi32> -> vector<16xf32>
      %get3A_786 = arith.index_cast %add3A_710 : i32 to index
      %get3A_787 = arith.constant 64 : index
      %get3A_788 = tpu.vector_load %arg16[%get3A_786, %get3A_787] {strides = array<i32>} : memref<40x144xf32, #tpu.memory_space<vmem>>, vector<1x16xf32>,
      %get3A_789 = vector.shape_cast %get3A_788 : vector<1x16xf32> to vector<16xf32>
      %mul3A_790 = arith.mulf %get3A_789, %gather3A_785 : vector<16xf32>
      %swap3A_791 = arith.index_cast %add3A_710 : i32 to index
      %swap3A_792 = arith.constant 64 : index
      %swap3A_793 = tpu.vector_load %arg22[%swap3A_791, %swap3A_792] {strides = array<i32>} : memref<40x144xf32, #tpu.memory_space<vmem>>, vector<1x16xf32>,
      %swap3A_794 = vector.shape_cast %swap3A_793 : vector<1x16xf32> to vector<16xf32>
      %swap3A_795 = vector.shape_cast %mul3A_790 : vector<16xf32> to vector<1x16xf32>
      tpu.vector_store %arg22[%swap3A_791, %swap3A_792], %swap3A_795 {strides = array<i32>} : memref<40x144xf32, #tpu.memory_space<vmem>>, vector<1x16xf32>,
      %broadcast_in_dim3A_796 = arith.constant 5 : i32
      %broadcast_in_dim3A_797 = vector.broadcast %broadcast_in_dim3A_796 : i32 to vector<16x1xi32>
      %gather3A_798 = vector.shape_cast %broadcast_in_dim3A_797 : vector<16x1xi32> to vector<16xi32>
      %gather3A_799 = tpu.dynamic_gather %exp3A[%gather3A_798] in [0] : vector<16xf32>, vector<16xi32> -> vector<16xf32>
      %get3A_800 = arith.index_cast %add3A_710 : i32 to index
      %get3A_801 = arith.constant 80 : index
      %get3A_802 = tpu.vector_load %arg16[%get3A_800, %get3A_801] {strides = array<i32>} : memref<40x144xf32, #tpu.memory_space<vmem>>, vector<1x16xf32>,
      %get3A_803 = vector.shape_cast %get3A_802 : vector<1x16xf32> to vector<16xf32>
      %mul3A_804 = arith.mulf %get3A_803, %gather3A_799 : vector<16xf32>
      %swap3A_805 = arith.index_cast %add3A_710 : i32 to index
      %swap3A_806 = arith.constant 80 : index
      %swap3A_807 = tpu.vector_load %arg22[%swap3A_805, %swap3A_806] {strides = array<i32>} : memref<40x144xf32, #tpu.memory_space<vmem>>, vector<1x16xf32>,
      %swap3A_808 = vector.shape_cast %swap3A_807 : vector<1x16xf32> to vector<16xf32>
      %swap3A_809 = vector.shape_cast %mul3A_804 : vector<16xf32> to vector<1x16xf32>
      tpu.vector_store %arg22[%swap3A_805, %swap3A_806], %swap3A_809 {strides = array<i32>} : memref<40x144xf32, #tpu.memory_space<vmem>>, vector<1x16xf32>,
      %broadcast_in_dim3A_810 = arith.constant 6 : i32
      %broadcast_in_dim3A_811 = vector.broadcast %broadcast_in_dim3A_810 : i32 to vector<16x1xi32>
      %gather3A_812 = vector.shape_cast %broadcast_in_dim3A_811 : vector<16x1xi32> to vector<16xi32>
      %gather3A_813 = tpu.dynamic_gather %exp3A[%gather3A_812] in [0] : vector<16xf32>, vector<16xi32> -> vector<16xf32>
      %get3A_814 = arith.index_cast %add3A_710 : i32 to index
      %get3A_815 = arith.constant 96 : index
      %get3A_816 = tpu.vector_load %arg16[%get3A_814, %get3A_815] {strides = array<i32>} : memref<40x144xf32, #tpu.memory_space<vmem>>, vector<1x16xf32>,
      %get3A_817 = vector.shape_cast %get3A_816 : vector<1x16xf32> to vector<16xf32>
      %mul3A_818 = arith.mulf %get3A_817, %gather3A_813 : vector<16xf32>
      %swap3A_819 = arith.index_cast %add3A_710 : i32 to index
      %swap3A_820 = arith.constant 96 : index
      %swap3A_821 = tpu.vector_load %arg22[%swap3A_819, %swap3A_820] {strides = array<i32>} : memref<40x144xf32, #tpu.memory_space<vmem>>, vector<1x16xf32>,
      %swap3A_822 = vector.shape_cast %swap3A_821 : vector<1x16xf32> to vector<16xf32>
      %swap3A_823 = vector.shape_cast %mul3A_818 : vector<16xf32> to vector<1x16xf32>
      tpu.vector_store %arg22[%swap3A_819, %swap3A_820], %swap3A_823 {strides = array<i32>} : memref<40x144xf32, #tpu.memory_space<vmem>>, vector<1x16xf32>,
      %broadcast_in_dim3A_824 = arith.constant 7 : i32
      %broadcast_in_dim3A_825 = vector.broadcast %broadcast_in_dim3A_824 : i32 to vector<16x1xi32>
      %gather3A_826 = vector.shape_cast %broadcast_in_dim3A_825 : vector<16x1xi32> to vector<16xi32>
      %gather3A_827 = tpu.dynamic_gather %exp3A[%gather3A_826] in [0] : vector<16xf32>, vector<16xi32> -> vector<16xf32>
      %get3A_828 = arith.index_cast %add3A_710 : i32 to index
      %get3A_829 = arith.constant 112 : index
      %get3A_830 = tpu.vector_load %arg16[%get3A_828, %get3A_829] {strides = array<i32>} : memref<40x144xf32, #tpu.memory_space<vmem>>, vector<1x16xf32>,
      %get3A_831 = vector.shape_cast %get3A_830 : vector<1x16xf32> to vector<16xf32>
      %mul3A_832 = arith.mulf %get3A_831, %gather3A_827 : vector<16xf32>
      %swap3A_833 = arith.index_cast %add3A_710 : i32 to index
      %swap3A_834 = arith.constant 112 : index
      %swap3A_835 = tpu.vector_load %arg22[%swap3A_833, %swap3A_834] {strides = array<i32>} : memref<40x144xf32, #tpu.memory_space<vmem>>, vector<1x16xf32>,
      %swap3A_836 = vector.shape_cast %swap3A_835 : vector<1x16xf32> to vector<16xf32>
      %swap3A_837 = vector.shape_cast %mul3A_832 : vector<16xf32> to vector<1x16xf32>
      tpu.vector_store %arg22[%swap3A_833, %swap3A_834], %swap3A_837 {strides = array<i32>} : memref<40x144xf32, #tpu.memory_space<vmem>>, vector<1x16xf32>,
    }
    %scan3A_206 = arith.constant 40 : i32
    %dma_start3A_207 = arith.constant 0 : i32
    %dma_start3A_208 = arith.constant 0 : i32
    %dma_start3A_209 = tpu.memref_slice %arg23[%dma_start3A_207, %dma_start3A_208] : memref<10000x144xf32, #tpu.memory_space<vmem_shared>> -> memref<10000x144xf32, #tpu.memory_space<vmem_shared>>
    tpu.enqueue_indirect_dma source(%arg22 : memref<40x144xf32, #tpu.memory_space<vmem>>) target(%dma_start3A_209 : memref<10000x144xf32, #tpu.memory_space<vmem_shared>>) offsets(%arg14 : memref<40xi32, #tpu.memory_space<vmem>>) semaphore(%arg31 : memref<!tpu.dma_semaphore, #tpu.memory_space<semaphore_mem>>) {add = true}
    %scan3A_210 = arith.constant 0 : i32
    %scan3A_211 = arith.constant 40 : i32
    %scan3A_212 = arith.addi %scan3A_210, %scan3A_211 : i32
    %scan3A_213 = arith.constant 1 : i32
    scf.for %scan3A_706 = %scan3A_210 to %scan3A_212 step %scan3A_213  : i32 {
      %mul3A_707 = arith.constant 1 : i32
      %mul3A_708 = arith.muli %scan3A_706, %mul3A_707 : i32
      %add3A_709 = arith.constant 0 : i32
      %add3A_710 = arith.addi %add3A_709, %mul3A_708 : i32
      %mul3A_711 = arith.constant 6 : i32
      %mul3A_712 = arith.muli %add3A_710, %mul3A_711 : i32
      %add3A_713 = arith.constant 2 : i32
      %add3A_714 = arith.addi %add3A_713, %mul3A_712 : i32
      %add3A_715 = arith.constant 0 : i32
      %add3A_716 = arith.addi %add3A_714, %add3A_715 : i32
      %dma_wait3A_717 = arith.constant 0 : i32
      %dma_wait3A_718 = arith.constant 0 : i32
      %dma_wait3A_719 = tpu.memref_slice %arg2[%dma_wait3A_717, %dma_wait3A_718] : memref<10000x144xf32, #tpu.memory_space<hbm>> -> memref<10000x144xf32, #tpu.memory_space<hbm>>
      tpu.wait_indirect_dma semaphore(%arg26 : memref<!tpu.dma_semaphore, #tpu.memory_space<semaphore_mem>>) src(%dma_wait3A_719 : memref<10000x144xf32, #tpu.memory_space<hbm>>) dst(%arg17 : memref<40x144xf32, #tpu.memory_space<vmem>>)
      %dma_wait3A_720 = arith.constant 0 : i32
      %dma_wait3A_721 = arith.constant 0 : i32
      %dma_wait3A_722 = tpu.memref_slice %arg3[%dma_wait3A_720, %dma_wait3A_721] : memref<10000x16xf32, #tpu.memory_space<hbm>> -> memref<10000x16xf32, #tpu.memory_space<hbm>>
      tpu.wait_indirect_dma semaphore(%arg26 : memref<!tpu.dma_semaphore, #tpu.memory_space<semaphore_mem>>) src(%dma_wait3A_722 : memref<10000x16xf32, #tpu.memory_space<hbm>>) dst(%arg20 : memref<40x16xf32, #tpu.memory_space<vmem>>)
      %dma_wait3A_723 = arith.constant 0 : i32
      %dma_wait3A_724 = arith.constant 0 : i32
      %dma_wait3A_725 = tpu.memref_slice %arg23[%dma_wait3A_723, %dma_wait3A_724] : memref<10000x144xf32, #tpu.memory_space<vmem_shared>> -> memref<10000x144xf32, #tpu.memory_space<vmem_shared>>
      tpu.wait_indirect_dma semaphore(%arg30 : memref<!tpu.dma_semaphore, #tpu.memory_space<semaphore_mem>>) src(%arg21 : memref<40x144xf32, #tpu.memory_space<vmem>>) dst(%dma_wait3A_725 : memref<10000x144xf32, #tpu.memory_space<vmem_shared>>)
      %get3A_726 = arith.constant 0 : index
      %get3A_727 = tpu.vector_load %arg12[%get3A_726] {strides = array<i32>} : memref<40xi32, #tpu.memory_space<vmem>>, vector<16xi32>,
      %get3A_728 = vector.shape_cast %get3A_727 : vector<16xi32> to vector<16xi32>
      %swap3A_729 = arith.constant 0 : index
      %swap3A_730 = tpu.vector_load %arg13[%swap3A_729] {strides = array<i32>} : memref<40xi32, #tpu.memory_space<vmem>>, vector<16xi32>,
      %swap3A_731 = vector.shape_cast %swap3A_730 : vector<16xi32> to vector<16xi32>
      %swap3A_732 = vector.shape_cast %get3A_728 : vector<16xi32> to vector<16xi32>
      tpu.vector_store %arg13[%swap3A_729], %swap3A_732 {strides = array<i32>} : memref<40xi32, #tpu.memory_space<vmem>>, vector<16xi32>,
      %get3A_733 = arith.constant 16 : index
      %get3A_734 = tpu.vector_load %arg12[%get3A_733] {strides = array<i32>} : memref<40xi32, #tpu.memory_space<vmem>>, vector<16xi32>,
      %get3A_735 = vector.shape_cast %get3A_734 : vector<16xi32> to vector<16xi32>
      %swap3A_736 = arith.constant 16 : index
      %swap3A_737 = tpu.vector_load %arg13[%swap3A_736] {strides = array<i32>} : memref<40xi32, #tpu.memory_space<vmem>>, vector<16xi32>,
      %swap3A_738 = vector.shape_cast %swap3A_737 : vector<16xi32> to vector<16xi32>
      %swap3A_739 = vector.shape_cast %get3A_735 : vector<16xi32> to vector<16xi32>
      tpu.vector_store %arg13[%swap3A_736], %swap3A_739 {strides = array<i32>} : memref<40xi32, #tpu.memory_space<vmem>>, vector<16xi32>,
      %get3A_740 = arith.constant 24 : index
      %get3A_741 = tpu.vector_load %arg12[%get3A_740] {strides = array<i32>} : memref<40xi32, #tpu.memory_space<vmem>>, vector<16xi32>,
      %get3A_742 = vector.shape_cast %get3A_741 : vector<16xi32> to vector<16xi32>
      %swap3A_743 = arith.constant 24 : index
      %swap3A_744 = tpu.vector_load %arg13[%swap3A_743] {strides = array<i32>} : memref<40xi32, #tpu.memory_space<vmem>>, vector<16xi32>,
      %swap3A_745 = vector.shape_cast %swap3A_744 : vector<16xi32> to vector<16xi32>
      %swap3A_746 = vector.shape_cast %get3A_742 : vector<16xi32> to vector<16xi32>
      tpu.vector_store %arg13[%swap3A_743], %swap3A_746 {strides = array<i32>} : memref<40xi32, #tpu.memory_space<vmem>>, vector<16xi32>,
      %add3A_747 = arith.constant 3 : i32
      %add3A_748 = arith.addi %add3A_716, %add3A_747 : i32
      %mul3A_749 = arith.constant 40 : i32
      %mul3A_750 = arith.muli %add3A_748, %mul3A_749 : i32
      %add3A_751 = arith.addi %mul3A_2, %mul3A_750 : i32
      %dma_start3A_752 = arith.constant 0 : i32
      %dma_start3A_753 = tpu.memref_slice %arg4[%dma_start3A_752, %add3A_751] : memref<2x320000xi32, #tpu.memory_space<hbm>> -> memref<1x40xi32, #tpu.memory_space<hbm>>
      %dma_start3A_754 = tpu.memref_squeeze %dma_start3A_753 : memref<1x40xi32, #tpu.memory_space<hbm>> -> memref<40xi32, #tpu.memory_space<hbm>>
      %dma_start3A_755 = tpu.memref_slice %arg4[%dma_start3A_752, %add3A_751] : memref<2x320000xi32, #tpu.memory_space<hbm>> -> memref<1x40xi32, #tpu.memory_space<hbm>>
      %dma_start3A_756 = tpu.memref_squeeze %dma_start3A_755 : memref<1x40xi32, #tpu.memory_space<hbm>> -> memref<40xi32, #tpu.memory_space<hbm>>
      tpu.enqueue_dma source(%dma_start3A_756 : memref<40xi32, #tpu.memory_space<hbm>>) target(%arg9 : memref<40xi32, #tpu.memory_space<vmem>>) target_semaphore(%arg29 : memref<!tpu.dma_semaphore, #tpu.memory_space<semaphore_mem>>)
      %dma_start3A_757 = arith.constant 1 : i32
      %dma_start3A_758 = tpu.memref_slice %arg4[%dma_start3A_757, %add3A_751] : memref<2x320000xi32, #tpu.memory_space<hbm>> -> memref<1x40xi32, #tpu.memory_space<hbm>>
      %dma_start3A_759 = tpu.memref_squeeze %dma_start3A_758 : memref<1x40xi32, #tpu.memory_space<hbm>> -> memref<40xi32, #tpu.memory_space<hbm>>
      %dma_start3A_760 = tpu.memref_slice %arg4[%dma_start3A_757, %add3A_751] : memref<2x320000xi32, #tpu.memory_space<hbm>> -> memref<1x40xi32, #tpu.memory_space<hbm>>
      %dma_start3A_761 = tpu.memref_squeeze %dma_start3A_760 : memref<1x40xi32, #tpu.memory_space<hbm>> -> memref<40xi32, #tpu.memory_space<hbm>>
      tpu.enqueue_dma source(%dma_start3A_761 : memref<40xi32, #tpu.memory_space<hbm>>) target(%arg12 : memref<40xi32, #tpu.memory_space<vmem>>) target_semaphore(%arg29 : memref<!tpu.dma_semaphore, #tpu.memory_space<semaphore_mem>>)
      %dma_wait3A_762 = arith.constant 0 : i32
      %dma_wait3A_763 = arith.constant 0 : i32
      %dma_wait3A_764 = tpu.memref_slice %arg4[%dma_wait3A_762, %dma_wait3A_763] : memref<2x320000xi32, #tpu.memory_space<hbm>> -> memref<1x40xi32, #tpu.memory_space<hbm>>
      %dma_wait3A_765 = tpu.memref_squeeze %dma_wait3A_764 : memref<1x40xi32, #tpu.memory_space<hbm>> -> memref<40xi32, #tpu.memory_space<hbm>>
      %dma_wait3A_766 = arith.constant 0 : i32
      %dma_wait3A_767 = tpu.memref_slice %arg4[%dma_wait3A_762, %dma_wait3A_766] : memref<2x320000xi32, #tpu.memory_space<hbm>> -> memref<1x40xi32, #tpu.memory_space<hbm>>
      %dma_wait3A_768 = tpu.memref_squeeze %dma_wait3A_767 : memref<1x40xi32, #tpu.memory_space<hbm>> -> memref<40xi32, #tpu.memory_space<hbm>>
      tpu.wait_dma2 semaphore(%arg28 : memref<!tpu.dma_semaphore, #tpu.memory_space<semaphore_mem>>) src(%dma_wait3A_768 : memref<40xi32, #tpu.memory_space<hbm>>) dst(%arg8 : memref<40xi32, #tpu.memory_space<vmem>>)
      %dma_wait3A_769 = arith.constant 1 : i32
      %dma_wait3A_770 = arith.constant 0 : i32
      %dma_wait3A_771 = tpu.memref_slice %arg4[%dma_wait3A_769, %dma_wait3A_770] : memref<2x320000xi32, #tpu.memory_space<hbm>> -> memref<1x40xi32, #tpu.memory_space<hbm>>
      %dma_wait3A_772 = tpu.memref_squeeze %dma_wait3A_771 : memref<1x40xi32, #tpu.memory_space<hbm>> -> memref<40xi32, #tpu.memory_space<hbm>>
      %dma_wait3A_773 = arith.constant 0 : i32
      %dma_wait3A_774 = tpu.memref_slice %arg4[%dma_wait3A_769, %dma_wait3A_773] : memref<2x320000xi32, #tpu.memory_space<hbm>> -> memref<1x40xi32, #tpu.memory_space<hbm>>
      %dma_wait3A_775 = tpu.memref_squeeze %dma_wait3A_774 : memref<1x40xi32, #tpu.memory_space<hbm>> -> memref<40xi32, #tpu.memory_space<hbm>>
      tpu.wait_dma2 semaphore(%arg28 : memref<!tpu.dma_semaphore, #tpu.memory_space<semaphore_mem>>) src(%dma_wait3A_775 : memref<40xi32, #tpu.memory_space<hbm>>) dst(%arg11 : memref<40xi32, #tpu.memory_space<vmem>>)
      %dma_start3A_776 = arith.constant 0 : i32
      %dma_start3A_777 = arith.constant 0 : i32
      %dma_start3A_778 = tpu.memref_slice %arg2[%dma_start3A_776, %dma_start3A_777] : memref<10000x144xf32, #tpu.memory_space<hbm>> -> memref<10000x144xf32, #tpu.memory_space<hbm>>
      tpu.enqueue_indirect_dma source(%dma_start3A_778 : memref<10000x144xf32, #tpu.memory_space<hbm>>) target(%arg16 : memref<40x144xf32, #tpu.memory_space<vmem>>) offsets(%arg8 : memref<40xi32, #tpu.memory_space<vmem>>) semaphore(%arg25 : memref<!tpu.dma_semaphore, #tpu.memory_space<semaphore_mem>>)
      %dma_start3A_779 = arith.constant 0 : i32
      %dma_start3A_780 = arith.constant 0 : i32
      %dma_start3A_781 = tpu.memref_slice %arg3[%dma_start3A_779, %dma_start3A_780] : memref<10000x16xf32, #tpu.memory_space<hbm>> -> memref<10000x16xf32, #tpu.memory_space<hbm>>
      tpu.enqueue_indirect_dma source(%dma_start3A_781 : memref<10000x16xf32, #tpu.memory_space<hbm>>) target(%arg19 : memref<40x16xf32, #tpu.memory_space<vmem>>) offsets(%arg11 : memref<40xi32, #tpu.memory_space<vmem>>) semaphore(%arg25 : memref<!tpu.dma_semaphore, #tpu.memory_space<semaphore_mem>>)
      %scan3A_782 = arith.constant 0 : i32
      %scan3A_783 = arith.constant 40 : i32
      %scan3A_784 = arith.addi %scan3A_782, %scan3A_783 : i32
      %scan3A_785 = arith.constant 1 : i32
      scf.for %scan3A_1165 = %scan3A_782 to %scan3A_784 step %scan3A_785  : i32 {
        %mul3A_1166 = arith.constant 1 : i32
        %mul3A_1167 = arith.muli %scan3A_1165, %mul3A_1166 : i32
        %add3A_1168 = arith.constant 0 : i32
        %add3A_1169 = arith.addi %add3A_1168, %mul3A_1167 : i32
        %get3A_1170 = arith.index_cast %add3A_1169 : i32 to index
        %get3A_1171 = arith.constant 128 : index
        %get3A_1172 = tpu.vector_load %arg17[%get3A_1170, %get3A_1171] {strides = array<i32>} : memref<40x144xf32, #tpu.memory_space<vmem>>, vector<1x16xf32>,
        %get3A_1173 = vector.shape_cast %get3A_1172 : vector<1x16xf32> to vector<16xf32>
        %get3A_1174 = arith.index_cast %add3A_1169 : i32 to index
        %get3A_1175 = arith.constant 0 : index
        %get3A_1176 = tpu.vector_load %arg20[%get3A_1174, %get3A_1175] {strides = array<i32>} : memref<40x16xf32, #tpu.memory_space<vmem>>, vector<1x16xf32>,
        %get3A_1177 = vector.shape_cast %get3A_1176 : vector<1x16xf32> to vector<16xf32>
        %add3A_1178 = arith.addf %get3A_1173, %get3A_1177 : vector<16xf32>
        %mul3A_1179 = arith.constant 2.000000e-01 : f32
        %mul3A_1180 = vector.broadcast %mul3A_1179 : f32 to vector<16xf32>
        %mul3A_1181 = arith.mulf %add3A_1178, %mul3A_1180 : vector<16xf32>
        %max3A = arith.maximumf %add3A_1178, %mul3A_1181 : vector<16xf32>
        %exp3A = math.exp %max3A : vector<16xf32>
        %swap3A_1182 = arith.index_cast %add3A_1169 : i32 to index
        %swap3A_1183 = arith.constant 128 : index
        %swap3A_1184 = tpu.vector_load %arg21[%swap3A_1182, %swap3A_1183] {strides = array<i32>} : memref<40x144xf32, #tpu.memory_space<vmem>>, vector<1x16xf32>,
        %swap3A_1185 = vector.shape_cast %swap3A_1184 : vector<1x16xf32> to vector<16xf32>
        %swap3A_1186 = vector.shape_cast %exp3A : vector<16xf32> to vector<1x16xf32>
        tpu.vector_store %arg21[%swap3A_1182, %swap3A_1183], %swap3A_1186 {strides = array<i32>} : memref<40x144xf32, #tpu.memory_space<vmem>>, vector<1x16xf32>,
        %broadcast_in_dim3A = arith.constant 0 : i32
        %broadcast_in_dim3A_1187 = vector.broadcast %broadcast_in_dim3A : i32 to vector<16x1xi32>
        %gather3A = vector.shape_cast %broadcast_in_dim3A_1187 : vector<16x1xi32> to vector<16xi32>
        %gather3A_1188 = tpu.dynamic_gather %exp3A[%gather3A] in [0] : vector<16xf32>, vector<16xi32> -> vector<16xf32>
        %get3A_1189 = arith.index_cast %add3A_1169 : i32 to index
        %get3A_1190 = arith.constant 0 : index
        %get3A_1191 = tpu.vector_load %arg17[%get3A_1189, %get3A_1190] {strides = array<i32>} : memref<40x144xf32, #tpu.memory_space<vmem>>, vector<1x16xf32>,
        %get3A_1192 = vector.shape_cast %get3A_1191 : vector<1x16xf32> to vector<16xf32>
        %mul3A_1193 = arith.mulf %get3A_1192, %gather3A_1188 : vector<16xf32>
        %swap3A_1194 = arith.index_cast %add3A_1169 : i32 to index
        %swap3A_1195 = arith.constant 0 : index
        %swap3A_1196 = tpu.vector_load %arg21[%swap3A_1194, %swap3A_1195] {strides = array<i32>} : memref<40x144xf32, #tpu.memory_space<vmem>>, vector<1x16xf32>,
        %swap3A_1197 = vector.shape_cast %swap3A_1196 : vector<1x16xf32> to vector<16xf32>
        %swap3A_1198 = vector.shape_cast %mul3A_1193 : vector<16xf32> to vector<1x16xf32>
        tpu.vector_store %arg21[%swap3A_1194, %swap3A_1195], %swap3A_1198 {strides = array<i32>} : memref<40x144xf32, #tpu.memory_space<vmem>>, vector<1x16xf32>,
        %broadcast_in_dim3A_1199 = arith.constant 1 : i32
        %broadcast_in_dim3A_1200 = vector.broadcast %broadcast_in_dim3A_1199 : i32 to vector<16x1xi32>
        %gather3A_1201 = vector.shape_cast %broadcast_in_dim3A_1200 : vector<16x1xi32> to vector<16xi32>
        %gather3A_1202 = tpu.dynamic_gather %exp3A[%gather3A_1201] in [0] : vector<16xf32>, vector<16xi32> -> vector<16xf32>
        %get3A_1203 = arith.index_cast %add3A_1169 : i32 to index
        %get3A_1204 = arith.constant 16 : index
        %get3A_1205 = tpu.vector_load %arg17[%get3A_1203, %get3A_1204] {strides = array<i32>} : memref<40x144xf32, #tpu.memory_space<vmem>>, vector<1x16xf32>,
        %get3A_1206 = vector.shape_cast %get3A_1205 : vector<1x16xf32> to vector<16xf32>
        %mul3A_1207 = arith.mulf %get3A_1206, %gather3A_1202 : vector<16xf32>
        %swap3A_1208 = arith.index_cast %add3A_1169 : i32 to index
        %swap3A_1209 = arith.constant 16 : index
        %swap3A_1210 = tpu.vector_load %arg21[%swap3A_1208, %swap3A_1209] {strides = array<i32>} : memref<40x144xf32, #tpu.memory_space<vmem>>, vector<1x16xf32>,
        %swap3A_1211 = vector.shape_cast %swap3A_1210 : vector<1x16xf32> to vector<16xf32>
        %swap3A_1212 = vector.shape_cast %mul3A_1207 : vector<16xf32> to vector<1x16xf32>
        tpu.vector_store %arg21[%swap3A_1208, %swap3A_1209], %swap3A_1212 {strides = array<i32>} : memref<40x144xf32, #tpu.memory_space<vmem>>, vector<1x16xf32>,
        %broadcast_in_dim3A_1213 = arith.constant 2 : i32
        %broadcast_in_dim3A_1214 = vector.broadcast %broadcast_in_dim3A_1213 : i32 to vector<16x1xi32>
        %gather3A_1215 = vector.shape_cast %broadcast_in_dim3A_1214 : vector<16x1xi32> to vector<16xi32>
        %gather3A_1216 = tpu.dynamic_gather %exp3A[%gather3A_1215] in [0] : vector<16xf32>, vector<16xi32> -> vector<16xf32>
        %get3A_1217 = arith.index_cast %add3A_1169 : i32 to index
        %get3A_1218 = arith.constant 32 : index
        %get3A_1219 = tpu.vector_load %arg17[%get3A_1217, %get3A_1218] {strides = array<i32>} : memref<40x144xf32, #tpu.memory_space<vmem>>, vector<1x16xf32>,
        %get3A_1220 = vector.shape_cast %get3A_1219 : vector<1x16xf32> to vector<16xf32>
        %mul3A_1221 = arith.mulf %get3A_1220, %gather3A_1216 : vector<16xf32>
        %swap3A_1222 = arith.index_cast %add3A_1169 : i32 to index
        %swap3A_1223 = arith.constant 32 : index
        %swap3A_1224 = tpu.vector_load %arg21[%swap3A_1222, %swap3A_1223] {strides = array<i32>} : memref<40x144xf32, #tpu.memory_space<vmem>>, vector<1x16xf32>,
        %swap3A_1225 = vector.shape_cast %swap3A_1224 : vector<1x16xf32> to vector<16xf32>
        %swap3A_1226 = vector.shape_cast %mul3A_1221 : vector<16xf32> to vector<1x16xf32>
        tpu.vector_store %arg21[%swap3A_1222, %swap3A_1223], %swap3A_1226 {strides = array<i32>} : memref<40x144xf32, #tpu.memory_space<vmem>>, vector<1x16xf32>,
        %broadcast_in_dim3A_1227 = arith.constant 3 : i32
        %broadcast_in_dim3A_1228 = vector.broadcast %broadcast_in_dim3A_1227 : i32 to vector<16x1xi32>
        %gather3A_1229 = vector.shape_cast %broadcast_in_dim3A_1228 : vector<16x1xi32> to vector<16xi32>
        %gather3A_1230 = tpu.dynamic_gather %exp3A[%gather3A_1229] in [0] : vector<16xf32>, vector<16xi32> -> vector<16xf32>
        %get3A_1231 = arith.index_cast %add3A_1169 : i32 to index
        %get3A_1232 = arith.constant 48 : index
        %get3A_1233 = tpu.vector_load %arg17[%get3A_1231, %get3A_1232] {strides = array<i32>} : memref<40x144xf32, #tpu.memory_space<vmem>>, vector<1x16xf32>,
        %get3A_1234 = vector.shape_cast %get3A_1233 : vector<1x16xf32> to vector<16xf32>
        %mul3A_1235 = arith.mulf %get3A_1234, %gather3A_1230 : vector<16xf32>
        %swap3A_1236 = arith.index_cast %add3A_1169 : i32 to index
        %swap3A_1237 = arith.constant 48 : index
        %swap3A_1238 = tpu.vector_load %arg21[%swap3A_1236, %swap3A_1237] {strides = array<i32>} : memref<40x144xf32, #tpu.memory_space<vmem>>, vector<1x16xf32>,
        %swap3A_1239 = vector.shape_cast %swap3A_1238 : vector<1x16xf32> to vector<16xf32>
        %swap3A_1240 = vector.shape_cast %mul3A_1235 : vector<16xf32> to vector<1x16xf32>
        tpu.vector_store %arg21[%swap3A_1236, %swap3A_1237], %swap3A_1240 {strides = array<i32>} : memref<40x144xf32, #tpu.memory_space<vmem>>, vector<1x16xf32>,
        %broadcast_in_dim3A_1241 = arith.constant 4 : i32
        %broadcast_in_dim3A_1242 = vector.broadcast %broadcast_in_dim3A_1241 : i32 to vector<16x1xi32>
        %gather3A_1243 = vector.shape_cast %broadcast_in_dim3A_1242 : vector<16x1xi32> to vector<16xi32>
        %gather3A_1244 = tpu.dynamic_gather %exp3A[%gather3A_1243] in [0] : vector<16xf32>, vector<16xi32> -> vector<16xf32>
        %get3A_1245 = arith.index_cast %add3A_1169 : i32 to index
        %get3A_1246 = arith.constant 64 : index
        %get3A_1247 = tpu.vector_load %arg17[%get3A_1245, %get3A_1246] {strides = array<i32>} : memref<40x144xf32, #tpu.memory_space<vmem>>, vector<1x16xf32>,
        %get3A_1248 = vector.shape_cast %get3A_1247 : vector<1x16xf32> to vector<16xf32>
        %mul3A_1249 = arith.mulf %get3A_1248, %gather3A_1244 : vector<16xf32>
        %swap3A_1250 = arith.index_cast %add3A_1169 : i32 to index
        %swap3A_1251 = arith.constant 64 : index
        %swap3A_1252 = tpu.vector_load %arg21[%swap3A_1250, %swap3A_1251] {strides = array<i32>} : memref<40x144xf32, #tpu.memory_space<vmem>>, vector<1x16xf32>,
        %swap3A_1253 = vector.shape_cast %swap3A_1252 : vector<1x16xf32> to vector<16xf32>
        %swap3A_1254 = vector.shape_cast %mul3A_1249 : vector<16xf32> to vector<1x16xf32>
        tpu.vector_store %arg21[%swap3A_1250, %swap3A_1251], %swap3A_1254 {strides = array<i32>} : memref<40x144xf32, #tpu.memory_space<vmem>>, vector<1x16xf32>,
        %broadcast_in_dim3A_1255 = arith.constant 5 : i32
        %broadcast_in_dim3A_1256 = vector.broadcast %broadcast_in_dim3A_1255 : i32 to vector<16x1xi32>
        %gather3A_1257 = vector.shape_cast %broadcast_in_dim3A_1256 : vector<16x1xi32> to vector<16xi32>
        %gather3A_1258 = tpu.dynamic_gather %exp3A[%gather3A_1257] in [0] : vector<16xf32>, vector<16xi32> -> vector<16xf32>
        %get3A_1259 = arith.index_cast %add3A_1169 : i32 to index
        %get3A_1260 = arith.constant 80 : index
        %get3A_1261 = tpu.vector_load %arg17[%get3A_1259, %get3A_1260] {strides = array<i32>} : memref<40x144xf32, #tpu.memory_space<vmem>>, vector<1x16xf32>,
        %get3A_1262 = vector.shape_cast %get3A_1261 : vector<1x16xf32> to vector<16xf32>
        %mul3A_1263 = arith.mulf %get3A_1262, %gather3A_1258 : vector<16xf32>
        %swap3A_1264 = arith.index_cast %add3A_1169 : i32 to index
        %swap3A_1265 = arith.constant 80 : index
        %swap3A_1266 = tpu.vector_load %arg21[%swap3A_1264, %swap3A_1265] {strides = array<i32>} : memref<40x144xf32, #tpu.memory_space<vmem>>, vector<1x16xf32>,
        %swap3A_1267 = vector.shape_cast %swap3A_1266 : vector<1x16xf32> to vector<16xf32>
        %swap3A_1268 = vector.shape_cast %mul3A_1263 : vector<16xf32> to vector<1x16xf32>
        tpu.vector_store %arg21[%swap3A_1264, %swap3A_1265], %swap3A_1268 {strides = array<i32>} : memref<40x144xf32, #tpu.memory_space<vmem>>, vector<1x16xf32>,
        %broadcast_in_dim3A_1269 = arith.constant 6 : i32
        %broadcast_in_dim3A_1270 = vector.broadcast %broadcast_in_dim3A_1269 : i32 to vector<16x1xi32>
        %gather3A_1271 = vector.shape_cast %broadcast_in_dim3A_1270 : vector<16x1xi32> to vector<16xi32>
        %gather3A_1272 = tpu.dynamic_gather %exp3A[%gather3A_1271] in [0] : vector<16xf32>, vector<16xi32> -> vector<16xf32>
        %get3A_1273 = arith.index_cast %add3A_1169 : i32 to index
        %get3A_1274 = arith.constant 96 : index
        %get3A_1275 = tpu.vector_load %arg17[%get3A_1273, %get3A_1274] {strides = array<i32>} : memref<40x144xf32, #tpu.memory_space<vmem>>, vector<1x16xf32>,
        %get3A_1276 = vector.shape_cast %get3A_1275 : vector<1x16xf32> to vector<16xf32>
        %mul3A_1277 = arith.mulf %get3A_1276, %gather3A_1272 : vector<16xf32>
        %swap3A_1278 = arith.index_cast %add3A_1169 : i32 to index
        %swap3A_1279 = arith.constant 96 : index
        %swap3A_1280 = tpu.vector_load %arg21[%swap3A_1278, %swap3A_1279] {strides = array<i32>} : memref<40x144xf32, #tpu.memory_space<vmem>>, vector<1x16xf32>,
        %swap3A_1281 = vector.shape_cast %swap3A_1280 : vector<1x16xf32> to vector<16xf32>
        %swap3A_1282 = vector.shape_cast %mul3A_1277 : vector<16xf32> to vector<1x16xf32>
        tpu.vector_store %arg21[%swap3A_1278, %swap3A_1279], %swap3A_1282 {strides = array<i32>} : memref<40x144xf32, #tpu.memory_space<vmem>>, vector<1x16xf32>,
        %broadcast_in_dim3A_1283 = arith.constant 7 : i32
        %broadcast_in_dim3A_1284 = vector.broadcast %broadcast_in_dim3A_1283 : i32 to vector<16x1xi32>
        %gather3A_1285 = vector.shape_cast %broadcast_in_dim3A_1284 : vector<16x1xi32> to vector<16xi32>
        %gather3A_1286 = tpu.dynamic_gather %exp3A[%gather3A_1285] in [0] : vector<16xf32>, vector<16xi32> -> vector<16xf32>
        %get3A_1287 = arith.index_cast %add3A_1169 : i32 to index
        %get3A_1288 = arith.constant 112 : index
        %get3A_1289 = tpu.vector_load %arg17[%get3A_1287, %get3A_1288] {strides = array<i32>} : memref<40x144xf32, #tpu.memory_space<vmem>>, vector<1x16xf32>,
        %get3A_1290 = vector.shape_cast %get3A_1289 : vector<1x16xf32> to vector<16xf32>
        %mul3A_1291 = arith.mulf %get3A_1290, %gather3A_1286 : vector<16xf32>
        %swap3A_1292 = arith.index_cast %add3A_1169 : i32 to index
        %swap3A_1293 = arith.constant 112 : index
        %swap3A_1294 = tpu.vector_load %arg21[%swap3A_1292, %swap3A_1293] {strides = array<i32>} : memref<40x144xf32, #tpu.memory_space<vmem>>, vector<1x16xf32>,
        %swap3A_1295 = vector.shape_cast %swap3A_1294 : vector<1x16xf32> to vector<16xf32>
        %swap3A_1296 = vector.shape_cast %mul3A_1291 : vector<16xf32> to vector<1x16xf32>
        tpu.vector_store %arg21[%swap3A_1292, %swap3A_1293], %swap3A_1296 {strides = array<i32>} : memref<40x144xf32, #tpu.memory_space<vmem>>, vector<1x16xf32>,
      }
      %scan3A_786 = arith.constant 40 : i32
      %dma_start3A_787 = arith.constant 0 : i32
      %dma_start3A_788 = arith.constant 0 : i32
      %dma_start3A_789 = tpu.memref_slice %arg23[%dma_start3A_787, %dma_start3A_788] : memref<10000x144xf32, #tpu.memory_space<vmem_shared>> -> memref<10000x144xf32, #tpu.memory_space<vmem_shared>>
      tpu.enqueue_indirect_dma source(%arg21 : memref<40x144xf32, #tpu.memory_space<vmem>>) target(%dma_start3A_789 : memref<10000x144xf32, #tpu.memory_space<vmem_shared>>) offsets(%arg13 : memref<40xi32, #tpu.memory_space<vmem>>) semaphore(%arg30 : memref<!tpu.dma_semaphore, #tpu.memory_space<semaphore_mem>>) {add = true}
      %add3A_790 = arith.constant 1 : i32
      %add3A_791 = arith.addi %add3A_714, %add3A_790 : i32
      %dma_wait3A_792 = arith.constant 0 : i32
      %dma_wait3A_793 = arith.constant 0 : i32
      %dma_wait3A_794 = tpu.memref_slice %arg2[%dma_wait3A_792, %dma_wait3A_793] : memref<10000x144xf32, #tpu.memory_space<hbm>> -> memref<10000x144xf32, #tpu.memory_space<hbm>>
      tpu.wait_indirect_dma semaphore(%arg24 : memref<!tpu.dma_semaphore, #tpu.memory_space<semaphore_mem>>) src(%dma_wait3A_794 : memref<10000x144xf32, #tpu.memory_space<hbm>>) dst(%arg15 : memref<40x144xf32, #tpu.memory_space<vmem>>)
      %dma_wait3A_795 = arith.constant 0 : i32
      %dma_wait3A_796 = arith.constant 0 : i32
      %dma_wait3A_797 = tpu.memref_slice %arg3[%dma_wait3A_795, %dma_wait3A_796] : memref<10000x16xf32, #tpu.memory_space<hbm>> -> memref<10000x16xf32, #tpu.memory_space<hbm>>
      tpu.wait_indirect_dma semaphore(%arg24 : memref<!tpu.dma_semaphore, #tpu.memory_space<semaphore_mem>>) src(%dma_wait3A_797 : memref<10000x16xf32, #tpu.memory_space<hbm>>) dst(%arg18 : memref<40x16xf32, #tpu.memory_space<vmem>>)
      %dma_wait3A_798 = arith.constant 0 : i32
      %dma_wait3A_799 = arith.constant 0 : i32
      %dma_wait3A_800 = tpu.memref_slice %arg23[%dma_wait3A_798, %dma_wait3A_799] : memref<10000x144xf32, #tpu.memory_space<vmem_shared>> -> memref<10000x144xf32, #tpu.memory_space<vmem_shared>>
      tpu.wait_indirect_dma semaphore(%arg31 : memref<!tpu.dma_semaphore, #tpu.memory_space<semaphore_mem>>) src(%arg22 : memref<40x144xf32, #tpu.memory_space<vmem>>) dst(%dma_wait3A_800 : memref<10000x144xf32, #tpu.memory_space<vmem_shared>>)
      %get3A_801 = arith.constant 0 : index
      %get3A_802 = tpu.vector_load %arg10[%get3A_801] {strides = array<i32>} : memref<40xi32, #tpu.memory_space<vmem>>, vector<16xi32>,
      %get3A_803 = vector.shape_cast %get3A_802 : vector<16xi32> to vector<16xi32>
      %swap3A_804 = arith.constant 0 : index
      %swap3A_805 = tpu.vector_load %arg14[%swap3A_804] {strides = array<i32>} : memref<40xi32, #tpu.memory_space<vmem>>, vector<16xi32>,
      %swap3A_806 = vector.shape_cast %swap3A_805 : vector<16xi32> to vector<16xi32>
      %swap3A_807 = vector.shape_cast %get3A_803 : vector<16xi32> to vector<16xi32>
      tpu.vector_store %arg14[%swap3A_804], %swap3A_807 {strides = array<i32>} : memref<40xi32, #tpu.memory_space<vmem>>, vector<16xi32>,
      %get3A_808 = arith.constant 16 : index
      %get3A_809 = tpu.vector_load %arg10[%get3A_808] {strides = array<i32>} : memref<40xi32, #tpu.memory_space<vmem>>, vector<16xi32>,
      %get3A_810 = vector.shape_cast %get3A_809 : vector<16xi32> to vector<16xi32>
      %swap3A_811 = arith.constant 16 : index
      %swap3A_812 = tpu.vector_load %arg14[%swap3A_811] {strides = array<i32>} : memref<40xi32, #tpu.memory_space<vmem>>, vector<16xi32>,
      %swap3A_813 = vector.shape_cast %swap3A_812 : vector<16xi32> to vector<16xi32>
      %swap3A_814 = vector.shape_cast %get3A_810 : vector<16xi32> to vector<16xi32>
      tpu.vector_store %arg14[%swap3A_811], %swap3A_814 {strides = array<i32>} : memref<40xi32, #tpu.memory_space<vmem>>, vector<16xi32>,
      %get3A_815 = arith.constant 24 : index
      %get3A_816 = tpu.vector_load %arg10[%get3A_815] {strides = array<i32>} : memref<40xi32, #tpu.memory_space<vmem>>, vector<16xi32>,
      %get3A_817 = vector.shape_cast %get3A_816 : vector<16xi32> to vector<16xi32>
      %swap3A_818 = arith.constant 24 : index
      %swap3A_819 = tpu.vector_load %arg14[%swap3A_818] {strides = array<i32>} : memref<40xi32, #tpu.memory_space<vmem>>, vector<16xi32>,
      %swap3A_820 = vector.shape_cast %swap3A_819 : vector<16xi32> to vector<16xi32>
      %swap3A_821 = vector.shape_cast %get3A_817 : vector<16xi32> to vector<16xi32>
      tpu.vector_store %arg14[%swap3A_818], %swap3A_821 {strides = array<i32>} : memref<40xi32, #tpu.memory_space<vmem>>, vector<16xi32>,
      %add3A_822 = arith.constant 3 : i32
      %add3A_823 = arith.addi %add3A_791, %add3A_822 : i32
      %mul3A_824 = arith.constant 40 : i32
      %mul3A_825 = arith.muli %add3A_823, %mul3A_824 : i32
      %add3A_826 = arith.addi %mul3A_2, %mul3A_825 : i32
      %dma_start3A_827 = arith.constant 0 : i32
      %dma_start3A_828 = tpu.memref_slice %arg4[%dma_start3A_827, %add3A_826] : memref<2x320000xi32, #tpu.memory_space<hbm>> -> memref<1x40xi32, #tpu.memory_space<hbm>>
      %dma_start3A_829 = tpu.memref_squeeze %dma_start3A_828 : memref<1x40xi32, #tpu.memory_space<hbm>> -> memref<40xi32, #tpu.memory_space<hbm>>
      %dma_start3A_830 = tpu.memref_slice %arg4[%dma_start3A_827, %add3A_826] : memref<2x320000xi32, #tpu.memory_space<hbm>> -> memref<1x40xi32, #tpu.memory_space<hbm>>
      %dma_start3A_831 = tpu.memref_squeeze %dma_start3A_830 : memref<1x40xi32, #tpu.memory_space<hbm>> -> memref<40xi32, #tpu.memory_space<hbm>>
      tpu.enqueue_dma source(%dma_start3A_831 : memref<40xi32, #tpu.memory_space<hbm>>) target(%arg7 : memref<40xi32, #tpu.memory_space<vmem>>) target_semaphore(%arg27 : memref<!tpu.dma_semaphore, #tpu.memory_space<semaphore_mem>>)
      %dma_start3A_832 = arith.constant 1 : i32
      %dma_start3A_833 = tpu.memref_slice %arg4[%dma_start3A_832, %add3A_826] : memref<2x320000xi32, #tpu.memory_space<hbm>> -> memref<1x40xi32, #tpu.memory_space<hbm>>
      %dma_start3A_834 = tpu.memref_squeeze %dma_start3A_833 : memref<1x40xi32, #tpu.memory_space<hbm>> -> memref<40xi32, #tpu.memory_space<hbm>>
      %dma_start3A_835 = tpu.memref_slice %arg4[%dma_start3A_832, %add3A_826] : memref<2x320000xi32, #tpu.memory_space<hbm>> -> memref<1x40xi32, #tpu.memory_space<hbm>>
      %dma_start3A_836 = tpu.memref_squeeze %dma_start3A_835 : memref<1x40xi32, #tpu.memory_space<hbm>> -> memref<40xi32, #tpu.memory_space<hbm>>
      tpu.enqueue_dma source(%dma_start3A_836 : memref<40xi32, #tpu.memory_space<hbm>>) target(%arg10 : memref<40xi32, #tpu.memory_space<vmem>>) target_semaphore(%arg27 : memref<!tpu.dma_semaphore, #tpu.memory_space<semaphore_mem>>)
      %dma_wait3A_837 = arith.constant 0 : i32
      %dma_wait3A_838 = arith.constant 0 : i32
      %dma_wait3A_839 = tpu.memref_slice %arg4[%dma_wait3A_837, %dma_wait3A_838] : memref<2x320000xi32, #tpu.memory_space<hbm>> -> memref<1x40xi32, #tpu.memory_space<hbm>>
      %dma_wait3A_840 = tpu.memref_squeeze %dma_wait3A_839 : memref<1x40xi32, #tpu.memory_space<hbm>> -> memref<40xi32, #tpu.memory_space<hbm>>
      %dma_wait3A_841 = arith.constant 0 : i32
      %dma_wait3A_842 = tpu.memref_slice %arg4[%dma_wait3A_837, %dma_wait3A_841] : memref<2x320000xi32, #tpu.memory_space<hbm>> -> memref<1x40xi32, #tpu.memory_space<hbm>>
      %dma_wait3A_843 = tpu.memref_squeeze %dma_wait3A_842 : memref<1x40xi32, #tpu.memory_space<hbm>> -> memref<40xi32, #tpu.memory_space<hbm>>
      tpu.wait_dma2 semaphore(%arg29 : memref<!tpu.dma_semaphore, #tpu.memory_space<semaphore_mem>>) src(%dma_wait3A_843 : memref<40xi32, #tpu.memory_space<hbm>>) dst(%arg9 : memref<40xi32, #tpu.memory_space<vmem>>)
      %dma_wait3A_844 = arith.constant 1 : i32
      %dma_wait3A_845 = arith.constant 0 : i32
      %dma_wait3A_846 = tpu.memref_slice %arg4[%dma_wait3A_844, %dma_wait3A_845] : memref<2x320000xi32, #tpu.memory_space<hbm>> -> memref<1x40xi32, #tpu.memory_space<hbm>>
      %dma_wait3A_847 = tpu.memref_squeeze %dma_wait3A_846 : memref<1x40xi32, #tpu.memory_space<hbm>> -> memref<40xi32, #tpu.memory_space<hbm>>
      %dma_wait3A_848 = arith.constant 0 : i32
      %dma_wait3A_849 = tpu.memref_slice %arg4[%dma_wait3A_844, %dma_wait3A_848] : memref<2x320000xi32, #tpu.memory_space<hbm>> -> memref<1x40xi32, #tpu.memory_space<hbm>>
      %dma_wait3A_850 = tpu.memref_squeeze %dma_wait3A_849 : memref<1x40xi32, #tpu.memory_space<hbm>> -> memref<40xi32, #tpu.memory_space<hbm>>
      tpu.wait_dma2 semaphore(%arg29 : memref<!tpu.dma_semaphore, #tpu.memory_space<semaphore_mem>>) src(%dma_wait3A_850 : memref<40xi32, #tpu.memory_space<hbm>>) dst(%arg12 : memref<40xi32, #tpu.memory_space<vmem>>)
      %dma_start3A_851 = arith.constant 0 : i32
      %dma_start3A_852 = arith.constant 0 : i32
      %dma_start3A_853 = tpu.memref_slice %arg2[%dma_start3A_851, %dma_start3A_852] : memref<10000x144xf32, #tpu.memory_space<hbm>> -> memref<10000x144xf32, #tpu.memory_space<hbm>>
      tpu.enqueue_indirect_dma source(%dma_start3A_853 : memref<10000x144xf32, #tpu.memory_space<hbm>>) target(%arg17 : memref<40x144xf32, #tpu.memory_space<vmem>>) offsets(%arg9 : memref<40xi32, #tpu.memory_space<vmem>>) semaphore(%arg26 : memref<!tpu.dma_semaphore, #tpu.memory_space<semaphore_mem>>)
      %dma_start3A_854 = arith.constant 0 : i32
      %dma_start3A_855 = arith.constant 0 : i32
      %dma_start3A_856 = tpu.memref_slice %arg3[%dma_start3A_854, %dma_start3A_855] : memref<10000x16xf32, #tpu.memory_space<hbm>> -> memref<10000x16xf32, #tpu.memory_space<hbm>>
      tpu.enqueue_indirect_dma source(%dma_start3A_856 : memref<10000x16xf32, #tpu.memory_space<hbm>>) target(%arg20 : memref<40x16xf32, #tpu.memory_space<vmem>>) offsets(%arg12 : memref<40xi32, #tpu.memory_space<vmem>>) semaphore(%arg26 : memref<!tpu.dma_semaphore, #tpu.memory_space<semaphore_mem>>)
      %scan3A_857 = arith.constant 0 : i32
      %scan3A_858 = arith.constant 40 : i32
      %scan3A_859 = arith.addi %scan3A_857, %scan3A_858 : i32
      %scan3A_860 = arith.constant 1 : i32
      scf.for %scan3A_1165 = %scan3A_857 to %scan3A_859 step %scan3A_860  : i32 {
        %mul3A_1166 = arith.constant 1 : i32
        %mul3A_1167 = arith.muli %scan3A_1165, %mul3A_1166 : i32
        %add3A_1168 = arith.constant 0 : i32
        %add3A_1169 = arith.addi %add3A_1168, %mul3A_1167 : i32
        %get3A_1170 = arith.index_cast %add3A_1169 : i32 to index
        %get3A_1171 = arith.constant 128 : index
        %get3A_1172 = tpu.vector_load %arg15[%get3A_1170, %get3A_1171] {strides = array<i32>} : memref<40x144xf32, #tpu.memory_space<vmem>>, vector<1x16xf32>,
        %get3A_1173 = vector.shape_cast %get3A_1172 : vector<1x16xf32> to vector<16xf32>
        %get3A_1174 = arith.index_cast %add3A_1169 : i32 to index
        %get3A_1175 = arith.constant 0 : index
        %get3A_1176 = tpu.vector_load %arg18[%get3A_1174, %get3A_1175] {strides = array<i32>} : memref<40x16xf32, #tpu.memory_space<vmem>>, vector<1x16xf32>,
        %get3A_1177 = vector.shape_cast %get3A_1176 : vector<1x16xf32> to vector<16xf32>
        %add3A_1178 = arith.addf %get3A_1173, %get3A_1177 : vector<16xf32>
        %mul3A_1179 = arith.constant 2.000000e-01 : f32
        %mul3A_1180 = vector.broadcast %mul3A_1179 : f32 to vector<16xf32>
        %mul3A_1181 = arith.mulf %add3A_1178, %mul3A_1180 : vector<16xf32>
        %max3A = arith.maximumf %add3A_1178, %mul3A_1181 : vector<16xf32>
        %exp3A = math.exp %max3A : vector<16xf32>
        %swap3A_1182 = arith.index_cast %add3A_1169 : i32 to index
        %swap3A_1183 = arith.constant 128 : index
        %swap3A_1184 = tpu.vector_load %arg22[%swap3A_1182, %swap3A_1183] {strides = array<i32>} : memref<40x144xf32, #tpu.memory_space<vmem>>, vector<1x16xf32>,
        %swap3A_1185 = vector.shape_cast %swap3A_1184 : vector<1x16xf32> to vector<16xf32>
        %swap3A_1186 = vector.shape_cast %exp3A : vector<16xf32> to vector<1x16xf32>
        tpu.vector_store %arg22[%swap3A_1182, %swap3A_1183], %swap3A_1186 {strides = array<i32>} : memref<40x144xf32, #tpu.memory_space<vmem>>, vector<1x16xf32>,
        %broadcast_in_dim3A = arith.constant 0 : i32
        %broadcast_in_dim3A_1187 = vector.broadcast %broadcast_in_dim3A : i32 to vector<16x1xi32>
        %gather3A = vector.shape_cast %broadcast_in_dim3A_1187 : vector<16x1xi32> to vector<16xi32>
        %gather3A_1188 = tpu.dynamic_gather %exp3A[%gather3A] in [0] : vector<16xf32>, vector<16xi32> -> vector<16xf32>
        %get3A_1189 = arith.index_cast %add3A_1169 : i32 to index
        %get3A_1190 = arith.constant 0 : index
        %get3A_1191 = tpu.vector_load %arg15[%get3A_1189, %get3A_1190] {strides = array<i32>} : memref<40x144xf32, #tpu.memory_space<vmem>>, vector<1x16xf32>,
        %get3A_1192 = vector.shape_cast %get3A_1191 : vector<1x16xf32> to vector<16xf32>
        %mul3A_1193 = arith.mulf %get3A_1192, %gather3A_1188 : vector<16xf32>
        %swap3A_1194 = arith.index_cast %add3A_1169 : i32 to index
        %swap3A_1195 = arith.constant 0 : index
        %swap3A_1196 = tpu.vector_load %arg22[%swap3A_1194, %swap3A_1195] {strides = array<i32>} : memref<40x144xf32, #tpu.memory_space<vmem>>, vector<1x16xf32>,
        %swap3A_1197 = vector.shape_cast %swap3A_1196 : vector<1x16xf32> to vector<16xf32>
        %swap3A_1198 = vector.shape_cast %mul3A_1193 : vector<16xf32> to vector<1x16xf32>
        tpu.vector_store %arg22[%swap3A_1194, %swap3A_1195], %swap3A_1198 {strides = array<i32>} : memref<40x144xf32, #tpu.memory_space<vmem>>, vector<1x16xf32>,
        %broadcast_in_dim3A_1199 = arith.constant 1 : i32
        %broadcast_in_dim3A_1200 = vector.broadcast %broadcast_in_dim3A_1199 : i32 to vector<16x1xi32>
        %gather3A_1201 = vector.shape_cast %broadcast_in_dim3A_1200 : vector<16x1xi32> to vector<16xi32>
        %gather3A_1202 = tpu.dynamic_gather %exp3A[%gather3A_1201] in [0] : vector<16xf32>, vector<16xi32> -> vector<16xf32>
        %get3A_1203 = arith.index_cast %add3A_1169 : i32 to index
        %get3A_1204 = arith.constant 16 : index
        %get3A_1205 = tpu.vector_load %arg15[%get3A_1203, %get3A_1204] {strides = array<i32>} : memref<40x144xf32, #tpu.memory_space<vmem>>, vector<1x16xf32>,
        %get3A_1206 = vector.shape_cast %get3A_1205 : vector<1x16xf32> to vector<16xf32>
        %mul3A_1207 = arith.mulf %get3A_1206, %gather3A_1202 : vector<16xf32>
        %swap3A_1208 = arith.index_cast %add3A_1169 : i32 to index
        %swap3A_1209 = arith.constant 16 : index
        %swap3A_1210 = tpu.vector_load %arg22[%swap3A_1208, %swap3A_1209] {strides = array<i32>} : memref<40x144xf32, #tpu.memory_space<vmem>>, vector<1x16xf32>,
        %swap3A_1211 = vector.shape_cast %swap3A_1210 : vector<1x16xf32> to vector<16xf32>
        %swap3A_1212 = vector.shape_cast %mul3A_1207 : vector<16xf32> to vector<1x16xf32>
        tpu.vector_store %arg22[%swap3A_1208, %swap3A_1209], %swap3A_1212 {strides = array<i32>} : memref<40x144xf32, #tpu.memory_space<vmem>>, vector<1x16xf32>,
        %broadcast_in_dim3A_1213 = arith.constant 2 : i32
        %broadcast_in_dim3A_1214 = vector.broadcast %broadcast_in_dim3A_1213 : i32 to vector<16x1xi32>
        %gather3A_1215 = vector.shape_cast %broadcast_in_dim3A_1214 : vector<16x1xi32> to vector<16xi32>
        %gather3A_1216 = tpu.dynamic_gather %exp3A[%gather3A_1215] in [0] : vector<16xf32>, vector<16xi32> -> vector<16xf32>
        %get3A_1217 = arith.index_cast %add3A_1169 : i32 to index
        %get3A_1218 = arith.constant 32 : index
        %get3A_1219 = tpu.vector_load %arg15[%get3A_1217, %get3A_1218] {strides = array<i32>} : memref<40x144xf32, #tpu.memory_space<vmem>>, vector<1x16xf32>,
        %get3A_1220 = vector.shape_cast %get3A_1219 : vector<1x16xf32> to vector<16xf32>
        %mul3A_1221 = arith.mulf %get3A_1220, %gather3A_1216 : vector<16xf32>
        %swap3A_1222 = arith.index_cast %add3A_1169 : i32 to index
        %swap3A_1223 = arith.constant 32 : index
        %swap3A_1224 = tpu.vector_load %arg22[%swap3A_1222, %swap3A_1223] {strides = array<i32>} : memref<40x144xf32, #tpu.memory_space<vmem>>, vector<1x16xf32>,
        %swap3A_1225 = vector.shape_cast %swap3A_1224 : vector<1x16xf32> to vector<16xf32>
        %swap3A_1226 = vector.shape_cast %mul3A_1221 : vector<16xf32> to vector<1x16xf32>
        tpu.vector_store %arg22[%swap3A_1222, %swap3A_1223], %swap3A_1226 {strides = array<i32>} : memref<40x144xf32, #tpu.memory_space<vmem>>, vector<1x16xf32>,
        %broadcast_in_dim3A_1227 = arith.constant 3 : i32
        %broadcast_in_dim3A_1228 = vector.broadcast %broadcast_in_dim3A_1227 : i32 to vector<16x1xi32>
        %gather3A_1229 = vector.shape_cast %broadcast_in_dim3A_1228 : vector<16x1xi32> to vector<16xi32>
        %gather3A_1230 = tpu.dynamic_gather %exp3A[%gather3A_1229] in [0] : vector<16xf32>, vector<16xi32> -> vector<16xf32>
        %get3A_1231 = arith.index_cast %add3A_1169 : i32 to index
        %get3A_1232 = arith.constant 48 : index
        %get3A_1233 = tpu.vector_load %arg15[%get3A_1231, %get3A_1232] {strides = array<i32>} : memref<40x144xf32, #tpu.memory_space<vmem>>, vector<1x16xf32>,
        %get3A_1234 = vector.shape_cast %get3A_1233 : vector<1x16xf32> to vector<16xf32>
        %mul3A_1235 = arith.mulf %get3A_1234, %gather3A_1230 : vector<16xf32>
        %swap3A_1236 = arith.index_cast %add3A_1169 : i32 to index
        %swap3A_1237 = arith.constant 48 : index
        %swap3A_1238 = tpu.vector_load %arg22[%swap3A_1236, %swap3A_1237] {strides = array<i32>} : memref<40x144xf32, #tpu.memory_space<vmem>>, vector<1x16xf32>,
        %swap3A_1239 = vector.shape_cast %swap3A_1238 : vector<1x16xf32> to vector<16xf32>
        %swap3A_1240 = vector.shape_cast %mul3A_1235 : vector<16xf32> to vector<1x16xf32>
        tpu.vector_store %arg22[%swap3A_1236, %swap3A_1237], %swap3A_1240 {strides = array<i32>} : memref<40x144xf32, #tpu.memory_space<vmem>>, vector<1x16xf32>,
        %broadcast_in_dim3A_1241 = arith.constant 4 : i32
        %broadcast_in_dim3A_1242 = vector.broadcast %broadcast_in_dim3A_1241 : i32 to vector<16x1xi32>
        %gather3A_1243 = vector.shape_cast %broadcast_in_dim3A_1242 : vector<16x1xi32> to vector<16xi32>
        %gather3A_1244 = tpu.dynamic_gather %exp3A[%gather3A_1243] in [0] : vector<16xf32>, vector<16xi32> -> vector<16xf32>
        %get3A_1245 = arith.index_cast %add3A_1169 : i32 to index
        %get3A_1246 = arith.constant 64 : index
        %get3A_1247 = tpu.vector_load %arg15[%get3A_1245, %get3A_1246] {strides = array<i32>} : memref<40x144xf32, #tpu.memory_space<vmem>>, vector<1x16xf32>,
        %get3A_1248 = vector.shape_cast %get3A_1247 : vector<1x16xf32> to vector<16xf32>
        %mul3A_1249 = arith.mulf %get3A_1248, %gather3A_1244 : vector<16xf32>
        %swap3A_1250 = arith.index_cast %add3A_1169 : i32 to index
        %swap3A_1251 = arith.constant 64 : index
        %swap3A_1252 = tpu.vector_load %arg22[%swap3A_1250, %swap3A_1251] {strides = array<i32>} : memref<40x144xf32, #tpu.memory_space<vmem>>, vector<1x16xf32>,
        %swap3A_1253 = vector.shape_cast %swap3A_1252 : vector<1x16xf32> to vector<16xf32>
        %swap3A_1254 = vector.shape_cast %mul3A_1249 : vector<16xf32> to vector<1x16xf32>
        tpu.vector_store %arg22[%swap3A_1250, %swap3A_1251], %swap3A_1254 {strides = array<i32>} : memref<40x144xf32, #tpu.memory_space<vmem>>, vector<1x16xf32>,
        %broadcast_in_dim3A_1255 = arith.constant 5 : i32
        %broadcast_in_dim3A_1256 = vector.broadcast %broadcast_in_dim3A_1255 : i32 to vector<16x1xi32>
        %gather3A_1257 = vector.shape_cast %broadcast_in_dim3A_1256 : vector<16x1xi32> to vector<16xi32>
        %gather3A_1258 = tpu.dynamic_gather %exp3A[%gather3A_1257] in [0] : vector<16xf32>, vector<16xi32> -> vector<16xf32>
        %get3A_1259 = arith.index_cast %add3A_1169 : i32 to index
        %get3A_1260 = arith.constant 80 : index
        %get3A_1261 = tpu.vector_load %arg15[%get3A_1259, %get3A_1260] {strides = array<i32>} : memref<40x144xf32, #tpu.memory_space<vmem>>, vector<1x16xf32>,
        %get3A_1262 = vector.shape_cast %get3A_1261 : vector<1x16xf32> to vector<16xf32>
        %mul3A_1263 = arith.mulf %get3A_1262, %gather3A_1258 : vector<16xf32>
        %swap3A_1264 = arith.index_cast %add3A_1169 : i32 to index
        %swap3A_1265 = arith.constant 80 : index
        %swap3A_1266 = tpu.vector_load %arg22[%swap3A_1264, %swap3A_1265] {strides = array<i32>} : memref<40x144xf32, #tpu.memory_space<vmem>>, vector<1x16xf32>,
        %swap3A_1267 = vector.shape_cast %swap3A_1266 : vector<1x16xf32> to vector<16xf32>
        %swap3A_1268 = vector.shape_cast %mul3A_1263 : vector<16xf32> to vector<1x16xf32>
        tpu.vector_store %arg22[%swap3A_1264, %swap3A_1265], %swap3A_1268 {strides = array<i32>} : memref<40x144xf32, #tpu.memory_space<vmem>>, vector<1x16xf32>,
        %broadcast_in_dim3A_1269 = arith.constant 6 : i32
        %broadcast_in_dim3A_1270 = vector.broadcast %broadcast_in_dim3A_1269 : i32 to vector<16x1xi32>
        %gather3A_1271 = vector.shape_cast %broadcast_in_dim3A_1270 : vector<16x1xi32> to vector<16xi32>
        %gather3A_1272 = tpu.dynamic_gather %exp3A[%gather3A_1271] in [0] : vector<16xf32>, vector<16xi32> -> vector<16xf32>
        %get3A_1273 = arith.index_cast %add3A_1169 : i32 to index
        %get3A_1274 = arith.constant 96 : index
        %get3A_1275 = tpu.vector_load %arg15[%get3A_1273, %get3A_1274] {strides = array<i32>} : memref<40x144xf32, #tpu.memory_space<vmem>>, vector<1x16xf32>,
        %get3A_1276 = vector.shape_cast %get3A_1275 : vector<1x16xf32> to vector<16xf32>
        %mul3A_1277 = arith.mulf %get3A_1276, %gather3A_1272 : vector<16xf32>
        %swap3A_1278 = arith.index_cast %add3A_1169 : i32 to index
        %swap3A_1279 = arith.constant 96 : index
        %swap3A_1280 = tpu.vector_load %arg22[%swap3A_1278, %swap3A_1279] {strides = array<i32>} : memref<40x144xf32, #tpu.memory_space<vmem>>, vector<1x16xf32>,
        %swap3A_1281 = vector.shape_cast %swap3A_1280 : vector<1x16xf32> to vector<16xf32>
        %swap3A_1282 = vector.shape_cast %mul3A_1277 : vector<16xf32> to vector<1x16xf32>
        tpu.vector_store %arg22[%swap3A_1278, %swap3A_1279], %swap3A_1282 {strides = array<i32>} : memref<40x144xf32, #tpu.memory_space<vmem>>, vector<1x16xf32>,
        %broadcast_in_dim3A_1283 = arith.constant 7 : i32
        %broadcast_in_dim3A_1284 = vector.broadcast %broadcast_in_dim3A_1283 : i32 to vector<16x1xi32>
        %gather3A_1285 = vector.shape_cast %broadcast_in_dim3A_1284 : vector<16x1xi32> to vector<16xi32>
        %gather3A_1286 = tpu.dynamic_gather %exp3A[%gather3A_1285] in [0] : vector<16xf32>, vector<16xi32> -> vector<16xf32>
        %get3A_1287 = arith.index_cast %add3A_1169 : i32 to index
        %get3A_1288 = arith.constant 112 : index
        %get3A_1289 = tpu.vector_load %arg15[%get3A_1287, %get3A_1288] {strides = array<i32>} : memref<40x144xf32, #tpu.memory_space<vmem>>, vector<1x16xf32>,
        %get3A_1290 = vector.shape_cast %get3A_1289 : vector<1x16xf32> to vector<16xf32>
        %mul3A_1291 = arith.mulf %get3A_1290, %gather3A_1286 : vector<16xf32>
        %swap3A_1292 = arith.index_cast %add3A_1169 : i32 to index
        %swap3A_1293 = arith.constant 112 : index
        %swap3A_1294 = tpu.vector_load %arg22[%swap3A_1292, %swap3A_1293] {strides = array<i32>} : memref<40x144xf32, #tpu.memory_space<vmem>>, vector<1x16xf32>,
        %swap3A_1295 = vector.shape_cast %swap3A_1294 : vector<1x16xf32> to vector<16xf32>
        %swap3A_1296 = vector.shape_cast %mul3A_1291 : vector<16xf32> to vector<1x16xf32>
        tpu.vector_store %arg22[%swap3A_1292, %swap3A_1293], %swap3A_1296 {strides = array<i32>} : memref<40x144xf32, #tpu.memory_space<vmem>>, vector<1x16xf32>,
      }
      %scan3A_861 = arith.constant 40 : i32
      %dma_start3A_862 = arith.constant 0 : i32
      %dma_start3A_863 = arith.constant 0 : i32
      %dma_start3A_864 = tpu.memref_slice %arg23[%dma_start3A_862, %dma_start3A_863] : memref<10000x144xf32, #tpu.memory_space<vmem_shared>> -> memref<10000x144xf32, #tpu.memory_space<vmem_shared>>
      tpu.enqueue_indirect_dma source(%arg22 : memref<40x144xf32, #tpu.memory_space<vmem>>) target(%dma_start3A_864 : memref<10000x144xf32, #tpu.memory_space<vmem_shared>>) offsets(%arg14 : memref<40xi32, #tpu.memory_space<vmem>>) semaphore(%arg31 : memref<!tpu.dma_semaphore, #tpu.memory_space<semaphore_mem>>) {add = true}
      %add3A_865 = arith.constant 2 : i32
      %add3A_866 = arith.addi %add3A_714, %add3A_865 : i32
      %dma_wait3A_867 = arith.constant 0 : i32
      %dma_wait3A_868 = arith.constant 0 : i32
      %dma_wait3A_869 = tpu.memref_slice %arg2[%dma_wait3A_867, %dma_wait3A_868] : memref<10000x144xf32, #tpu.memory_space<hbm>> -> memref<10000x144xf32, #tpu.memory_space<hbm>>
      tpu.wait_indirect_dma semaphore(%arg25 : memref<!tpu.dma_semaphore, #tpu.memory_space<semaphore_mem>>) src(%dma_wait3A_869 : memref<10000x144xf32, #tpu.memory_space<hbm>>) dst(%arg16 : memref<40x144xf32, #tpu.memory_space<vmem>>)
      %dma_wait3A_870 = arith.constant 0 : i32
      %dma_wait3A_871 = arith.constant 0 : i32
      %dma_wait3A_872 = tpu.memref_slice %arg3[%dma_wait3A_870, %dma_wait3A_871] : memref<10000x16xf32, #tpu.memory_space<hbm>> -> memref<10000x16xf32, #tpu.memory_space<hbm>>
      tpu.wait_indirect_dma semaphore(%arg25 : memref<!tpu.dma_semaphore, #tpu.memory_space<semaphore_mem>>) src(%dma_wait3A_872 : memref<10000x16xf32, #tpu.memory_space<hbm>>) dst(%arg19 : memref<40x16xf32, #tpu.memory_space<vmem>>)
      %dma_wait3A_873 = arith.constant 0 : i32
      %dma_wait3A_874 = arith.constant 0 : i32
      %dma_wait3A_875 = tpu.memref_slice %arg23[%dma_wait3A_873, %dma_wait3A_874] : memref<10000x144xf32, #tpu.memory_space<vmem_shared>> -> memref<10000x144xf32, #tpu.memory_space<vmem_shared>>
      tpu.wait_indirect_dma semaphore(%arg30 : memref<!tpu.dma_semaphore, #tpu.memory_space<semaphore_mem>>) src(%arg21 : memref<40x144xf32, #tpu.memory_space<vmem>>) dst(%dma_wait3A_875 : memref<10000x144xf32, #tpu.memory_space<vmem_shared>>)
      %get3A_876 = arith.constant 0 : index
      %get3A_877 = tpu.vector_load %arg11[%get3A_876] {strides = array<i32>} : memref<40xi32, #tpu.memory_space<vmem>>, vector<16xi32>,
      %get3A_878 = vector.shape_cast %get3A_877 : vector<16xi32> to vector<16xi32>
      %swap3A_879 = arith.constant 0 : index
      %swap3A_880 = tpu.vector_load %arg13[%swap3A_879] {strides = array<i32>} : memref<40xi32, #tpu.memory_space<vmem>>, vector<16xi32>,
      %swap3A_881 = vector.shape_cast %swap3A_880 : vector<16xi32> to vector<16xi32>
      %swap3A_882 = vector.shape_cast %get3A_878 : vector<16xi32> to vector<16xi32>
      tpu.vector_store %arg13[%swap3A_879], %swap3A_882 {strides = array<i32>} : memref<40xi32, #tpu.memory_space<vmem>>, vector<16xi32>,
      %get3A_883 = arith.constant 16 : index
      %get3A_884 = tpu.vector_load %arg11[%get3A_883] {strides = array<i32>} : memref<40xi32, #tpu.memory_space<vmem>>, vector<16xi32>,
      %get3A_885 = vector.shape_cast %get3A_884 : vector<16xi32> to vector<16xi32>
      %swap3A_886 = arith.constant 16 : index
      %swap3A_887 = tpu.vector_load %arg13[%swap3A_886] {strides = array<i32>} : memref<40xi32, #tpu.memory_space<vmem>>, vector<16xi32>,
      %swap3A_888 = vector.shape_cast %swap3A_887 : vector<16xi32> to vector<16xi32>
      %swap3A_889 = vector.shape_cast %get3A_885 : vector<16xi32> to vector<16xi32>
      tpu.vector_store %arg13[%swap3A_886], %swap3A_889 {strides = array<i32>} : memref<40xi32, #tpu.memory_space<vmem>>, vector<16xi32>,
      %get3A_890 = arith.constant 24 : index
      %get3A_891 = tpu.vector_load %arg11[%get3A_890] {strides = array<i32>} : memref<40xi32, #tpu.memory_space<vmem>>, vector<16xi32>,
      %get3A_892 = vector.shape_cast %get3A_891 : vector<16xi32> to vector<16xi32>
      %swap3A_893 = arith.constant 24 : index
      %swap3A_894 = tpu.vector_load %arg13[%swap3A_893] {strides = array<i32>} : memref<40xi32, #tpu.memory_space<vmem>>, vector<16xi32>,
      %swap3A_895 = vector.shape_cast %swap3A_894 : vector<16xi32> to vector<16xi32>
      %swap3A_896 = vector.shape_cast %get3A_892 : vector<16xi32> to vector<16xi32>
      tpu.vector_store %arg13[%swap3A_893], %swap3A_896 {strides = array<i32>} : memref<40xi32, #tpu.memory_space<vmem>>, vector<16xi32>,
      %add3A_897 = arith.constant 3 : i32
      %add3A_898 = arith.addi %add3A_866, %add3A_897 : i32
      %mul3A_899 = arith.constant 40 : i32
      %mul3A_900 = arith.muli %add3A_898, %mul3A_899 : i32
      %add3A_901 = arith.addi %mul3A_2, %mul3A_900 : i32
      %dma_start3A_902 = arith.constant 0 : i32
      %dma_start3A_903 = tpu.memref_slice %arg4[%dma_start3A_902, %add3A_901] : memref<2x320000xi32, #tpu.memory_space<hbm>> -> memref<1x40xi32, #tpu.memory_space<hbm>>
      %dma_start3A_904 = tpu.memref_squeeze %dma_start3A_903 : memref<1x40xi32, #tpu.memory_space<hbm>> -> memref<40xi32, #tpu.memory_space<hbm>>
      %dma_start3A_905 = tpu.memref_slice %arg4[%dma_start3A_902, %add3A_901] : memref<2x320000xi32, #tpu.memory_space<hbm>> -> memref<1x40xi32, #tpu.memory_space<hbm>>
      %dma_start3A_906 = tpu.memref_squeeze %dma_start3A_905 : memref<1x40xi32, #tpu.memory_space<hbm>> -> memref<40xi32, #tpu.memory_space<hbm>>
      tpu.enqueue_dma source(%dma_start3A_906 : memref<40xi32, #tpu.memory_space<hbm>>) target(%arg8 : memref<40xi32, #tpu.memory_space<vmem>>) target_semaphore(%arg28 : memref<!tpu.dma_semaphore, #tpu.memory_space<semaphore_mem>>)
      %dma_start3A_907 = arith.constant 1 : i32
      %dma_start3A_908 = tpu.memref_slice %arg4[%dma_start3A_907, %add3A_901] : memref<2x320000xi32, #tpu.memory_space<hbm>> -> memref<1x40xi32, #tpu.memory_space<hbm>>
      %dma_start3A_909 = tpu.memref_squeeze %dma_start3A_908 : memref<1x40xi32, #tpu.memory_space<hbm>> -> memref<40xi32, #tpu.memory_space<hbm>>
      %dma_start3A_910 = tpu.memref_slice %arg4[%dma_start3A_907, %add3A_901] : memref<2x320000xi32, #tpu.memory_space<hbm>> -> memref<1x40xi32, #tpu.memory_space<hbm>>
      %dma_start3A_911 = tpu.memref_squeeze %dma_start3A_910 : memref<1x40xi32, #tpu.memory_space<hbm>> -> memref<40xi32, #tpu.memory_space<hbm>>
      tpu.enqueue_dma source(%dma_start3A_911 : memref<40xi32, #tpu.memory_space<hbm>>) target(%arg11 : memref<40xi32, #tpu.memory_space<vmem>>) target_semaphore(%arg28 : memref<!tpu.dma_semaphore, #tpu.memory_space<semaphore_mem>>)
      %dma_wait3A_912 = arith.constant 0 : i32
      %dma_wait3A_913 = arith.constant 0 : i32
      %dma_wait3A_914 = tpu.memref_slice %arg4[%dma_wait3A_912, %dma_wait3A_913] : memref<2x320000xi32, #tpu.memory_space<hbm>> -> memref<1x40xi32, #tpu.memory_space<hbm>>
      %dma_wait3A_915 = tpu.memref_squeeze %dma_wait3A_914 : memref<1x40xi32, #tpu.memory_space<hbm>> -> memref<40xi32, #tpu.memory_space<hbm>>
      %dma_wait3A_916 = arith.constant 0 : i32
      %dma_wait3A_917 = tpu.memref_slice %arg4[%dma_wait3A_912, %dma_wait3A_916] : memref<2x320000xi32, #tpu.memory_space<hbm>> -> memref<1x40xi32, #tpu.memory_space<hbm>>
      %dma_wait3A_918 = tpu.memref_squeeze %dma_wait3A_917 : memref<1x40xi32, #tpu.memory_space<hbm>> -> memref<40xi32, #tpu.memory_space<hbm>>
      tpu.wait_dma2 semaphore(%arg27 : memref<!tpu.dma_semaphore, #tpu.memory_space<semaphore_mem>>) src(%dma_wait3A_918 : memref<40xi32, #tpu.memory_space<hbm>>) dst(%arg7 : memref<40xi32, #tpu.memory_space<vmem>>)
      %dma_wait3A_919 = arith.constant 1 : i32
      %dma_wait3A_920 = arith.constant 0 : i32
      %dma_wait3A_921 = tpu.memref_slice %arg4[%dma_wait3A_919, %dma_wait3A_920] : memref<2x320000xi32, #tpu.memory_space<hbm>> -> memref<1x40xi32, #tpu.memory_space<hbm>>
      %dma_wait3A_922 = tpu.memref_squeeze %dma_wait3A_921 : memref<1x40xi32, #tpu.memory_space<hbm>> -> memref<40xi32, #tpu.memory_space<hbm>>
      %dma_wait3A_923 = arith.constant 0 : i32
      %dma_wait3A_924 = tpu.memref_slice %arg4[%dma_wait3A_919, %dma_wait3A_923] : memref<2x320000xi32, #tpu.memory_space<hbm>> -> memref<1x40xi32, #tpu.memory_space<hbm>>
      %dma_wait3A_925 = tpu.memref_squeeze %dma_wait3A_924 : memref<1x40xi32, #tpu.memory_space<hbm>> -> memref<40xi32, #tpu.memory_space<hbm>>
      tpu.wait_dma2 semaphore(%arg27 : memref<!tpu.dma_semaphore, #tpu.memory_space<semaphore_mem>>) src(%dma_wait3A_925 : memref<40xi32, #tpu.memory_space<hbm>>) dst(%arg10 : memref<40xi32, #tpu.memory_space<vmem>>)
      %dma_start3A_926 = arith.constant 0 : i32
      %dma_start3A_927 = arith.constant 0 : i32
      %dma_start3A_928 = tpu.memref_slice %arg2[%dma_start3A_926, %dma_start3A_927] : memref<10000x144xf32, #tpu.memory_space<hbm>> -> memref<10000x144xf32, #tpu.memory_space<hbm>>
      tpu.enqueue_indirect_dma source(%dma_start3A_928 : memref<10000x144xf32, #tpu.memory_space<hbm>>) target(%arg15 : memref<40x144xf32, #tpu.memory_space<vmem>>) offsets(%arg7 : memref<40xi32, #tpu.memory_space<vmem>>) semaphore(%arg24 : memref<!tpu.dma_semaphore, #tpu.memory_space<semaphore_mem>>)
      %dma_start3A_929 = arith.constant 0 : i32
      %dma_start3A_930 = arith.constant 0 : i32
      %dma_start3A_931 = tpu.memref_slice %arg3[%dma_start3A_929, %dma_start3A_930] : memref<10000x16xf32, #tpu.memory_space<hbm>> -> memref<10000x16xf32, #tpu.memory_space<hbm>>
      tpu.enqueue_indirect_dma source(%dma_start3A_931 : memref<10000x16xf32, #tpu.memory_space<hbm>>) target(%arg18 : memref<40x16xf32, #tpu.memory_space<vmem>>) offsets(%arg10 : memref<40xi32, #tpu.memory_space<vmem>>) semaphore(%arg24 : memref<!tpu.dma_semaphore, #tpu.memory_space<semaphore_mem>>)
      %scan3A_932 = arith.constant 0 : i32
      %scan3A_933 = arith.constant 40 : i32
      %scan3A_934 = arith.addi %scan3A_932, %scan3A_933 : i32
      %scan3A_935 = arith.constant 1 : i32
      scf.for %scan3A_1165 = %scan3A_932 to %scan3A_934 step %scan3A_935  : i32 {
        %mul3A_1166 = arith.constant 1 : i32
        %mul3A_1167 = arith.muli %scan3A_1165, %mul3A_1166 : i32
        %add3A_1168 = arith.constant 0 : i32
        %add3A_1169 = arith.addi %add3A_1168, %mul3A_1167 : i32
        %get3A_1170 = arith.index_cast %add3A_1169 : i32 to index
        %get3A_1171 = arith.constant 128 : index
        %get3A_1172 = tpu.vector_load %arg16[%get3A_1170, %get3A_1171] {strides = array<i32>} : memref<40x144xf32, #tpu.memory_space<vmem>>, vector<1x16xf32>,
        %get3A_1173 = vector.shape_cast %get3A_1172 : vector<1x16xf32> to vector<16xf32>
        %get3A_1174 = arith.index_cast %add3A_1169 : i32 to index
        %get3A_1175 = arith.constant 0 : index
        %get3A_1176 = tpu.vector_load %arg19[%get3A_1174, %get3A_1175] {strides = array<i32>} : memref<40x16xf32, #tpu.memory_space<vmem>>, vector<1x16xf32>,
        %get3A_1177 = vector.shape_cast %get3A_1176 : vector<1x16xf32> to vector<16xf32>
        %add3A_1178 = arith.addf %get3A_1173, %get3A_1177 : vector<16xf32>
        %mul3A_1179 = arith.constant 2.000000e-01 : f32
        %mul3A_1180 = vector.broadcast %mul3A_1179 : f32 to vector<16xf32>
        %mul3A_1181 = arith.mulf %add3A_1178, %mul3A_1180 : vector<16xf32>
        %max3A = arith.maximumf %add3A_1178, %mul3A_1181 : vector<16xf32>
        %exp3A = math.exp %max3A : vector<16xf32>
        %swap3A_1182 = arith.index_cast %add3A_1169 : i32 to index
        %swap3A_1183 = arith.constant 128 : index
        %swap3A_1184 = tpu.vector_load %arg21[%swap3A_1182, %swap3A_1183] {strides = array<i32>} : memref<40x144xf32, #tpu.memory_space<vmem>>, vector<1x16xf32>,
        %swap3A_1185 = vector.shape_cast %swap3A_1184 : vector<1x16xf32> to vector<16xf32>
        %swap3A_1186 = vector.shape_cast %exp3A : vector<16xf32> to vector<1x16xf32>
        tpu.vector_store %arg21[%swap3A_1182, %swap3A_1183], %swap3A_1186 {strides = array<i32>} : memref<40x144xf32, #tpu.memory_space<vmem>>, vector<1x16xf32>,
        %broadcast_in_dim3A = arith.constant 0 : i32
        %broadcast_in_dim3A_1187 = vector.broadcast %broadcast_in_dim3A : i32 to vector<16x1xi32>
        %gather3A = vector.shape_cast %broadcast_in_dim3A_1187 : vector<16x1xi32> to vector<16xi32>
        %gather3A_1188 = tpu.dynamic_gather %exp3A[%gather3A] in [0] : vector<16xf32>, vector<16xi32> -> vector<16xf32>
        %get3A_1189 = arith.index_cast %add3A_1169 : i32 to index
        %get3A_1190 = arith.constant 0 : index
        %get3A_1191 = tpu.vector_load %arg16[%get3A_1189, %get3A_1190] {strides = array<i32>} : memref<40x144xf32, #tpu.memory_space<vmem>>, vector<1x16xf32>,
        %get3A_1192 = vector.shape_cast %get3A_1191 : vector<1x16xf32> to vector<16xf32>
        %mul3A_1193 = arith.mulf %get3A_1192, %gather3A_1188 : vector<16xf32>
        %swap3A_1194 = arith.index_cast %add3A_1169 : i32 to index
        %swap3A_1195 = arith.constant 0 : index
        %swap3A_1196 = tpu.vector_load %arg21[%swap3A_1194, %swap3A_1195] {strides = array<i32>} : memref<40x144xf32, #tpu.memory_space<vmem>>, vector<1x16xf32>,
        %swap3A_1197 = vector.shape_cast %swap3A_1196 : vector<1x16xf32> to vector<16xf32>
        %swap3A_1198 = vector.shape_cast %mul3A_1193 : vector<16xf32> to vector<1x16xf32>
        tpu.vector_store %arg21[%swap3A_1194, %swap3A_1195], %swap3A_1198 {strides = array<i32>} : memref<40x144xf32, #tpu.memory_space<vmem>>, vector<1x16xf32>,
        %broadcast_in_dim3A_1199 = arith.constant 1 : i32
        %broadcast_in_dim3A_1200 = vector.broadcast %broadcast_in_dim3A_1199 : i32 to vector<16x1xi32>
        %gather3A_1201 = vector.shape_cast %broadcast_in_dim3A_1200 : vector<16x1xi32> to vector<16xi32>
        %gather3A_1202 = tpu.dynamic_gather %exp3A[%gather3A_1201] in [0] : vector<16xf32>, vector<16xi32> -> vector<16xf32>
        %get3A_1203 = arith.index_cast %add3A_1169 : i32 to index
        %get3A_1204 = arith.constant 16 : index
        %get3A_1205 = tpu.vector_load %arg16[%get3A_1203, %get3A_1204] {strides = array<i32>} : memref<40x144xf32, #tpu.memory_space<vmem>>, vector<1x16xf32>,
        %get3A_1206 = vector.shape_cast %get3A_1205 : vector<1x16xf32> to vector<16xf32>
        %mul3A_1207 = arith.mulf %get3A_1206, %gather3A_1202 : vector<16xf32>
        %swap3A_1208 = arith.index_cast %add3A_1169 : i32 to index
        %swap3A_1209 = arith.constant 16 : index
        %swap3A_1210 = tpu.vector_load %arg21[%swap3A_1208, %swap3A_1209] {strides = array<i32>} : memref<40x144xf32, #tpu.memory_space<vmem>>, vector<1x16xf32>,
        %swap3A_1211 = vector.shape_cast %swap3A_1210 : vector<1x16xf32> to vector<16xf32>
        %swap3A_1212 = vector.shape_cast %mul3A_1207 : vector<16xf32> to vector<1x16xf32>
        tpu.vector_store %arg21[%swap3A_1208, %swap3A_1209], %swap3A_1212 {strides = array<i32>} : memref<40x144xf32, #tpu.memory_space<vmem>>, vector<1x16xf32>,
        %broadcast_in_dim3A_1213 = arith.constant 2 : i32
        %broadcast_in_dim3A_1214 = vector.broadcast %broadcast_in_dim3A_1213 : i32 to vector<16x1xi32>
        %gather3A_1215 = vector.shape_cast %broadcast_in_dim3A_1214 : vector<16x1xi32> to vector<16xi32>
        %gather3A_1216 = tpu.dynamic_gather %exp3A[%gather3A_1215] in [0] : vector<16xf32>, vector<16xi32> -> vector<16xf32>
        %get3A_1217 = arith.index_cast %add3A_1169 : i32 to index
        %get3A_1218 = arith.constant 32 : index
        %get3A_1219 = tpu.vector_load %arg16[%get3A_1217, %get3A_1218] {strides = array<i32>} : memref<40x144xf32, #tpu.memory_space<vmem>>, vector<1x16xf32>,
        %get3A_1220 = vector.shape_cast %get3A_1219 : vector<1x16xf32> to vector<16xf32>
        %mul3A_1221 = arith.mulf %get3A_1220, %gather3A_1216 : vector<16xf32>
        %swap3A_1222 = arith.index_cast %add3A_1169 : i32 to index
        %swap3A_1223 = arith.constant 32 : index
        %swap3A_1224 = tpu.vector_load %arg21[%swap3A_1222, %swap3A_1223] {strides = array<i32>} : memref<40x144xf32, #tpu.memory_space<vmem>>, vector<1x16xf32>,
        %swap3A_1225 = vector.shape_cast %swap3A_1224 : vector<1x16xf32> to vector<16xf32>
        %swap3A_1226 = vector.shape_cast %mul3A_1221 : vector<16xf32> to vector<1x16xf32>
        tpu.vector_store %arg21[%swap3A_1222, %swap3A_1223], %swap3A_1226 {strides = array<i32>} : memref<40x144xf32, #tpu.memory_space<vmem>>, vector<1x16xf32>,
        %broadcast_in_dim3A_1227 = arith.constant 3 : i32
        %broadcast_in_dim3A_1228 = vector.broadcast %broadcast_in_dim3A_1227 : i32 to vector<16x1xi32>
        %gather3A_1229 = vector.shape_cast %broadcast_in_dim3A_1228 : vector<16x1xi32> to vector<16xi32>
        %gather3A_1230 = tpu.dynamic_gather %exp3A[%gather3A_1229] in [0] : vector<16xf32>, vector<16xi32> -> vector<16xf32>
        %get3A_1231 = arith.index_cast %add3A_1169 : i32 to index
        %get3A_1232 = arith.constant 48 : index
        %get3A_1233 = tpu.vector_load %arg16[%get3A_1231, %get3A_1232] {strides = array<i32>} : memref<40x144xf32, #tpu.memory_space<vmem>>, vector<1x16xf32>,
        %get3A_1234 = vector.shape_cast %get3A_1233 : vector<1x16xf32> to vector<16xf32>
        %mul3A_1235 = arith.mulf %get3A_1234, %gather3A_1230 : vector<16xf32>
        %swap3A_1236 = arith.index_cast %add3A_1169 : i32 to index
        %swap3A_1237 = arith.constant 48 : index
        %swap3A_1238 = tpu.vector_load %arg21[%swap3A_1236, %swap3A_1237] {strides = array<i32>} : memref<40x144xf32, #tpu.memory_space<vmem>>, vector<1x16xf32>,
        %swap3A_1239 = vector.shape_cast %swap3A_1238 : vector<1x16xf32> to vector<16xf32>
        %swap3A_1240 = vector.shape_cast %mul3A_1235 : vector<16xf32> to vector<1x16xf32>
        tpu.vector_store %arg21[%swap3A_1236, %swap3A_1237], %swap3A_1240 {strides = array<i32>} : memref<40x144xf32, #tpu.memory_space<vmem>>, vector<1x16xf32>,
        %broadcast_in_dim3A_1241 = arith.constant 4 : i32
        %broadcast_in_dim3A_1242 = vector.broadcast %broadcast_in_dim3A_1241 : i32 to vector<16x1xi32>
        %gather3A_1243 = vector.shape_cast %broadcast_in_dim3A_1242 : vector<16x1xi32> to vector<16xi32>
        %gather3A_1244 = tpu.dynamic_gather %exp3A[%gather3A_1243] in [0] : vector<16xf32>, vector<16xi32> -> vector<16xf32>
        %get3A_1245 = arith.index_cast %add3A_1169 : i32 to index
        %get3A_1246 = arith.constant 64 : index
        %get3A_1247 = tpu.vector_load %arg16[%get3A_1245, %get3A_1246] {strides = array<i32>} : memref<40x144xf32, #tpu.memory_space<vmem>>, vector<1x16xf32>,
        %get3A_1248 = vector.shape_cast %get3A_1247 : vector<1x16xf32> to vector<16xf32>
        %mul3A_1249 = arith.mulf %get3A_1248, %gather3A_1244 : vector<16xf32>
        %swap3A_1250 = arith.index_cast %add3A_1169 : i32 to index
        %swap3A_1251 = arith.constant 64 : index
        %swap3A_1252 = tpu.vector_load %arg21[%swap3A_1250, %swap3A_1251] {strides = array<i32>} : memref<40x144xf32, #tpu.memory_space<vmem>>, vector<1x16xf32>,
        %swap3A_1253 = vector.shape_cast %swap3A_1252 : vector<1x16xf32> to vector<16xf32>
        %swap3A_1254 = vector.shape_cast %mul3A_1249 : vector<16xf32> to vector<1x16xf32>
        tpu.vector_store %arg21[%swap3A_1250, %swap3A_1251], %swap3A_1254 {strides = array<i32>} : memref<40x144xf32, #tpu.memory_space<vmem>>, vector<1x16xf32>,
        %broadcast_in_dim3A_1255 = arith.constant 5 : i32
        %broadcast_in_dim3A_1256 = vector.broadcast %broadcast_in_dim3A_1255 : i32 to vector<16x1xi32>
        %gather3A_1257 = vector.shape_cast %broadcast_in_dim3A_1256 : vector<16x1xi32> to vector<16xi32>
        %gather3A_1258 = tpu.dynamic_gather %exp3A[%gather3A_1257] in [0] : vector<16xf32>, vector<16xi32> -> vector<16xf32>
        %get3A_1259 = arith.index_cast %add3A_1169 : i32 to index
        %get3A_1260 = arith.constant 80 : index
        %get3A_1261 = tpu.vector_load %arg16[%get3A_1259, %get3A_1260] {strides = array<i32>} : memref<40x144xf32, #tpu.memory_space<vmem>>, vector<1x16xf32>,
        %get3A_1262 = vector.shape_cast %get3A_1261 : vector<1x16xf32> to vector<16xf32>
        %mul3A_1263 = arith.mulf %get3A_1262, %gather3A_1258 : vector<16xf32>
        %swap3A_1264 = arith.index_cast %add3A_1169 : i32 to index
        %swap3A_1265 = arith.constant 80 : index
        %swap3A_1266 = tpu.vector_load %arg21[%swap3A_1264, %swap3A_1265] {strides = array<i32>} : memref<40x144xf32, #tpu.memory_space<vmem>>, vector<1x16xf32>,
        %swap3A_1267 = vector.shape_cast %swap3A_1266 : vector<1x16xf32> to vector<16xf32>
        %swap3A_1268 = vector.shape_cast %mul3A_1263 : vector<16xf32> to vector<1x16xf32>
        tpu.vector_store %arg21[%swap3A_1264, %swap3A_1265], %swap3A_1268 {strides = array<i32>} : memref<40x144xf32, #tpu.memory_space<vmem>>, vector<1x16xf32>,
        %broadcast_in_dim3A_1269 = arith.constant 6 : i32
        %broadcast_in_dim3A_1270 = vector.broadcast %broadcast_in_dim3A_1269 : i32 to vector<16x1xi32>
        %gather3A_1271 = vector.shape_cast %broadcast_in_dim3A_1270 : vector<16x1xi32> to vector<16xi32>
        %gather3A_1272 = tpu.dynamic_gather %exp3A[%gather3A_1271] in [0] : vector<16xf32>, vector<16xi32> -> vector<16xf32>
        %get3A_1273 = arith.index_cast %add3A_1169 : i32 to index
        %get3A_1274 = arith.constant 96 : index
        %get3A_1275 = tpu.vector_load %arg16[%get3A_1273, %get3A_1274] {strides = array<i32>} : memref<40x144xf32, #tpu.memory_space<vmem>>, vector<1x16xf32>,
        %get3A_1276 = vector.shape_cast %get3A_1275 : vector<1x16xf32> to vector<16xf32>
        %mul3A_1277 = arith.mulf %get3A_1276, %gather3A_1272 : vector<16xf32>
        %swap3A_1278 = arith.index_cast %add3A_1169 : i32 to index
        %swap3A_1279 = arith.constant 96 : index
        %swap3A_1280 = tpu.vector_load %arg21[%swap3A_1278, %swap3A_1279] {strides = array<i32>} : memref<40x144xf32, #tpu.memory_space<vmem>>, vector<1x16xf32>,
        %swap3A_1281 = vector.shape_cast %swap3A_1280 : vector<1x16xf32> to vector<16xf32>
        %swap3A_1282 = vector.shape_cast %mul3A_1277 : vector<16xf32> to vector<1x16xf32>
        tpu.vector_store %arg21[%swap3A_1278, %swap3A_1279], %swap3A_1282 {strides = array<i32>} : memref<40x144xf32, #tpu.memory_space<vmem>>, vector<1x16xf32>,
        %broadcast_in_dim3A_1283 = arith.constant 7 : i32
        %broadcast_in_dim3A_1284 = vector.broadcast %broadcast_in_dim3A_1283 : i32 to vector<16x1xi32>
        %gather3A_1285 = vector.shape_cast %broadcast_in_dim3A_1284 : vector<16x1xi32> to vector<16xi32>
        %gather3A_1286 = tpu.dynamic_gather %exp3A[%gather3A_1285] in [0] : vector<16xf32>, vector<16xi32> -> vector<16xf32>
        %get3A_1287 = arith.index_cast %add3A_1169 : i32 to index
        %get3A_1288 = arith.constant 112 : index
        %get3A_1289 = tpu.vector_load %arg16[%get3A_1287, %get3A_1288] {strides = array<i32>} : memref<40x144xf32, #tpu.memory_space<vmem>>, vector<1x16xf32>,
        %get3A_1290 = vector.shape_cast %get3A_1289 : vector<1x16xf32> to vector<16xf32>
        %mul3A_1291 = arith.mulf %get3A_1290, %gather3A_1286 : vector<16xf32>
        %swap3A_1292 = arith.index_cast %add3A_1169 : i32 to index
        %swap3A_1293 = arith.constant 112 : index
        %swap3A_1294 = tpu.vector_load %arg21[%swap3A_1292, %swap3A_1293] {strides = array<i32>} : memref<40x144xf32, #tpu.memory_space<vmem>>, vector<1x16xf32>,
        %swap3A_1295 = vector.shape_cast %swap3A_1294 : vector<1x16xf32> to vector<16xf32>
        %swap3A_1296 = vector.shape_cast %mul3A_1291 : vector<16xf32> to vector<1x16xf32>
        tpu.vector_store %arg21[%swap3A_1292, %swap3A_1293], %swap3A_1296 {strides = array<i32>} : memref<40x144xf32, #tpu.memory_space<vmem>>, vector<1x16xf32>,
      }
      %scan3A_936 = arith.constant 40 : i32
      %dma_start3A_937 = arith.constant 0 : i32
      %dma_start3A_938 = arith.constant 0 : i32
      %dma_start3A_939 = tpu.memref_slice %arg23[%dma_start3A_937, %dma_start3A_938] : memref<10000x144xf32, #tpu.memory_space<vmem_shared>> -> memref<10000x144xf32, #tpu.memory_space<vmem_shared>>
      tpu.enqueue_indirect_dma source(%arg21 : memref<40x144xf32, #tpu.memory_space<vmem>>) target(%dma_start3A_939 : memref<10000x144xf32, #tpu.memory_space<vmem_shared>>) offsets(%arg13 : memref<40xi32, #tpu.memory_space<vmem>>) semaphore(%arg30 : memref<!tpu.dma_semaphore, #tpu.memory_space<semaphore_mem>>) {add = true}
      %add3A_940 = arith.constant 3 : i32
      %add3A_941 = arith.addi %add3A_714, %add3A_940 : i32
      %dma_wait3A_942 = arith.constant 0 : i32
      %dma_wait3A_943 = arith.constant 0 : i32
      %dma_wait3A_944 = tpu.memref_slice %arg2[%dma_wait3A_942, %dma_wait3A_943] : memref<10000x144xf32, #tpu.memory_space<hbm>> -> memref<10000x144xf32, #tpu.memory_space<hbm>>
      tpu.wait_indirect_dma semaphore(%arg26 : memref<!tpu.dma_semaphore, #tpu.memory_space<semaphore_mem>>) src(%dma_wait3A_944 : memref<10000x144xf32, #tpu.memory_space<hbm>>) dst(%arg17 : memref<40x144xf32, #tpu.memory_space<vmem>>)
      %dma_wait3A_945 = arith.constant 0 : i32
      %dma_wait3A_946 = arith.constant 0 : i32
      %dma_wait3A_947 = tpu.memref_slice %arg3[%dma_wait3A_945, %dma_wait3A_946] : memref<10000x16xf32, #tpu.memory_space<hbm>> -> memref<10000x16xf32, #tpu.memory_space<hbm>>
      tpu.wait_indirect_dma semaphore(%arg26 : memref<!tpu.dma_semaphore, #tpu.memory_space<semaphore_mem>>) src(%dma_wait3A_947 : memref<10000x16xf32, #tpu.memory_space<hbm>>) dst(%arg20 : memref<40x16xf32, #tpu.memory_space<vmem>>)
      %dma_wait3A_948 = arith.constant 0 : i32
      %dma_wait3A_949 = arith.constant 0 : i32
      %dma_wait3A_950 = tpu.memref_slice %arg23[%dma_wait3A_948, %dma_wait3A_949] : memref<10000x144xf32, #tpu.memory_space<vmem_shared>> -> memref<10000x144xf32, #tpu.memory_space<vmem_shared>>
      tpu.wait_indirect_dma semaphore(%arg31 : memref<!tpu.dma_semaphore, #tpu.memory_space<semaphore_mem>>) src(%arg22 : memref<40x144xf32, #tpu.memory_space<vmem>>) dst(%dma_wait3A_950 : memref<10000x144xf32, #tpu.memory_space<vmem_shared>>)
      %get3A_951 = arith.constant 0 : index
      %get3A_952 = tpu.vector_load %arg12[%get3A_951] {strides = array<i32>} : memref<40xi32, #tpu.memory_space<vmem>>, vector<16xi32>,
      %get3A_953 = vector.shape_cast %get3A_952 : vector<16xi32> to vector<16xi32>
      %swap3A_954 = arith.constant 0 : index
      %swap3A_955 = tpu.vector_load %arg14[%swap3A_954] {strides = array<i32>} : memref<40xi32, #tpu.memory_space<vmem>>, vector<16xi32>,
      %swap3A_956 = vector.shape_cast %swap3A_955 : vector<16xi32> to vector<16xi32>
      %swap3A_957 = vector.shape_cast %get3A_953 : vector<16xi32> to vector<16xi32>
      tpu.vector_store %arg14[%swap3A_954], %swap3A_957 {strides = array<i32>} : memref<40xi32, #tpu.memory_space<vmem>>, vector<16xi32>,
      %get3A_958 = arith.constant 16 : index
      %get3A_959 = tpu.vector_load %arg12[%get3A_958] {strides = array<i32>} : memref<40xi32, #tpu.memory_space<vmem>>, vector<16xi32>,
      %get3A_960 = vector.shape_cast %get3A_959 : vector<16xi32> to vector<16xi32>
      %swap3A_961 = arith.constant 16 : index
      %swap3A_962 = tpu.vector_load %arg14[%swap3A_961] {strides = array<i32>} : memref<40xi32, #tpu.memory_space<vmem>>, vector<16xi32>,
      %swap3A_963 = vector.shape_cast %swap3A_962 : vector<16xi32> to vector<16xi32>
      %swap3A_964 = vector.shape_cast %get3A_960 : vector<16xi32> to vector<16xi32>
      tpu.vector_store %arg14[%swap3A_961], %swap3A_964 {strides = array<i32>} : memref<40xi32, #tpu.memory_space<vmem>>, vector<16xi32>,
      %get3A_965 = arith.constant 24 : index
      %get3A_966 = tpu.vector_load %arg12[%get3A_965] {strides = array<i32>} : memref<40xi32, #tpu.memory_space<vmem>>, vector<16xi32>,
      %get3A_967 = vector.shape_cast %get3A_966 : vector<16xi32> to vector<16xi32>
      %swap3A_968 = arith.constant 24 : index
      %swap3A_969 = tpu.vector_load %arg14[%swap3A_968] {strides = array<i32>} : memref<40xi32, #tpu.memory_space<vmem>>, vector<16xi32>,
      %swap3A_970 = vector.shape_cast %swap3A_969 : vector<16xi32> to vector<16xi32>
      %swap3A_971 = vector.shape_cast %get3A_967 : vector<16xi32> to vector<16xi32>
      tpu.vector_store %arg14[%swap3A_968], %swap3A_971 {strides = array<i32>} : memref<40xi32, #tpu.memory_space<vmem>>, vector<16xi32>,
      %add3A_972 = arith.constant 3 : i32
      %add3A_973 = arith.addi %add3A_941, %add3A_972 : i32
      %mul3A_974 = arith.constant 40 : i32
      %mul3A_975 = arith.muli %add3A_973, %mul3A_974 : i32
      %add3A_976 = arith.addi %mul3A_2, %mul3A_975 : i32
      %dma_start3A_977 = arith.constant 0 : i32
      %dma_start3A_978 = tpu.memref_slice %arg4[%dma_start3A_977, %add3A_976] : memref<2x320000xi32, #tpu.memory_space<hbm>> -> memref<1x40xi32, #tpu.memory_space<hbm>>
      %dma_start3A_979 = tpu.memref_squeeze %dma_start3A_978 : memref<1x40xi32, #tpu.memory_space<hbm>> -> memref<40xi32, #tpu.memory_space<hbm>>
      %dma_start3A_980 = tpu.memref_slice %arg4[%dma_start3A_977, %add3A_976] : memref<2x320000xi32, #tpu.memory_space<hbm>> -> memref<1x40xi32, #tpu.memory_space<hbm>>
      %dma_start3A_981 = tpu.memref_squeeze %dma_start3A_980 : memref<1x40xi32, #tpu.memory_space<hbm>> -> memref<40xi32, #tpu.memory_space<hbm>>
      tpu.enqueue_dma source(%dma_start3A_981 : memref<40xi32, #tpu.memory_space<hbm>>) target(%arg9 : memref<40xi32, #tpu.memory_space<vmem>>) target_semaphore(%arg29 : memref<!tpu.dma_semaphore, #tpu.memory_space<semaphore_mem>>)
      %dma_start3A_982 = arith.constant 1 : i32
      %dma_start3A_983 = tpu.memref_slice %arg4[%dma_start3A_982, %add3A_976] : memref<2x320000xi32, #tpu.memory_space<hbm>> -> memref<1x40xi32, #tpu.memory_space<hbm>>
      %dma_start3A_984 = tpu.memref_squeeze %dma_start3A_983 : memref<1x40xi32, #tpu.memory_space<hbm>> -> memref<40xi32, #tpu.memory_space<hbm>>
      %dma_start3A_985 = tpu.memref_slice %arg4[%dma_start3A_982, %add3A_976] : memref<2x320000xi32, #tpu.memory_space<hbm>> -> memref<1x40xi32, #tpu.memory_space<hbm>>
      %dma_start3A_986 = tpu.memref_squeeze %dma_start3A_985 : memref<1x40xi32, #tpu.memory_space<hbm>> -> memref<40xi32, #tpu.memory_space<hbm>>
      tpu.enqueue_dma source(%dma_start3A_986 : memref<40xi32, #tpu.memory_space<hbm>>) target(%arg12 : memref<40xi32, #tpu.memory_space<vmem>>) target_semaphore(%arg29 : memref<!tpu.dma_semaphore, #tpu.memory_space<semaphore_mem>>)
      %dma_wait3A_987 = arith.constant 0 : i32
      %dma_wait3A_988 = arith.constant 0 : i32
      %dma_wait3A_989 = tpu.memref_slice %arg4[%dma_wait3A_987, %dma_wait3A_988] : memref<2x320000xi32, #tpu.memory_space<hbm>> -> memref<1x40xi32, #tpu.memory_space<hbm>>
      %dma_wait3A_990 = tpu.memref_squeeze %dma_wait3A_989 : memref<1x40xi32, #tpu.memory_space<hbm>> -> memref<40xi32, #tpu.memory_space<hbm>>
      %dma_wait3A_991 = arith.constant 0 : i32
      %dma_wait3A_992 = tpu.memref_slice %arg4[%dma_wait3A_987, %dma_wait3A_991] : memref<2x320000xi32, #tpu.memory_space<hbm>> -> memref<1x40xi32, #tpu.memory_space<hbm>>
      %dma_wait3A_993 = tpu.memref_squeeze %dma_wait3A_992 : memref<1x40xi32, #tpu.memory_space<hbm>> -> memref<40xi32, #tpu.memory_space<hbm>>
      tpu.wait_dma2 semaphore(%arg28 : memref<!tpu.dma_semaphore, #tpu.memory_space<semaphore_mem>>) src(%dma_wait3A_993 : memref<40xi32, #tpu.memory_space<hbm>>) dst(%arg8 : memref<40xi32, #tpu.memory_space<vmem>>)
      %dma_wait3A_994 = arith.constant 1 : i32
      %dma_wait3A_995 = arith.constant 0 : i32
      %dma_wait3A_996 = tpu.memref_slice %arg4[%dma_wait3A_994, %dma_wait3A_995] : memref<2x320000xi32, #tpu.memory_space<hbm>> -> memref<1x40xi32, #tpu.memory_space<hbm>>
      %dma_wait3A_997 = tpu.memref_squeeze %dma_wait3A_996 : memref<1x40xi32, #tpu.memory_space<hbm>> -> memref<40xi32, #tpu.memory_space<hbm>>
      %dma_wait3A_998 = arith.constant 0 : i32
      %dma_wait3A_999 = tpu.memref_slice %arg4[%dma_wait3A_994, %dma_wait3A_998] : memref<2x320000xi32, #tpu.memory_space<hbm>> -> memref<1x40xi32, #tpu.memory_space<hbm>>
      %dma_wait3A_1000 = tpu.memref_squeeze %dma_wait3A_999 : memref<1x40xi32, #tpu.memory_space<hbm>> -> memref<40xi32, #tpu.memory_space<hbm>>
      tpu.wait_dma2 semaphore(%arg28 : memref<!tpu.dma_semaphore, #tpu.memory_space<semaphore_mem>>) src(%dma_wait3A_1000 : memref<40xi32, #tpu.memory_space<hbm>>) dst(%arg11 : memref<40xi32, #tpu.memory_space<vmem>>)
      %dma_start3A_1001 = arith.constant 0 : i32
      %dma_start3A_1002 = arith.constant 0 : i32
      %dma_start3A_1003 = tpu.memref_slice %arg2[%dma_start3A_1001, %dma_start3A_1002] : memref<10000x144xf32, #tpu.memory_space<hbm>> -> memref<10000x144xf32, #tpu.memory_space<hbm>>
      tpu.enqueue_indirect_dma source(%dma_start3A_1003 : memref<10000x144xf32, #tpu.memory_space<hbm>>) target(%arg16 : memref<40x144xf32, #tpu.memory_space<vmem>>) offsets(%arg8 : memref<40xi32, #tpu.memory_space<vmem>>) semaphore(%arg25 : memref<!tpu.dma_semaphore, #tpu.memory_space<semaphore_mem>>)
      %dma_start3A_1004 = arith.constant 0 : i32
      %dma_start3A_1005 = arith.constant 0 : i32
      %dma_start3A_1006 = tpu.memref_slice %arg3[%dma_start3A_1004, %dma_start3A_1005] : memref<10000x16xf32, #tpu.memory_space<hbm>> -> memref<10000x16xf32, #tpu.memory_space<hbm>>
      tpu.enqueue_indirect_dma source(%dma_start3A_1006 : memref<10000x16xf32, #tpu.memory_space<hbm>>) target(%arg19 : memref<40x16xf32, #tpu.memory_space<vmem>>) offsets(%arg11 : memref<40xi32, #tpu.memory_space<vmem>>) semaphore(%arg25 : memref<!tpu.dma_semaphore, #tpu.memory_space<semaphore_mem>>)
      %scan3A_1007 = arith.constant 0 : i32
      %scan3A_1008 = arith.constant 40 : i32
      %scan3A_1009 = arith.addi %scan3A_1007, %scan3A_1008 : i32
      %scan3A_1010 = arith.constant 1 : i32
      scf.for %scan3A_1165 = %scan3A_1007 to %scan3A_1009 step %scan3A_1010  : i32 {
        %mul3A_1166 = arith.constant 1 : i32
        %mul3A_1167 = arith.muli %scan3A_1165, %mul3A_1166 : i32
        %add3A_1168 = arith.constant 0 : i32
        %add3A_1169 = arith.addi %add3A_1168, %mul3A_1167 : i32
        %get3A_1170 = arith.index_cast %add3A_1169 : i32 to index
        %get3A_1171 = arith.constant 128 : index
        %get3A_1172 = tpu.vector_load %arg17[%get3A_1170, %get3A_1171] {strides = array<i32>} : memref<40x144xf32, #tpu.memory_space<vmem>>, vector<1x16xf32>,
        %get3A_1173 = vector.shape_cast %get3A_1172 : vector<1x16xf32> to vector<16xf32>
        %get3A_1174 = arith.index_cast %add3A_1169 : i32 to index
        %get3A_1175 = arith.constant 0 : index
        %get3A_1176 = tpu.vector_load %arg20[%get3A_1174, %get3A_1175] {strides = array<i32>} : memref<40x16xf32, #tpu.memory_space<vmem>>, vector<1x16xf32>,
        %get3A_1177 = vector.shape_cast %get3A_1176 : vector<1x16xf32> to vector<16xf32>
        %add3A_1178 = arith.addf %get3A_1173, %get3A_1177 : vector<16xf32>
        %mul3A_1179 = arith.constant 2.000000e-01 : f32
        %mul3A_1180 = vector.broadcast %mul3A_1179 : f32 to vector<16xf32>
        %mul3A_1181 = arith.mulf %add3A_1178, %mul3A_1180 : vector<16xf32>
        %max3A = arith.maximumf %add3A_1178, %mul3A_1181 : vector<16xf32>
        %exp3A = math.exp %max3A : vector<16xf32>
        %swap3A_1182 = arith.index_cast %add3A_1169 : i32 to index
        %swap3A_1183 = arith.constant 128 : index
        %swap3A_1184 = tpu.vector_load %arg22[%swap3A_1182, %swap3A_1183] {strides = array<i32>} : memref<40x144xf32, #tpu.memory_space<vmem>>, vector<1x16xf32>,
        %swap3A_1185 = vector.shape_cast %swap3A_1184 : vector<1x16xf32> to vector<16xf32>
        %swap3A_1186 = vector.shape_cast %exp3A : vector<16xf32> to vector<1x16xf32>
        tpu.vector_store %arg22[%swap3A_1182, %swap3A_1183], %swap3A_1186 {strides = array<i32>} : memref<40x144xf32, #tpu.memory_space<vmem>>, vector<1x16xf32>,
        %broadcast_in_dim3A = arith.constant 0 : i32
        %broadcast_in_dim3A_1187 = vector.broadcast %broadcast_in_dim3A : i32 to vector<16x1xi32>
        %gather3A = vector.shape_cast %broadcast_in_dim3A_1187 : vector<16x1xi32> to vector<16xi32>
        %gather3A_1188 = tpu.dynamic_gather %exp3A[%gather3A] in [0] : vector<16xf32>, vector<16xi32> -> vector<16xf32>
        %get3A_1189 = arith.index_cast %add3A_1169 : i32 to index
        %get3A_1190 = arith.constant 0 : index
        %get3A_1191 = tpu.vector_load %arg17[%get3A_1189, %get3A_1190] {strides = array<i32>} : memref<40x144xf32, #tpu.memory_space<vmem>>, vector<1x16xf32>,
        %get3A_1192 = vector.shape_cast %get3A_1191 : vector<1x16xf32> to vector<16xf32>
        %mul3A_1193 = arith.mulf %get3A_1192, %gather3A_1188 : vector<16xf32>
        %swap3A_1194 = arith.index_cast %add3A_1169 : i32 to index
        %swap3A_1195 = arith.constant 0 : index
        %swap3A_1196 = tpu.vector_load %arg22[%swap3A_1194, %swap3A_1195] {strides = array<i32>} : memref<40x144xf32, #tpu.memory_space<vmem>>, vector<1x16xf32>,
        %swap3A_1197 = vector.shape_cast %swap3A_1196 : vector<1x16xf32> to vector<16xf32>
        %swap3A_1198 = vector.shape_cast %mul3A_1193 : vector<16xf32> to vector<1x16xf32>
        tpu.vector_store %arg22[%swap3A_1194, %swap3A_1195], %swap3A_1198 {strides = array<i32>} : memref<40x144xf32, #tpu.memory_space<vmem>>, vector<1x16xf32>,
        %broadcast_in_dim3A_1199 = arith.constant 1 : i32
        %broadcast_in_dim3A_1200 = vector.broadcast %broadcast_in_dim3A_1199 : i32 to vector<16x1xi32>
        %gather3A_1201 = vector.shape_cast %broadcast_in_dim3A_1200 : vector<16x1xi32> to vector<16xi32>
        %gather3A_1202 = tpu.dynamic_gather %exp3A[%gather3A_1201] in [0] : vector<16xf32>, vector<16xi32> -> vector<16xf32>
        %get3A_1203 = arith.index_cast %add3A_1169 : i32 to index
        %get3A_1204 = arith.constant 16 : index
        %get3A_1205 = tpu.vector_load %arg17[%get3A_1203, %get3A_1204] {strides = array<i32>} : memref<40x144xf32, #tpu.memory_space<vmem>>, vector<1x16xf32>,
        %get3A_1206 = vector.shape_cast %get3A_1205 : vector<1x16xf32> to vector<16xf32>
        %mul3A_1207 = arith.mulf %get3A_1206, %gather3A_1202 : vector<16xf32>
        %swap3A_1208 = arith.index_cast %add3A_1169 : i32 to index
        %swap3A_1209 = arith.constant 16 : index
        %swap3A_1210 = tpu.vector_load %arg22[%swap3A_1208, %swap3A_1209] {strides = array<i32>} : memref<40x144xf32, #tpu.memory_space<vmem>>, vector<1x16xf32>,
        %swap3A_1211 = vector.shape_cast %swap3A_1210 : vector<1x16xf32> to vector<16xf32>
        %swap3A_1212 = vector.shape_cast %mul3A_1207 : vector<16xf32> to vector<1x16xf32>
        tpu.vector_store %arg22[%swap3A_1208, %swap3A_1209], %swap3A_1212 {strides = array<i32>} : memref<40x144xf32, #tpu.memory_space<vmem>>, vector<1x16xf32>,
        %broadcast_in_dim3A_1213 = arith.constant 2 : i32
        %broadcast_in_dim3A_1214 = vector.broadcast %broadcast_in_dim3A_1213 : i32 to vector<16x1xi32>
        %gather3A_1215 = vector.shape_cast %broadcast_in_dim3A_1214 : vector<16x1xi32> to vector<16xi32>
        %gather3A_1216 = tpu.dynamic_gather %exp3A[%gather3A_1215] in [0] : vector<16xf32>, vector<16xi32> -> vector<16xf32>
        %get3A_1217 = arith.index_cast %add3A_1169 : i32 to index
        %get3A_1218 = arith.constant 32 : index
        %get3A_1219 = tpu.vector_load %arg17[%get3A_1217, %get3A_1218] {strides = array<i32>} : memref<40x144xf32, #tpu.memory_space<vmem>>, vector<1x16xf32>,
        %get3A_1220 = vector.shape_cast %get3A_1219 : vector<1x16xf32> to vector<16xf32>
        %mul3A_1221 = arith.mulf %get3A_1220, %gather3A_1216 : vector<16xf32>
        %swap3A_1222 = arith.index_cast %add3A_1169 : i32 to index
        %swap3A_1223 = arith.constant 32 : index
        %swap3A_1224 = tpu.vector_load %arg22[%swap3A_1222, %swap3A_1223] {strides = array<i32>} : memref<40x144xf32, #tpu.memory_space<vmem>>, vector<1x16xf32>,
        %swap3A_1225 = vector.shape_cast %swap3A_1224 : vector<1x16xf32> to vector<16xf32>
        %swap3A_1226 = vector.shape_cast %mul3A_1221 : vector<16xf32> to vector<1x16xf32>
        tpu.vector_store %arg22[%swap3A_1222, %swap3A_1223], %swap3A_1226 {strides = array<i32>} : memref<40x144xf32, #tpu.memory_space<vmem>>, vector<1x16xf32>,
        %broadcast_in_dim3A_1227 = arith.constant 3 : i32
        %broadcast_in_dim3A_1228 = vector.broadcast %broadcast_in_dim3A_1227 : i32 to vector<16x1xi32>
        %gather3A_1229 = vector.shape_cast %broadcast_in_dim3A_1228 : vector<16x1xi32> to vector<16xi32>
        %gather3A_1230 = tpu.dynamic_gather %exp3A[%gather3A_1229] in [0] : vector<16xf32>, vector<16xi32> -> vector<16xf32>
        %get3A_1231 = arith.index_cast %add3A_1169 : i32 to index
        %get3A_1232 = arith.constant 48 : index
        %get3A_1233 = tpu.vector_load %arg17[%get3A_1231, %get3A_1232] {strides = array<i32>} : memref<40x144xf32, #tpu.memory_space<vmem>>, vector<1x16xf32>,
        %get3A_1234 = vector.shape_cast %get3A_1233 : vector<1x16xf32> to vector<16xf32>
        %mul3A_1235 = arith.mulf %get3A_1234, %gather3A_1230 : vector<16xf32>
        %swap3A_1236 = arith.index_cast %add3A_1169 : i32 to index
        %swap3A_1237 = arith.constant 48 : index
        %swap3A_1238 = tpu.vector_load %arg22[%swap3A_1236, %swap3A_1237] {strides = array<i32>} : memref<40x144xf32, #tpu.memory_space<vmem>>, vector<1x16xf32>,
        %swap3A_1239 = vector.shape_cast %swap3A_1238 : vector<1x16xf32> to vector<16xf32>
        %swap3A_1240 = vector.shape_cast %mul3A_1235 : vector<16xf32> to vector<1x16xf32>
        tpu.vector_store %arg22[%swap3A_1236, %swap3A_1237], %swap3A_1240 {strides = array<i32>} : memref<40x144xf32, #tpu.memory_space<vmem>>, vector<1x16xf32>,
        %broadcast_in_dim3A_1241 = arith.constant 4 : i32
        %broadcast_in_dim3A_1242 = vector.broadcast %broadcast_in_dim3A_1241 : i32 to vector<16x1xi32>
        %gather3A_1243 = vector.shape_cast %broadcast_in_dim3A_1242 : vector<16x1xi32> to vector<16xi32>
        %gather3A_1244 = tpu.dynamic_gather %exp3A[%gather3A_1243] in [0] : vector<16xf32>, vector<16xi32> -> vector<16xf32>
        %get3A_1245 = arith.index_cast %add3A_1169 : i32 to index
        %get3A_1246 = arith.constant 64 : index
        %get3A_1247 = tpu.vector_load %arg17[%get3A_1245, %get3A_1246] {strides = array<i32>} : memref<40x144xf32, #tpu.memory_space<vmem>>, vector<1x16xf32>,
        %get3A_1248 = vector.shape_cast %get3A_1247 : vector<1x16xf32> to vector<16xf32>
        %mul3A_1249 = arith.mulf %get3A_1248, %gather3A_1244 : vector<16xf32>
        %swap3A_1250 = arith.index_cast %add3A_1169 : i32 to index
        %swap3A_1251 = arith.constant 64 : index
        %swap3A_1252 = tpu.vector_load %arg22[%swap3A_1250, %swap3A_1251] {strides = array<i32>} : memref<40x144xf32, #tpu.memory_space<vmem>>, vector<1x16xf32>,
        %swap3A_1253 = vector.shape_cast %swap3A_1252 : vector<1x16xf32> to vector<16xf32>
        %swap3A_1254 = vector.shape_cast %mul3A_1249 : vector<16xf32> to vector<1x16xf32>
        tpu.vector_store %arg22[%swap3A_1250, %swap3A_1251], %swap3A_1254 {strides = array<i32>} : memref<40x144xf32, #tpu.memory_space<vmem>>, vector<1x16xf32>,
        %broadcast_in_dim3A_1255 = arith.constant 5 : i32
        %broadcast_in_dim3A_1256 = vector.broadcast %broadcast_in_dim3A_1255 : i32 to vector<16x1xi32>
        %gather3A_1257 = vector.shape_cast %broadcast_in_dim3A_1256 : vector<16x1xi32> to vector<16xi32>
        %gather3A_1258 = tpu.dynamic_gather %exp3A[%gather3A_1257] in [0] : vector<16xf32>, vector<16xi32> -> vector<16xf32>
        %get3A_1259 = arith.index_cast %add3A_1169 : i32 to index
        %get3A_1260 = arith.constant 80 : index
        %get3A_1261 = tpu.vector_load %arg17[%get3A_1259, %get3A_1260] {strides = array<i32>} : memref<40x144xf32, #tpu.memory_space<vmem>>, vector<1x16xf32>,
        %get3A_1262 = vector.shape_cast %get3A_1261 : vector<1x16xf32> to vector<16xf32>
        %mul3A_1263 = arith.mulf %get3A_1262, %gather3A_1258 : vector<16xf32>
        %swap3A_1264 = arith.index_cast %add3A_1169 : i32 to index
        %swap3A_1265 = arith.constant 80 : index
        %swap3A_1266 = tpu.vector_load %arg22[%swap3A_1264, %swap3A_1265] {strides = array<i32>} : memref<40x144xf32, #tpu.memory_space<vmem>>, vector<1x16xf32>,
        %swap3A_1267 = vector.shape_cast %swap3A_1266 : vector<1x16xf32> to vector<16xf32>
        %swap3A_1268 = vector.shape_cast %mul3A_1263 : vector<16xf32> to vector<1x16xf32>
        tpu.vector_store %arg22[%swap3A_1264, %swap3A_1265], %swap3A_1268 {strides = array<i32>} : memref<40x144xf32, #tpu.memory_space<vmem>>, vector<1x16xf32>,
        %broadcast_in_dim3A_1269 = arith.constant 6 : i32
        %broadcast_in_dim3A_1270 = vector.broadcast %broadcast_in_dim3A_1269 : i32 to vector<16x1xi32>
        %gather3A_1271 = vector.shape_cast %broadcast_in_dim3A_1270 : vector<16x1xi32> to vector<16xi32>
        %gather3A_1272 = tpu.dynamic_gather %exp3A[%gather3A_1271] in [0] : vector<16xf32>, vector<16xi32> -> vector<16xf32>
        %get3A_1273 = arith.index_cast %add3A_1169 : i32 to index
        %get3A_1274 = arith.constant 96 : index
        %get3A_1275 = tpu.vector_load %arg17[%get3A_1273, %get3A_1274] {strides = array<i32>} : memref<40x144xf32, #tpu.memory_space<vmem>>, vector<1x16xf32>,
        %get3A_1276 = vector.shape_cast %get3A_1275 : vector<1x16xf32> to vector<16xf32>
        %mul3A_1277 = arith.mulf %get3A_1276, %gather3A_1272 : vector<16xf32>
        %swap3A_1278 = arith.index_cast %add3A_1169 : i32 to index
        %swap3A_1279 = arith.constant 96 : index
        %swap3A_1280 = tpu.vector_load %arg22[%swap3A_1278, %swap3A_1279] {strides = array<i32>} : memref<40x144xf32, #tpu.memory_space<vmem>>, vector<1x16xf32>,
        %swap3A_1281 = vector.shape_cast %swap3A_1280 : vector<1x16xf32> to vector<16xf32>
        %swap3A_1282 = vector.shape_cast %mul3A_1277 : vector<16xf32> to vector<1x16xf32>
        tpu.vector_store %arg22[%swap3A_1278, %swap3A_1279], %swap3A_1282 {strides = array<i32>} : memref<40x144xf32, #tpu.memory_space<vmem>>, vector<1x16xf32>,
        %broadcast_in_dim3A_1283 = arith.constant 7 : i32
        %broadcast_in_dim3A_1284 = vector.broadcast %broadcast_in_dim3A_1283 : i32 to vector<16x1xi32>
        %gather3A_1285 = vector.shape_cast %broadcast_in_dim3A_1284 : vector<16x1xi32> to vector<16xi32>
        %gather3A_1286 = tpu.dynamic_gather %exp3A[%gather3A_1285] in [0] : vector<16xf32>, vector<16xi32> -> vector<16xf32>
        %get3A_1287 = arith.index_cast %add3A_1169 : i32 to index
        %get3A_1288 = arith.constant 112 : index
        %get3A_1289 = tpu.vector_load %arg17[%get3A_1287, %get3A_1288] {strides = array<i32>} : memref<40x144xf32, #tpu.memory_space<vmem>>, vector<1x16xf32>,
        %get3A_1290 = vector.shape_cast %get3A_1289 : vector<1x16xf32> to vector<16xf32>
        %mul3A_1291 = arith.mulf %get3A_1290, %gather3A_1286 : vector<16xf32>
        %swap3A_1292 = arith.index_cast %add3A_1169 : i32 to index
        %swap3A_1293 = arith.constant 112 : index
        %swap3A_1294 = tpu.vector_load %arg22[%swap3A_1292, %swap3A_1293] {strides = array<i32>} : memref<40x144xf32, #tpu.memory_space<vmem>>, vector<1x16xf32>,
        %swap3A_1295 = vector.shape_cast %swap3A_1294 : vector<1x16xf32> to vector<16xf32>
        %swap3A_1296 = vector.shape_cast %mul3A_1291 : vector<16xf32> to vector<1x16xf32>
        tpu.vector_store %arg22[%swap3A_1292, %swap3A_1293], %swap3A_1296 {strides = array<i32>} : memref<40x144xf32, #tpu.memory_space<vmem>>, vector<1x16xf32>,
      }
      %scan3A_1011 = arith.constant 40 : i32
      %dma_start3A_1012 = arith.constant 0 : i32
      %dma_start3A_1013 = arith.constant 0 : i32
      %dma_start3A_1014 = tpu.memref_slice %arg23[%dma_start3A_1012, %dma_start3A_1013] : memref<10000x144xf32, #tpu.memory_space<vmem_shared>> -> memref<10000x144xf32, #tpu.memory_space<vmem_shared>>
      tpu.enqueue_indirect_dma source(%arg22 : memref<40x144xf32, #tpu.memory_space<vmem>>) target(%dma_start3A_1014 : memref<10000x144xf32, #tpu.memory_space<vmem_shared>>) offsets(%arg14 : memref<40xi32, #tpu.memory_space<vmem>>) semaphore(%arg31 : memref<!tpu.dma_semaphore, #tpu.memory_space<semaphore_mem>>) {add = true}
      %add3A_1015 = arith.constant 4 : i32
      %add3A_1016 = arith.addi %add3A_714, %add3A_1015 : i32
      %dma_wait3A_1017 = arith.constant 0 : i32
      %dma_wait3A_1018 = arith.constant 0 : i32
      %dma_wait3A_1019 = tpu.memref_slice %arg2[%dma_wait3A_1017, %dma_wait3A_1018] : memref<10000x144xf32, #tpu.memory_space<hbm>> -> memref<10000x144xf32, #tpu.memory_space<hbm>>
      tpu.wait_indirect_dma semaphore(%arg24 : memref<!tpu.dma_semaphore, #tpu.memory_space<semaphore_mem>>) src(%dma_wait3A_1019 : memref<10000x144xf32, #tpu.memory_space<hbm>>) dst(%arg15 : memref<40x144xf32, #tpu.memory_space<vmem>>)
      %dma_wait3A_1020 = arith.constant 0 : i32
      %dma_wait3A_1021 = arith.constant 0 : i32
      %dma_wait3A_1022 = tpu.memref_slice %arg3[%dma_wait3A_1020, %dma_wait3A_1021] : memref<10000x16xf32, #tpu.memory_space<hbm>> -> memref<10000x16xf32, #tpu.memory_space<hbm>>
      tpu.wait_indirect_dma semaphore(%arg24 : memref<!tpu.dma_semaphore, #tpu.memory_space<semaphore_mem>>) src(%dma_wait3A_1022 : memref<10000x16xf32, #tpu.memory_space<hbm>>) dst(%arg18 : memref<40x16xf32, #tpu.memory_space<vmem>>)
      %dma_wait3A_1023 = arith.constant 0 : i32
      %dma_wait3A_1024 = arith.constant 0 : i32
      %dma_wait3A_1025 = tpu.memref_slice %arg23[%dma_wait3A_1023, %dma_wait3A_1024] : memref<10000x144xf32, #tpu.memory_space<vmem_shared>> -> memref<10000x144xf32, #tpu.memory_space<vmem_shared>>
      tpu.wait_indirect_dma semaphore(%arg30 : memref<!tpu.dma_semaphore, #tpu.memory_space<semaphore_mem>>) src(%arg21 : memref<40x144xf32, #tpu.memory_space<vmem>>) dst(%dma_wait3A_1025 : memref<10000x144xf32, #tpu.memory_space<vmem_shared>>)
      %get3A_1026 = arith.constant 0 : index
      %get3A_1027 = tpu.vector_load %arg10[%get3A_1026] {strides = array<i32>} : memref<40xi32, #tpu.memory_space<vmem>>, vector<16xi32>,
      %get3A_1028 = vector.shape_cast %get3A_1027 : vector<16xi32> to vector<16xi32>
      %swap3A_1029 = arith.constant 0 : index
      %swap3A_1030 = tpu.vector_load %arg13[%swap3A_1029] {strides = array<i32>} : memref<40xi32, #tpu.memory_space<vmem>>, vector<16xi32>,
      %swap3A_1031 = vector.shape_cast %swap3A_1030 : vector<16xi32> to vector<16xi32>
      %swap3A_1032 = vector.shape_cast %get3A_1028 : vector<16xi32> to vector<16xi32>
      tpu.vector_store %arg13[%swap3A_1029], %swap3A_1032 {strides = array<i32>} : memref<40xi32, #tpu.memory_space<vmem>>, vector<16xi32>,
      %get3A_1033 = arith.constant 16 : index
      %get3A_1034 = tpu.vector_load %arg10[%get3A_1033] {strides = array<i32>} : memref<40xi32, #tpu.memory_space<vmem>>, vector<16xi32>,
      %get3A_1035 = vector.shape_cast %get3A_1034 : vector<16xi32> to vector<16xi32>
      %swap3A_1036 = arith.constant 16 : index
      %swap3A_1037 = tpu.vector_load %arg13[%swap3A_1036] {strides = array<i32>} : memref<40xi32, #tpu.memory_space<vmem>>, vector<16xi32>,
      %swap3A_1038 = vector.shape_cast %swap3A_1037 : vector<16xi32> to vector<16xi32>
      %swap3A_1039 = vector.shape_cast %get3A_1035 : vector<16xi32> to vector<16xi32>
      tpu.vector_store %arg13[%swap3A_1036], %swap3A_1039 {strides = array<i32>} : memref<40xi32, #tpu.memory_space<vmem>>, vector<16xi32>,
      %get3A_1040 = arith.constant 24 : index
      %get3A_1041 = tpu.vector_load %arg10[%get3A_1040] {strides = array<i32>} : memref<40xi32, #tpu.memory_space<vmem>>, vector<16xi32>,
      %get3A_1042 = vector.shape_cast %get3A_1041 : vector<16xi32> to vector<16xi32>
      %swap3A_1043 = arith.constant 24 : index
      %swap3A_1044 = tpu.vector_load %arg13[%swap3A_1043] {strides = array<i32>} : memref<40xi32, #tpu.memory_space<vmem>>, vector<16xi32>,
      %swap3A_1045 = vector.shape_cast %swap3A_1044 : vector<16xi32> to vector<16xi32>
      %swap3A_1046 = vector.shape_cast %get3A_1042 : vector<16xi32> to vector<16xi32>
      tpu.vector_store %arg13[%swap3A_1043], %swap3A_1046 {strides = array<i32>} : memref<40xi32, #tpu.memory_space<vmem>>, vector<16xi32>,
      %add3A_1047 = arith.constant 3 : i32
      %add3A_1048 = arith.addi %add3A_1016, %add3A_1047 : i32
      %mul3A_1049 = arith.constant 40 : i32
      %mul3A_1050 = arith.muli %add3A_1048, %mul3A_1049 : i32
      %add3A_1051 = arith.addi %mul3A_2, %mul3A_1050 : i32
      %dma_start3A_1052 = arith.constant 0 : i32
      %dma_start3A_1053 = tpu.memref_slice %arg4[%dma_start3A_1052, %add3A_1051] : memref<2x320000xi32, #tpu.memory_space<hbm>> -> memref<1x40xi32, #tpu.memory_space<hbm>>
      %dma_start3A_1054 = tpu.memref_squeeze %dma_start3A_1053 : memref<1x40xi32, #tpu.memory_space<hbm>> -> memref<40xi32, #tpu.memory_space<hbm>>
      %dma_start3A_1055 = tpu.memref_slice %arg4[%dma_start3A_1052, %add3A_1051] : memref<2x320000xi32, #tpu.memory_space<hbm>> -> memref<1x40xi32, #tpu.memory_space<hbm>>
      %dma_start3A_1056 = tpu.memref_squeeze %dma_start3A_1055 : memref<1x40xi32, #tpu.memory_space<hbm>> -> memref<40xi32, #tpu.memory_space<hbm>>
      tpu.enqueue_dma source(%dma_start3A_1056 : memref<40xi32, #tpu.memory_space<hbm>>) target(%arg7 : memref<40xi32, #tpu.memory_space<vmem>>) target_semaphore(%arg27 : memref<!tpu.dma_semaphore, #tpu.memory_space<semaphore_mem>>)
      %dma_start3A_1057 = arith.constant 1 : i32
      %dma_start3A_1058 = tpu.memref_slice %arg4[%dma_start3A_1057, %add3A_1051] : memref<2x320000xi32, #tpu.memory_space<hbm>> -> memref<1x40xi32, #tpu.memory_space<hbm>>
      %dma_start3A_1059 = tpu.memref_squeeze %dma_start3A_1058 : memref<1x40xi32, #tpu.memory_space<hbm>> -> memref<40xi32, #tpu.memory_space<hbm>>
      %dma_start3A_1060 = tpu.memref_slice %arg4[%dma_start3A_1057, %add3A_1051] : memref<2x320000xi32, #tpu.memory_space<hbm>> -> memref<1x40xi32, #tpu.memory_space<hbm>>
      %dma_start3A_1061 = tpu.memref_squeeze %dma_start3A_1060 : memref<1x40xi32, #tpu.memory_space<hbm>> -> memref<40xi32, #tpu.memory_space<hbm>>
      tpu.enqueue_dma source(%dma_start3A_1061 : memref<40xi32, #tpu.memory_space<hbm>>) target(%arg10 : memref<40xi32, #tpu.memory_space<vmem>>) target_semaphore(%arg27 : memref<!tpu.dma_semaphore, #tpu.memory_space<semaphore_mem>>)
      %dma_wait3A_1062 = arith.constant 0 : i32
      %dma_wait3A_1063 = arith.constant 0 : i32
      %dma_wait3A_1064 = tpu.memref_slice %arg4[%dma_wait3A_1062, %dma_wait3A_1063] : memref<2x320000xi32, #tpu.memory_space<hbm>> -> memref<1x40xi32, #tpu.memory_space<hbm>>
      %dma_wait3A_1065 = tpu.memref_squeeze %dma_wait3A_1064 : memref<1x40xi32, #tpu.memory_space<hbm>> -> memref<40xi32, #tpu.memory_space<hbm>>
      %dma_wait3A_1066 = arith.constant 0 : i32
      %dma_wait3A_1067 = tpu.memref_slice %arg4[%dma_wait3A_1062, %dma_wait3A_1066] : memref<2x320000xi32, #tpu.memory_space<hbm>> -> memref<1x40xi32, #tpu.memory_space<hbm>>
      %dma_wait3A_1068 = tpu.memref_squeeze %dma_wait3A_1067 : memref<1x40xi32, #tpu.memory_space<hbm>> -> memref<40xi32, #tpu.memory_space<hbm>>
      tpu.wait_dma2 semaphore(%arg29 : memref<!tpu.dma_semaphore, #tpu.memory_space<semaphore_mem>>) src(%dma_wait3A_1068 : memref<40xi32, #tpu.memory_space<hbm>>) dst(%arg9 : memref<40xi32, #tpu.memory_space<vmem>>)
      %dma_wait3A_1069 = arith.constant 1 : i32
      %dma_wait3A_1070 = arith.constant 0 : i32
      %dma_wait3A_1071 = tpu.memref_slice %arg4[%dma_wait3A_1069, %dma_wait3A_1070] : memref<2x320000xi32, #tpu.memory_space<hbm>> -> memref<1x40xi32, #tpu.memory_space<hbm>>
      %dma_wait3A_1072 = tpu.memref_squeeze %dma_wait3A_1071 : memref<1x40xi32, #tpu.memory_space<hbm>> -> memref<40xi32, #tpu.memory_space<hbm>>
      %dma_wait3A_1073 = arith.constant 0 : i32
      %dma_wait3A_1074 = tpu.memref_slice %arg4[%dma_wait3A_1069, %dma_wait3A_1073] : memref<2x320000xi32, #tpu.memory_space<hbm>> -> memref<1x40xi32, #tpu.memory_space<hbm>>
      %dma_wait3A_1075 = tpu.memref_squeeze %dma_wait3A_1074 : memref<1x40xi32, #tpu.memory_space<hbm>> -> memref<40xi32, #tpu.memory_space<hbm>>
      tpu.wait_dma2 semaphore(%arg29 : memref<!tpu.dma_semaphore, #tpu.memory_space<semaphore_mem>>) src(%dma_wait3A_1075 : memref<40xi32, #tpu.memory_space<hbm>>) dst(%arg12 : memref<40xi32, #tpu.memory_space<vmem>>)
      %dma_start3A_1076 = arith.constant 0 : i32
      %dma_start3A_1077 = arith.constant 0 : i32
      %dma_start3A_1078 = tpu.memref_slice %arg2[%dma_start3A_1076, %dma_start3A_1077] : memref<10000x144xf32, #tpu.memory_space<hbm>> -> memref<10000x144xf32, #tpu.memory_space<hbm>>
      tpu.enqueue_indirect_dma source(%dma_start3A_1078 : memref<10000x144xf32, #tpu.memory_space<hbm>>) target(%arg17 : memref<40x144xf32, #tpu.memory_space<vmem>>) offsets(%arg9 : memref<40xi32, #tpu.memory_space<vmem>>) semaphore(%arg26 : memref<!tpu.dma_semaphore, #tpu.memory_space<semaphore_mem>>)
      %dma_start3A_1079 = arith.constant 0 : i32
      %dma_start3A_1080 = arith.constant 0 : i32
      %dma_start3A_1081 = tpu.memref_slice %arg3[%dma_start3A_1079, %dma_start3A_1080] : memref<10000x16xf32, #tpu.memory_space<hbm>> -> memref<10000x16xf32, #tpu.memory_space<hbm>>
      tpu.enqueue_indirect_dma source(%dma_start3A_1081 : memref<10000x16xf32, #tpu.memory_space<hbm>>) target(%arg20 : memref<40x16xf32, #tpu.memory_space<vmem>>) offsets(%arg12 : memref<40xi32, #tpu.memory_space<vmem>>) semaphore(%arg26 : memref<!tpu.dma_semaphore, #tpu.memory_space<semaphore_mem>>)
      %scan3A_1082 = arith.constant 0 : i32
      %scan3A_1083 = arith.constant 40 : i32
      %scan3A_1084 = arith.addi %scan3A_1082, %scan3A_1083 : i32
      %scan3A_1085 = arith.constant 1 : i32
      scf.for %scan3A_1165 = %scan3A_1082 to %scan3A_1084 step %scan3A_1085  : i32 {
        %mul3A_1166 = arith.constant 1 : i32
        %mul3A_1167 = arith.muli %scan3A_1165, %mul3A_1166 : i32
        %add3A_1168 = arith.constant 0 : i32
        %add3A_1169 = arith.addi %add3A_1168, %mul3A_1167 : i32
        %get3A_1170 = arith.index_cast %add3A_1169 : i32 to index
        %get3A_1171 = arith.constant 128 : index
        %get3A_1172 = tpu.vector_load %arg15[%get3A_1170, %get3A_1171] {strides = array<i32>} : memref<40x144xf32, #tpu.memory_space<vmem>>, vector<1x16xf32>,
        %get3A_1173 = vector.shape_cast %get3A_1172 : vector<1x16xf32> to vector<16xf32>
        %get3A_1174 = arith.index_cast %add3A_1169 : i32 to index
        %get3A_1175 = arith.constant 0 : index
        %get3A_1176 = tpu.vector_load %arg18[%get3A_1174, %get3A_1175] {strides = array<i32>} : memref<40x16xf32, #tpu.memory_space<vmem>>, vector<1x16xf32>,
        %get3A_1177 = vector.shape_cast %get3A_1176 : vector<1x16xf32> to vector<16xf32>
        %add3A_1178 = arith.addf %get3A_1173, %get3A_1177 : vector<16xf32>
        %mul3A_1179 = arith.constant 2.000000e-01 : f32
        %mul3A_1180 = vector.broadcast %mul3A_1179 : f32 to vector<16xf32>
        %mul3A_1181 = arith.mulf %add3A_1178, %mul3A_1180 : vector<16xf32>
        %max3A = arith.maximumf %add3A_1178, %mul3A_1181 : vector<16xf32>
        %exp3A = math.exp %max3A : vector<16xf32>
        %swap3A_1182 = arith.index_cast %add3A_1169 : i32 to index
        %swap3A_1183 = arith.constant 128 : index
        %swap3A_1184 = tpu.vector_load %arg21[%swap3A_1182, %swap3A_1183] {strides = array<i32>} : memref<40x144xf32, #tpu.memory_space<vmem>>, vector<1x16xf32>,
        %swap3A_1185 = vector.shape_cast %swap3A_1184 : vector<1x16xf32> to vector<16xf32>
        %swap3A_1186 = vector.shape_cast %exp3A : vector<16xf32> to vector<1x16xf32>
        tpu.vector_store %arg21[%swap3A_1182, %swap3A_1183], %swap3A_1186 {strides = array<i32>} : memref<40x144xf32, #tpu.memory_space<vmem>>, vector<1x16xf32>,
        %broadcast_in_dim3A = arith.constant 0 : i32
        %broadcast_in_dim3A_1187 = vector.broadcast %broadcast_in_dim3A : i32 to vector<16x1xi32>
        %gather3A = vector.shape_cast %broadcast_in_dim3A_1187 : vector<16x1xi32> to vector<16xi32>
        %gather3A_1188 = tpu.dynamic_gather %exp3A[%gather3A] in [0] : vector<16xf32>, vector<16xi32> -> vector<16xf32>
        %get3A_1189 = arith.index_cast %add3A_1169 : i32 to index
        %get3A_1190 = arith.constant 0 : index
        %get3A_1191 = tpu.vector_load %arg15[%get3A_1189, %get3A_1190] {strides = array<i32>} : memref<40x144xf32, #tpu.memory_space<vmem>>, vector<1x16xf32>,
        %get3A_1192 = vector.shape_cast %get3A_1191 : vector<1x16xf32> to vector<16xf32>
        %mul3A_1193 = arith.mulf %get3A_1192, %gather3A_1188 : vector<16xf32>
        %swap3A_1194 = arith.index_cast %add3A_1169 : i32 to index
        %swap3A_1195 = arith.constant 0 : index
        %swap3A_1196 = tpu.vector_load %arg21[%swap3A_1194, %swap3A_1195] {strides = array<i32>} : memref<40x144xf32, #tpu.memory_space<vmem>>, vector<1x16xf32>,
        %swap3A_1197 = vector.shape_cast %swap3A_1196 : vector<1x16xf32> to vector<16xf32>
        %swap3A_1198 = vector.shape_cast %mul3A_1193 : vector<16xf32> to vector<1x16xf32>
        tpu.vector_store %arg21[%swap3A_1194, %swap3A_1195], %swap3A_1198 {strides = array<i32>} : memref<40x144xf32, #tpu.memory_space<vmem>>, vector<1x16xf32>,
        %broadcast_in_dim3A_1199 = arith.constant 1 : i32
        %broadcast_in_dim3A_1200 = vector.broadcast %broadcast_in_dim3A_1199 : i32 to vector<16x1xi32>
        %gather3A_1201 = vector.shape_cast %broadcast_in_dim3A_1200 : vector<16x1xi32> to vector<16xi32>
        %gather3A_1202 = tpu.dynamic_gather %exp3A[%gather3A_1201] in [0] : vector<16xf32>, vector<16xi32> -> vector<16xf32>
        %get3A_1203 = arith.index_cast %add3A_1169 : i32 to index
        %get3A_1204 = arith.constant 16 : index
        %get3A_1205 = tpu.vector_load %arg15[%get3A_1203, %get3A_1204] {strides = array<i32>} : memref<40x144xf32, #tpu.memory_space<vmem>>, vector<1x16xf32>,
        %get3A_1206 = vector.shape_cast %get3A_1205 : vector<1x16xf32> to vector<16xf32>
        %mul3A_1207 = arith.mulf %get3A_1206, %gather3A_1202 : vector<16xf32>
        %swap3A_1208 = arith.index_cast %add3A_1169 : i32 to index
        %swap3A_1209 = arith.constant 16 : index
        %swap3A_1210 = tpu.vector_load %arg21[%swap3A_1208, %swap3A_1209] {strides = array<i32>} : memref<40x144xf32, #tpu.memory_space<vmem>>, vector<1x16xf32>,
        %swap3A_1211 = vector.shape_cast %swap3A_1210 : vector<1x16xf32> to vector<16xf32>
        %swap3A_1212 = vector.shape_cast %mul3A_1207 : vector<16xf32> to vector<1x16xf32>
        tpu.vector_store %arg21[%swap3A_1208, %swap3A_1209], %swap3A_1212 {strides = array<i32>} : memref<40x144xf32, #tpu.memory_space<vmem>>, vector<1x16xf32>,
        %broadcast_in_dim3A_1213 = arith.constant 2 : i32
        %broadcast_in_dim3A_1214 = vector.broadcast %broadcast_in_dim3A_1213 : i32 to vector<16x1xi32>
        %gather3A_1215 = vector.shape_cast %broadcast_in_dim3A_1214 : vector<16x1xi32> to vector<16xi32>
        %gather3A_1216 = tpu.dynamic_gather %exp3A[%gather3A_1215] in [0] : vector<16xf32>, vector<16xi32> -> vector<16xf32>
        %get3A_1217 = arith.index_cast %add3A_1169 : i32 to index
        %get3A_1218 = arith.constant 32 : index
        %get3A_1219 = tpu.vector_load %arg15[%get3A_1217, %get3A_1218] {strides = array<i32>} : memref<40x144xf32, #tpu.memory_space<vmem>>, vector<1x16xf32>,
        %get3A_1220 = vector.shape_cast %get3A_1219 : vector<1x16xf32> to vector<16xf32>
        %mul3A_1221 = arith.mulf %get3A_1220, %gather3A_1216 : vector<16xf32>
        %swap3A_1222 = arith.index_cast %add3A_1169 : i32 to index
        %swap3A_1223 = arith.constant 32 : index
        %swap3A_1224 = tpu.vector_load %arg21[%swap3A_1222, %swap3A_1223] {strides = array<i32>} : memref<40x144xf32, #tpu.memory_space<vmem>>, vector<1x16xf32>,
        %swap3A_1225 = vector.shape_cast %swap3A_1224 : vector<1x16xf32> to vector<16xf32>
        %swap3A_1226 = vector.shape_cast %mul3A_1221 : vector<16xf32> to vector<1x16xf32>
        tpu.vector_store %arg21[%swap3A_1222, %swap3A_1223], %swap3A_1226 {strides = array<i32>} : memref<40x144xf32, #tpu.memory_space<vmem>>, vector<1x16xf32>,
        %broadcast_in_dim3A_1227 = arith.constant 3 : i32
        %broadcast_in_dim3A_1228 = vector.broadcast %broadcast_in_dim3A_1227 : i32 to vector<16x1xi32>
        %gather3A_1229 = vector.shape_cast %broadcast_in_dim3A_1228 : vector<16x1xi32> to vector<16xi32>
        %gather3A_1230 = tpu.dynamic_gather %exp3A[%gather3A_1229] in [0] : vector<16xf32>, vector<16xi32> -> vector<16xf32>
        %get3A_1231 = arith.index_cast %add3A_1169 : i32 to index
        %get3A_1232 = arith.constant 48 : index
        %get3A_1233 = tpu.vector_load %arg15[%get3A_1231, %get3A_1232] {strides = array<i32>} : memref<40x144xf32, #tpu.memory_space<vmem>>, vector<1x16xf32>,
        %get3A_1234 = vector.shape_cast %get3A_1233 : vector<1x16xf32> to vector<16xf32>
        %mul3A_1235 = arith.mulf %get3A_1234, %gather3A_1230 : vector<16xf32>
        %swap3A_1236 = arith.index_cast %add3A_1169 : i32 to index
        %swap3A_1237 = arith.constant 48 : index
        %swap3A_1238 = tpu.vector_load %arg21[%swap3A_1236, %swap3A_1237] {strides = array<i32>} : memref<40x144xf32, #tpu.memory_space<vmem>>, vector<1x16xf32>,
        %swap3A_1239 = vector.shape_cast %swap3A_1238 : vector<1x16xf32> to vector<16xf32>
        %swap3A_1240 = vector.shape_cast %mul3A_1235 : vector<16xf32> to vector<1x16xf32>
        tpu.vector_store %arg21[%swap3A_1236, %swap3A_1237], %swap3A_1240 {strides = array<i32>} : memref<40x144xf32, #tpu.memory_space<vmem>>, vector<1x16xf32>,
        %broadcast_in_dim3A_1241 = arith.constant 4 : i32
        %broadcast_in_dim3A_1242 = vector.broadcast %broadcast_in_dim3A_1241 : i32 to vector<16x1xi32>
        %gather3A_1243 = vector.shape_cast %broadcast_in_dim3A_1242 : vector<16x1xi32> to vector<16xi32>
        %gather3A_1244 = tpu.dynamic_gather %exp3A[%gather3A_1243] in [0] : vector<16xf32>, vector<16xi32> -> vector<16xf32>
        %get3A_1245 = arith.index_cast %add3A_1169 : i32 to index
        %get3A_1246 = arith.constant 64 : index
        %get3A_1247 = tpu.vector_load %arg15[%get3A_1245, %get3A_1246] {strides = array<i32>} : memref<40x144xf32, #tpu.memory_space<vmem>>, vector<1x16xf32>,
        %get3A_1248 = vector.shape_cast %get3A_1247 : vector<1x16xf32> to vector<16xf32>
        %mul3A_1249 = arith.mulf %get3A_1248, %gather3A_1244 : vector<16xf32>
        %swap3A_1250 = arith.index_cast %add3A_1169 : i32 to index
        %swap3A_1251 = arith.constant 64 : index
        %swap3A_1252 = tpu.vector_load %arg21[%swap3A_1250, %swap3A_1251] {strides = array<i32>} : memref<40x144xf32, #tpu.memory_space<vmem>>, vector<1x16xf32>,
        %swap3A_1253 = vector.shape_cast %swap3A_1252 : vector<1x16xf32> to vector<16xf32>
        %swap3A_1254 = vector.shape_cast %mul3A_1249 : vector<16xf32> to vector<1x16xf32>
        tpu.vector_store %arg21[%swap3A_1250, %swap3A_1251], %swap3A_1254 {strides = array<i32>} : memref<40x144xf32, #tpu.memory_space<vmem>>, vector<1x16xf32>,
        %broadcast_in_dim3A_1255 = arith.constant 5 : i32
        %broadcast_in_dim3A_1256 = vector.broadcast %broadcast_in_dim3A_1255 : i32 to vector<16x1xi32>
        %gather3A_1257 = vector.shape_cast %broadcast_in_dim3A_1256 : vector<16x1xi32> to vector<16xi32>
        %gather3A_1258 = tpu.dynamic_gather %exp3A[%gather3A_1257] in [0] : vector<16xf32>, vector<16xi32> -> vector<16xf32>
        %get3A_1259 = arith.index_cast %add3A_1169 : i32 to index
        %get3A_1260 = arith.constant 80 : index
        %get3A_1261 = tpu.vector_load %arg15[%get3A_1259, %get3A_1260] {strides = array<i32>} : memref<40x144xf32, #tpu.memory_space<vmem>>, vector<1x16xf32>,
        %get3A_1262 = vector.shape_cast %get3A_1261 : vector<1x16xf32> to vector<16xf32>
        %mul3A_1263 = arith.mulf %get3A_1262, %gather3A_1258 : vector<16xf32>
        %swap3A_1264 = arith.index_cast %add3A_1169 : i32 to index
        %swap3A_1265 = arith.constant 80 : index
        %swap3A_1266 = tpu.vector_load %arg21[%swap3A_1264, %swap3A_1265] {strides = array<i32>} : memref<40x144xf32, #tpu.memory_space<vmem>>, vector<1x16xf32>,
        %swap3A_1267 = vector.shape_cast %swap3A_1266 : vector<1x16xf32> to vector<16xf32>
        %swap3A_1268 = vector.shape_cast %mul3A_1263 : vector<16xf32> to vector<1x16xf32>
        tpu.vector_store %arg21[%swap3A_1264, %swap3A_1265], %swap3A_1268 {strides = array<i32>} : memref<40x144xf32, #tpu.memory_space<vmem>>, vector<1x16xf32>,
        %broadcast_in_dim3A_1269 = arith.constant 6 : i32
        %broadcast_in_dim3A_1270 = vector.broadcast %broadcast_in_dim3A_1269 : i32 to vector<16x1xi32>
        %gather3A_1271 = vector.shape_cast %broadcast_in_dim3A_1270 : vector<16x1xi32> to vector<16xi32>
        %gather3A_1272 = tpu.dynamic_gather %exp3A[%gather3A_1271] in [0] : vector<16xf32>, vector<16xi32> -> vector<16xf32>
        %get3A_1273 = arith.index_cast %add3A_1169 : i32 to index
        %get3A_1274 = arith.constant 96 : index
        %get3A_1275 = tpu.vector_load %arg15[%get3A_1273, %get3A_1274] {strides = array<i32>} : memref<40x144xf32, #tpu.memory_space<vmem>>, vector<1x16xf32>,
        %get3A_1276 = vector.shape_cast %get3A_1275 : vector<1x16xf32> to vector<16xf32>
        %mul3A_1277 = arith.mulf %get3A_1276, %gather3A_1272 : vector<16xf32>
        %swap3A_1278 = arith.index_cast %add3A_1169 : i32 to index
        %swap3A_1279 = arith.constant 96 : index
        %swap3A_1280 = tpu.vector_load %arg21[%swap3A_1278, %swap3A_1279] {strides = array<i32>} : memref<40x144xf32, #tpu.memory_space<vmem>>, vector<1x16xf32>,
        %swap3A_1281 = vector.shape_cast %swap3A_1280 : vector<1x16xf32> to vector<16xf32>
        %swap3A_1282 = vector.shape_cast %mul3A_1277 : vector<16xf32> to vector<1x16xf32>
        tpu.vector_store %arg21[%swap3A_1278, %swap3A_1279], %swap3A_1282 {strides = array<i32>} : memref<40x144xf32, #tpu.memory_space<vmem>>, vector<1x16xf32>,
        %broadcast_in_dim3A_1283 = arith.constant 7 : i32
        %broadcast_in_dim3A_1284 = vector.broadcast %broadcast_in_dim3A_1283 : i32 to vector<16x1xi32>
        %gather3A_1285 = vector.shape_cast %broadcast_in_dim3A_1284 : vector<16x1xi32> to vector<16xi32>
        %gather3A_1286 = tpu.dynamic_gather %exp3A[%gather3A_1285] in [0] : vector<16xf32>, vector<16xi32> -> vector<16xf32>
        %get3A_1287 = arith.index_cast %add3A_1169 : i32 to index
        %get3A_1288 = arith.constant 112 : index
        %get3A_1289 = tpu.vector_load %arg15[%get3A_1287, %get3A_1288] {strides = array<i32>} : memref<40x144xf32, #tpu.memory_space<vmem>>, vector<1x16xf32>,
        %get3A_1290 = vector.shape_cast %get3A_1289 : vector<1x16xf32> to vector<16xf32>
        %mul3A_1291 = arith.mulf %get3A_1290, %gather3A_1286 : vector<16xf32>
        %swap3A_1292 = arith.index_cast %add3A_1169 : i32 to index
        %swap3A_1293 = arith.constant 112 : index
        %swap3A_1294 = tpu.vector_load %arg21[%swap3A_1292, %swap3A_1293] {strides = array<i32>} : memref<40x144xf32, #tpu.memory_space<vmem>>, vector<1x16xf32>,
        %swap3A_1295 = vector.shape_cast %swap3A_1294 : vector<1x16xf32> to vector<16xf32>
        %swap3A_1296 = vector.shape_cast %mul3A_1291 : vector<16xf32> to vector<1x16xf32>
        tpu.vector_store %arg21[%swap3A_1292, %swap3A_1293], %swap3A_1296 {strides = array<i32>} : memref<40x144xf32, #tpu.memory_space<vmem>>, vector<1x16xf32>,
      }
      %scan3A_1086 = arith.constant 40 : i32
      %dma_start3A_1087 = arith.constant 0 : i32
      %dma_start3A_1088 = arith.constant 0 : i32
      %dma_start3A_1089 = tpu.memref_slice %arg23[%dma_start3A_1087, %dma_start3A_1088] : memref<10000x144xf32, #tpu.memory_space<vmem_shared>> -> memref<10000x144xf32, #tpu.memory_space<vmem_shared>>
      tpu.enqueue_indirect_dma source(%arg21 : memref<40x144xf32, #tpu.memory_space<vmem>>) target(%dma_start3A_1089 : memref<10000x144xf32, #tpu.memory_space<vmem_shared>>) offsets(%arg13 : memref<40xi32, #tpu.memory_space<vmem>>) semaphore(%arg30 : memref<!tpu.dma_semaphore, #tpu.memory_space<semaphore_mem>>) {add = true}
      %add3A_1090 = arith.constant 5 : i32
      %add3A_1091 = arith.addi %add3A_714, %add3A_1090 : i32
      %dma_wait3A_1092 = arith.constant 0 : i32
      %dma_wait3A_1093 = arith.constant 0 : i32
      %dma_wait3A_1094 = tpu.memref_slice %arg2[%dma_wait3A_1092, %dma_wait3A_1093] : memref<10000x144xf32, #tpu.memory_space<hbm>> -> memref<10000x144xf32, #tpu.memory_space<hbm>>
      tpu.wait_indirect_dma semaphore(%arg25 : memref<!tpu.dma_semaphore, #tpu.memory_space<semaphore_mem>>) src(%dma_wait3A_1094 : memref<10000x144xf32, #tpu.memory_space<hbm>>) dst(%arg16 : memref<40x144xf32, #tpu.memory_space<vmem>>)
      %dma_wait3A_1095 = arith.constant 0 : i32
      %dma_wait3A_1096 = arith.constant 0 : i32
      %dma_wait3A_1097 = tpu.memref_slice %arg3[%dma_wait3A_1095, %dma_wait3A_1096] : memref<10000x16xf32, #tpu.memory_space<hbm>> -> memref<10000x16xf32, #tpu.memory_space<hbm>>
      tpu.wait_indirect_dma semaphore(%arg25 : memref<!tpu.dma_semaphore, #tpu.memory_space<semaphore_mem>>) src(%dma_wait3A_1097 : memref<10000x16xf32, #tpu.memory_space<hbm>>) dst(%arg19 : memref<40x16xf32, #tpu.memory_space<vmem>>)
      %dma_wait3A_1098 = arith.constant 0 : i32
      %dma_wait3A_1099 = arith.constant 0 : i32
      %dma_wait3A_1100 = tpu.memref_slice %arg23[%dma_wait3A_1098, %dma_wait3A_1099] : memref<10000x144xf32, #tpu.memory_space<vmem_shared>> -> memref<10000x144xf32, #tpu.memory_space<vmem_shared>>
      tpu.wait_indirect_dma semaphore(%arg31 : memref<!tpu.dma_semaphore, #tpu.memory_space<semaphore_mem>>) src(%arg22 : memref<40x144xf32, #tpu.memory_space<vmem>>) dst(%dma_wait3A_1100 : memref<10000x144xf32, #tpu.memory_space<vmem_shared>>)
      %get3A_1101 = arith.constant 0 : index
      %get3A_1102 = tpu.vector_load %arg11[%get3A_1101] {strides = array<i32>} : memref<40xi32, #tpu.memory_space<vmem>>, vector<16xi32>,
      %get3A_1103 = vector.shape_cast %get3A_1102 : vector<16xi32> to vector<16xi32>
      %swap3A_1104 = arith.constant 0 : index
      %swap3A_1105 = tpu.vector_load %arg14[%swap3A_1104] {strides = array<i32>} : memref<40xi32, #tpu.memory_space<vmem>>, vector<16xi32>,
      %swap3A_1106 = vector.shape_cast %swap3A_1105 : vector<16xi32> to vector<16xi32>
      %swap3A_1107 = vector.shape_cast %get3A_1103 : vector<16xi32> to vector<16xi32>
      tpu.vector_store %arg14[%swap3A_1104], %swap3A_1107 {strides = array<i32>} : memref<40xi32, #tpu.memory_space<vmem>>, vector<16xi32>,
      %get3A_1108 = arith.constant 16 : index
      %get3A_1109 = tpu.vector_load %arg11[%get3A_1108] {strides = array<i32>} : memref<40xi32, #tpu.memory_space<vmem>>, vector<16xi32>,
      %get3A_1110 = vector.shape_cast %get3A_1109 : vector<16xi32> to vector<16xi32>
      %swap3A_1111 = arith.constant 16 : index
      %swap3A_1112 = tpu.vector_load %arg14[%swap3A_1111] {strides = array<i32>} : memref<40xi32, #tpu.memory_space<vmem>>, vector<16xi32>,
      %swap3A_1113 = vector.shape_cast %swap3A_1112 : vector<16xi32> to vector<16xi32>
      %swap3A_1114 = vector.shape_cast %get3A_1110 : vector<16xi32> to vector<16xi32>
      tpu.vector_store %arg14[%swap3A_1111], %swap3A_1114 {strides = array<i32>} : memref<40xi32, #tpu.memory_space<vmem>>, vector<16xi32>,
      %get3A_1115 = arith.constant 24 : index
      %get3A_1116 = tpu.vector_load %arg11[%get3A_1115] {strides = array<i32>} : memref<40xi32, #tpu.memory_space<vmem>>, vector<16xi32>,
      %get3A_1117 = vector.shape_cast %get3A_1116 : vector<16xi32> to vector<16xi32>
      %swap3A_1118 = arith.constant 24 : index
      %swap3A_1119 = tpu.vector_load %arg14[%swap3A_1118] {strides = array<i32>} : memref<40xi32, #tpu.memory_space<vmem>>, vector<16xi32>,
      %swap3A_1120 = vector.shape_cast %swap3A_1119 : vector<16xi32> to vector<16xi32>
      %swap3A_1121 = vector.shape_cast %get3A_1117 : vector<16xi32> to vector<16xi32>
      tpu.vector_store %arg14[%swap3A_1118], %swap3A_1121 {strides = array<i32>} : memref<40xi32, #tpu.memory_space<vmem>>, vector<16xi32>,
      %add3A_1122 = arith.constant 3 : i32
      %add3A_1123 = arith.addi %add3A_1091, %add3A_1122 : i32
      %mul3A_1124 = arith.constant 40 : i32
      %mul3A_1125 = arith.muli %add3A_1123, %mul3A_1124 : i32
      %add3A_1126 = arith.addi %mul3A_2, %mul3A_1125 : i32
      %dma_start3A_1127 = arith.constant 0 : i32
      %dma_start3A_1128 = tpu.memref_slice %arg4[%dma_start3A_1127, %add3A_1126] : memref<2x320000xi32, #tpu.memory_space<hbm>> -> memref<1x40xi32, #tpu.memory_space<hbm>>
      %dma_start3A_1129 = tpu.memref_squeeze %dma_start3A_1128 : memref<1x40xi32, #tpu.memory_space<hbm>> -> memref<40xi32, #tpu.memory_space<hbm>>
      %dma_start3A_1130 = tpu.memref_slice %arg4[%dma_start3A_1127, %add3A_1126] : memref<2x320000xi32, #tpu.memory_space<hbm>> -> memref<1x40xi32, #tpu.memory_space<hbm>>
      %dma_start3A_1131 = tpu.memref_squeeze %dma_start3A_1130 : memref<1x40xi32, #tpu.memory_space<hbm>> -> memref<40xi32, #tpu.memory_space<hbm>>
      tpu.enqueue_dma source(%dma_start3A_1131 : memref<40xi32, #tpu.memory_space<hbm>>) target(%arg8 : memref<40xi32, #tpu.memory_space<vmem>>) target_semaphore(%arg28 : memref<!tpu.dma_semaphore, #tpu.memory_space<semaphore_mem>>)
      %dma_start3A_1132 = arith.constant 1 : i32
      %dma_start3A_1133 = tpu.memref_slice %arg4[%dma_start3A_1132, %add3A_1126] : memref<2x320000xi32, #tpu.memory_space<hbm>> -> memref<1x40xi32, #tpu.memory_space<hbm>>
      %dma_start3A_1134 = tpu.memref_squeeze %dma_start3A_1133 : memref<1x40xi32, #tpu.memory_space<hbm>> -> memref<40xi32, #tpu.memory_space<hbm>>
      %dma_start3A_1135 = tpu.memref_slice %arg4[%dma_start3A_1132, %add3A_1126] : memref<2x320000xi32, #tpu.memory_space<hbm>> -> memref<1x40xi32, #tpu.memory_space<hbm>>
      %dma_start3A_1136 = tpu.memref_squeeze %dma_start3A_1135 : memref<1x40xi32, #tpu.memory_space<hbm>> -> memref<40xi32, #tpu.memory_space<hbm>>
      tpu.enqueue_dma source(%dma_start3A_1136 : memref<40xi32, #tpu.memory_space<hbm>>) target(%arg11 : memref<40xi32, #tpu.memory_space<vmem>>) target_semaphore(%arg28 : memref<!tpu.dma_semaphore, #tpu.memory_space<semaphore_mem>>)
      %dma_wait3A_1137 = arith.constant 0 : i32
      %dma_wait3A_1138 = arith.constant 0 : i32
      %dma_wait3A_1139 = tpu.memref_slice %arg4[%dma_wait3A_1137, %dma_wait3A_1138] : memref<2x320000xi32, #tpu.memory_space<hbm>> -> memref<1x40xi32, #tpu.memory_space<hbm>>
      %dma_wait3A_1140 = tpu.memref_squeeze %dma_wait3A_1139 : memref<1x40xi32, #tpu.memory_space<hbm>> -> memref<40xi32, #tpu.memory_space<hbm>>
      %dma_wait3A_1141 = arith.constant 0 : i32
      %dma_wait3A_1142 = tpu.memref_slice %arg4[%dma_wait3A_1137, %dma_wait3A_1141] : memref<2x320000xi32, #tpu.memory_space<hbm>> -> memref<1x40xi32, #tpu.memory_space<hbm>>
      %dma_wait3A_1143 = tpu.memref_squeeze %dma_wait3A_1142 : memref<1x40xi32, #tpu.memory_space<hbm>> -> memref<40xi32, #tpu.memory_space<hbm>>
      tpu.wait_dma2 semaphore(%arg27 : memref<!tpu.dma_semaphore, #tpu.memory_space<semaphore_mem>>) src(%dma_wait3A_1143 : memref<40xi32, #tpu.memory_space<hbm>>) dst(%arg7 : memref<40xi32, #tpu.memory_space<vmem>>)
      %dma_wait3A_1144 = arith.constant 1 : i32
      %dma_wait3A_1145 = arith.constant 0 : i32
      %dma_wait3A_1146 = tpu.memref_slice %arg4[%dma_wait3A_1144, %dma_wait3A_1145] : memref<2x320000xi32, #tpu.memory_space<hbm>> -> memref<1x40xi32, #tpu.memory_space<hbm>>
      %dma_wait3A_1147 = tpu.memref_squeeze %dma_wait3A_1146 : memref<1x40xi32, #tpu.memory_space<hbm>> -> memref<40xi32, #tpu.memory_space<hbm>>
      %dma_wait3A_1148 = arith.constant 0 : i32
      %dma_wait3A_1149 = tpu.memref_slice %arg4[%dma_wait3A_1144, %dma_wait3A_1148] : memref<2x320000xi32, #tpu.memory_space<hbm>> -> memref<1x40xi32, #tpu.memory_space<hbm>>
      %dma_wait3A_1150 = tpu.memref_squeeze %dma_wait3A_1149 : memref<1x40xi32, #tpu.memory_space<hbm>> -> memref<40xi32, #tpu.memory_space<hbm>>
      tpu.wait_dma2 semaphore(%arg27 : memref<!tpu.dma_semaphore, #tpu.memory_space<semaphore_mem>>) src(%dma_wait3A_1150 : memref<40xi32, #tpu.memory_space<hbm>>) dst(%arg10 : memref<40xi32, #tpu.memory_space<vmem>>)
      %dma_start3A_1151 = arith.constant 0 : i32
      %dma_start3A_1152 = arith.constant 0 : i32
      %dma_start3A_1153 = tpu.memref_slice %arg2[%dma_start3A_1151, %dma_start3A_1152] : memref<10000x144xf32, #tpu.memory_space<hbm>> -> memref<10000x144xf32, #tpu.memory_space<hbm>>
      tpu.enqueue_indirect_dma source(%dma_start3A_1153 : memref<10000x144xf32, #tpu.memory_space<hbm>>) target(%arg15 : memref<40x144xf32, #tpu.memory_space<vmem>>) offsets(%arg7 : memref<40xi32, #tpu.memory_space<vmem>>) semaphore(%arg24 : memref<!tpu.dma_semaphore, #tpu.memory_space<semaphore_mem>>)
      %dma_start3A_1154 = arith.constant 0 : i32
      %dma_start3A_1155 = arith.constant 0 : i32
      %dma_start3A_1156 = tpu.memref_slice %arg3[%dma_start3A_1154, %dma_start3A_1155] : memref<10000x16xf32, #tpu.memory_space<hbm>> -> memref<10000x16xf32, #tpu.memory_space<hbm>>
      tpu.enqueue_indirect_dma source(%dma_start3A_1156 : memref<10000x16xf32, #tpu.memory_space<hbm>>) target(%arg18 : memref<40x16xf32, #tpu.memory_space<vmem>>) offsets(%arg10 : memref<40xi32, #tpu.memory_space<vmem>>) semaphore(%arg24 : memref<!tpu.dma_semaphore, #tpu.memory_space<semaphore_mem>>)
      %scan3A_1157 = arith.constant 0 : i32
      %scan3A_1158 = arith.constant 40 : i32
      %scan3A_1159 = arith.addi %scan3A_1157, %scan3A_1158 : i32
      %scan3A_1160 = arith.constant 1 : i32
      scf.for %scan3A_1165 = %scan3A_1157 to %scan3A_1159 step %scan3A_1160  : i32 {
        %mul3A_1166 = arith.constant 1 : i32
        %mul3A_1167 = arith.muli %scan3A_1165, %mul3A_1166 : i32
        %add3A_1168 = arith.constant 0 : i32
        %add3A_1169 = arith.addi %add3A_1168, %mul3A_1167 : i32
        %get3A_1170 = arith.index_cast %add3A_1169 : i32 to index
        %get3A_1171 = arith.constant 128 : index
        %get3A_1172 = tpu.vector_load %arg16[%get3A_1170, %get3A_1171] {strides = array<i32>} : memref<40x144xf32, #tpu.memory_space<vmem>>, vector<1x16xf32>,
        %get3A_1173 = vector.shape_cast %get3A_1172 : vector<1x16xf32> to vector<16xf32>
        %get3A_1174 = arith.index_cast %add3A_1169 : i32 to index
        %get3A_1175 = arith.constant 0 : index
        %get3A_1176 = tpu.vector_load %arg19[%get3A_1174, %get3A_1175] {strides = array<i32>} : memref<40x16xf32, #tpu.memory_space<vmem>>, vector<1x16xf32>,
        %get3A_1177 = vector.shape_cast %get3A_1176 : vector<1x16xf32> to vector<16xf32>
        %add3A_1178 = arith.addf %get3A_1173, %get3A_1177 : vector<16xf32>
        %mul3A_1179 = arith.constant 2.000000e-01 : f32
        %mul3A_1180 = vector.broadcast %mul3A_1179 : f32 to vector<16xf32>
        %mul3A_1181 = arith.mulf %add3A_1178, %mul3A_1180 : vector<16xf32>
        %max3A = arith.maximumf %add3A_1178, %mul3A_1181 : vector<16xf32>
        %exp3A = math.exp %max3A : vector<16xf32>
        %swap3A_1182 = arith.index_cast %add3A_1169 : i32 to index
        %swap3A_1183 = arith.constant 128 : index
        %swap3A_1184 = tpu.vector_load %arg22[%swap3A_1182, %swap3A_1183] {strides = array<i32>} : memref<40x144xf32, #tpu.memory_space<vmem>>, vector<1x16xf32>,
        %swap3A_1185 = vector.shape_cast %swap3A_1184 : vector<1x16xf32> to vector<16xf32>
        %swap3A_1186 = vector.shape_cast %exp3A : vector<16xf32> to vector<1x16xf32>
        tpu.vector_store %arg22[%swap3A_1182, %swap3A_1183], %swap3A_1186 {strides = array<i32>} : memref<40x144xf32, #tpu.memory_space<vmem>>, vector<1x16xf32>,
        %broadcast_in_dim3A = arith.constant 0 : i32
        %broadcast_in_dim3A_1187 = vector.broadcast %broadcast_in_dim3A : i32 to vector<16x1xi32>
        %gather3A = vector.shape_cast %broadcast_in_dim3A_1187 : vector<16x1xi32> to vector<16xi32>
        %gather3A_1188 = tpu.dynamic_gather %exp3A[%gather3A] in [0] : vector<16xf32>, vector<16xi32> -> vector<16xf32>
        %get3A_1189 = arith.index_cast %add3A_1169 : i32 to index
        %get3A_1190 = arith.constant 0 : index
        %get3A_1191 = tpu.vector_load %arg16[%get3A_1189, %get3A_1190] {strides = array<i32>} : memref<40x144xf32, #tpu.memory_space<vmem>>, vector<1x16xf32>,
        %get3A_1192 = vector.shape_cast %get3A_1191 : vector<1x16xf32> to vector<16xf32>
        %mul3A_1193 = arith.mulf %get3A_1192, %gather3A_1188 : vector<16xf32>
        %swap3A_1194 = arith.index_cast %add3A_1169 : i32 to index
        %swap3A_1195 = arith.constant 0 : index
        %swap3A_1196 = tpu.vector_load %arg22[%swap3A_1194, %swap3A_1195] {strides = array<i32>} : memref<40x144xf32, #tpu.memory_space<vmem>>, vector<1x16xf32>,
        %swap3A_1197 = vector.shape_cast %swap3A_1196 : vector<1x16xf32> to vector<16xf32>
        %swap3A_1198 = vector.shape_cast %mul3A_1193 : vector<16xf32> to vector<1x16xf32>
        tpu.vector_store %arg22[%swap3A_1194, %swap3A_1195], %swap3A_1198 {strides = array<i32>} : memref<40x144xf32, #tpu.memory_space<vmem>>, vector<1x16xf32>,
        %broadcast_in_dim3A_1199 = arith.constant 1 : i32
        %broadcast_in_dim3A_1200 = vector.broadcast %broadcast_in_dim3A_1199 : i32 to vector<16x1xi32>
        %gather3A_1201 = vector.shape_cast %broadcast_in_dim3A_1200 : vector<16x1xi32> to vector<16xi32>
        %gather3A_1202 = tpu.dynamic_gather %exp3A[%gather3A_1201] in [0] : vector<16xf32>, vector<16xi32> -> vector<16xf32>
        %get3A_1203 = arith.index_cast %add3A_1169 : i32 to index
        %get3A_1204 = arith.constant 16 : index
        %get3A_1205 = tpu.vector_load %arg16[%get3A_1203, %get3A_1204] {strides = array<i32>} : memref<40x144xf32, #tpu.memory_space<vmem>>, vector<1x16xf32>,
        %get3A_1206 = vector.shape_cast %get3A_1205 : vector<1x16xf32> to vector<16xf32>
        %mul3A_1207 = arith.mulf %get3A_1206, %gather3A_1202 : vector<16xf32>
        %swap3A_1208 = arith.index_cast %add3A_1169 : i32 to index
        %swap3A_1209 = arith.constant 16 : index
        %swap3A_1210 = tpu.vector_load %arg22[%swap3A_1208, %swap3A_1209] {strides = array<i32>} : memref<40x144xf32, #tpu.memory_space<vmem>>, vector<1x16xf32>,
        %swap3A_1211 = vector.shape_cast %swap3A_1210 : vector<1x16xf32> to vector<16xf32>
        %swap3A_1212 = vector.shape_cast %mul3A_1207 : vector<16xf32> to vector<1x16xf32>
        tpu.vector_store %arg22[%swap3A_1208, %swap3A_1209], %swap3A_1212 {strides = array<i32>} : memref<40x144xf32, #tpu.memory_space<vmem>>, vector<1x16xf32>,
        %broadcast_in_dim3A_1213 = arith.constant 2 : i32
        %broadcast_in_dim3A_1214 = vector.broadcast %broadcast_in_dim3A_1213 : i32 to vector<16x1xi32>
        %gather3A_1215 = vector.shape_cast %broadcast_in_dim3A_1214 : vector<16x1xi32> to vector<16xi32>
        %gather3A_1216 = tpu.dynamic_gather %exp3A[%gather3A_1215] in [0] : vector<16xf32>, vector<16xi32> -> vector<16xf32>
        %get3A_1217 = arith.index_cast %add3A_1169 : i32 to index
        %get3A_1218 = arith.constant 32 : index
        %get3A_1219 = tpu.vector_load %arg16[%get3A_1217, %get3A_1218] {strides = array<i32>} : memref<40x144xf32, #tpu.memory_space<vmem>>, vector<1x16xf32>,
        %get3A_1220 = vector.shape_cast %get3A_1219 : vector<1x16xf32> to vector<16xf32>
        %mul3A_1221 = arith.mulf %get3A_1220, %gather3A_1216 : vector<16xf32>
        %swap3A_1222 = arith.index_cast %add3A_1169 : i32 to index
        %swap3A_1223 = arith.constant 32 : index
        %swap3A_1224 = tpu.vector_load %arg22[%swap3A_1222, %swap3A_1223] {strides = array<i32>} : memref<40x144xf32, #tpu.memory_space<vmem>>, vector<1x16xf32>,
        %swap3A_1225 = vector.shape_cast %swap3A_1224 : vector<1x16xf32> to vector<16xf32>
        %swap3A_1226 = vector.shape_cast %mul3A_1221 : vector<16xf32> to vector<1x16xf32>
        tpu.vector_store %arg22[%swap3A_1222, %swap3A_1223], %swap3A_1226 {strides = array<i32>} : memref<40x144xf32, #tpu.memory_space<vmem>>, vector<1x16xf32>,
        %broadcast_in_dim3A_1227 = arith.constant 3 : i32
        %broadcast_in_dim3A_1228 = vector.broadcast %broadcast_in_dim3A_1227 : i32 to vector<16x1xi32>
        %gather3A_1229 = vector.shape_cast %broadcast_in_dim3A_1228 : vector<16x1xi32> to vector<16xi32>
        %gather3A_1230 = tpu.dynamic_gather %exp3A[%gather3A_1229] in [0] : vector<16xf32>, vector<16xi32> -> vector<16xf32>
        %get3A_1231 = arith.index_cast %add3A_1169 : i32 to index
        %get3A_1232 = arith.constant 48 : index
        %get3A_1233 = tpu.vector_load %arg16[%get3A_1231, %get3A_1232] {strides = array<i32>} : memref<40x144xf32, #tpu.memory_space<vmem>>, vector<1x16xf32>,
        %get3A_1234 = vector.shape_cast %get3A_1233 : vector<1x16xf32> to vector<16xf32>
        %mul3A_1235 = arith.mulf %get3A_1234, %gather3A_1230 : vector<16xf32>
        %swap3A_1236 = arith.index_cast %add3A_1169 : i32 to index
        %swap3A_1237 = arith.constant 48 : index
        %swap3A_1238 = tpu.vector_load %arg22[%swap3A_1236, %swap3A_1237] {strides = array<i32>} : memref<40x144xf32, #tpu.memory_space<vmem>>, vector<1x16xf32>,
        %swap3A_1239 = vector.shape_cast %swap3A_1238 : vector<1x16xf32> to vector<16xf32>
        %swap3A_1240 = vector.shape_cast %mul3A_1235 : vector<16xf32> to vector<1x16xf32>
        tpu.vector_store %arg22[%swap3A_1236, %swap3A_1237], %swap3A_1240 {strides = array<i32>} : memref<40x144xf32, #tpu.memory_space<vmem>>, vector<1x16xf32>,
        %broadcast_in_dim3A_1241 = arith.constant 4 : i32
        %broadcast_in_dim3A_1242 = vector.broadcast %broadcast_in_dim3A_1241 : i32 to vector<16x1xi32>
        %gather3A_1243 = vector.shape_cast %broadcast_in_dim3A_1242 : vector<16x1xi32> to vector<16xi32>
        %gather3A_1244 = tpu.dynamic_gather %exp3A[%gather3A_1243] in [0] : vector<16xf32>, vector<16xi32> -> vector<16xf32>
        %get3A_1245 = arith.index_cast %add3A_1169 : i32 to index
        %get3A_1246 = arith.constant 64 : index
        %get3A_1247 = tpu.vector_load %arg16[%get3A_1245, %get3A_1246] {strides = array<i32>} : memref<40x144xf32, #tpu.memory_space<vmem>>, vector<1x16xf32>,
        %get3A_1248 = vector.shape_cast %get3A_1247 : vector<1x16xf32> to vector<16xf32>
        %mul3A_1249 = arith.mulf %get3A_1248, %gather3A_1244 : vector<16xf32>
        %swap3A_1250 = arith.index_cast %add3A_1169 : i32 to index
        %swap3A_1251 = arith.constant 64 : index
        %swap3A_1252 = tpu.vector_load %arg22[%swap3A_1250, %swap3A_1251] {strides = array<i32>} : memref<40x144xf32, #tpu.memory_space<vmem>>, vector<1x16xf32>,
        %swap3A_1253 = vector.shape_cast %swap3A_1252 : vector<1x16xf32> to vector<16xf32>
        %swap3A_1254 = vector.shape_cast %mul3A_1249 : vector<16xf32> to vector<1x16xf32>
        tpu.vector_store %arg22[%swap3A_1250, %swap3A_1251], %swap3A_1254 {strides = array<i32>} : memref<40x144xf32, #tpu.memory_space<vmem>>, vector<1x16xf32>,
        %broadcast_in_dim3A_1255 = arith.constant 5 : i32
        %broadcast_in_dim3A_1256 = vector.broadcast %broadcast_in_dim3A_1255 : i32 to vector<16x1xi32>
        %gather3A_1257 = vector.shape_cast %broadcast_in_dim3A_1256 : vector<16x1xi32> to vector<16xi32>
        %gather3A_1258 = tpu.dynamic_gather %exp3A[%gather3A_1257] in [0] : vector<16xf32>, vector<16xi32> -> vector<16xf32>
        %get3A_1259 = arith.index_cast %add3A_1169 : i32 to index
        %get3A_1260 = arith.constant 80 : index
        %get3A_1261 = tpu.vector_load %arg16[%get3A_1259, %get3A_1260] {strides = array<i32>} : memref<40x144xf32, #tpu.memory_space<vmem>>, vector<1x16xf32>,
        %get3A_1262 = vector.shape_cast %get3A_1261 : vector<1x16xf32> to vector<16xf32>
        %mul3A_1263 = arith.mulf %get3A_1262, %gather3A_1258 : vector<16xf32>
        %swap3A_1264 = arith.index_cast %add3A_1169 : i32 to index
        %swap3A_1265 = arith.constant 80 : index
        %swap3A_1266 = tpu.vector_load %arg22[%swap3A_1264, %swap3A_1265] {strides = array<i32>} : memref<40x144xf32, #tpu.memory_space<vmem>>, vector<1x16xf32>,
        %swap3A_1267 = vector.shape_cast %swap3A_1266 : vector<1x16xf32> to vector<16xf32>
        %swap3A_1268 = vector.shape_cast %mul3A_1263 : vector<16xf32> to vector<1x16xf32>
        tpu.vector_store %arg22[%swap3A_1264, %swap3A_1265], %swap3A_1268 {strides = array<i32>} : memref<40x144xf32, #tpu.memory_space<vmem>>, vector<1x16xf32>,
        %broadcast_in_dim3A_1269 = arith.constant 6 : i32
        %broadcast_in_dim3A_1270 = vector.broadcast %broadcast_in_dim3A_1269 : i32 to vector<16x1xi32>
        %gather3A_1271 = vector.shape_cast %broadcast_in_dim3A_1270 : vector<16x1xi32> to vector<16xi32>
        %gather3A_1272 = tpu.dynamic_gather %exp3A[%gather3A_1271] in [0] : vector<16xf32>, vector<16xi32> -> vector<16xf32>
        %get3A_1273 = arith.index_cast %add3A_1169 : i32 to index
        %get3A_1274 = arith.constant 96 : index
        %get3A_1275 = tpu.vector_load %arg16[%get3A_1273, %get3A_1274] {strides = array<i32>} : memref<40x144xf32, #tpu.memory_space<vmem>>, vector<1x16xf32>,
        %get3A_1276 = vector.shape_cast %get3A_1275 : vector<1x16xf32> to vector<16xf32>
        %mul3A_1277 = arith.mulf %get3A_1276, %gather3A_1272 : vector<16xf32>
        %swap3A_1278 = arith.index_cast %add3A_1169 : i32 to index
        %swap3A_1279 = arith.constant 96 : index
        %swap3A_1280 = tpu.vector_load %arg22[%swap3A_1278, %swap3A_1279] {strides = array<i32>} : memref<40x144xf32, #tpu.memory_space<vmem>>, vector<1x16xf32>,
        %swap3A_1281 = vector.shape_cast %swap3A_1280 : vector<1x16xf32> to vector<16xf32>
        %swap3A_1282 = vector.shape_cast %mul3A_1277 : vector<16xf32> to vector<1x16xf32>
        tpu.vector_store %arg22[%swap3A_1278, %swap3A_1279], %swap3A_1282 {strides = array<i32>} : memref<40x144xf32, #tpu.memory_space<vmem>>, vector<1x16xf32>,
        %broadcast_in_dim3A_1283 = arith.constant 7 : i32
        %broadcast_in_dim3A_1284 = vector.broadcast %broadcast_in_dim3A_1283 : i32 to vector<16x1xi32>
        %gather3A_1285 = vector.shape_cast %broadcast_in_dim3A_1284 : vector<16x1xi32> to vector<16xi32>
        %gather3A_1286 = tpu.dynamic_gather %exp3A[%gather3A_1285] in [0] : vector<16xf32>, vector<16xi32> -> vector<16xf32>
        %get3A_1287 = arith.index_cast %add3A_1169 : i32 to index
        %get3A_1288 = arith.constant 112 : index
        %get3A_1289 = tpu.vector_load %arg16[%get3A_1287, %get3A_1288] {strides = array<i32>} : memref<40x144xf32, #tpu.memory_space<vmem>>, vector<1x16xf32>,
        %get3A_1290 = vector.shape_cast %get3A_1289 : vector<1x16xf32> to vector<16xf32>
        %mul3A_1291 = arith.mulf %get3A_1290, %gather3A_1286 : vector<16xf32>
        %swap3A_1292 = arith.index_cast %add3A_1169 : i32 to index
        %swap3A_1293 = arith.constant 112 : index
        %swap3A_1294 = tpu.vector_load %arg22[%swap3A_1292, %swap3A_1293] {strides = array<i32>} : memref<40x144xf32, #tpu.memory_space<vmem>>, vector<1x16xf32>,
        %swap3A_1295 = vector.shape_cast %swap3A_1294 : vector<1x16xf32> to vector<16xf32>
        %swap3A_1296 = vector.shape_cast %mul3A_1291 : vector<16xf32> to vector<1x16xf32>
        tpu.vector_store %arg22[%swap3A_1292, %swap3A_1293], %swap3A_1296 {strides = array<i32>} : memref<40x144xf32, #tpu.memory_space<vmem>>, vector<1x16xf32>,
      }
      %scan3A_1161 = arith.constant 40 : i32
      %dma_start3A_1162 = arith.constant 0 : i32
      %dma_start3A_1163 = arith.constant 0 : i32
      %dma_start3A_1164 = tpu.memref_slice %arg23[%dma_start3A_1162, %dma_start3A_1163] : memref<10000x144xf32, #tpu.memory_space<vmem_shared>> -> memref<10000x144xf32, #tpu.memory_space<vmem_shared>>
      tpu.enqueue_indirect_dma source(%arg22 : memref<40x144xf32, #tpu.memory_space<vmem>>) target(%dma_start3A_1164 : memref<10000x144xf32, #tpu.memory_space<vmem_shared>>) offsets(%arg14 : memref<40xi32, #tpu.memory_space<vmem>>) semaphore(%arg31 : memref<!tpu.dma_semaphore, #tpu.memory_space<semaphore_mem>>) {add = true}
    }
    %scan3A_214 = arith.constant 40 : i32
    %dma_wait3A_215 = arith.constant 0 : i32
    %dma_wait3A_216 = arith.constant 0 : i32
    %dma_wait3A_217 = tpu.memref_slice %arg2[%dma_wait3A_215, %dma_wait3A_216] : memref<10000x144xf32, #tpu.memory_space<hbm>> -> memref<10000x144xf32, #tpu.memory_space<hbm>>
    tpu.wait_indirect_dma semaphore(%arg26 : memref<!tpu.dma_semaphore, #tpu.memory_space<semaphore_mem>>) src(%dma_wait3A_217 : memref<10000x144xf32, #tpu.memory_space<hbm>>) dst(%arg17 : memref<40x144xf32, #tpu.memory_space<vmem>>)
    %dma_wait3A_218 = arith.constant 0 : i32
    %dma_wait3A_219 = arith.constant 0 : i32
    %dma_wait3A_220 = tpu.memref_slice %arg3[%dma_wait3A_218, %dma_wait3A_219] : memref<10000x16xf32, #tpu.memory_space<hbm>> -> memref<10000x16xf32, #tpu.memory_space<hbm>>
    tpu.wait_indirect_dma semaphore(%arg26 : memref<!tpu.dma_semaphore, #tpu.memory_space<semaphore_mem>>) src(%dma_wait3A_220 : memref<10000x16xf32, #tpu.memory_space<hbm>>) dst(%arg20 : memref<40x16xf32, #tpu.memory_space<vmem>>)
    %dma_wait3A_221 = arith.constant 0 : i32
    %dma_wait3A_222 = arith.constant 0 : i32
    %dma_wait3A_223 = tpu.memref_slice %arg23[%dma_wait3A_221, %dma_wait3A_222] : memref<10000x144xf32, #tpu.memory_space<vmem_shared>> -> memref<10000x144xf32, #tpu.memory_space<vmem_shared>>
    tpu.wait_indirect_dma semaphore(%arg30 : memref<!tpu.dma_semaphore, #tpu.memory_space<semaphore_mem>>) src(%arg21 : memref<40x144xf32, #tpu.memory_space<vmem>>) dst(%dma_wait3A_223 : memref<10000x144xf32, #tpu.memory_space<vmem_shared>>)
    %get3A_224 = arith.constant 0 : index
    %get3A_225 = tpu.vector_load %arg12[%get3A_224] {strides = array<i32>} : memref<40xi32, #tpu.memory_space<vmem>>, vector<16xi32>,
    %get3A_226 = vector.shape_cast %get3A_225 : vector<16xi32> to vector<16xi32>
    %swap3A_227 = arith.constant 0 : index
    %swap3A_228 = tpu.vector_load %arg13[%swap3A_227] {strides = array<i32>} : memref<40xi32, #tpu.memory_space<vmem>>, vector<16xi32>,
    %swap3A_229 = vector.shape_cast %swap3A_228 : vector<16xi32> to vector<16xi32>
    %swap3A_230 = vector.shape_cast %get3A_226 : vector<16xi32> to vector<16xi32>
    tpu.vector_store %arg13[%swap3A_227], %swap3A_230 {strides = array<i32>} : memref<40xi32, #tpu.memory_space<vmem>>, vector<16xi32>,
    %get3A_231 = arith.constant 16 : index
    %get3A_232 = tpu.vector_load %arg12[%get3A_231] {strides = array<i32>} : memref<40xi32, #tpu.memory_space<vmem>>, vector<16xi32>,
    %get3A_233 = vector.shape_cast %get3A_232 : vector<16xi32> to vector<16xi32>
    %swap3A_234 = arith.constant 16 : index
    %swap3A_235 = tpu.vector_load %arg13[%swap3A_234] {strides = array<i32>} : memref<40xi32, #tpu.memory_space<vmem>>, vector<16xi32>,
    %swap3A_236 = vector.shape_cast %swap3A_235 : vector<16xi32> to vector<16xi32>
    %swap3A_237 = vector.shape_cast %get3A_233 : vector<16xi32> to vector<16xi32>
    tpu.vector_store %arg13[%swap3A_234], %swap3A_237 {strides = array<i32>} : memref<40xi32, #tpu.memory_space<vmem>>, vector<16xi32>,
    %get3A_238 = arith.constant 24 : index
    %get3A_239 = tpu.vector_load %arg12[%get3A_238] {strides = array<i32>} : memref<40xi32, #tpu.memory_space<vmem>>, vector<16xi32>,
    %get3A_240 = vector.shape_cast %get3A_239 : vector<16xi32> to vector<16xi32>
    %swap3A_241 = arith.constant 24 : index
    %swap3A_242 = tpu.vector_load %arg13[%swap3A_241] {strides = array<i32>} : memref<40xi32, #tpu.memory_space<vmem>>, vector<16xi32>,
    %swap3A_243 = vector.shape_cast %swap3A_242 : vector<16xi32> to vector<16xi32>
    %swap3A_244 = vector.shape_cast %get3A_240 : vector<16xi32> to vector<16xi32>
    tpu.vector_store %arg13[%swap3A_241], %swap3A_244 {strides = array<i32>} : memref<40xi32, #tpu.memory_space<vmem>>, vector<16xi32>,
    %add3A_245 = arith.constant 9800 : i32
    %add3A_246 = arith.addi %mul3A_2, %add3A_245 : i32
    %dma_start3A_247 = arith.constant 0 : i32
    %dma_start3A_248 = tpu.memref_slice %arg4[%dma_start3A_247, %add3A_246] : memref<2x320000xi32, #tpu.memory_space<hbm>> -> memref<1x40xi32, #tpu.memory_space<hbm>>
    %dma_start3A_249 = tpu.memref_squeeze %dma_start3A_248 : memref<1x40xi32, #tpu.memory_space<hbm>> -> memref<40xi32, #tpu.memory_space<hbm>>
    %dma_start3A_250 = tpu.memref_slice %arg4[%dma_start3A_247, %add3A_246] : memref<2x320000xi32, #tpu.memory_space<hbm>> -> memref<1x40xi32, #tpu.memory_space<hbm>>
    %dma_start3A_251 = tpu.memref_squeeze %dma_start3A_250 : memref<1x40xi32, #tpu.memory_space<hbm>> -> memref<40xi32, #tpu.memory_space<hbm>>
    tpu.enqueue_dma source(%dma_start3A_251 : memref<40xi32, #tpu.memory_space<hbm>>) target(%arg9 : memref<40xi32, #tpu.memory_space<vmem>>) target_semaphore(%arg29 : memref<!tpu.dma_semaphore, #tpu.memory_space<semaphore_mem>>)
    %dma_start3A_252 = arith.constant 1 : i32
    %dma_start3A_253 = tpu.memref_slice %arg4[%dma_start3A_252, %add3A_246] : memref<2x320000xi32, #tpu.memory_space<hbm>> -> memref<1x40xi32, #tpu.memory_space<hbm>>
    %dma_start3A_254 = tpu.memref_squeeze %dma_start3A_253 : memref<1x40xi32, #tpu.memory_space<hbm>> -> memref<40xi32, #tpu.memory_space<hbm>>
    %dma_start3A_255 = tpu.memref_slice %arg4[%dma_start3A_252, %add3A_246] : memref<2x320000xi32, #tpu.memory_space<hbm>> -> memref<1x40xi32, #tpu.memory_space<hbm>>
    %dma_start3A_256 = tpu.memref_squeeze %dma_start3A_255 : memref<1x40xi32, #tpu.memory_space<hbm>> -> memref<40xi32, #tpu.memory_space<hbm>>
    tpu.enqueue_dma source(%dma_start3A_256 : memref<40xi32, #tpu.memory_space<hbm>>) target(%arg12 : memref<40xi32, #tpu.memory_space<vmem>>) target_semaphore(%arg29 : memref<!tpu.dma_semaphore, #tpu.memory_space<semaphore_mem>>)
    %dma_wait3A_257 = arith.constant 0 : i32
    %dma_wait3A_258 = arith.constant 0 : i32
    %dma_wait3A_259 = tpu.memref_slice %arg4[%dma_wait3A_257, %dma_wait3A_258] : memref<2x320000xi32, #tpu.memory_space<hbm>> -> memref<1x40xi32, #tpu.memory_space<hbm>>
    %dma_wait3A_260 = tpu.memref_squeeze %dma_wait3A_259 : memref<1x40xi32, #tpu.memory_space<hbm>> -> memref<40xi32, #tpu.memory_space<hbm>>
    %dma_wait3A_261 = arith.constant 0 : i32
    %dma_wait3A_262 = tpu.memref_slice %arg4[%dma_wait3A_257, %dma_wait3A_261] : memref<2x320000xi32, #tpu.memory_space<hbm>> -> memref<1x40xi32, #tpu.memory_space<hbm>>
    %dma_wait3A_263 = tpu.memref_squeeze %dma_wait3A_262 : memref<1x40xi32, #tpu.memory_space<hbm>> -> memref<40xi32, #tpu.memory_space<hbm>>
    tpu.wait_dma2 semaphore(%arg28 : memref<!tpu.dma_semaphore, #tpu.memory_space<semaphore_mem>>) src(%dma_wait3A_263 : memref<40xi32, #tpu.memory_space<hbm>>) dst(%arg8 : memref<40xi32, #tpu.memory_space<vmem>>)
    %dma_wait3A_264 = arith.constant 1 : i32
    %dma_wait3A_265 = arith.constant 0 : i32
    %dma_wait3A_266 = tpu.memref_slice %arg4[%dma_wait3A_264, %dma_wait3A_265] : memref<2x320000xi32, #tpu.memory_space<hbm>> -> memref<1x40xi32, #tpu.memory_space<hbm>>
    %dma_wait3A_267 = tpu.memref_squeeze %dma_wait3A_266 : memref<1x40xi32, #tpu.memory_space<hbm>> -> memref<40xi32, #tpu.memory_space<hbm>>
    %dma_wait3A_268 = arith.constant 0 : i32
    %dma_wait3A_269 = tpu.memref_slice %arg4[%dma_wait3A_264, %dma_wait3A_268] : memref<2x320000xi32, #tpu.memory_space<hbm>> -> memref<1x40xi32, #tpu.memory_space<hbm>>
    %dma_wait3A_270 = tpu.memref_squeeze %dma_wait3A_269 : memref<1x40xi32, #tpu.memory_space<hbm>> -> memref<40xi32, #tpu.memory_space<hbm>>
    tpu.wait_dma2 semaphore(%arg28 : memref<!tpu.dma_semaphore, #tpu.memory_space<semaphore_mem>>) src(%dma_wait3A_270 : memref<40xi32, #tpu.memory_space<hbm>>) dst(%arg11 : memref<40xi32, #tpu.memory_space<vmem>>)
    %dma_start3A_271 = arith.constant 0 : i32
    %dma_start3A_272 = arith.constant 0 : i32
    %dma_start3A_273 = tpu.memref_slice %arg2[%dma_start3A_271, %dma_start3A_272] : memref<10000x144xf32, #tpu.memory_space<hbm>> -> memref<10000x144xf32, #tpu.memory_space<hbm>>
    tpu.enqueue_indirect_dma source(%dma_start3A_273 : memref<10000x144xf32, #tpu.memory_space<hbm>>) target(%arg16 : memref<40x144xf32, #tpu.memory_space<vmem>>) offsets(%arg8 : memref<40xi32, #tpu.memory_space<vmem>>) semaphore(%arg25 : memref<!tpu.dma_semaphore, #tpu.memory_space<semaphore_mem>>)
    %dma_start3A_274 = arith.constant 0 : i32
    %dma_start3A_275 = arith.constant 0 : i32
    %dma_start3A_276 = tpu.memref_slice %arg3[%dma_start3A_274, %dma_start3A_275] : memref<10000x16xf32, #tpu.memory_space<hbm>> -> memref<10000x16xf32, #tpu.memory_space<hbm>>
    tpu.enqueue_indirect_dma source(%dma_start3A_276 : memref<10000x16xf32, #tpu.memory_space<hbm>>) target(%arg19 : memref<40x16xf32, #tpu.memory_space<vmem>>) offsets(%arg11 : memref<40xi32, #tpu.memory_space<vmem>>) semaphore(%arg25 : memref<!tpu.dma_semaphore, #tpu.memory_space<semaphore_mem>>)
    %scan3A_277 = arith.constant 0 : i32
    %scan3A_278 = arith.constant 40 : i32
    %scan3A_279 = arith.addi %scan3A_277, %scan3A_278 : i32
    %scan3A_280 = arith.constant 1 : i32
    scf.for %scan3A_706 = %scan3A_277 to %scan3A_279 step %scan3A_280  : i32 {
      %mul3A_707 = arith.constant 1 : i32
      %mul3A_708 = arith.muli %scan3A_706, %mul3A_707 : i32
      %add3A_709 = arith.constant 0 : i32
      %add3A_710 = arith.addi %add3A_709, %mul3A_708 : i32
      %get3A_711 = arith.index_cast %add3A_710 : i32 to index
      %get3A_712 = arith.constant 128 : index
      %get3A_713 = tpu.vector_load %arg17[%get3A_711, %get3A_712] {strides = array<i32>} : memref<40x144xf32, #tpu.memory_space<vmem>>, vector<1x16xf32>,
      %get3A_714 = vector.shape_cast %get3A_713 : vector<1x16xf32> to vector<16xf32>
      %get3A_715 = arith.index_cast %add3A_710 : i32 to index
      %get3A_716 = arith.constant 0 : index
      %get3A_717 = tpu.vector_load %arg20[%get3A_715, %get3A_716] {strides = array<i32>} : memref<40x16xf32, #tpu.memory_space<vmem>>, vector<1x16xf32>,
      %get3A_718 = vector.shape_cast %get3A_717 : vector<1x16xf32> to vector<16xf32>
      %add3A_719 = arith.addf %get3A_714, %get3A_718 : vector<16xf32>
      %mul3A_720 = arith.constant 2.000000e-01 : f32
      %mul3A_721 = vector.broadcast %mul3A_720 : f32 to vector<16xf32>
      %mul3A_722 = arith.mulf %add3A_719, %mul3A_721 : vector<16xf32>
      %max3A = arith.maximumf %add3A_719, %mul3A_722 : vector<16xf32>
      %exp3A = math.exp %max3A : vector<16xf32>
      %swap3A_723 = arith.index_cast %add3A_710 : i32 to index
      %swap3A_724 = arith.constant 128 : index
      %swap3A_725 = tpu.vector_load %arg21[%swap3A_723, %swap3A_724] {strides = array<i32>} : memref<40x144xf32, #tpu.memory_space<vmem>>, vector<1x16xf32>,
      %swap3A_726 = vector.shape_cast %swap3A_725 : vector<1x16xf32> to vector<16xf32>
      %swap3A_727 = vector.shape_cast %exp3A : vector<16xf32> to vector<1x16xf32>
      tpu.vector_store %arg21[%swap3A_723, %swap3A_724], %swap3A_727 {strides = array<i32>} : memref<40x144xf32, #tpu.memory_space<vmem>>, vector<1x16xf32>,
      %broadcast_in_dim3A = arith.constant 0 : i32
      %broadcast_in_dim3A_728 = vector.broadcast %broadcast_in_dim3A : i32 to vector<16x1xi32>
      %gather3A = vector.shape_cast %broadcast_in_dim3A_728 : vector<16x1xi32> to vector<16xi32>
      %gather3A_729 = tpu.dynamic_gather %exp3A[%gather3A] in [0] : vector<16xf32>, vector<16xi32> -> vector<16xf32>
      %get3A_730 = arith.index_cast %add3A_710 : i32 to index
      %get3A_731 = arith.constant 0 : index
      %get3A_732 = tpu.vector_load %arg17[%get3A_730, %get3A_731] {strides = array<i32>} : memref<40x144xf32, #tpu.memory_space<vmem>>, vector<1x16xf32>,
      %get3A_733 = vector.shape_cast %get3A_732 : vector<1x16xf32> to vector<16xf32>
      %mul3A_734 = arith.mulf %get3A_733, %gather3A_729 : vector<16xf32>
      %swap3A_735 = arith.index_cast %add3A_710 : i32 to index
      %swap3A_736 = arith.constant 0 : index
      %swap3A_737 = tpu.vector_load %arg21[%swap3A_735, %swap3A_736] {strides = array<i32>} : memref<40x144xf32, #tpu.memory_space<vmem>>, vector<1x16xf32>,
      %swap3A_738 = vector.shape_cast %swap3A_737 : vector<1x16xf32> to vector<16xf32>
      %swap3A_739 = vector.shape_cast %mul3A_734 : vector<16xf32> to vector<1x16xf32>
      tpu.vector_store %arg21[%swap3A_735, %swap3A_736], %swap3A_739 {strides = array<i32>} : memref<40x144xf32, #tpu.memory_space<vmem>>, vector<1x16xf32>,
      %broadcast_in_dim3A_740 = arith.constant 1 : i32
      %broadcast_in_dim3A_741 = vector.broadcast %broadcast_in_dim3A_740 : i32 to vector<16x1xi32>
      %gather3A_742 = vector.shape_cast %broadcast_in_dim3A_741 : vector<16x1xi32> to vector<16xi32>
      %gather3A_743 = tpu.dynamic_gather %exp3A[%gather3A_742] in [0] : vector<16xf32>, vector<16xi32> -> vector<16xf32>
      %get3A_744 = arith.index_cast %add3A_710 : i32 to index
      %get3A_745 = arith.constant 16 : index
      %get3A_746 = tpu.vector_load %arg17[%get3A_744, %get3A_745] {strides = array<i32>} : memref<40x144xf32, #tpu.memory_space<vmem>>, vector<1x16xf32>,
      %get3A_747 = vector.shape_cast %get3A_746 : vector<1x16xf32> to vector<16xf32>
      %mul3A_748 = arith.mulf %get3A_747, %gather3A_743 : vector<16xf32>
      %swap3A_749 = arith.index_cast %add3A_710 : i32 to index
      %swap3A_750 = arith.constant 16 : index
      %swap3A_751 = tpu.vector_load %arg21[%swap3A_749, %swap3A_750] {strides = array<i32>} : memref<40x144xf32, #tpu.memory_space<vmem>>, vector<1x16xf32>,
      %swap3A_752 = vector.shape_cast %swap3A_751 : vector<1x16xf32> to vector<16xf32>
      %swap3A_753 = vector.shape_cast %mul3A_748 : vector<16xf32> to vector<1x16xf32>
      tpu.vector_store %arg21[%swap3A_749, %swap3A_750], %swap3A_753 {strides = array<i32>} : memref<40x144xf32, #tpu.memory_space<vmem>>, vector<1x16xf32>,
      %broadcast_in_dim3A_754 = arith.constant 2 : i32
      %broadcast_in_dim3A_755 = vector.broadcast %broadcast_in_dim3A_754 : i32 to vector<16x1xi32>
      %gather3A_756 = vector.shape_cast %broadcast_in_dim3A_755 : vector<16x1xi32> to vector<16xi32>
      %gather3A_757 = tpu.dynamic_gather %exp3A[%gather3A_756] in [0] : vector<16xf32>, vector<16xi32> -> vector<16xf32>
      %get3A_758 = arith.index_cast %add3A_710 : i32 to index
      %get3A_759 = arith.constant 32 : index
      %get3A_760 = tpu.vector_load %arg17[%get3A_758, %get3A_759] {strides = array<i32>} : memref<40x144xf32, #tpu.memory_space<vmem>>, vector<1x16xf32>,
      %get3A_761 = vector.shape_cast %get3A_760 : vector<1x16xf32> to vector<16xf32>
      %mul3A_762 = arith.mulf %get3A_761, %gather3A_757 : vector<16xf32>
      %swap3A_763 = arith.index_cast %add3A_710 : i32 to index
      %swap3A_764 = arith.constant 32 : index
      %swap3A_765 = tpu.vector_load %arg21[%swap3A_763, %swap3A_764] {strides = array<i32>} : memref<40x144xf32, #tpu.memory_space<vmem>>, vector<1x16xf32>,
      %swap3A_766 = vector.shape_cast %swap3A_765 : vector<1x16xf32> to vector<16xf32>
      %swap3A_767 = vector.shape_cast %mul3A_762 : vector<16xf32> to vector<1x16xf32>
      tpu.vector_store %arg21[%swap3A_763, %swap3A_764], %swap3A_767 {strides = array<i32>} : memref<40x144xf32, #tpu.memory_space<vmem>>, vector<1x16xf32>,
      %broadcast_in_dim3A_768 = arith.constant 3 : i32
      %broadcast_in_dim3A_769 = vector.broadcast %broadcast_in_dim3A_768 : i32 to vector<16x1xi32>
      %gather3A_770 = vector.shape_cast %broadcast_in_dim3A_769 : vector<16x1xi32> to vector<16xi32>
      %gather3A_771 = tpu.dynamic_gather %exp3A[%gather3A_770] in [0] : vector<16xf32>, vector<16xi32> -> vector<16xf32>
      %get3A_772 = arith.index_cast %add3A_710 : i32 to index
      %get3A_773 = arith.constant 48 : index
      %get3A_774 = tpu.vector_load %arg17[%get3A_772, %get3A_773] {strides = array<i32>} : memref<40x144xf32, #tpu.memory_space<vmem>>, vector<1x16xf32>,
      %get3A_775 = vector.shape_cast %get3A_774 : vector<1x16xf32> to vector<16xf32>
      %mul3A_776 = arith.mulf %get3A_775, %gather3A_771 : vector<16xf32>
      %swap3A_777 = arith.index_cast %add3A_710 : i32 to index
      %swap3A_778 = arith.constant 48 : index
      %swap3A_779 = tpu.vector_load %arg21[%swap3A_777, %swap3A_778] {strides = array<i32>} : memref<40x144xf32, #tpu.memory_space<vmem>>, vector<1x16xf32>,
      %swap3A_780 = vector.shape_cast %swap3A_779 : vector<1x16xf32> to vector<16xf32>
      %swap3A_781 = vector.shape_cast %mul3A_776 : vector<16xf32> to vector<1x16xf32>
      tpu.vector_store %arg21[%swap3A_777, %swap3A_778], %swap3A_781 {strides = array<i32>} : memref<40x144xf32, #tpu.memory_space<vmem>>, vector<1x16xf32>,
      %broadcast_in_dim3A_782 = arith.constant 4 : i32
      %broadcast_in_dim3A_783 = vector.broadcast %broadcast_in_dim3A_782 : i32 to vector<16x1xi32>
      %gather3A_784 = vector.shape_cast %broadcast_in_dim3A_783 : vector<16x1xi32> to vector<16xi32>
      %gather3A_785 = tpu.dynamic_gather %exp3A[%gather3A_784] in [0] : vector<16xf32>, vector<16xi32> -> vector<16xf32>
      %get3A_786 = arith.index_cast %add3A_710 : i32 to index
      %get3A_787 = arith.constant 64 : index
      %get3A_788 = tpu.vector_load %arg17[%get3A_786, %get3A_787] {strides = array<i32>} : memref<40x144xf32, #tpu.memory_space<vmem>>, vector<1x16xf32>,
      %get3A_789 = vector.shape_cast %get3A_788 : vector<1x16xf32> to vector<16xf32>
      %mul3A_790 = arith.mulf %get3A_789, %gather3A_785 : vector<16xf32>
      %swap3A_791 = arith.index_cast %add3A_710 : i32 to index
      %swap3A_792 = arith.constant 64 : index
      %swap3A_793 = tpu.vector_load %arg21[%swap3A_791, %swap3A_792] {strides = array<i32>} : memref<40x144xf32, #tpu.memory_space<vmem>>, vector<1x16xf32>,
      %swap3A_794 = vector.shape_cast %swap3A_793 : vector<1x16xf32> to vector<16xf32>
      %swap3A_795 = vector.shape_cast %mul3A_790 : vector<16xf32> to vector<1x16xf32>
      tpu.vector_store %arg21[%swap3A_791, %swap3A_792], %swap3A_795 {strides = array<i32>} : memref<40x144xf32, #tpu.memory_space<vmem>>, vector<1x16xf32>,
      %broadcast_in_dim3A_796 = arith.constant 5 : i32
      %broadcast_in_dim3A_797 = vector.broadcast %broadcast_in_dim3A_796 : i32 to vector<16x1xi32>
      %gather3A_798 = vector.shape_cast %broadcast_in_dim3A_797 : vector<16x1xi32> to vector<16xi32>
      %gather3A_799 = tpu.dynamic_gather %exp3A[%gather3A_798] in [0] : vector<16xf32>, vector<16xi32> -> vector<16xf32>
      %get3A_800 = arith.index_cast %add3A_710 : i32 to index
      %get3A_801 = arith.constant 80 : index
      %get3A_802 = tpu.vector_load %arg17[%get3A_800, %get3A_801] {strides = array<i32>} : memref<40x144xf32, #tpu.memory_space<vmem>>, vector<1x16xf32>,
      %get3A_803 = vector.shape_cast %get3A_802 : vector<1x16xf32> to vector<16xf32>
      %mul3A_804 = arith.mulf %get3A_803, %gather3A_799 : vector<16xf32>
      %swap3A_805 = arith.index_cast %add3A_710 : i32 to index
      %swap3A_806 = arith.constant 80 : index
      %swap3A_807 = tpu.vector_load %arg21[%swap3A_805, %swap3A_806] {strides = array<i32>} : memref<40x144xf32, #tpu.memory_space<vmem>>, vector<1x16xf32>,
      %swap3A_808 = vector.shape_cast %swap3A_807 : vector<1x16xf32> to vector<16xf32>
      %swap3A_809 = vector.shape_cast %mul3A_804 : vector<16xf32> to vector<1x16xf32>
      tpu.vector_store %arg21[%swap3A_805, %swap3A_806], %swap3A_809 {strides = array<i32>} : memref<40x144xf32, #tpu.memory_space<vmem>>, vector<1x16xf32>,
      %broadcast_in_dim3A_810 = arith.constant 6 : i32
      %broadcast_in_dim3A_811 = vector.broadcast %broadcast_in_dim3A_810 : i32 to vector<16x1xi32>
      %gather3A_812 = vector.shape_cast %broadcast_in_dim3A_811 : vector<16x1xi32> to vector<16xi32>
      %gather3A_813 = tpu.dynamic_gather %exp3A[%gather3A_812] in [0] : vector<16xf32>, vector<16xi32> -> vector<16xf32>
      %get3A_814 = arith.index_cast %add3A_710 : i32 to index
      %get3A_815 = arith.constant 96 : index
      %get3A_816 = tpu.vector_load %arg17[%get3A_814, %get3A_815] {strides = array<i32>} : memref<40x144xf32, #tpu.memory_space<vmem>>, vector<1x16xf32>,
      %get3A_817 = vector.shape_cast %get3A_816 : vector<1x16xf32> to vector<16xf32>
      %mul3A_818 = arith.mulf %get3A_817, %gather3A_813 : vector<16xf32>
      %swap3A_819 = arith.index_cast %add3A_710 : i32 to index
      %swap3A_820 = arith.constant 96 : index
      %swap3A_821 = tpu.vector_load %arg21[%swap3A_819, %swap3A_820] {strides = array<i32>} : memref<40x144xf32, #tpu.memory_space<vmem>>, vector<1x16xf32>,
      %swap3A_822 = vector.shape_cast %swap3A_821 : vector<1x16xf32> to vector<16xf32>
      %swap3A_823 = vector.shape_cast %mul3A_818 : vector<16xf32> to vector<1x16xf32>
      tpu.vector_store %arg21[%swap3A_819, %swap3A_820], %swap3A_823 {strides = array<i32>} : memref<40x144xf32, #tpu.memory_space<vmem>>, vector<1x16xf32>,
      %broadcast_in_dim3A_824 = arith.constant 7 : i32
      %broadcast_in_dim3A_825 = vector.broadcast %broadcast_in_dim3A_824 : i32 to vector<16x1xi32>
      %gather3A_826 = vector.shape_cast %broadcast_in_dim3A_825 : vector<16x1xi32> to vector<16xi32>
      %gather3A_827 = tpu.dynamic_gather %exp3A[%gather3A_826] in [0] : vector<16xf32>, vector<16xi32> -> vector<16xf32>
      %get3A_828 = arith.index_cast %add3A_710 : i32 to index
      %get3A_829 = arith.constant 112 : index
      %get3A_830 = tpu.vector_load %arg17[%get3A_828, %get3A_829] {strides = array<i32>} : memref<40x144xf32, #tpu.memory_space<vmem>>, vector<1x16xf32>,
      %get3A_831 = vector.shape_cast %get3A_830 : vector<1x16xf32> to vector<16xf32>
      %mul3A_832 = arith.mulf %get3A_831, %gather3A_827 : vector<16xf32>
      %swap3A_833 = arith.index_cast %add3A_710 : i32 to index
      %swap3A_834 = arith.constant 112 : index
      %swap3A_835 = tpu.vector_load %arg21[%swap3A_833, %swap3A_834] {strides = array<i32>} : memref<40x144xf32, #tpu.memory_space<vmem>>, vector<1x16xf32>,
      %swap3A_836 = vector.shape_cast %swap3A_835 : vector<1x16xf32> to vector<16xf32>
      %swap3A_837 = vector.shape_cast %mul3A_832 : vector<16xf32> to vector<1x16xf32>
      tpu.vector_store %arg21[%swap3A_833, %swap3A_834], %swap3A_837 {strides = array<i32>} : memref<40x144xf32, #tpu.memory_space<vmem>>, vector<1x16xf32>,
    }
    %scan3A_281 = arith.constant 40 : i32
    %dma_start3A_282 = arith.constant 0 : i32
    %dma_start3A_283 = arith.constant 0 : i32
    %dma_start3A_284 = tpu.memref_slice %arg23[%dma_start3A_282, %dma_start3A_283] : memref<10000x144xf32, #tpu.memory_space<vmem_shared>> -> memref<10000x144xf32, #tpu.memory_space<vmem_shared>>
    tpu.enqueue_indirect_dma source(%arg21 : memref<40x144xf32, #tpu.memory_space<vmem>>) target(%dma_start3A_284 : memref<10000x144xf32, #tpu.memory_space<vmem_shared>>) offsets(%arg13 : memref<40xi32, #tpu.memory_space<vmem>>) semaphore(%arg30 : memref<!tpu.dma_semaphore, #tpu.memory_space<semaphore_mem>>) {add = true}
    %dma_wait3A_285 = arith.constant 0 : i32
    %dma_wait3A_286 = arith.constant 0 : i32
    %dma_wait3A_287 = tpu.memref_slice %arg2[%dma_wait3A_285, %dma_wait3A_286] : memref<10000x144xf32, #tpu.memory_space<hbm>> -> memref<10000x144xf32, #tpu.memory_space<hbm>>
    tpu.wait_indirect_dma semaphore(%arg24 : memref<!tpu.dma_semaphore, #tpu.memory_space<semaphore_mem>>) src(%dma_wait3A_287 : memref<10000x144xf32, #tpu.memory_space<hbm>>) dst(%arg15 : memref<40x144xf32, #tpu.memory_space<vmem>>)
    %dma_wait3A_288 = arith.constant 0 : i32
    %dma_wait3A_289 = arith.constant 0 : i32
    %dma_wait3A_290 = tpu.memref_slice %arg3[%dma_wait3A_288, %dma_wait3A_289] : memref<10000x16xf32, #tpu.memory_space<hbm>> -> memref<10000x16xf32, #tpu.memory_space<hbm>>
    tpu.wait_indirect_dma semaphore(%arg24 : memref<!tpu.dma_semaphore, #tpu.memory_space<semaphore_mem>>) src(%dma_wait3A_290 : memref<10000x16xf32, #tpu.memory_space<hbm>>) dst(%arg18 : memref<40x16xf32, #tpu.memory_space<vmem>>)
    %dma_wait3A_291 = arith.constant 0 : i32
    %dma_wait3A_292 = arith.constant 0 : i32
    %dma_wait3A_293 = tpu.memref_slice %arg23[%dma_wait3A_291, %dma_wait3A_292] : memref<10000x144xf32, #tpu.memory_space<vmem_shared>> -> memref<10000x144xf32, #tpu.memory_space<vmem_shared>>
    tpu.wait_indirect_dma semaphore(%arg31 : memref<!tpu.dma_semaphore, #tpu.memory_space<semaphore_mem>>) src(%arg22 : memref<40x144xf32, #tpu.memory_space<vmem>>) dst(%dma_wait3A_293 : memref<10000x144xf32, #tpu.memory_space<vmem_shared>>)
    %get3A_294 = arith.constant 0 : index
    %get3A_295 = tpu.vector_load %arg10[%get3A_294] {strides = array<i32>} : memref<40xi32, #tpu.memory_space<vmem>>, vector<16xi32>,
    %get3A_296 = vector.shape_cast %get3A_295 : vector<16xi32> to vector<16xi32>
    %swap3A_297 = arith.constant 0 : index
    %swap3A_298 = tpu.vector_load %arg14[%swap3A_297] {strides = array<i32>} : memref<40xi32, #tpu.memory_space<vmem>>, vector<16xi32>,
    %swap3A_299 = vector.shape_cast %swap3A_298 : vector<16xi32> to vector<16xi32>
    %swap3A_300 = vector.shape_cast %get3A_296 : vector<16xi32> to vector<16xi32>
    tpu.vector_store %arg14[%swap3A_297], %swap3A_300 {strides = array<i32>} : memref<40xi32, #tpu.memory_space<vmem>>, vector<16xi32>,
    %get3A_301 = arith.constant 16 : index
    %get3A_302 = tpu.vector_load %arg10[%get3A_301] {strides = array<i32>} : memref<40xi32, #tpu.memory_space<vmem>>, vector<16xi32>,
    %get3A_303 = vector.shape_cast %get3A_302 : vector<16xi32> to vector<16xi32>
    %swap3A_304 = arith.constant 16 : index
    %swap3A_305 = tpu.vector_load %arg14[%swap3A_304] {strides = array<i32>} : memref<40xi32, #tpu.memory_space<vmem>>, vector<16xi32>,
    %swap3A_306 = vector.shape_cast %swap3A_305 : vector<16xi32> to vector<16xi32>
    %swap3A_307 = vector.shape_cast %get3A_303 : vector<16xi32> to vector<16xi32>
    tpu.vector_store %arg14[%swap3A_304], %swap3A_307 {strides = array<i32>} : memref<40xi32, #tpu.memory_space<vmem>>, vector<16xi32>,
    %get3A_308 = arith.constant 24 : index
    %get3A_309 = tpu.vector_load %arg10[%get3A_308] {strides = array<i32>} : memref<40xi32, #tpu.memory_space<vmem>>, vector<16xi32>,
    %get3A_310 = vector.shape_cast %get3A_309 : vector<16xi32> to vector<16xi32>
    %swap3A_311 = arith.constant 24 : index
    %swap3A_312 = tpu.vector_load %arg14[%swap3A_311] {strides = array<i32>} : memref<40xi32, #tpu.memory_space<vmem>>, vector<16xi32>,
    %swap3A_313 = vector.shape_cast %swap3A_312 : vector<16xi32> to vector<16xi32>
    %swap3A_314 = vector.shape_cast %get3A_310 : vector<16xi32> to vector<16xi32>
    tpu.vector_store %arg14[%swap3A_311], %swap3A_314 {strides = array<i32>} : memref<40xi32, #tpu.memory_space<vmem>>, vector<16xi32>,
    %add3A_315 = arith.constant 9840 : i32
    %add3A_316 = arith.addi %mul3A_2, %add3A_315 : i32
    %dma_start3A_317 = arith.constant 0 : i32
    %dma_start3A_318 = tpu.memref_slice %arg4[%dma_start3A_317, %add3A_316] : memref<2x320000xi32, #tpu.memory_space<hbm>> -> memref<1x40xi32, #tpu.memory_space<hbm>>
    %dma_start3A_319 = tpu.memref_squeeze %dma_start3A_318 : memref<1x40xi32, #tpu.memory_space<hbm>> -> memref<40xi32, #tpu.memory_space<hbm>>
    %dma_start3A_320 = tpu.memref_slice %arg4[%dma_start3A_317, %add3A_316] : memref<2x320000xi32, #tpu.memory_space<hbm>> -> memref<1x40xi32, #tpu.memory_space<hbm>>
    %dma_start3A_321 = tpu.memref_squeeze %dma_start3A_320 : memref<1x40xi32, #tpu.memory_space<hbm>> -> memref<40xi32, #tpu.memory_space<hbm>>
    tpu.enqueue_dma source(%dma_start3A_321 : memref<40xi32, #tpu.memory_space<hbm>>) target(%arg7 : memref<40xi32, #tpu.memory_space<vmem>>) target_semaphore(%arg27 : memref<!tpu.dma_semaphore, #tpu.memory_space<semaphore_mem>>)
    %dma_start3A_322 = arith.constant 1 : i32
    %dma_start3A_323 = tpu.memref_slice %arg4[%dma_start3A_322, %add3A_316] : memref<2x320000xi32, #tpu.memory_space<hbm>> -> memref<1x40xi32, #tpu.memory_space<hbm>>
    %dma_start3A_324 = tpu.memref_squeeze %dma_start3A_323 : memref<1x40xi32, #tpu.memory_space<hbm>> -> memref<40xi32, #tpu.memory_space<hbm>>
    %dma_start3A_325 = tpu.memref_slice %arg4[%dma_start3A_322, %add3A_316] : memref<2x320000xi32, #tpu.memory_space<hbm>> -> memref<1x40xi32, #tpu.memory_space<hbm>>
    %dma_start3A_326 = tpu.memref_squeeze %dma_start3A_325 : memref<1x40xi32, #tpu.memory_space<hbm>> -> memref<40xi32, #tpu.memory_space<hbm>>
    tpu.enqueue_dma source(%dma_start3A_326 : memref<40xi32, #tpu.memory_space<hbm>>) target(%arg10 : memref<40xi32, #tpu.memory_space<vmem>>) target_semaphore(%arg27 : memref<!tpu.dma_semaphore, #tpu.memory_space<semaphore_mem>>)
    %dma_wait3A_327 = arith.constant 0 : i32
    %dma_wait3A_328 = arith.constant 0 : i32
    %dma_wait3A_329 = tpu.memref_slice %arg4[%dma_wait3A_327, %dma_wait3A_328] : memref<2x320000xi32, #tpu.memory_space<hbm>> -> memref<1x40xi32, #tpu.memory_space<hbm>>
    %dma_wait3A_330 = tpu.memref_squeeze %dma_wait3A_329 : memref<1x40xi32, #tpu.memory_space<hbm>> -> memref<40xi32, #tpu.memory_space<hbm>>
    %dma_wait3A_331 = arith.constant 0 : i32
    %dma_wait3A_332 = tpu.memref_slice %arg4[%dma_wait3A_327, %dma_wait3A_331] : memref<2x320000xi32, #tpu.memory_space<hbm>> -> memref<1x40xi32, #tpu.memory_space<hbm>>
    %dma_wait3A_333 = tpu.memref_squeeze %dma_wait3A_332 : memref<1x40xi32, #tpu.memory_space<hbm>> -> memref<40xi32, #tpu.memory_space<hbm>>
    tpu.wait_dma2 semaphore(%arg29 : memref<!tpu.dma_semaphore, #tpu.memory_space<semaphore_mem>>) src(%dma_wait3A_333 : memref<40xi32, #tpu.memory_space<hbm>>) dst(%arg9 : memref<40xi32, #tpu.memory_space<vmem>>)
    %dma_wait3A_334 = arith.constant 1 : i32
    %dma_wait3A_335 = arith.constant 0 : i32
    %dma_wait3A_336 = tpu.memref_slice %arg4[%dma_wait3A_334, %dma_wait3A_335] : memref<2x320000xi32, #tpu.memory_space<hbm>> -> memref<1x40xi32, #tpu.memory_space<hbm>>
    %dma_wait3A_337 = tpu.memref_squeeze %dma_wait3A_336 : memref<1x40xi32, #tpu.memory_space<hbm>> -> memref<40xi32, #tpu.memory_space<hbm>>
    %dma_wait3A_338 = arith.constant 0 : i32
    %dma_wait3A_339 = tpu.memref_slice %arg4[%dma_wait3A_334, %dma_wait3A_338] : memref<2x320000xi32, #tpu.memory_space<hbm>> -> memref<1x40xi32, #tpu.memory_space<hbm>>
    %dma_wait3A_340 = tpu.memref_squeeze %dma_wait3A_339 : memref<1x40xi32, #tpu.memory_space<hbm>> -> memref<40xi32, #tpu.memory_space<hbm>>
    tpu.wait_dma2 semaphore(%arg29 : memref<!tpu.dma_semaphore, #tpu.memory_space<semaphore_mem>>) src(%dma_wait3A_340 : memref<40xi32, #tpu.memory_space<hbm>>) dst(%arg12 : memref<40xi32, #tpu.memory_space<vmem>>)
    %dma_start3A_341 = arith.constant 0 : i32
    %dma_start3A_342 = arith.constant 0 : i32
    %dma_start3A_343 = tpu.memref_slice %arg2[%dma_start3A_341, %dma_start3A_342] : memref<10000x144xf32, #tpu.memory_space<hbm>> -> memref<10000x144xf32, #tpu.memory_space<hbm>>
    tpu.enqueue_indirect_dma source(%dma_start3A_343 : memref<10000x144xf32, #tpu.memory_space<hbm>>) target(%arg17 : memref<40x144xf32, #tpu.memory_space<vmem>>) offsets(%arg9 : memref<40xi32, #tpu.memory_space<vmem>>) semaphore(%arg26 : memref<!tpu.dma_semaphore, #tpu.memory_space<semaphore_mem>>)
    %dma_start3A_344 = arith.constant 0 : i32
    %dma_start3A_345 = arith.constant 0 : i32
    %dma_start3A_346 = tpu.memref_slice %arg3[%dma_start3A_344, %dma_start3A_345] : memref<10000x16xf32, #tpu.memory_space<hbm>> -> memref<10000x16xf32, #tpu.memory_space<hbm>>
    tpu.enqueue_indirect_dma source(%dma_start3A_346 : memref<10000x16xf32, #tpu.memory_space<hbm>>) target(%arg20 : memref<40x16xf32, #tpu.memory_space<vmem>>) offsets(%arg12 : memref<40xi32, #tpu.memory_space<vmem>>) semaphore(%arg26 : memref<!tpu.dma_semaphore, #tpu.memory_space<semaphore_mem>>)
    %scan3A_347 = arith.constant 0 : i32
    %scan3A_348 = arith.constant 40 : i32
    %scan3A_349 = arith.addi %scan3A_347, %scan3A_348 : i32
    %scan3A_350 = arith.constant 1 : i32
    scf.for %scan3A_706 = %scan3A_347 to %scan3A_349 step %scan3A_350  : i32 {
      %mul3A_707 = arith.constant 1 : i32
      %mul3A_708 = arith.muli %scan3A_706, %mul3A_707 : i32
      %add3A_709 = arith.constant 0 : i32
      %add3A_710 = arith.addi %add3A_709, %mul3A_708 : i32
      %get3A_711 = arith.index_cast %add3A_710 : i32 to index
      %get3A_712 = arith.constant 128 : index
      %get3A_713 = tpu.vector_load %arg15[%get3A_711, %get3A_712] {strides = array<i32>} : memref<40x144xf32, #tpu.memory_space<vmem>>, vector<1x16xf32>,
      %get3A_714 = vector.shape_cast %get3A_713 : vector<1x16xf32> to vector<16xf32>
      %get3A_715 = arith.index_cast %add3A_710 : i32 to index
      %get3A_716 = arith.constant 0 : index
      %get3A_717 = tpu.vector_load %arg18[%get3A_715, %get3A_716] {strides = array<i32>} : memref<40x16xf32, #tpu.memory_space<vmem>>, vector<1x16xf32>,
      %get3A_718 = vector.shape_cast %get3A_717 : vector<1x16xf32> to vector<16xf32>
      %add3A_719 = arith.addf %get3A_714, %get3A_718 : vector<16xf32>
      %mul3A_720 = arith.constant 2.000000e-01 : f32
      %mul3A_721 = vector.broadcast %mul3A_720 : f32 to vector<16xf32>
      %mul3A_722 = arith.mulf %add3A_719, %mul3A_721 : vector<16xf32>
      %max3A = arith.maximumf %add3A_719, %mul3A_722 : vector<16xf32>
      %exp3A = math.exp %max3A : vector<16xf32>
      %swap3A_723 = arith.index_cast %add3A_710 : i32 to index
      %swap3A_724 = arith.constant 128 : index
      %swap3A_725 = tpu.vector_load %arg22[%swap3A_723, %swap3A_724] {strides = array<i32>} : memref<40x144xf32, #tpu.memory_space<vmem>>, vector<1x16xf32>,
      %swap3A_726 = vector.shape_cast %swap3A_725 : vector<1x16xf32> to vector<16xf32>
      %swap3A_727 = vector.shape_cast %exp3A : vector<16xf32> to vector<1x16xf32>
      tpu.vector_store %arg22[%swap3A_723, %swap3A_724], %swap3A_727 {strides = array<i32>} : memref<40x144xf32, #tpu.memory_space<vmem>>, vector<1x16xf32>,
      %broadcast_in_dim3A = arith.constant 0 : i32
      %broadcast_in_dim3A_728 = vector.broadcast %broadcast_in_dim3A : i32 to vector<16x1xi32>
      %gather3A = vector.shape_cast %broadcast_in_dim3A_728 : vector<16x1xi32> to vector<16xi32>
      %gather3A_729 = tpu.dynamic_gather %exp3A[%gather3A] in [0] : vector<16xf32>, vector<16xi32> -> vector<16xf32>
      %get3A_730 = arith.index_cast %add3A_710 : i32 to index
      %get3A_731 = arith.constant 0 : index
      %get3A_732 = tpu.vector_load %arg15[%get3A_730, %get3A_731] {strides = array<i32>} : memref<40x144xf32, #tpu.memory_space<vmem>>, vector<1x16xf32>,
      %get3A_733 = vector.shape_cast %get3A_732 : vector<1x16xf32> to vector<16xf32>
      %mul3A_734 = arith.mulf %get3A_733, %gather3A_729 : vector<16xf32>
      %swap3A_735 = arith.index_cast %add3A_710 : i32 to index
      %swap3A_736 = arith.constant 0 : index
      %swap3A_737 = tpu.vector_load %arg22[%swap3A_735, %swap3A_736] {strides = array<i32>} : memref<40x144xf32, #tpu.memory_space<vmem>>, vector<1x16xf32>,
      %swap3A_738 = vector.shape_cast %swap3A_737 : vector<1x16xf32> to vector<16xf32>
      %swap3A_739 = vector.shape_cast %mul3A_734 : vector<16xf32> to vector<1x16xf32>
      tpu.vector_store %arg22[%swap3A_735, %swap3A_736], %swap3A_739 {strides = array<i32>} : memref<40x144xf32, #tpu.memory_space<vmem>>, vector<1x16xf32>,
      %broadcast_in_dim3A_740 = arith.constant 1 : i32
      %broadcast_in_dim3A_741 = vector.broadcast %broadcast_in_dim3A_740 : i32 to vector<16x1xi32>
      %gather3A_742 = vector.shape_cast %broadcast_in_dim3A_741 : vector<16x1xi32> to vector<16xi32>
      %gather3A_743 = tpu.dynamic_gather %exp3A[%gather3A_742] in [0] : vector<16xf32>, vector<16xi32> -> vector<16xf32>
      %get3A_744 = arith.index_cast %add3A_710 : i32 to index
      %get3A_745 = arith.constant 16 : index
      %get3A_746 = tpu.vector_load %arg15[%get3A_744, %get3A_745] {strides = array<i32>} : memref<40x144xf32, #tpu.memory_space<vmem>>, vector<1x16xf32>,
      %get3A_747 = vector.shape_cast %get3A_746 : vector<1x16xf32> to vector<16xf32>
      %mul3A_748 = arith.mulf %get3A_747, %gather3A_743 : vector<16xf32>
      %swap3A_749 = arith.index_cast %add3A_710 : i32 to index
      %swap3A_750 = arith.constant 16 : index
      %swap3A_751 = tpu.vector_load %arg22[%swap3A_749, %swap3A_750] {strides = array<i32>} : memref<40x144xf32, #tpu.memory_space<vmem>>, vector<1x16xf32>,
      %swap3A_752 = vector.shape_cast %swap3A_751 : vector<1x16xf32> to vector<16xf32>
      %swap3A_753 = vector.shape_cast %mul3A_748 : vector<16xf32> to vector<1x16xf32>
      tpu.vector_store %arg22[%swap3A_749, %swap3A_750], %swap3A_753 {strides = array<i32>} : memref<40x144xf32, #tpu.memory_space<vmem>>, vector<1x16xf32>,
      %broadcast_in_dim3A_754 = arith.constant 2 : i32
      %broadcast_in_dim3A_755 = vector.broadcast %broadcast_in_dim3A_754 : i32 to vector<16x1xi32>
      %gather3A_756 = vector.shape_cast %broadcast_in_dim3A_755 : vector<16x1xi32> to vector<16xi32>
      %gather3A_757 = tpu.dynamic_gather %exp3A[%gather3A_756] in [0] : vector<16xf32>, vector<16xi32> -> vector<16xf32>
      %get3A_758 = arith.index_cast %add3A_710 : i32 to index
      %get3A_759 = arith.constant 32 : index
      %get3A_760 = tpu.vector_load %arg15[%get3A_758, %get3A_759] {strides = array<i32>} : memref<40x144xf32, #tpu.memory_space<vmem>>, vector<1x16xf32>,
      %get3A_761 = vector.shape_cast %get3A_760 : vector<1x16xf32> to vector<16xf32>
      %mul3A_762 = arith.mulf %get3A_761, %gather3A_757 : vector<16xf32>
      %swap3A_763 = arith.index_cast %add3A_710 : i32 to index
      %swap3A_764 = arith.constant 32 : index
      %swap3A_765 = tpu.vector_load %arg22[%swap3A_763, %swap3A_764] {strides = array<i32>} : memref<40x144xf32, #tpu.memory_space<vmem>>, vector<1x16xf32>,
      %swap3A_766 = vector.shape_cast %swap3A_765 : vector<1x16xf32> to vector<16xf32>
      %swap3A_767 = vector.shape_cast %mul3A_762 : vector<16xf32> to vector<1x16xf32>
      tpu.vector_store %arg22[%swap3A_763, %swap3A_764], %swap3A_767 {strides = array<i32>} : memref<40x144xf32, #tpu.memory_space<vmem>>, vector<1x16xf32>,
      %broadcast_in_dim3A_768 = arith.constant 3 : i32
      %broadcast_in_dim3A_769 = vector.broadcast %broadcast_in_dim3A_768 : i32 to vector<16x1xi32>
      %gather3A_770 = vector.shape_cast %broadcast_in_dim3A_769 : vector<16x1xi32> to vector<16xi32>
      %gather3A_771 = tpu.dynamic_gather %exp3A[%gather3A_770] in [0] : vector<16xf32>, vector<16xi32> -> vector<16xf32>
      %get3A_772 = arith.index_cast %add3A_710 : i32 to index
      %get3A_773 = arith.constant 48 : index
      %get3A_774 = tpu.vector_load %arg15[%get3A_772, %get3A_773] {strides = array<i32>} : memref<40x144xf32, #tpu.memory_space<vmem>>, vector<1x16xf32>,
      %get3A_775 = vector.shape_cast %get3A_774 : vector<1x16xf32> to vector<16xf32>
      %mul3A_776 = arith.mulf %get3A_775, %gather3A_771 : vector<16xf32>
      %swap3A_777 = arith.index_cast %add3A_710 : i32 to index
      %swap3A_778 = arith.constant 48 : index
      %swap3A_779 = tpu.vector_load %arg22[%swap3A_777, %swap3A_778] {strides = array<i32>} : memref<40x144xf32, #tpu.memory_space<vmem>>, vector<1x16xf32>,
      %swap3A_780 = vector.shape_cast %swap3A_779 : vector<1x16xf32> to vector<16xf32>
      %swap3A_781 = vector.shape_cast %mul3A_776 : vector<16xf32> to vector<1x16xf32>
      tpu.vector_store %arg22[%swap3A_777, %swap3A_778], %swap3A_781 {strides = array<i32>} : memref<40x144xf32, #tpu.memory_space<vmem>>, vector<1x16xf32>,
      %broadcast_in_dim3A_782 = arith.constant 4 : i32
      %broadcast_in_dim3A_783 = vector.broadcast %broadcast_in_dim3A_782 : i32 to vector<16x1xi32>
      %gather3A_784 = vector.shape_cast %broadcast_in_dim3A_783 : vector<16x1xi32> to vector<16xi32>
      %gather3A_785 = tpu.dynamic_gather %exp3A[%gather3A_784] in [0] : vector<16xf32>, vector<16xi32> -> vector<16xf32>
      %get3A_786 = arith.index_cast %add3A_710 : i32 to index
      %get3A_787 = arith.constant 64 : index
      %get3A_788 = tpu.vector_load %arg15[%get3A_786, %get3A_787] {strides = array<i32>} : memref<40x144xf32, #tpu.memory_space<vmem>>, vector<1x16xf32>,
      %get3A_789 = vector.shape_cast %get3A_788 : vector<1x16xf32> to vector<16xf32>
      %mul3A_790 = arith.mulf %get3A_789, %gather3A_785 : vector<16xf32>
      %swap3A_791 = arith.index_cast %add3A_710 : i32 to index
      %swap3A_792 = arith.constant 64 : index
      %swap3A_793 = tpu.vector_load %arg22[%swap3A_791, %swap3A_792] {strides = array<i32>} : memref<40x144xf32, #tpu.memory_space<vmem>>, vector<1x16xf32>,
      %swap3A_794 = vector.shape_cast %swap3A_793 : vector<1x16xf32> to vector<16xf32>
      %swap3A_795 = vector.shape_cast %mul3A_790 : vector<16xf32> to vector<1x16xf32>
      tpu.vector_store %arg22[%swap3A_791, %swap3A_792], %swap3A_795 {strides = array<i32>} : memref<40x144xf32, #tpu.memory_space<vmem>>, vector<1x16xf32>,
      %broadcast_in_dim3A_796 = arith.constant 5 : i32
      %broadcast_in_dim3A_797 = vector.broadcast %broadcast_in_dim3A_796 : i32 to vector<16x1xi32>
      %gather3A_798 = vector.shape_cast %broadcast_in_dim3A_797 : vector<16x1xi32> to vector<16xi32>
      %gather3A_799 = tpu.dynamic_gather %exp3A[%gather3A_798] in [0] : vector<16xf32>, vector<16xi32> -> vector<16xf32>
      %get3A_800 = arith.index_cast %add3A_710 : i32 to index
      %get3A_801 = arith.constant 80 : index
      %get3A_802 = tpu.vector_load %arg15[%get3A_800, %get3A_801] {strides = array<i32>} : memref<40x144xf32, #tpu.memory_space<vmem>>, vector<1x16xf32>,
      %get3A_803 = vector.shape_cast %get3A_802 : vector<1x16xf32> to vector<16xf32>
      %mul3A_804 = arith.mulf %get3A_803, %gather3A_799 : vector<16xf32>
      %swap3A_805 = arith.index_cast %add3A_710 : i32 to index
      %swap3A_806 = arith.constant 80 : index
      %swap3A_807 = tpu.vector_load %arg22[%swap3A_805, %swap3A_806] {strides = array<i32>} : memref<40x144xf32, #tpu.memory_space<vmem>>, vector<1x16xf32>,
      %swap3A_808 = vector.shape_cast %swap3A_807 : vector<1x16xf32> to vector<16xf32>
      %swap3A_809 = vector.shape_cast %mul3A_804 : vector<16xf32> to vector<1x16xf32>
      tpu.vector_store %arg22[%swap3A_805, %swap3A_806], %swap3A_809 {strides = array<i32>} : memref<40x144xf32, #tpu.memory_space<vmem>>, vector<1x16xf32>,
      %broadcast_in_dim3A_810 = arith.constant 6 : i32
      %broadcast_in_dim3A_811 = vector.broadcast %broadcast_in_dim3A_810 : i32 to vector<16x1xi32>
      %gather3A_812 = vector.shape_cast %broadcast_in_dim3A_811 : vector<16x1xi32> to vector<16xi32>
      %gather3A_813 = tpu.dynamic_gather %exp3A[%gather3A_812] in [0] : vector<16xf32>, vector<16xi32> -> vector<16xf32>
      %get3A_814 = arith.index_cast %add3A_710 : i32 to index
      %get3A_815 = arith.constant 96 : index
      %get3A_816 = tpu.vector_load %arg15[%get3A_814, %get3A_815] {strides = array<i32>} : memref<40x144xf32, #tpu.memory_space<vmem>>, vector<1x16xf32>,
      %get3A_817 = vector.shape_cast %get3A_816 : vector<1x16xf32> to vector<16xf32>
      %mul3A_818 = arith.mulf %get3A_817, %gather3A_813 : vector<16xf32>
      %swap3A_819 = arith.index_cast %add3A_710 : i32 to index
      %swap3A_820 = arith.constant 96 : index
      %swap3A_821 = tpu.vector_load %arg22[%swap3A_819, %swap3A_820] {strides = array<i32>} : memref<40x144xf32, #tpu.memory_space<vmem>>, vector<1x16xf32>,
      %swap3A_822 = vector.shape_cast %swap3A_821 : vector<1x16xf32> to vector<16xf32>
      %swap3A_823 = vector.shape_cast %mul3A_818 : vector<16xf32> to vector<1x16xf32>
      tpu.vector_store %arg22[%swap3A_819, %swap3A_820], %swap3A_823 {strides = array<i32>} : memref<40x144xf32, #tpu.memory_space<vmem>>, vector<1x16xf32>,
      %broadcast_in_dim3A_824 = arith.constant 7 : i32
      %broadcast_in_dim3A_825 = vector.broadcast %broadcast_in_dim3A_824 : i32 to vector<16x1xi32>
      %gather3A_826 = vector.shape_cast %broadcast_in_dim3A_825 : vector<16x1xi32> to vector<16xi32>
      %gather3A_827 = tpu.dynamic_gather %exp3A[%gather3A_826] in [0] : vector<16xf32>, vector<16xi32> -> vector<16xf32>
      %get3A_828 = arith.index_cast %add3A_710 : i32 to index
      %get3A_829 = arith.constant 112 : index
      %get3A_830 = tpu.vector_load %arg15[%get3A_828, %get3A_829] {strides = array<i32>} : memref<40x144xf32, #tpu.memory_space<vmem>>, vector<1x16xf32>,
      %get3A_831 = vector.shape_cast %get3A_830 : vector<1x16xf32> to vector<16xf32>
      %mul3A_832 = arith.mulf %get3A_831, %gather3A_827 : vector<16xf32>
      %swap3A_833 = arith.index_cast %add3A_710 : i32 to index
      %swap3A_834 = arith.constant 112 : index
      %swap3A_835 = tpu.vector_load %arg22[%swap3A_833, %swap3A_834] {strides = array<i32>} : memref<40x144xf32, #tpu.memory_space<vmem>>, vector<1x16xf32>,
      %swap3A_836 = vector.shape_cast %swap3A_835 : vector<1x16xf32> to vector<16xf32>
      %swap3A_837 = vector.shape_cast %mul3A_832 : vector<16xf32> to vector<1x16xf32>
      tpu.vector_store %arg22[%swap3A_833, %swap3A_834], %swap3A_837 {strides = array<i32>} : memref<40x144xf32, #tpu.memory_space<vmem>>, vector<1x16xf32>,
    }
    %scan3A_351 = arith.constant 40 : i32
    %dma_start3A_352 = arith.constant 0 : i32
    %dma_start3A_353 = arith.constant 0 : i32
    %dma_start3A_354 = tpu.memref_slice %arg23[%dma_start3A_352, %dma_start3A_353] : memref<10000x144xf32, #tpu.memory_space<vmem_shared>> -> memref<10000x144xf32, #tpu.memory_space<vmem_shared>>
    tpu.enqueue_indirect_dma source(%arg22 : memref<40x144xf32, #tpu.memory_space<vmem>>) target(%dma_start3A_354 : memref<10000x144xf32, #tpu.memory_space<vmem_shared>>) offsets(%arg14 : memref<40xi32, #tpu.memory_space<vmem>>) semaphore(%arg31 : memref<!tpu.dma_semaphore, #tpu.memory_space<semaphore_mem>>) {add = true}
    %dma_wait3A_355 = arith.constant 0 : i32
    %dma_wait3A_356 = arith.constant 0 : i32
    %dma_wait3A_357 = tpu.memref_slice %arg2[%dma_wait3A_355, %dma_wait3A_356] : memref<10000x144xf32, #tpu.memory_space<hbm>> -> memref<10000x144xf32, #tpu.memory_space<hbm>>
    tpu.wait_indirect_dma semaphore(%arg25 : memref<!tpu.dma_semaphore, #tpu.memory_space<semaphore_mem>>) src(%dma_wait3A_357 : memref<10000x144xf32, #tpu.memory_space<hbm>>) dst(%arg16 : memref<40x144xf32, #tpu.memory_space<vmem>>)
    %dma_wait3A_358 = arith.constant 0 : i32
    %dma_wait3A_359 = arith.constant 0 : i32
    %dma_wait3A_360 = tpu.memref_slice %arg3[%dma_wait3A_358, %dma_wait3A_359] : memref<10000x16xf32, #tpu.memory_space<hbm>> -> memref<10000x16xf32, #tpu.memory_space<hbm>>
    tpu.wait_indirect_dma semaphore(%arg25 : memref<!tpu.dma_semaphore, #tpu.memory_space<semaphore_mem>>) src(%dma_wait3A_360 : memref<10000x16xf32, #tpu.memory_space<hbm>>) dst(%arg19 : memref<40x16xf32, #tpu.memory_space<vmem>>)
    %dma_wait3A_361 = arith.constant 0 : i32
    %dma_wait3A_362 = arith.constant 0 : i32
    %dma_wait3A_363 = tpu.memref_slice %arg23[%dma_wait3A_361, %dma_wait3A_362] : memref<10000x144xf32, #tpu.memory_space<vmem_shared>> -> memref<10000x144xf32, #tpu.memory_space<vmem_shared>>
    tpu.wait_indirect_dma semaphore(%arg30 : memref<!tpu.dma_semaphore, #tpu.memory_space<semaphore_mem>>) src(%arg21 : memref<40x144xf32, #tpu.memory_space<vmem>>) dst(%dma_wait3A_363 : memref<10000x144xf32, #tpu.memory_space<vmem_shared>>)
    %get3A_364 = arith.constant 0 : index
    %get3A_365 = tpu.vector_load %arg11[%get3A_364] {strides = array<i32>} : memref<40xi32, #tpu.memory_space<vmem>>, vector<16xi32>,
    %get3A_366 = vector.shape_cast %get3A_365 : vector<16xi32> to vector<16xi32>
    %swap3A_367 = arith.constant 0 : index
    %swap3A_368 = tpu.vector_load %arg13[%swap3A_367] {strides = array<i32>} : memref<40xi32, #tpu.memory_space<vmem>>, vector<16xi32>,
    %swap3A_369 = vector.shape_cast %swap3A_368 : vector<16xi32> to vector<16xi32>
    %swap3A_370 = vector.shape_cast %get3A_366 : vector<16xi32> to vector<16xi32>
    tpu.vector_store %arg13[%swap3A_367], %swap3A_370 {strides = array<i32>} : memref<40xi32, #tpu.memory_space<vmem>>, vector<16xi32>,
    %get3A_371 = arith.constant 16 : index
    %get3A_372 = tpu.vector_load %arg11[%get3A_371] {strides = array<i32>} : memref<40xi32, #tpu.memory_space<vmem>>, vector<16xi32>,
    %get3A_373 = vector.shape_cast %get3A_372 : vector<16xi32> to vector<16xi32>
    %swap3A_374 = arith.constant 16 : index
    %swap3A_375 = tpu.vector_load %arg13[%swap3A_374] {strides = array<i32>} : memref<40xi32, #tpu.memory_space<vmem>>, vector<16xi32>,
    %swap3A_376 = vector.shape_cast %swap3A_375 : vector<16xi32> to vector<16xi32>
    %swap3A_377 = vector.shape_cast %get3A_373 : vector<16xi32> to vector<16xi32>
    tpu.vector_store %arg13[%swap3A_374], %swap3A_377 {strides = array<i32>} : memref<40xi32, #tpu.memory_space<vmem>>, vector<16xi32>,
    %get3A_378 = arith.constant 24 : index
    %get3A_379 = tpu.vector_load %arg11[%get3A_378] {strides = array<i32>} : memref<40xi32, #tpu.memory_space<vmem>>, vector<16xi32>,
    %get3A_380 = vector.shape_cast %get3A_379 : vector<16xi32> to vector<16xi32>
    %swap3A_381 = arith.constant 24 : index
    %swap3A_382 = tpu.vector_load %arg13[%swap3A_381] {strides = array<i32>} : memref<40xi32, #tpu.memory_space<vmem>>, vector<16xi32>,
    %swap3A_383 = vector.shape_cast %swap3A_382 : vector<16xi32> to vector<16xi32>
    %swap3A_384 = vector.shape_cast %get3A_380 : vector<16xi32> to vector<16xi32>
    tpu.vector_store %arg13[%swap3A_381], %swap3A_384 {strides = array<i32>} : memref<40xi32, #tpu.memory_space<vmem>>, vector<16xi32>,
    %add3A_385 = arith.constant 9880 : i32
    %add3A_386 = arith.addi %mul3A_2, %add3A_385 : i32
    %dma_start3A_387 = arith.constant 0 : i32
    %dma_start3A_388 = tpu.memref_slice %arg4[%dma_start3A_387, %add3A_386] : memref<2x320000xi32, #tpu.memory_space<hbm>> -> memref<1x40xi32, #tpu.memory_space<hbm>>
    %dma_start3A_389 = tpu.memref_squeeze %dma_start3A_388 : memref<1x40xi32, #tpu.memory_space<hbm>> -> memref<40xi32, #tpu.memory_space<hbm>>
    %dma_start3A_390 = tpu.memref_slice %arg4[%dma_start3A_387, %add3A_386] : memref<2x320000xi32, #tpu.memory_space<hbm>> -> memref<1x40xi32, #tpu.memory_space<hbm>>
    %dma_start3A_391 = tpu.memref_squeeze %dma_start3A_390 : memref<1x40xi32, #tpu.memory_space<hbm>> -> memref<40xi32, #tpu.memory_space<hbm>>
    tpu.enqueue_dma source(%dma_start3A_391 : memref<40xi32, #tpu.memory_space<hbm>>) target(%arg8 : memref<40xi32, #tpu.memory_space<vmem>>) target_semaphore(%arg28 : memref<!tpu.dma_semaphore, #tpu.memory_space<semaphore_mem>>)
    %dma_start3A_392 = arith.constant 1 : i32
    %dma_start3A_393 = tpu.memref_slice %arg4[%dma_start3A_392, %add3A_386] : memref<2x320000xi32, #tpu.memory_space<hbm>> -> memref<1x40xi32, #tpu.memory_space<hbm>>
    %dma_start3A_394 = tpu.memref_squeeze %dma_start3A_393 : memref<1x40xi32, #tpu.memory_space<hbm>> -> memref<40xi32, #tpu.memory_space<hbm>>
    %dma_start3A_395 = tpu.memref_slice %arg4[%dma_start3A_392, %add3A_386] : memref<2x320000xi32, #tpu.memory_space<hbm>> -> memref<1x40xi32, #tpu.memory_space<hbm>>
    %dma_start3A_396 = tpu.memref_squeeze %dma_start3A_395 : memref<1x40xi32, #tpu.memory_space<hbm>> -> memref<40xi32, #tpu.memory_space<hbm>>
    tpu.enqueue_dma source(%dma_start3A_396 : memref<40xi32, #tpu.memory_space<hbm>>) target(%arg11 : memref<40xi32, #tpu.memory_space<vmem>>) target_semaphore(%arg28 : memref<!tpu.dma_semaphore, #tpu.memory_space<semaphore_mem>>)
    %dma_wait3A_397 = arith.constant 0 : i32
    %dma_wait3A_398 = arith.constant 0 : i32
    %dma_wait3A_399 = tpu.memref_slice %arg4[%dma_wait3A_397, %dma_wait3A_398] : memref<2x320000xi32, #tpu.memory_space<hbm>> -> memref<1x40xi32, #tpu.memory_space<hbm>>
    %dma_wait3A_400 = tpu.memref_squeeze %dma_wait3A_399 : memref<1x40xi32, #tpu.memory_space<hbm>> -> memref<40xi32, #tpu.memory_space<hbm>>
    %dma_wait3A_401 = arith.constant 0 : i32
    %dma_wait3A_402 = tpu.memref_slice %arg4[%dma_wait3A_397, %dma_wait3A_401] : memref<2x320000xi32, #tpu.memory_space<hbm>> -> memref<1x40xi32, #tpu.memory_space<hbm>>
    %dma_wait3A_403 = tpu.memref_squeeze %dma_wait3A_402 : memref<1x40xi32, #tpu.memory_space<hbm>> -> memref<40xi32, #tpu.memory_space<hbm>>
    tpu.wait_dma2 semaphore(%arg27 : memref<!tpu.dma_semaphore, #tpu.memory_space<semaphore_mem>>) src(%dma_wait3A_403 : memref<40xi32, #tpu.memory_space<hbm>>) dst(%arg7 : memref<40xi32, #tpu.memory_space<vmem>>)
    %dma_wait3A_404 = arith.constant 1 : i32
    %dma_wait3A_405 = arith.constant 0 : i32
    %dma_wait3A_406 = tpu.memref_slice %arg4[%dma_wait3A_404, %dma_wait3A_405] : memref<2x320000xi32, #tpu.memory_space<hbm>> -> memref<1x40xi32, #tpu.memory_space<hbm>>
    %dma_wait3A_407 = tpu.memref_squeeze %dma_wait3A_406 : memref<1x40xi32, #tpu.memory_space<hbm>> -> memref<40xi32, #tpu.memory_space<hbm>>
    %dma_wait3A_408 = arith.constant 0 : i32
    %dma_wait3A_409 = tpu.memref_slice %arg4[%dma_wait3A_404, %dma_wait3A_408] : memref<2x320000xi32, #tpu.memory_space<hbm>> -> memref<1x40xi32, #tpu.memory_space<hbm>>
    %dma_wait3A_410 = tpu.memref_squeeze %dma_wait3A_409 : memref<1x40xi32, #tpu.memory_space<hbm>> -> memref<40xi32, #tpu.memory_space<hbm>>
    tpu.wait_dma2 semaphore(%arg27 : memref<!tpu.dma_semaphore, #tpu.memory_space<semaphore_mem>>) src(%dma_wait3A_410 : memref<40xi32, #tpu.memory_space<hbm>>) dst(%arg10 : memref<40xi32, #tpu.memory_space<vmem>>)
    %dma_start3A_411 = arith.constant 0 : i32
    %dma_start3A_412 = arith.constant 0 : i32
    %dma_start3A_413 = tpu.memref_slice %arg2[%dma_start3A_411, %dma_start3A_412] : memref<10000x144xf32, #tpu.memory_space<hbm>> -> memref<10000x144xf32, #tpu.memory_space<hbm>>
    tpu.enqueue_indirect_dma source(%dma_start3A_413 : memref<10000x144xf32, #tpu.memory_space<hbm>>) target(%arg15 : memref<40x144xf32, #tpu.memory_space<vmem>>) offsets(%arg7 : memref<40xi32, #tpu.memory_space<vmem>>) semaphore(%arg24 : memref<!tpu.dma_semaphore, #tpu.memory_space<semaphore_mem>>)
    %dma_start3A_414 = arith.constant 0 : i32
    %dma_start3A_415 = arith.constant 0 : i32
    %dma_start3A_416 = tpu.memref_slice %arg3[%dma_start3A_414, %dma_start3A_415] : memref<10000x16xf32, #tpu.memory_space<hbm>> -> memref<10000x16xf32, #tpu.memory_space<hbm>>
    tpu.enqueue_indirect_dma source(%dma_start3A_416 : memref<10000x16xf32, #tpu.memory_space<hbm>>) target(%arg18 : memref<40x16xf32, #tpu.memory_space<vmem>>) offsets(%arg10 : memref<40xi32, #tpu.memory_space<vmem>>) semaphore(%arg24 : memref<!tpu.dma_semaphore, #tpu.memory_space<semaphore_mem>>)
    %scan3A_417 = arith.constant 0 : i32
    %scan3A_418 = arith.constant 40 : i32
    %scan3A_419 = arith.addi %scan3A_417, %scan3A_418 : i32
    %scan3A_420 = arith.constant 1 : i32
    scf.for %scan3A_706 = %scan3A_417 to %scan3A_419 step %scan3A_420  : i32 {
      %mul3A_707 = arith.constant 1 : i32
      %mul3A_708 = arith.muli %scan3A_706, %mul3A_707 : i32
      %add3A_709 = arith.constant 0 : i32
      %add3A_710 = arith.addi %add3A_709, %mul3A_708 : i32
      %get3A_711 = arith.index_cast %add3A_710 : i32 to index
      %get3A_712 = arith.constant 128 : index
      %get3A_713 = tpu.vector_load %arg16[%get3A_711, %get3A_712] {strides = array<i32>} : memref<40x144xf32, #tpu.memory_space<vmem>>, vector<1x16xf32>,
      %get3A_714 = vector.shape_cast %get3A_713 : vector<1x16xf32> to vector<16xf32>
      %get3A_715 = arith.index_cast %add3A_710 : i32 to index
      %get3A_716 = arith.constant 0 : index
      %get3A_717 = tpu.vector_load %arg19[%get3A_715, %get3A_716] {strides = array<i32>} : memref<40x16xf32, #tpu.memory_space<vmem>>, vector<1x16xf32>,
      %get3A_718 = vector.shape_cast %get3A_717 : vector<1x16xf32> to vector<16xf32>
      %add3A_719 = arith.addf %get3A_714, %get3A_718 : vector<16xf32>
      %mul3A_720 = arith.constant 2.000000e-01 : f32
      %mul3A_721 = vector.broadcast %mul3A_720 : f32 to vector<16xf32>
      %mul3A_722 = arith.mulf %add3A_719, %mul3A_721 : vector<16xf32>
      %max3A = arith.maximumf %add3A_719, %mul3A_722 : vector<16xf32>
      %exp3A = math.exp %max3A : vector<16xf32>
      %swap3A_723 = arith.index_cast %add3A_710 : i32 to index
      %swap3A_724 = arith.constant 128 : index
      %swap3A_725 = tpu.vector_load %arg21[%swap3A_723, %swap3A_724] {strides = array<i32>} : memref<40x144xf32, #tpu.memory_space<vmem>>, vector<1x16xf32>,
      %swap3A_726 = vector.shape_cast %swap3A_725 : vector<1x16xf32> to vector<16xf32>
      %swap3A_727 = vector.shape_cast %exp3A : vector<16xf32> to vector<1x16xf32>
      tpu.vector_store %arg21[%swap3A_723, %swap3A_724], %swap3A_727 {strides = array<i32>} : memref<40x144xf32, #tpu.memory_space<vmem>>, vector<1x16xf32>,
      %broadcast_in_dim3A = arith.constant 0 : i32
      %broadcast_in_dim3A_728 = vector.broadcast %broadcast_in_dim3A : i32 to vector<16x1xi32>
      %gather3A = vector.shape_cast %broadcast_in_dim3A_728 : vector<16x1xi32> to vector<16xi32>
      %gather3A_729 = tpu.dynamic_gather %exp3A[%gather3A] in [0] : vector<16xf32>, vector<16xi32> -> vector<16xf32>
      %get3A_730 = arith.index_cast %add3A_710 : i32 to index
      %get3A_731 = arith.constant 0 : index
      %get3A_732 = tpu.vector_load %arg16[%get3A_730, %get3A_731] {strides = array<i32>} : memref<40x144xf32, #tpu.memory_space<vmem>>, vector<1x16xf32>,
      %get3A_733 = vector.shape_cast %get3A_732 : vector<1x16xf32> to vector<16xf32>
      %mul3A_734 = arith.mulf %get3A_733, %gather3A_729 : vector<16xf32>
      %swap3A_735 = arith.index_cast %add3A_710 : i32 to index
      %swap3A_736 = arith.constant 0 : index
      %swap3A_737 = tpu.vector_load %arg21[%swap3A_735, %swap3A_736] {strides = array<i32>} : memref<40x144xf32, #tpu.memory_space<vmem>>, vector<1x16xf32>,
      %swap3A_738 = vector.shape_cast %swap3A_737 : vector<1x16xf32> to vector<16xf32>
      %swap3A_739 = vector.shape_cast %mul3A_734 : vector<16xf32> to vector<1x16xf32>
      tpu.vector_store %arg21[%swap3A_735, %swap3A_736], %swap3A_739 {strides = array<i32>} : memref<40x144xf32, #tpu.memory_space<vmem>>, vector<1x16xf32>,
      %broadcast_in_dim3A_740 = arith.constant 1 : i32
      %broadcast_in_dim3A_741 = vector.broadcast %broadcast_in_dim3A_740 : i32 to vector<16x1xi32>
      %gather3A_742 = vector.shape_cast %broadcast_in_dim3A_741 : vector<16x1xi32> to vector<16xi32>
      %gather3A_743 = tpu.dynamic_gather %exp3A[%gather3A_742] in [0] : vector<16xf32>, vector<16xi32> -> vector<16xf32>
      %get3A_744 = arith.index_cast %add3A_710 : i32 to index
      %get3A_745 = arith.constant 16 : index
      %get3A_746 = tpu.vector_load %arg16[%get3A_744, %get3A_745] {strides = array<i32>} : memref<40x144xf32, #tpu.memory_space<vmem>>, vector<1x16xf32>,
      %get3A_747 = vector.shape_cast %get3A_746 : vector<1x16xf32> to vector<16xf32>
      %mul3A_748 = arith.mulf %get3A_747, %gather3A_743 : vector<16xf32>
      %swap3A_749 = arith.index_cast %add3A_710 : i32 to index
      %swap3A_750 = arith.constant 16 : index
      %swap3A_751 = tpu.vector_load %arg21[%swap3A_749, %swap3A_750] {strides = array<i32>} : memref<40x144xf32, #tpu.memory_space<vmem>>, vector<1x16xf32>,
      %swap3A_752 = vector.shape_cast %swap3A_751 : vector<1x16xf32> to vector<16xf32>
      %swap3A_753 = vector.shape_cast %mul3A_748 : vector<16xf32> to vector<1x16xf32>
      tpu.vector_store %arg21[%swap3A_749, %swap3A_750], %swap3A_753 {strides = array<i32>} : memref<40x144xf32, #tpu.memory_space<vmem>>, vector<1x16xf32>,
      %broadcast_in_dim3A_754 = arith.constant 2 : i32
      %broadcast_in_dim3A_755 = vector.broadcast %broadcast_in_dim3A_754 : i32 to vector<16x1xi32>
      %gather3A_756 = vector.shape_cast %broadcast_in_dim3A_755 : vector<16x1xi32> to vector<16xi32>
      %gather3A_757 = tpu.dynamic_gather %exp3A[%gather3A_756] in [0] : vector<16xf32>, vector<16xi32> -> vector<16xf32>
      %get3A_758 = arith.index_cast %add3A_710 : i32 to index
      %get3A_759 = arith.constant 32 : index
      %get3A_760 = tpu.vector_load %arg16[%get3A_758, %get3A_759] {strides = array<i32>} : memref<40x144xf32, #tpu.memory_space<vmem>>, vector<1x16xf32>,
      %get3A_761 = vector.shape_cast %get3A_760 : vector<1x16xf32> to vector<16xf32>
      %mul3A_762 = arith.mulf %get3A_761, %gather3A_757 : vector<16xf32>
      %swap3A_763 = arith.index_cast %add3A_710 : i32 to index
      %swap3A_764 = arith.constant 32 : index
      %swap3A_765 = tpu.vector_load %arg21[%swap3A_763, %swap3A_764] {strides = array<i32>} : memref<40x144xf32, #tpu.memory_space<vmem>>, vector<1x16xf32>,
      %swap3A_766 = vector.shape_cast %swap3A_765 : vector<1x16xf32> to vector<16xf32>
      %swap3A_767 = vector.shape_cast %mul3A_762 : vector<16xf32> to vector<1x16xf32>
      tpu.vector_store %arg21[%swap3A_763, %swap3A_764], %swap3A_767 {strides = array<i32>} : memref<40x144xf32, #tpu.memory_space<vmem>>, vector<1x16xf32>,
      %broadcast_in_dim3A_768 = arith.constant 3 : i32
      %broadcast_in_dim3A_769 = vector.broadcast %broadcast_in_dim3A_768 : i32 to vector<16x1xi32>
      %gather3A_770 = vector.shape_cast %broadcast_in_dim3A_769 : vector<16x1xi32> to vector<16xi32>
      %gather3A_771 = tpu.dynamic_gather %exp3A[%gather3A_770] in [0] : vector<16xf32>, vector<16xi32> -> vector<16xf32>
      %get3A_772 = arith.index_cast %add3A_710 : i32 to index
      %get3A_773 = arith.constant 48 : index
      %get3A_774 = tpu.vector_load %arg16[%get3A_772, %get3A_773] {strides = array<i32>} : memref<40x144xf32, #tpu.memory_space<vmem>>, vector<1x16xf32>,
      %get3A_775 = vector.shape_cast %get3A_774 : vector<1x16xf32> to vector<16xf32>
      %mul3A_776 = arith.mulf %get3A_775, %gather3A_771 : vector<16xf32>
      %swap3A_777 = arith.index_cast %add3A_710 : i32 to index
      %swap3A_778 = arith.constant 48 : index
      %swap3A_779 = tpu.vector_load %arg21[%swap3A_777, %swap3A_778] {strides = array<i32>} : memref<40x144xf32, #tpu.memory_space<vmem>>, vector<1x16xf32>,
      %swap3A_780 = vector.shape_cast %swap3A_779 : vector<1x16xf32> to vector<16xf32>
      %swap3A_781 = vector.shape_cast %mul3A_776 : vector<16xf32> to vector<1x16xf32>
      tpu.vector_store %arg21[%swap3A_777, %swap3A_778], %swap3A_781 {strides = array<i32>} : memref<40x144xf32, #tpu.memory_space<vmem>>, vector<1x16xf32>,
      %broadcast_in_dim3A_782 = arith.constant 4 : i32
      %broadcast_in_dim3A_783 = vector.broadcast %broadcast_in_dim3A_782 : i32 to vector<16x1xi32>
      %gather3A_784 = vector.shape_cast %broadcast_in_dim3A_783 : vector<16x1xi32> to vector<16xi32>
      %gather3A_785 = tpu.dynamic_gather %exp3A[%gather3A_784] in [0] : vector<16xf32>, vector<16xi32> -> vector<16xf32>
      %get3A_786 = arith.index_cast %add3A_710 : i32 to index
      %get3A_787 = arith.constant 64 : index
      %get3A_788 = tpu.vector_load %arg16[%get3A_786, %get3A_787] {strides = array<i32>} : memref<40x144xf32, #tpu.memory_space<vmem>>, vector<1x16xf32>,
      %get3A_789 = vector.shape_cast %get3A_788 : vector<1x16xf32> to vector<16xf32>
      %mul3A_790 = arith.mulf %get3A_789, %gather3A_785 : vector<16xf32>
      %swap3A_791 = arith.index_cast %add3A_710 : i32 to index
      %swap3A_792 = arith.constant 64 : index
      %swap3A_793 = tpu.vector_load %arg21[%swap3A_791, %swap3A_792] {strides = array<i32>} : memref<40x144xf32, #tpu.memory_space<vmem>>, vector<1x16xf32>,
      %swap3A_794 = vector.shape_cast %swap3A_793 : vector<1x16xf32> to vector<16xf32>
      %swap3A_795 = vector.shape_cast %mul3A_790 : vector<16xf32> to vector<1x16xf32>
      tpu.vector_store %arg21[%swap3A_791, %swap3A_792], %swap3A_795 {strides = array<i32>} : memref<40x144xf32, #tpu.memory_space<vmem>>, vector<1x16xf32>,
      %broadcast_in_dim3A_796 = arith.constant 5 : i32
      %broadcast_in_dim3A_797 = vector.broadcast %broadcast_in_dim3A_796 : i32 to vector<16x1xi32>
      %gather3A_798 = vector.shape_cast %broadcast_in_dim3A_797 : vector<16x1xi32> to vector<16xi32>
      %gather3A_799 = tpu.dynamic_gather %exp3A[%gather3A_798] in [0] : vector<16xf32>, vector<16xi32> -> vector<16xf32>
      %get3A_800 = arith.index_cast %add3A_710 : i32 to index
      %get3A_801 = arith.constant 80 : index
      %get3A_802 = tpu.vector_load %arg16[%get3A_800, %get3A_801] {strides = array<i32>} : memref<40x144xf32, #tpu.memory_space<vmem>>, vector<1x16xf32>,
      %get3A_803 = vector.shape_cast %get3A_802 : vector<1x16xf32> to vector<16xf32>
      %mul3A_804 = arith.mulf %get3A_803, %gather3A_799 : vector<16xf32>
      %swap3A_805 = arith.index_cast %add3A_710 : i32 to index
      %swap3A_806 = arith.constant 80 : index
      %swap3A_807 = tpu.vector_load %arg21[%swap3A_805, %swap3A_806] {strides = array<i32>} : memref<40x144xf32, #tpu.memory_space<vmem>>, vector<1x16xf32>,
      %swap3A_808 = vector.shape_cast %swap3A_807 : vector<1x16xf32> to vector<16xf32>
      %swap3A_809 = vector.shape_cast %mul3A_804 : vector<16xf32> to vector<1x16xf32>
      tpu.vector_store %arg21[%swap3A_805, %swap3A_806], %swap3A_809 {strides = array<i32>} : memref<40x144xf32, #tpu.memory_space<vmem>>, vector<1x16xf32>,
      %broadcast_in_dim3A_810 = arith.constant 6 : i32
      %broadcast_in_dim3A_811 = vector.broadcast %broadcast_in_dim3A_810 : i32 to vector<16x1xi32>
      %gather3A_812 = vector.shape_cast %broadcast_in_dim3A_811 : vector<16x1xi32> to vector<16xi32>
      %gather3A_813 = tpu.dynamic_gather %exp3A[%gather3A_812] in [0] : vector<16xf32>, vector<16xi32> -> vector<16xf32>
      %get3A_814 = arith.index_cast %add3A_710 : i32 to index
      %get3A_815 = arith.constant 96 : index
      %get3A_816 = tpu.vector_load %arg16[%get3A_814, %get3A_815] {strides = array<i32>} : memref<40x144xf32, #tpu.memory_space<vmem>>, vector<1x16xf32>,
      %get3A_817 = vector.shape_cast %get3A_816 : vector<1x16xf32> to vector<16xf32>
      %mul3A_818 = arith.mulf %get3A_817, %gather3A_813 : vector<16xf32>
      %swap3A_819 = arith.index_cast %add3A_710 : i32 to index
      %swap3A_820 = arith.constant 96 : index
      %swap3A_821 = tpu.vector_load %arg21[%swap3A_819, %swap3A_820] {strides = array<i32>} : memref<40x144xf32, #tpu.memory_space<vmem>>, vector<1x16xf32>,
      %swap3A_822 = vector.shape_cast %swap3A_821 : vector<1x16xf32> to vector<16xf32>
      %swap3A_823 = vector.shape_cast %mul3A_818 : vector<16xf32> to vector<1x16xf32>
      tpu.vector_store %arg21[%swap3A_819, %swap3A_820], %swap3A_823 {strides = array<i32>} : memref<40x144xf32, #tpu.memory_space<vmem>>, vector<1x16xf32>,
      %broadcast_in_dim3A_824 = arith.constant 7 : i32
      %broadcast_in_dim3A_825 = vector.broadcast %broadcast_in_dim3A_824 : i32 to vector<16x1xi32>
      %gather3A_826 = vector.shape_cast %broadcast_in_dim3A_825 : vector<16x1xi32> to vector<16xi32>
      %gather3A_827 = tpu.dynamic_gather %exp3A[%gather3A_826] in [0] : vector<16xf32>, vector<16xi32> -> vector<16xf32>
      %get3A_828 = arith.index_cast %add3A_710 : i32 to index
      %get3A_829 = arith.constant 112 : index
      %get3A_830 = tpu.vector_load %arg16[%get3A_828, %get3A_829] {strides = array<i32>} : memref<40x144xf32, #tpu.memory_space<vmem>>, vector<1x16xf32>,
      %get3A_831 = vector.shape_cast %get3A_830 : vector<1x16xf32> to vector<16xf32>
      %mul3A_832 = arith.mulf %get3A_831, %gather3A_827 : vector<16xf32>
      %swap3A_833 = arith.index_cast %add3A_710 : i32 to index
      %swap3A_834 = arith.constant 112 : index
      %swap3A_835 = tpu.vector_load %arg21[%swap3A_833, %swap3A_834] {strides = array<i32>} : memref<40x144xf32, #tpu.memory_space<vmem>>, vector<1x16xf32>,
      %swap3A_836 = vector.shape_cast %swap3A_835 : vector<1x16xf32> to vector<16xf32>
      %swap3A_837 = vector.shape_cast %mul3A_832 : vector<16xf32> to vector<1x16xf32>
      tpu.vector_store %arg21[%swap3A_833, %swap3A_834], %swap3A_837 {strides = array<i32>} : memref<40x144xf32, #tpu.memory_space<vmem>>, vector<1x16xf32>,
    }
    %scan3A_421 = arith.constant 40 : i32
    %dma_start3A_422 = arith.constant 0 : i32
    %dma_start3A_423 = arith.constant 0 : i32
    %dma_start3A_424 = tpu.memref_slice %arg23[%dma_start3A_422, %dma_start3A_423] : memref<10000x144xf32, #tpu.memory_space<vmem_shared>> -> memref<10000x144xf32, #tpu.memory_space<vmem_shared>>
    tpu.enqueue_indirect_dma source(%arg21 : memref<40x144xf32, #tpu.memory_space<vmem>>) target(%dma_start3A_424 : memref<10000x144xf32, #tpu.memory_space<vmem_shared>>) offsets(%arg13 : memref<40xi32, #tpu.memory_space<vmem>>) semaphore(%arg30 : memref<!tpu.dma_semaphore, #tpu.memory_space<semaphore_mem>>) {add = true}
    %dma_wait3A_425 = arith.constant 0 : i32
    %dma_wait3A_426 = arith.constant 0 : i32
    %dma_wait3A_427 = tpu.memref_slice %arg2[%dma_wait3A_425, %dma_wait3A_426] : memref<10000x144xf32, #tpu.memory_space<hbm>> -> memref<10000x144xf32, #tpu.memory_space<hbm>>
    tpu.wait_indirect_dma semaphore(%arg26 : memref<!tpu.dma_semaphore, #tpu.memory_space<semaphore_mem>>) src(%dma_wait3A_427 : memref<10000x144xf32, #tpu.memory_space<hbm>>) dst(%arg17 : memref<40x144xf32, #tpu.memory_space<vmem>>)
    %dma_wait3A_428 = arith.constant 0 : i32
    %dma_wait3A_429 = arith.constant 0 : i32
    %dma_wait3A_430 = tpu.memref_slice %arg3[%dma_wait3A_428, %dma_wait3A_429] : memref<10000x16xf32, #tpu.memory_space<hbm>> -> memref<10000x16xf32, #tpu.memory_space<hbm>>
    tpu.wait_indirect_dma semaphore(%arg26 : memref<!tpu.dma_semaphore, #tpu.memory_space<semaphore_mem>>) src(%dma_wait3A_430 : memref<10000x16xf32, #tpu.memory_space<hbm>>) dst(%arg20 : memref<40x16xf32, #tpu.memory_space<vmem>>)
    %dma_wait3A_431 = arith.constant 0 : i32
    %dma_wait3A_432 = arith.constant 0 : i32
    %dma_wait3A_433 = tpu.memref_slice %arg23[%dma_wait3A_431, %dma_wait3A_432] : memref<10000x144xf32, #tpu.memory_space<vmem_shared>> -> memref<10000x144xf32, #tpu.memory_space<vmem_shared>>
    tpu.wait_indirect_dma semaphore(%arg31 : memref<!tpu.dma_semaphore, #tpu.memory_space<semaphore_mem>>) src(%arg22 : memref<40x144xf32, #tpu.memory_space<vmem>>) dst(%dma_wait3A_433 : memref<10000x144xf32, #tpu.memory_space<vmem_shared>>)
    %get3A_434 = arith.constant 0 : index
    %get3A_435 = tpu.vector_load %arg12[%get3A_434] {strides = array<i32>} : memref<40xi32, #tpu.memory_space<vmem>>, vector<16xi32>,
    %get3A_436 = vector.shape_cast %get3A_435 : vector<16xi32> to vector<16xi32>
    %swap3A_437 = arith.constant 0 : index
    %swap3A_438 = tpu.vector_load %arg14[%swap3A_437] {strides = array<i32>} : memref<40xi32, #tpu.memory_space<vmem>>, vector<16xi32>,
    %swap3A_439 = vector.shape_cast %swap3A_438 : vector<16xi32> to vector<16xi32>
    %swap3A_440 = vector.shape_cast %get3A_436 : vector<16xi32> to vector<16xi32>
    tpu.vector_store %arg14[%swap3A_437], %swap3A_440 {strides = array<i32>} : memref<40xi32, #tpu.memory_space<vmem>>, vector<16xi32>,
    %get3A_441 = arith.constant 16 : index
    %get3A_442 = tpu.vector_load %arg12[%get3A_441] {strides = array<i32>} : memref<40xi32, #tpu.memory_space<vmem>>, vector<16xi32>,
    %get3A_443 = vector.shape_cast %get3A_442 : vector<16xi32> to vector<16xi32>
    %swap3A_444 = arith.constant 16 : index
    %swap3A_445 = tpu.vector_load %arg14[%swap3A_444] {strides = array<i32>} : memref<40xi32, #tpu.memory_space<vmem>>, vector<16xi32>,
    %swap3A_446 = vector.shape_cast %swap3A_445 : vector<16xi32> to vector<16xi32>
    %swap3A_447 = vector.shape_cast %get3A_443 : vector<16xi32> to vector<16xi32>
    tpu.vector_store %arg14[%swap3A_444], %swap3A_447 {strides = array<i32>} : memref<40xi32, #tpu.memory_space<vmem>>, vector<16xi32>,
    %get3A_448 = arith.constant 24 : index
    %get3A_449 = tpu.vector_load %arg12[%get3A_448] {strides = array<i32>} : memref<40xi32, #tpu.memory_space<vmem>>, vector<16xi32>,
    %get3A_450 = vector.shape_cast %get3A_449 : vector<16xi32> to vector<16xi32>
    %swap3A_451 = arith.constant 24 : index
    %swap3A_452 = tpu.vector_load %arg14[%swap3A_451] {strides = array<i32>} : memref<40xi32, #tpu.memory_space<vmem>>, vector<16xi32>,
    %swap3A_453 = vector.shape_cast %swap3A_452 : vector<16xi32> to vector<16xi32>
    %swap3A_454 = vector.shape_cast %get3A_450 : vector<16xi32> to vector<16xi32>
    tpu.vector_store %arg14[%swap3A_451], %swap3A_454 {strides = array<i32>} : memref<40xi32, #tpu.memory_space<vmem>>, vector<16xi32>,
    %add3A_455 = arith.constant 9920 : i32
    %add3A_456 = arith.addi %mul3A_2, %add3A_455 : i32
    %dma_start3A_457 = arith.constant 0 : i32
    %dma_start3A_458 = tpu.memref_slice %arg4[%dma_start3A_457, %add3A_456] : memref<2x320000xi32, #tpu.memory_space<hbm>> -> memref<1x40xi32, #tpu.memory_space<hbm>>
    %dma_start3A_459 = tpu.memref_squeeze %dma_start3A_458 : memref<1x40xi32, #tpu.memory_space<hbm>> -> memref<40xi32, #tpu.memory_space<hbm>>
    %dma_start3A_460 = tpu.memref_slice %arg4[%dma_start3A_457, %add3A_456] : memref<2x320000xi32, #tpu.memory_space<hbm>> -> memref<1x40xi32, #tpu.memory_space<hbm>>
    %dma_start3A_461 = tpu.memref_squeeze %dma_start3A_460 : memref<1x40xi32, #tpu.memory_space<hbm>> -> memref<40xi32, #tpu.memory_space<hbm>>
    tpu.enqueue_dma source(%dma_start3A_461 : memref<40xi32, #tpu.memory_space<hbm>>) target(%arg9 : memref<40xi32, #tpu.memory_space<vmem>>) target_semaphore(%arg29 : memref<!tpu.dma_semaphore, #tpu.memory_space<semaphore_mem>>)
    %dma_start3A_462 = arith.constant 1 : i32
    %dma_start3A_463 = tpu.memref_slice %arg4[%dma_start3A_462, %add3A_456] : memref<2x320000xi32, #tpu.memory_space<hbm>> -> memref<1x40xi32, #tpu.memory_space<hbm>>
    %dma_start3A_464 = tpu.memref_squeeze %dma_start3A_463 : memref<1x40xi32, #tpu.memory_space<hbm>> -> memref<40xi32, #tpu.memory_space<hbm>>
    %dma_start3A_465 = tpu.memref_slice %arg4[%dma_start3A_462, %add3A_456] : memref<2x320000xi32, #tpu.memory_space<hbm>> -> memref<1x40xi32, #tpu.memory_space<hbm>>
    %dma_start3A_466 = tpu.memref_squeeze %dma_start3A_465 : memref<1x40xi32, #tpu.memory_space<hbm>> -> memref<40xi32, #tpu.memory_space<hbm>>
    tpu.enqueue_dma source(%dma_start3A_466 : memref<40xi32, #tpu.memory_space<hbm>>) target(%arg12 : memref<40xi32, #tpu.memory_space<vmem>>) target_semaphore(%arg29 : memref<!tpu.dma_semaphore, #tpu.memory_space<semaphore_mem>>)
    %dma_wait3A_467 = arith.constant 0 : i32
    %dma_wait3A_468 = arith.constant 0 : i32
    %dma_wait3A_469 = tpu.memref_slice %arg4[%dma_wait3A_467, %dma_wait3A_468] : memref<2x320000xi32, #tpu.memory_space<hbm>> -> memref<1x40xi32, #tpu.memory_space<hbm>>
    %dma_wait3A_470 = tpu.memref_squeeze %dma_wait3A_469 : memref<1x40xi32, #tpu.memory_space<hbm>> -> memref<40xi32, #tpu.memory_space<hbm>>
    %dma_wait3A_471 = arith.constant 0 : i32
    %dma_wait3A_472 = tpu.memref_slice %arg4[%dma_wait3A_467, %dma_wait3A_471] : memref<2x320000xi32, #tpu.memory_space<hbm>> -> memref<1x40xi32, #tpu.memory_space<hbm>>
    %dma_wait3A_473 = tpu.memref_squeeze %dma_wait3A_472 : memref<1x40xi32, #tpu.memory_space<hbm>> -> memref<40xi32, #tpu.memory_space<hbm>>
    tpu.wait_dma2 semaphore(%arg28 : memref<!tpu.dma_semaphore, #tpu.memory_space<semaphore_mem>>) src(%dma_wait3A_473 : memref<40xi32, #tpu.memory_space<hbm>>) dst(%arg8 : memref<40xi32, #tpu.memory_space<vmem>>)
    %dma_wait3A_474 = arith.constant 1 : i32
    %dma_wait3A_475 = arith.constant 0 : i32
    %dma_wait3A_476 = tpu.memref_slice %arg4[%dma_wait3A_474, %dma_wait3A_475] : memref<2x320000xi32, #tpu.memory_space<hbm>> -> memref<1x40xi32, #tpu.memory_space<hbm>>
    %dma_wait3A_477 = tpu.memref_squeeze %dma_wait3A_476 : memref<1x40xi32, #tpu.memory_space<hbm>> -> memref<40xi32, #tpu.memory_space<hbm>>
    %dma_wait3A_478 = arith.constant 0 : i32
    %dma_wait3A_479 = tpu.memref_slice %arg4[%dma_wait3A_474, %dma_wait3A_478] : memref<2x320000xi32, #tpu.memory_space<hbm>> -> memref<1x40xi32, #tpu.memory_space<hbm>>
    %dma_wait3A_480 = tpu.memref_squeeze %dma_wait3A_479 : memref<1x40xi32, #tpu.memory_space<hbm>> -> memref<40xi32, #tpu.memory_space<hbm>>
    tpu.wait_dma2 semaphore(%arg28 : memref<!tpu.dma_semaphore, #tpu.memory_space<semaphore_mem>>) src(%dma_wait3A_480 : memref<40xi32, #tpu.memory_space<hbm>>) dst(%arg11 : memref<40xi32, #tpu.memory_space<vmem>>)
    %dma_start3A_481 = arith.constant 0 : i32
    %dma_start3A_482 = arith.constant 0 : i32
    %dma_start3A_483 = tpu.memref_slice %arg2[%dma_start3A_481, %dma_start3A_482] : memref<10000x144xf32, #tpu.memory_space<hbm>> -> memref<10000x144xf32, #tpu.memory_space<hbm>>
    tpu.enqueue_indirect_dma source(%dma_start3A_483 : memref<10000x144xf32, #tpu.memory_space<hbm>>) target(%arg16 : memref<40x144xf32, #tpu.memory_space<vmem>>) offsets(%arg8 : memref<40xi32, #tpu.memory_space<vmem>>) semaphore(%arg25 : memref<!tpu.dma_semaphore, #tpu.memory_space<semaphore_mem>>)
    %dma_start3A_484 = arith.constant 0 : i32
    %dma_start3A_485 = arith.constant 0 : i32
    %dma_start3A_486 = tpu.memref_slice %arg3[%dma_start3A_484, %dma_start3A_485] : memref<10000x16xf32, #tpu.memory_space<hbm>> -> memref<10000x16xf32, #tpu.memory_space<hbm>>
    tpu.enqueue_indirect_dma source(%dma_start3A_486 : memref<10000x16xf32, #tpu.memory_space<hbm>>) target(%arg19 : memref<40x16xf32, #tpu.memory_space<vmem>>) offsets(%arg11 : memref<40xi32, #tpu.memory_space<vmem>>) semaphore(%arg25 : memref<!tpu.dma_semaphore, #tpu.memory_space<semaphore_mem>>)
    %scan3A_487 = arith.constant 0 : i32
    %scan3A_488 = arith.constant 40 : i32
    %scan3A_489 = arith.addi %scan3A_487, %scan3A_488 : i32
    %scan3A_490 = arith.constant 1 : i32
    scf.for %scan3A_706 = %scan3A_487 to %scan3A_489 step %scan3A_490  : i32 {
      %mul3A_707 = arith.constant 1 : i32
      %mul3A_708 = arith.muli %scan3A_706, %mul3A_707 : i32
      %add3A_709 = arith.constant 0 : i32
      %add3A_710 = arith.addi %add3A_709, %mul3A_708 : i32
      %get3A_711 = arith.index_cast %add3A_710 : i32 to index
      %get3A_712 = arith.constant 128 : index
      %get3A_713 = tpu.vector_load %arg17[%get3A_711, %get3A_712] {strides = array<i32>} : memref<40x144xf32, #tpu.memory_space<vmem>>, vector<1x16xf32>,
      %get3A_714 = vector.shape_cast %get3A_713 : vector<1x16xf32> to vector<16xf32>
      %get3A_715 = arith.index_cast %add3A_710 : i32 to index
      %get3A_716 = arith.constant 0 : index
      %get3A_717 = tpu.vector_load %arg20[%get3A_715, %get3A_716] {strides = array<i32>} : memref<40x16xf32, #tpu.memory_space<vmem>>, vector<1x16xf32>,
      %get3A_718 = vector.shape_cast %get3A_717 : vector<1x16xf32> to vector<16xf32>
      %add3A_719 = arith.addf %get3A_714, %get3A_718 : vector<16xf32>
      %mul3A_720 = arith.constant 2.000000e-01 : f32
      %mul3A_721 = vector.broadcast %mul3A_720 : f32 to vector<16xf32>
      %mul3A_722 = arith.mulf %add3A_719, %mul3A_721 : vector<16xf32>
      %max3A = arith.maximumf %add3A_719, %mul3A_722 : vector<16xf32>
      %exp3A = math.exp %max3A : vector<16xf32>
      %swap3A_723 = arith.index_cast %add3A_710 : i32 to index
      %swap3A_724 = arith.constant 128 : index
      %swap3A_725 = tpu.vector_load %arg22[%swap3A_723, %swap3A_724] {strides = array<i32>} : memref<40x144xf32, #tpu.memory_space<vmem>>, vector<1x16xf32>,
      %swap3A_726 = vector.shape_cast %swap3A_725 : vector<1x16xf32> to vector<16xf32>
      %swap3A_727 = vector.shape_cast %exp3A : vector<16xf32> to vector<1x16xf32>
      tpu.vector_store %arg22[%swap3A_723, %swap3A_724], %swap3A_727 {strides = array<i32>} : memref<40x144xf32, #tpu.memory_space<vmem>>, vector<1x16xf32>,
      %broadcast_in_dim3A = arith.constant 0 : i32
      %broadcast_in_dim3A_728 = vector.broadcast %broadcast_in_dim3A : i32 to vector<16x1xi32>
      %gather3A = vector.shape_cast %broadcast_in_dim3A_728 : vector<16x1xi32> to vector<16xi32>
      %gather3A_729 = tpu.dynamic_gather %exp3A[%gather3A] in [0] : vector<16xf32>, vector<16xi32> -> vector<16xf32>
      %get3A_730 = arith.index_cast %add3A_710 : i32 to index
      %get3A_731 = arith.constant 0 : index
      %get3A_732 = tpu.vector_load %arg17[%get3A_730, %get3A_731] {strides = array<i32>} : memref<40x144xf32, #tpu.memory_space<vmem>>, vector<1x16xf32>,
      %get3A_733 = vector.shape_cast %get3A_732 : vector<1x16xf32> to vector<16xf32>
      %mul3A_734 = arith.mulf %get3A_733, %gather3A_729 : vector<16xf32>
      %swap3A_735 = arith.index_cast %add3A_710 : i32 to index
      %swap3A_736 = arith.constant 0 : index
      %swap3A_737 = tpu.vector_load %arg22[%swap3A_735, %swap3A_736] {strides = array<i32>} : memref<40x144xf32, #tpu.memory_space<vmem>>, vector<1x16xf32>,
      %swap3A_738 = vector.shape_cast %swap3A_737 : vector<1x16xf32> to vector<16xf32>
      %swap3A_739 = vector.shape_cast %mul3A_734 : vector<16xf32> to vector<1x16xf32>
      tpu.vector_store %arg22[%swap3A_735, %swap3A_736], %swap3A_739 {strides = array<i32>} : memref<40x144xf32, #tpu.memory_space<vmem>>, vector<1x16xf32>,
      %broadcast_in_dim3A_740 = arith.constant 1 : i32
      %broadcast_in_dim3A_741 = vector.broadcast %broadcast_in_dim3A_740 : i32 to vector<16x1xi32>
      %gather3A_742 = vector.shape_cast %broadcast_in_dim3A_741 : vector<16x1xi32> to vector<16xi32>
      %gather3A_743 = tpu.dynamic_gather %exp3A[%gather3A_742] in [0] : vector<16xf32>, vector<16xi32> -> vector<16xf32>
      %get3A_744 = arith.index_cast %add3A_710 : i32 to index
      %get3A_745 = arith.constant 16 : index
      %get3A_746 = tpu.vector_load %arg17[%get3A_744, %get3A_745] {strides = array<i32>} : memref<40x144xf32, #tpu.memory_space<vmem>>, vector<1x16xf32>,
      %get3A_747 = vector.shape_cast %get3A_746 : vector<1x16xf32> to vector<16xf32>
      %mul3A_748 = arith.mulf %get3A_747, %gather3A_743 : vector<16xf32>
      %swap3A_749 = arith.index_cast %add3A_710 : i32 to index
      %swap3A_750 = arith.constant 16 : index
      %swap3A_751 = tpu.vector_load %arg22[%swap3A_749, %swap3A_750] {strides = array<i32>} : memref<40x144xf32, #tpu.memory_space<vmem>>, vector<1x16xf32>,
      %swap3A_752 = vector.shape_cast %swap3A_751 : vector<1x16xf32> to vector<16xf32>
      %swap3A_753 = vector.shape_cast %mul3A_748 : vector<16xf32> to vector<1x16xf32>
      tpu.vector_store %arg22[%swap3A_749, %swap3A_750], %swap3A_753 {strides = array<i32>} : memref<40x144xf32, #tpu.memory_space<vmem>>, vector<1x16xf32>,
      %broadcast_in_dim3A_754 = arith.constant 2 : i32
      %broadcast_in_dim3A_755 = vector.broadcast %broadcast_in_dim3A_754 : i32 to vector<16x1xi32>
      %gather3A_756 = vector.shape_cast %broadcast_in_dim3A_755 : vector<16x1xi32> to vector<16xi32>
      %gather3A_757 = tpu.dynamic_gather %exp3A[%gather3A_756] in [0] : vector<16xf32>, vector<16xi32> -> vector<16xf32>
      %get3A_758 = arith.index_cast %add3A_710 : i32 to index
      %get3A_759 = arith.constant 32 : index
      %get3A_760 = tpu.vector_load %arg17[%get3A_758, %get3A_759] {strides = array<i32>} : memref<40x144xf32, #tpu.memory_space<vmem>>, vector<1x16xf32>,
      %get3A_761 = vector.shape_cast %get3A_760 : vector<1x16xf32> to vector<16xf32>
      %mul3A_762 = arith.mulf %get3A_761, %gather3A_757 : vector<16xf32>
      %swap3A_763 = arith.index_cast %add3A_710 : i32 to index
      %swap3A_764 = arith.constant 32 : index
      %swap3A_765 = tpu.vector_load %arg22[%swap3A_763, %swap3A_764] {strides = array<i32>} : memref<40x144xf32, #tpu.memory_space<vmem>>, vector<1x16xf32>,
      %swap3A_766 = vector.shape_cast %swap3A_765 : vector<1x16xf32> to vector<16xf32>
      %swap3A_767 = vector.shape_cast %mul3A_762 : vector<16xf32> to vector<1x16xf32>
      tpu.vector_store %arg22[%swap3A_763, %swap3A_764], %swap3A_767 {strides = array<i32>} : memref<40x144xf32, #tpu.memory_space<vmem>>, vector<1x16xf32>,
      %broadcast_in_dim3A_768 = arith.constant 3 : i32
      %broadcast_in_dim3A_769 = vector.broadcast %broadcast_in_dim3A_768 : i32 to vector<16x1xi32>
      %gather3A_770 = vector.shape_cast %broadcast_in_dim3A_769 : vector<16x1xi32> to vector<16xi32>
      %gather3A_771 = tpu.dynamic_gather %exp3A[%gather3A_770] in [0] : vector<16xf32>, vector<16xi32> -> vector<16xf32>
      %get3A_772 = arith.index_cast %add3A_710 : i32 to index
      %get3A_773 = arith.constant 48 : index
      %get3A_774 = tpu.vector_load %arg17[%get3A_772, %get3A_773] {strides = array<i32>} : memref<40x144xf32, #tpu.memory_space<vmem>>, vector<1x16xf32>,
      %get3A_775 = vector.shape_cast %get3A_774 : vector<1x16xf32> to vector<16xf32>
      %mul3A_776 = arith.mulf %get3A_775, %gather3A_771 : vector<16xf32>
      %swap3A_777 = arith.index_cast %add3A_710 : i32 to index
      %swap3A_778 = arith.constant 48 : index
      %swap3A_779 = tpu.vector_load %arg22[%swap3A_777, %swap3A_778] {strides = array<i32>} : memref<40x144xf32, #tpu.memory_space<vmem>>, vector<1x16xf32>,
      %swap3A_780 = vector.shape_cast %swap3A_779 : vector<1x16xf32> to vector<16xf32>
      %swap3A_781 = vector.shape_cast %mul3A_776 : vector<16xf32> to vector<1x16xf32>
      tpu.vector_store %arg22[%swap3A_777, %swap3A_778], %swap3A_781 {strides = array<i32>} : memref<40x144xf32, #tpu.memory_space<vmem>>, vector<1x16xf32>,
      %broadcast_in_dim3A_782 = arith.constant 4 : i32
      %broadcast_in_dim3A_783 = vector.broadcast %broadcast_in_dim3A_782 : i32 to vector<16x1xi32>
      %gather3A_784 = vector.shape_cast %broadcast_in_dim3A_783 : vector<16x1xi32> to vector<16xi32>
      %gather3A_785 = tpu.dynamic_gather %exp3A[%gather3A_784] in [0] : vector<16xf32>, vector<16xi32> -> vector<16xf32>
      %get3A_786 = arith.index_cast %add3A_710 : i32 to index
      %get3A_787 = arith.constant 64 : index
      %get3A_788 = tpu.vector_load %arg17[%get3A_786, %get3A_787] {strides = array<i32>} : memref<40x144xf32, #tpu.memory_space<vmem>>, vector<1x16xf32>,
      %get3A_789 = vector.shape_cast %get3A_788 : vector<1x16xf32> to vector<16xf32>
      %mul3A_790 = arith.mulf %get3A_789, %gather3A_785 : vector<16xf32>
      %swap3A_791 = arith.index_cast %add3A_710 : i32 to index
      %swap3A_792 = arith.constant 64 : index
      %swap3A_793 = tpu.vector_load %arg22[%swap3A_791, %swap3A_792] {strides = array<i32>} : memref<40x144xf32, #tpu.memory_space<vmem>>, vector<1x16xf32>,
      %swap3A_794 = vector.shape_cast %swap3A_793 : vector<1x16xf32> to vector<16xf32>
      %swap3A_795 = vector.shape_cast %mul3A_790 : vector<16xf32> to vector<1x16xf32>
      tpu.vector_store %arg22[%swap3A_791, %swap3A_792], %swap3A_795 {strides = array<i32>} : memref<40x144xf32, #tpu.memory_space<vmem>>, vector<1x16xf32>,
      %broadcast_in_dim3A_796 = arith.constant 5 : i32
      %broadcast_in_dim3A_797 = vector.broadcast %broadcast_in_dim3A_796 : i32 to vector<16x1xi32>
      %gather3A_798 = vector.shape_cast %broadcast_in_dim3A_797 : vector<16x1xi32> to vector<16xi32>
      %gather3A_799 = tpu.dynamic_gather %exp3A[%gather3A_798] in [0] : vector<16xf32>, vector<16xi32> -> vector<16xf32>
      %get3A_800 = arith.index_cast %add3A_710 : i32 to index
      %get3A_801 = arith.constant 80 : index
      %get3A_802 = tpu.vector_load %arg17[%get3A_800, %get3A_801] {strides = array<i32>} : memref<40x144xf32, #tpu.memory_space<vmem>>, vector<1x16xf32>,
      %get3A_803 = vector.shape_cast %get3A_802 : vector<1x16xf32> to vector<16xf32>
      %mul3A_804 = arith.mulf %get3A_803, %gather3A_799 : vector<16xf32>
      %swap3A_805 = arith.index_cast %add3A_710 : i32 to index
      %swap3A_806 = arith.constant 80 : index
      %swap3A_807 = tpu.vector_load %arg22[%swap3A_805, %swap3A_806] {strides = array<i32>} : memref<40x144xf32, #tpu.memory_space<vmem>>, vector<1x16xf32>,
      %swap3A_808 = vector.shape_cast %swap3A_807 : vector<1x16xf32> to vector<16xf32>
      %swap3A_809 = vector.shape_cast %mul3A_804 : vector<16xf32> to vector<1x16xf32>
      tpu.vector_store %arg22[%swap3A_805, %swap3A_806], %swap3A_809 {strides = array<i32>} : memref<40x144xf32, #tpu.memory_space<vmem>>, vector<1x16xf32>,
      %broadcast_in_dim3A_810 = arith.constant 6 : i32
      %broadcast_in_dim3A_811 = vector.broadcast %broadcast_in_dim3A_810 : i32 to vector<16x1xi32>
      %gather3A_812 = vector.shape_cast %broadcast_in_dim3A_811 : vector<16x1xi32> to vector<16xi32>
      %gather3A_813 = tpu.dynamic_gather %exp3A[%gather3A_812] in [0] : vector<16xf32>, vector<16xi32> -> vector<16xf32>
      %get3A_814 = arith.index_cast %add3A_710 : i32 to index
      %get3A_815 = arith.constant 96 : index
      %get3A_816 = tpu.vector_load %arg17[%get3A_814, %get3A_815] {strides = array<i32>} : memref<40x144xf32, #tpu.memory_space<vmem>>, vector<1x16xf32>,
      %get3A_817 = vector.shape_cast %get3A_816 : vector<1x16xf32> to vector<16xf32>
      %mul3A_818 = arith.mulf %get3A_817, %gather3A_813 : vector<16xf32>
      %swap3A_819 = arith.index_cast %add3A_710 : i32 to index
      %swap3A_820 = arith.constant 96 : index
      %swap3A_821 = tpu.vector_load %arg22[%swap3A_819, %swap3A_820] {strides = array<i32>} : memref<40x144xf32, #tpu.memory_space<vmem>>, vector<1x16xf32>,
      %swap3A_822 = vector.shape_cast %swap3A_821 : vector<1x16xf32> to vector<16xf32>
      %swap3A_823 = vector.shape_cast %mul3A_818 : vector<16xf32> to vector<1x16xf32>
      tpu.vector_store %arg22[%swap3A_819, %swap3A_820], %swap3A_823 {strides = array<i32>} : memref<40x144xf32, #tpu.memory_space<vmem>>, vector<1x16xf32>,
      %broadcast_in_dim3A_824 = arith.constant 7 : i32
      %broadcast_in_dim3A_825 = vector.broadcast %broadcast_in_dim3A_824 : i32 to vector<16x1xi32>
      %gather3A_826 = vector.shape_cast %broadcast_in_dim3A_825 : vector<16x1xi32> to vector<16xi32>
      %gather3A_827 = tpu.dynamic_gather %exp3A[%gather3A_826] in [0] : vector<16xf32>, vector<16xi32> -> vector<16xf32>
      %get3A_828 = arith.index_cast %add3A_710 : i32 to index
      %get3A_829 = arith.constant 112 : index
      %get3A_830 = tpu.vector_load %arg17[%get3A_828, %get3A_829] {strides = array<i32>} : memref<40x144xf32, #tpu.memory_space<vmem>>, vector<1x16xf32>,
      %get3A_831 = vector.shape_cast %get3A_830 : vector<1x16xf32> to vector<16xf32>
      %mul3A_832 = arith.mulf %get3A_831, %gather3A_827 : vector<16xf32>
      %swap3A_833 = arith.index_cast %add3A_710 : i32 to index
      %swap3A_834 = arith.constant 112 : index
      %swap3A_835 = tpu.vector_load %arg22[%swap3A_833, %swap3A_834] {strides = array<i32>} : memref<40x144xf32, #tpu.memory_space<vmem>>, vector<1x16xf32>,
      %swap3A_836 = vector.shape_cast %swap3A_835 : vector<1x16xf32> to vector<16xf32>
      %swap3A_837 = vector.shape_cast %mul3A_832 : vector<16xf32> to vector<1x16xf32>
      tpu.vector_store %arg22[%swap3A_833, %swap3A_834], %swap3A_837 {strides = array<i32>} : memref<40x144xf32, #tpu.memory_space<vmem>>, vector<1x16xf32>,
    }
    %scan3A_491 = arith.constant 40 : i32
    %dma_start3A_492 = arith.constant 0 : i32
    %dma_start3A_493 = arith.constant 0 : i32
    %dma_start3A_494 = tpu.memref_slice %arg23[%dma_start3A_492, %dma_start3A_493] : memref<10000x144xf32, #tpu.memory_space<vmem_shared>> -> memref<10000x144xf32, #tpu.memory_space<vmem_shared>>
    tpu.enqueue_indirect_dma source(%arg22 : memref<40x144xf32, #tpu.memory_space<vmem>>) target(%dma_start3A_494 : memref<10000x144xf32, #tpu.memory_space<vmem_shared>>) offsets(%arg14 : memref<40xi32, #tpu.memory_space<vmem>>) semaphore(%arg31 : memref<!tpu.dma_semaphore, #tpu.memory_space<semaphore_mem>>) {add = true}
    %dma_wait3A_495 = arith.constant 0 : i32
    %dma_wait3A_496 = arith.constant 0 : i32
    %dma_wait3A_497 = tpu.memref_slice %arg2[%dma_wait3A_495, %dma_wait3A_496] : memref<10000x144xf32, #tpu.memory_space<hbm>> -> memref<10000x144xf32, #tpu.memory_space<hbm>>
    tpu.wait_indirect_dma semaphore(%arg24 : memref<!tpu.dma_semaphore, #tpu.memory_space<semaphore_mem>>) src(%dma_wait3A_497 : memref<10000x144xf32, #tpu.memory_space<hbm>>) dst(%arg15 : memref<40x144xf32, #tpu.memory_space<vmem>>)
    %dma_wait3A_498 = arith.constant 0 : i32
    %dma_wait3A_499 = arith.constant 0 : i32
    %dma_wait3A_500 = tpu.memref_slice %arg3[%dma_wait3A_498, %dma_wait3A_499] : memref<10000x16xf32, #tpu.memory_space<hbm>> -> memref<10000x16xf32, #tpu.memory_space<hbm>>
    tpu.wait_indirect_dma semaphore(%arg24 : memref<!tpu.dma_semaphore, #tpu.memory_space<semaphore_mem>>) src(%dma_wait3A_500 : memref<10000x16xf32, #tpu.memory_space<hbm>>) dst(%arg18 : memref<40x16xf32, #tpu.memory_space<vmem>>)
    %dma_wait3A_501 = arith.constant 0 : i32
    %dma_wait3A_502 = arith.constant 0 : i32
    %dma_wait3A_503 = tpu.memref_slice %arg23[%dma_wait3A_501, %dma_wait3A_502] : memref<10000x144xf32, #tpu.memory_space<vmem_shared>> -> memref<10000x144xf32, #tpu.memory_space<vmem_shared>>
    tpu.wait_indirect_dma semaphore(%arg30 : memref<!tpu.dma_semaphore, #tpu.memory_space<semaphore_mem>>) src(%arg21 : memref<40x144xf32, #tpu.memory_space<vmem>>) dst(%dma_wait3A_503 : memref<10000x144xf32, #tpu.memory_space<vmem_shared>>)
    %get3A_504 = arith.constant 0 : index
    %get3A_505 = tpu.vector_load %arg10[%get3A_504] {strides = array<i32>} : memref<40xi32, #tpu.memory_space<vmem>>, vector<16xi32>,
    %get3A_506 = vector.shape_cast %get3A_505 : vector<16xi32> to vector<16xi32>
    %swap3A_507 = arith.constant 0 : index
    %swap3A_508 = tpu.vector_load %arg13[%swap3A_507] {strides = array<i32>} : memref<40xi32, #tpu.memory_space<vmem>>, vector<16xi32>,
    %swap3A_509 = vector.shape_cast %swap3A_508 : vector<16xi32> to vector<16xi32>
    %swap3A_510 = vector.shape_cast %get3A_506 : vector<16xi32> to vector<16xi32>
    tpu.vector_store %arg13[%swap3A_507], %swap3A_510 {strides = array<i32>} : memref<40xi32, #tpu.memory_space<vmem>>, vector<16xi32>,
    %get3A_511 = arith.constant 16 : index
    %get3A_512 = tpu.vector_load %arg10[%get3A_511] {strides = array<i32>} : memref<40xi32, #tpu.memory_space<vmem>>, vector<16xi32>,
    %get3A_513 = vector.shape_cast %get3A_512 : vector<16xi32> to vector<16xi32>
    %swap3A_514 = arith.constant 16 : index
    %swap3A_515 = tpu.vector_load %arg13[%swap3A_514] {strides = array<i32>} : memref<40xi32, #tpu.memory_space<vmem>>, vector<16xi32>,
    %swap3A_516 = vector.shape_cast %swap3A_515 : vector<16xi32> to vector<16xi32>
    %swap3A_517 = vector.shape_cast %get3A_513 : vector<16xi32> to vector<16xi32>
    tpu.vector_store %arg13[%swap3A_514], %swap3A_517 {strides = array<i32>} : memref<40xi32, #tpu.memory_space<vmem>>, vector<16xi32>,
    %get3A_518 = arith.constant 24 : index
    %get3A_519 = tpu.vector_load %arg10[%get3A_518] {strides = array<i32>} : memref<40xi32, #tpu.memory_space<vmem>>, vector<16xi32>,
    %get3A_520 = vector.shape_cast %get3A_519 : vector<16xi32> to vector<16xi32>
    %swap3A_521 = arith.constant 24 : index
    %swap3A_522 = tpu.vector_load %arg13[%swap3A_521] {strides = array<i32>} : memref<40xi32, #tpu.memory_space<vmem>>, vector<16xi32>,
    %swap3A_523 = vector.shape_cast %swap3A_522 : vector<16xi32> to vector<16xi32>
    %swap3A_524 = vector.shape_cast %get3A_520 : vector<16xi32> to vector<16xi32>
    tpu.vector_store %arg13[%swap3A_521], %swap3A_524 {strides = array<i32>} : memref<40xi32, #tpu.memory_space<vmem>>, vector<16xi32>,
    %add3A_525 = arith.constant 9960 : i32
    %add3A_526 = arith.addi %mul3A_2, %add3A_525 : i32
    %dma_start3A_527 = arith.constant 0 : i32
    %dma_start3A_528 = tpu.memref_slice %arg4[%dma_start3A_527, %add3A_526] : memref<2x320000xi32, #tpu.memory_space<hbm>> -> memref<1x40xi32, #tpu.memory_space<hbm>>
    %dma_start3A_529 = tpu.memref_squeeze %dma_start3A_528 : memref<1x40xi32, #tpu.memory_space<hbm>> -> memref<40xi32, #tpu.memory_space<hbm>>
    %dma_start3A_530 = tpu.memref_slice %arg4[%dma_start3A_527, %add3A_526] : memref<2x320000xi32, #tpu.memory_space<hbm>> -> memref<1x40xi32, #tpu.memory_space<hbm>>
    %dma_start3A_531 = tpu.memref_squeeze %dma_start3A_530 : memref<1x40xi32, #tpu.memory_space<hbm>> -> memref<40xi32, #tpu.memory_space<hbm>>
    tpu.enqueue_dma source(%dma_start3A_531 : memref<40xi32, #tpu.memory_space<hbm>>) target(%arg7 : memref<40xi32, #tpu.memory_space<vmem>>) target_semaphore(%arg27 : memref<!tpu.dma_semaphore, #tpu.memory_space<semaphore_mem>>)
    %dma_start3A_532 = arith.constant 1 : i32
    %dma_start3A_533 = tpu.memref_slice %arg4[%dma_start3A_532, %add3A_526] : memref<2x320000xi32, #tpu.memory_space<hbm>> -> memref<1x40xi32, #tpu.memory_space<hbm>>
    %dma_start3A_534 = tpu.memref_squeeze %dma_start3A_533 : memref<1x40xi32, #tpu.memory_space<hbm>> -> memref<40xi32, #tpu.memory_space<hbm>>
    %dma_start3A_535 = tpu.memref_slice %arg4[%dma_start3A_532, %add3A_526] : memref<2x320000xi32, #tpu.memory_space<hbm>> -> memref<1x40xi32, #tpu.memory_space<hbm>>
    %dma_start3A_536 = tpu.memref_squeeze %dma_start3A_535 : memref<1x40xi32, #tpu.memory_space<hbm>> -> memref<40xi32, #tpu.memory_space<hbm>>
    tpu.enqueue_dma source(%dma_start3A_536 : memref<40xi32, #tpu.memory_space<hbm>>) target(%arg10 : memref<40xi32, #tpu.memory_space<vmem>>) target_semaphore(%arg27 : memref<!tpu.dma_semaphore, #tpu.memory_space<semaphore_mem>>)
    %dma_wait3A_537 = arith.constant 0 : i32
    %dma_wait3A_538 = arith.constant 0 : i32
    %dma_wait3A_539 = tpu.memref_slice %arg4[%dma_wait3A_537, %dma_wait3A_538] : memref<2x320000xi32, #tpu.memory_space<hbm>> -> memref<1x40xi32, #tpu.memory_space<hbm>>
    %dma_wait3A_540 = tpu.memref_squeeze %dma_wait3A_539 : memref<1x40xi32, #tpu.memory_space<hbm>> -> memref<40xi32, #tpu.memory_space<hbm>>
    %dma_wait3A_541 = arith.constant 0 : i32
    %dma_wait3A_542 = tpu.memref_slice %arg4[%dma_wait3A_537, %dma_wait3A_541] : memref<2x320000xi32, #tpu.memory_space<hbm>> -> memref<1x40xi32, #tpu.memory_space<hbm>>
    %dma_wait3A_543 = tpu.memref_squeeze %dma_wait3A_542 : memref<1x40xi32, #tpu.memory_space<hbm>> -> memref<40xi32, #tpu.memory_space<hbm>>
    tpu.wait_dma2 semaphore(%arg29 : memref<!tpu.dma_semaphore, #tpu.memory_space<semaphore_mem>>) src(%dma_wait3A_543 : memref<40xi32, #tpu.memory_space<hbm>>) dst(%arg9 : memref<40xi32, #tpu.memory_space<vmem>>)
    %dma_wait3A_544 = arith.constant 1 : i32
    %dma_wait3A_545 = arith.constant 0 : i32
    %dma_wait3A_546 = tpu.memref_slice %arg4[%dma_wait3A_544, %dma_wait3A_545] : memref<2x320000xi32, #tpu.memory_space<hbm>> -> memref<1x40xi32, #tpu.memory_space<hbm>>
    %dma_wait3A_547 = tpu.memref_squeeze %dma_wait3A_546 : memref<1x40xi32, #tpu.memory_space<hbm>> -> memref<40xi32, #tpu.memory_space<hbm>>
    %dma_wait3A_548 = arith.constant 0 : i32
    %dma_wait3A_549 = tpu.memref_slice %arg4[%dma_wait3A_544, %dma_wait3A_548] : memref<2x320000xi32, #tpu.memory_space<hbm>> -> memref<1x40xi32, #tpu.memory_space<hbm>>
    %dma_wait3A_550 = tpu.memref_squeeze %dma_wait3A_549 : memref<1x40xi32, #tpu.memory_space<hbm>> -> memref<40xi32, #tpu.memory_space<hbm>>
    tpu.wait_dma2 semaphore(%arg29 : memref<!tpu.dma_semaphore, #tpu.memory_space<semaphore_mem>>) src(%dma_wait3A_550 : memref<40xi32, #tpu.memory_space<hbm>>) dst(%arg12 : memref<40xi32, #tpu.memory_space<vmem>>)
    %dma_start3A_551 = arith.constant 0 : i32
    %dma_start3A_552 = arith.constant 0 : i32
    %dma_start3A_553 = tpu.memref_slice %arg2[%dma_start3A_551, %dma_start3A_552] : memref<10000x144xf32, #tpu.memory_space<hbm>> -> memref<10000x144xf32, #tpu.memory_space<hbm>>
    tpu.enqueue_indirect_dma source(%dma_start3A_553 : memref<10000x144xf32, #tpu.memory_space<hbm>>) target(%arg17 : memref<40x144xf32, #tpu.memory_space<vmem>>) offsets(%arg9 : memref<40xi32, #tpu.memory_space<vmem>>) semaphore(%arg26 : memref<!tpu.dma_semaphore, #tpu.memory_space<semaphore_mem>>)
    %dma_start3A_554 = arith.constant 0 : i32
    %dma_start3A_555 = arith.constant 0 : i32
    %dma_start3A_556 = tpu.memref_slice %arg3[%dma_start3A_554, %dma_start3A_555] : memref<10000x16xf32, #tpu.memory_space<hbm>> -> memref<10000x16xf32, #tpu.memory_space<hbm>>
    tpu.enqueue_indirect_dma source(%dma_start3A_556 : memref<10000x16xf32, #tpu.memory_space<hbm>>) target(%arg20 : memref<40x16xf32, #tpu.memory_space<vmem>>) offsets(%arg12 : memref<40xi32, #tpu.memory_space<vmem>>) semaphore(%arg26 : memref<!tpu.dma_semaphore, #tpu.memory_space<semaphore_mem>>)
    %scan3A_557 = arith.constant 0 : i32
    %scan3A_558 = arith.constant 40 : i32
    %scan3A_559 = arith.addi %scan3A_557, %scan3A_558 : i32
    %scan3A_560 = arith.constant 1 : i32
    scf.for %scan3A_706 = %scan3A_557 to %scan3A_559 step %scan3A_560  : i32 {
      %mul3A_707 = arith.constant 1 : i32
      %mul3A_708 = arith.muli %scan3A_706, %mul3A_707 : i32
      %add3A_709 = arith.constant 0 : i32
      %add3A_710 = arith.addi %add3A_709, %mul3A_708 : i32
      %get3A_711 = arith.index_cast %add3A_710 : i32 to index
      %get3A_712 = arith.constant 128 : index
      %get3A_713 = tpu.vector_load %arg15[%get3A_711, %get3A_712] {strides = array<i32>} : memref<40x144xf32, #tpu.memory_space<vmem>>, vector<1x16xf32>,
      %get3A_714 = vector.shape_cast %get3A_713 : vector<1x16xf32> to vector<16xf32>
      %get3A_715 = arith.index_cast %add3A_710 : i32 to index
      %get3A_716 = arith.constant 0 : index
      %get3A_717 = tpu.vector_load %arg18[%get3A_715, %get3A_716] {strides = array<i32>} : memref<40x16xf32, #tpu.memory_space<vmem>>, vector<1x16xf32>,
      %get3A_718 = vector.shape_cast %get3A_717 : vector<1x16xf32> to vector<16xf32>
      %add3A_719 = arith.addf %get3A_714, %get3A_718 : vector<16xf32>
      %mul3A_720 = arith.constant 2.000000e-01 : f32
      %mul3A_721 = vector.broadcast %mul3A_720 : f32 to vector<16xf32>
      %mul3A_722 = arith.mulf %add3A_719, %mul3A_721 : vector<16xf32>
      %max3A = arith.maximumf %add3A_719, %mul3A_722 : vector<16xf32>
      %exp3A = math.exp %max3A : vector<16xf32>
      %swap3A_723 = arith.index_cast %add3A_710 : i32 to index
      %swap3A_724 = arith.constant 128 : index
      %swap3A_725 = tpu.vector_load %arg21[%swap3A_723, %swap3A_724] {strides = array<i32>} : memref<40x144xf32, #tpu.memory_space<vmem>>, vector<1x16xf32>,
      %swap3A_726 = vector.shape_cast %swap3A_725 : vector<1x16xf32> to vector<16xf32>
      %swap3A_727 = vector.shape_cast %exp3A : vector<16xf32> to vector<1x16xf32>
      tpu.vector_store %arg21[%swap3A_723, %swap3A_724], %swap3A_727 {strides = array<i32>} : memref<40x144xf32, #tpu.memory_space<vmem>>, vector<1x16xf32>,
      %broadcast_in_dim3A = arith.constant 0 : i32
      %broadcast_in_dim3A_728 = vector.broadcast %broadcast_in_dim3A : i32 to vector<16x1xi32>
      %gather3A = vector.shape_cast %broadcast_in_dim3A_728 : vector<16x1xi32> to vector<16xi32>
      %gather3A_729 = tpu.dynamic_gather %exp3A[%gather3A] in [0] : vector<16xf32>, vector<16xi32> -> vector<16xf32>
      %get3A_730 = arith.index_cast %add3A_710 : i32 to index
      %get3A_731 = arith.constant 0 : index
      %get3A_732 = tpu.vector_load %arg15[%get3A_730, %get3A_731] {strides = array<i32>} : memref<40x144xf32, #tpu.memory_space<vmem>>, vector<1x16xf32>,
      %get3A_733 = vector.shape_cast %get3A_732 : vector<1x16xf32> to vector<16xf32>
      %mul3A_734 = arith.mulf %get3A_733, %gather3A_729 : vector<16xf32>
      %swap3A_735 = arith.index_cast %add3A_710 : i32 to index
      %swap3A_736 = arith.constant 0 : index
      %swap3A_737 = tpu.vector_load %arg21[%swap3A_735, %swap3A_736] {strides = array<i32>} : memref<40x144xf32, #tpu.memory_space<vmem>>, vector<1x16xf32>,
      %swap3A_738 = vector.shape_cast %swap3A_737 : vector<1x16xf32> to vector<16xf32>
      %swap3A_739 = vector.shape_cast %mul3A_734 : vector<16xf32> to vector<1x16xf32>
      tpu.vector_store %arg21[%swap3A_735, %swap3A_736], %swap3A_739 {strides = array<i32>} : memref<40x144xf32, #tpu.memory_space<vmem>>, vector<1x16xf32>,
      %broadcast_in_dim3A_740 = arith.constant 1 : i32
      %broadcast_in_dim3A_741 = vector.broadcast %broadcast_in_dim3A_740 : i32 to vector<16x1xi32>
      %gather3A_742 = vector.shape_cast %broadcast_in_dim3A_741 : vector<16x1xi32> to vector<16xi32>
      %gather3A_743 = tpu.dynamic_gather %exp3A[%gather3A_742] in [0] : vector<16xf32>, vector<16xi32> -> vector<16xf32>
      %get3A_744 = arith.index_cast %add3A_710 : i32 to index
      %get3A_745 = arith.constant 16 : index
      %get3A_746 = tpu.vector_load %arg15[%get3A_744, %get3A_745] {strides = array<i32>} : memref<40x144xf32, #tpu.memory_space<vmem>>, vector<1x16xf32>,
      %get3A_747 = vector.shape_cast %get3A_746 : vector<1x16xf32> to vector<16xf32>
      %mul3A_748 = arith.mulf %get3A_747, %gather3A_743 : vector<16xf32>
      %swap3A_749 = arith.index_cast %add3A_710 : i32 to index
      %swap3A_750 = arith.constant 16 : index
      %swap3A_751 = tpu.vector_load %arg21[%swap3A_749, %swap3A_750] {strides = array<i32>} : memref<40x144xf32, #tpu.memory_space<vmem>>, vector<1x16xf32>,
      %swap3A_752 = vector.shape_cast %swap3A_751 : vector<1x16xf32> to vector<16xf32>
      %swap3A_753 = vector.shape_cast %mul3A_748 : vector<16xf32> to vector<1x16xf32>
      tpu.vector_store %arg21[%swap3A_749, %swap3A_750], %swap3A_753 {strides = array<i32>} : memref<40x144xf32, #tpu.memory_space<vmem>>, vector<1x16xf32>,
      %broadcast_in_dim3A_754 = arith.constant 2 : i32
      %broadcast_in_dim3A_755 = vector.broadcast %broadcast_in_dim3A_754 : i32 to vector<16x1xi32>
      %gather3A_756 = vector.shape_cast %broadcast_in_dim3A_755 : vector<16x1xi32> to vector<16xi32>
      %gather3A_757 = tpu.dynamic_gather %exp3A[%gather3A_756] in [0] : vector<16xf32>, vector<16xi32> -> vector<16xf32>
      %get3A_758 = arith.index_cast %add3A_710 : i32 to index
      %get3A_759 = arith.constant 32 : index
      %get3A_760 = tpu.vector_load %arg15[%get3A_758, %get3A_759] {strides = array<i32>} : memref<40x144xf32, #tpu.memory_space<vmem>>, vector<1x16xf32>,
      %get3A_761 = vector.shape_cast %get3A_760 : vector<1x16xf32> to vector<16xf32>
      %mul3A_762 = arith.mulf %get3A_761, %gather3A_757 : vector<16xf32>
      %swap3A_763 = arith.index_cast %add3A_710 : i32 to index
      %swap3A_764 = arith.constant 32 : index
      %swap3A_765 = tpu.vector_load %arg21[%swap3A_763, %swap3A_764] {strides = array<i32>} : memref<40x144xf32, #tpu.memory_space<vmem>>, vector<1x16xf32>,
      %swap3A_766 = vector.shape_cast %swap3A_765 : vector<1x16xf32> to vector<16xf32>
      %swap3A_767 = vector.shape_cast %mul3A_762 : vector<16xf32> to vector<1x16xf32>
      tpu.vector_store %arg21[%swap3A_763, %swap3A_764], %swap3A_767 {strides = array<i32>} : memref<40x144xf32, #tpu.memory_space<vmem>>, vector<1x16xf32>,
      %broadcast_in_dim3A_768 = arith.constant 3 : i32
      %broadcast_in_dim3A_769 = vector.broadcast %broadcast_in_dim3A_768 : i32 to vector<16x1xi32>
      %gather3A_770 = vector.shape_cast %broadcast_in_dim3A_769 : vector<16x1xi32> to vector<16xi32>
      %gather3A_771 = tpu.dynamic_gather %exp3A[%gather3A_770] in [0] : vector<16xf32>, vector<16xi32> -> vector<16xf32>
      %get3A_772 = arith.index_cast %add3A_710 : i32 to index
      %get3A_773 = arith.constant 48 : index
      %get3A_774 = tpu.vector_load %arg15[%get3A_772, %get3A_773] {strides = array<i32>} : memref<40x144xf32, #tpu.memory_space<vmem>>, vector<1x16xf32>,
      %get3A_775 = vector.shape_cast %get3A_774 : vector<1x16xf32> to vector<16xf32>
      %mul3A_776 = arith.mulf %get3A_775, %gather3A_771 : vector<16xf32>
      %swap3A_777 = arith.index_cast %add3A_710 : i32 to index
      %swap3A_778 = arith.constant 48 : index
      %swap3A_779 = tpu.vector_load %arg21[%swap3A_777, %swap3A_778] {strides = array<i32>} : memref<40x144xf32, #tpu.memory_space<vmem>>, vector<1x16xf32>,
      %swap3A_780 = vector.shape_cast %swap3A_779 : vector<1x16xf32> to vector<16xf32>
      %swap3A_781 = vector.shape_cast %mul3A_776 : vector<16xf32> to vector<1x16xf32>
      tpu.vector_store %arg21[%swap3A_777, %swap3A_778], %swap3A_781 {strides = array<i32>} : memref<40x144xf32, #tpu.memory_space<vmem>>, vector<1x16xf32>,
      %broadcast_in_dim3A_782 = arith.constant 4 : i32
      %broadcast_in_dim3A_783 = vector.broadcast %broadcast_in_dim3A_782 : i32 to vector<16x1xi32>
      %gather3A_784 = vector.shape_cast %broadcast_in_dim3A_783 : vector<16x1xi32> to vector<16xi32>
      %gather3A_785 = tpu.dynamic_gather %exp3A[%gather3A_784] in [0] : vector<16xf32>, vector<16xi32> -> vector<16xf32>
      %get3A_786 = arith.index_cast %add3A_710 : i32 to index
      %get3A_787 = arith.constant 64 : index
      %get3A_788 = tpu.vector_load %arg15[%get3A_786, %get3A_787] {strides = array<i32>} : memref<40x144xf32, #tpu.memory_space<vmem>>, vector<1x16xf32>,
      %get3A_789 = vector.shape_cast %get3A_788 : vector<1x16xf32> to vector<16xf32>
      %mul3A_790 = arith.mulf %get3A_789, %gather3A_785 : vector<16xf32>
      %swap3A_791 = arith.index_cast %add3A_710 : i32 to index
      %swap3A_792 = arith.constant 64 : index
      %swap3A_793 = tpu.vector_load %arg21[%swap3A_791, %swap3A_792] {strides = array<i32>} : memref<40x144xf32, #tpu.memory_space<vmem>>, vector<1x16xf32>,
      %swap3A_794 = vector.shape_cast %swap3A_793 : vector<1x16xf32> to vector<16xf32>
      %swap3A_795 = vector.shape_cast %mul3A_790 : vector<16xf32> to vector<1x16xf32>
      tpu.vector_store %arg21[%swap3A_791, %swap3A_792], %swap3A_795 {strides = array<i32>} : memref<40x144xf32, #tpu.memory_space<vmem>>, vector<1x16xf32>,
      %broadcast_in_dim3A_796 = arith.constant 5 : i32
      %broadcast_in_dim3A_797 = vector.broadcast %broadcast_in_dim3A_796 : i32 to vector<16x1xi32>
      %gather3A_798 = vector.shape_cast %broadcast_in_dim3A_797 : vector<16x1xi32> to vector<16xi32>
      %gather3A_799 = tpu.dynamic_gather %exp3A[%gather3A_798] in [0] : vector<16xf32>, vector<16xi32> -> vector<16xf32>
      %get3A_800 = arith.index_cast %add3A_710 : i32 to index
      %get3A_801 = arith.constant 80 : index
      %get3A_802 = tpu.vector_load %arg15[%get3A_800, %get3A_801] {strides = array<i32>} : memref<40x144xf32, #tpu.memory_space<vmem>>, vector<1x16xf32>,
      %get3A_803 = vector.shape_cast %get3A_802 : vector<1x16xf32> to vector<16xf32>
      %mul3A_804 = arith.mulf %get3A_803, %gather3A_799 : vector<16xf32>
      %swap3A_805 = arith.index_cast %add3A_710 : i32 to index
      %swap3A_806 = arith.constant 80 : index
      %swap3A_807 = tpu.vector_load %arg21[%swap3A_805, %swap3A_806] {strides = array<i32>} : memref<40x144xf32, #tpu.memory_space<vmem>>, vector<1x16xf32>,
      %swap3A_808 = vector.shape_cast %swap3A_807 : vector<1x16xf32> to vector<16xf32>
      %swap3A_809 = vector.shape_cast %mul3A_804 : vector<16xf32> to vector<1x16xf32>
      tpu.vector_store %arg21[%swap3A_805, %swap3A_806], %swap3A_809 {strides = array<i32>} : memref<40x144xf32, #tpu.memory_space<vmem>>, vector<1x16xf32>,
      %broadcast_in_dim3A_810 = arith.constant 6 : i32
      %broadcast_in_dim3A_811 = vector.broadcast %broadcast_in_dim3A_810 : i32 to vector<16x1xi32>
      %gather3A_812 = vector.shape_cast %broadcast_in_dim3A_811 : vector<16x1xi32> to vector<16xi32>
      %gather3A_813 = tpu.dynamic_gather %exp3A[%gather3A_812] in [0] : vector<16xf32>, vector<16xi32> -> vector<16xf32>
      %get3A_814 = arith.index_cast %add3A_710 : i32 to index
      %get3A_815 = arith.constant 96 : index
      %get3A_816 = tpu.vector_load %arg15[%get3A_814, %get3A_815] {strides = array<i32>} : memref<40x144xf32, #tpu.memory_space<vmem>>, vector<1x16xf32>,
      %get3A_817 = vector.shape_cast %get3A_816 : vector<1x16xf32> to vector<16xf32>
      %mul3A_818 = arith.mulf %get3A_817, %gather3A_813 : vector<16xf32>
      %swap3A_819 = arith.index_cast %add3A_710 : i32 to index
      %swap3A_820 = arith.constant 96 : index
      %swap3A_821 = tpu.vector_load %arg21[%swap3A_819, %swap3A_820] {strides = array<i32>} : memref<40x144xf32, #tpu.memory_space<vmem>>, vector<1x16xf32>,
      %swap3A_822 = vector.shape_cast %swap3A_821 : vector<1x16xf32> to vector<16xf32>
      %swap3A_823 = vector.shape_cast %mul3A_818 : vector<16xf32> to vector<1x16xf32>
      tpu.vector_store %arg21[%swap3A_819, %swap3A_820], %swap3A_823 {strides = array<i32>} : memref<40x144xf32, #tpu.memory_space<vmem>>, vector<1x16xf32>,
      %broadcast_in_dim3A_824 = arith.constant 7 : i32
      %broadcast_in_dim3A_825 = vector.broadcast %broadcast_in_dim3A_824 : i32 to vector<16x1xi32>
      %gather3A_826 = vector.shape_cast %broadcast_in_dim3A_825 : vector<16x1xi32> to vector<16xi32>
      %gather3A_827 = tpu.dynamic_gather %exp3A[%gather3A_826] in [0] : vector<16xf32>, vector<16xi32> -> vector<16xf32>
      %get3A_828 = arith.index_cast %add3A_710 : i32 to index
      %get3A_829 = arith.constant 112 : index
      %get3A_830 = tpu.vector_load %arg15[%get3A_828, %get3A_829] {strides = array<i32>} : memref<40x144xf32, #tpu.memory_space<vmem>>, vector<1x16xf32>,
      %get3A_831 = vector.shape_cast %get3A_830 : vector<1x16xf32> to vector<16xf32>
      %mul3A_832 = arith.mulf %get3A_831, %gather3A_827 : vector<16xf32>
      %swap3A_833 = arith.index_cast %add3A_710 : i32 to index
      %swap3A_834 = arith.constant 112 : index
      %swap3A_835 = tpu.vector_load %arg21[%swap3A_833, %swap3A_834] {strides = array<i32>} : memref<40x144xf32, #tpu.memory_space<vmem>>, vector<1x16xf32>,
      %swap3A_836 = vector.shape_cast %swap3A_835 : vector<1x16xf32> to vector<16xf32>
      %swap3A_837 = vector.shape_cast %mul3A_832 : vector<16xf32> to vector<1x16xf32>
      tpu.vector_store %arg21[%swap3A_833, %swap3A_834], %swap3A_837 {strides = array<i32>} : memref<40x144xf32, #tpu.memory_space<vmem>>, vector<1x16xf32>,
    }
    %scan3A_561 = arith.constant 40 : i32
    %dma_start3A_562 = arith.constant 0 : i32
    %dma_start3A_563 = arith.constant 0 : i32
    %dma_start3A_564 = tpu.memref_slice %arg23[%dma_start3A_562, %dma_start3A_563] : memref<10000x144xf32, #tpu.memory_space<vmem_shared>> -> memref<10000x144xf32, #tpu.memory_space<vmem_shared>>
    tpu.enqueue_indirect_dma source(%arg21 : memref<40x144xf32, #tpu.memory_space<vmem>>) target(%dma_start3A_564 : memref<10000x144xf32, #tpu.memory_space<vmem_shared>>) offsets(%arg13 : memref<40xi32, #tpu.memory_space<vmem>>) semaphore(%arg30 : memref<!tpu.dma_semaphore, #tpu.memory_space<semaphore_mem>>) {add = true}
    %dma_wait3A_565 = arith.constant 0 : i32
    %dma_wait3A_566 = arith.constant 0 : i32
    %dma_wait3A_567 = tpu.memref_slice %arg2[%dma_wait3A_565, %dma_wait3A_566] : memref<10000x144xf32, #tpu.memory_space<hbm>> -> memref<10000x144xf32, #tpu.memory_space<hbm>>
    tpu.wait_indirect_dma semaphore(%arg25 : memref<!tpu.dma_semaphore, #tpu.memory_space<semaphore_mem>>) src(%dma_wait3A_567 : memref<10000x144xf32, #tpu.memory_space<hbm>>) dst(%arg16 : memref<40x144xf32, #tpu.memory_space<vmem>>)
    %dma_wait3A_568 = arith.constant 0 : i32
    %dma_wait3A_569 = arith.constant 0 : i32
    %dma_wait3A_570 = tpu.memref_slice %arg3[%dma_wait3A_568, %dma_wait3A_569] : memref<10000x16xf32, #tpu.memory_space<hbm>> -> memref<10000x16xf32, #tpu.memory_space<hbm>>
    tpu.wait_indirect_dma semaphore(%arg25 : memref<!tpu.dma_semaphore, #tpu.memory_space<semaphore_mem>>) src(%dma_wait3A_570 : memref<10000x16xf32, #tpu.memory_space<hbm>>) dst(%arg19 : memref<40x16xf32, #tpu.memory_space<vmem>>)
    %dma_wait3A_571 = arith.constant 0 : i32
    %dma_wait3A_572 = arith.constant 0 : i32
    %dma_wait3A_573 = tpu.memref_slice %arg23[%dma_wait3A_571, %dma_wait3A_572] : memref<10000x144xf32, #tpu.memory_space<vmem_shared>> -> memref<10000x144xf32, #tpu.memory_space<vmem_shared>>
    tpu.wait_indirect_dma semaphore(%arg31 : memref<!tpu.dma_semaphore, #tpu.memory_space<semaphore_mem>>) src(%arg22 : memref<40x144xf32, #tpu.memory_space<vmem>>) dst(%dma_wait3A_573 : memref<10000x144xf32, #tpu.memory_space<vmem_shared>>)
    %get3A_574 = arith.constant 0 : index
    %get3A_575 = tpu.vector_load %arg11[%get3A_574] {strides = array<i32>} : memref<40xi32, #tpu.memory_space<vmem>>, vector<16xi32>,
    %get3A_576 = vector.shape_cast %get3A_575 : vector<16xi32> to vector<16xi32>
    %swap3A_577 = arith.constant 0 : index
    %swap3A_578 = tpu.vector_load %arg14[%swap3A_577] {strides = array<i32>} : memref<40xi32, #tpu.memory_space<vmem>>, vector<16xi32>,
    %swap3A_579 = vector.shape_cast %swap3A_578 : vector<16xi32> to vector<16xi32>
    %swap3A_580 = vector.shape_cast %get3A_576 : vector<16xi32> to vector<16xi32>
    tpu.vector_store %arg14[%swap3A_577], %swap3A_580 {strides = array<i32>} : memref<40xi32, #tpu.memory_space<vmem>>, vector<16xi32>,
    %get3A_581 = arith.constant 16 : index
    %get3A_582 = tpu.vector_load %arg11[%get3A_581] {strides = array<i32>} : memref<40xi32, #tpu.memory_space<vmem>>, vector<16xi32>,
    %get3A_583 = vector.shape_cast %get3A_582 : vector<16xi32> to vector<16xi32>
    %swap3A_584 = arith.constant 16 : index
    %swap3A_585 = tpu.vector_load %arg14[%swap3A_584] {strides = array<i32>} : memref<40xi32, #tpu.memory_space<vmem>>, vector<16xi32>,
    %swap3A_586 = vector.shape_cast %swap3A_585 : vector<16xi32> to vector<16xi32>
    %swap3A_587 = vector.shape_cast %get3A_583 : vector<16xi32> to vector<16xi32>
    tpu.vector_store %arg14[%swap3A_584], %swap3A_587 {strides = array<i32>} : memref<40xi32, #tpu.memory_space<vmem>>, vector<16xi32>,
    %get3A_588 = arith.constant 24 : index
    %get3A_589 = tpu.vector_load %arg11[%get3A_588] {strides = array<i32>} : memref<40xi32, #tpu.memory_space<vmem>>, vector<16xi32>,
    %get3A_590 = vector.shape_cast %get3A_589 : vector<16xi32> to vector<16xi32>
    %swap3A_591 = arith.constant 24 : index
    %swap3A_592 = tpu.vector_load %arg14[%swap3A_591] {strides = array<i32>} : memref<40xi32, #tpu.memory_space<vmem>>, vector<16xi32>,
    %swap3A_593 = vector.shape_cast %swap3A_592 : vector<16xi32> to vector<16xi32>
    %swap3A_594 = vector.shape_cast %get3A_590 : vector<16xi32> to vector<16xi32>
    tpu.vector_store %arg14[%swap3A_591], %swap3A_594 {strides = array<i32>} : memref<40xi32, #tpu.memory_space<vmem>>, vector<16xi32>,
    %dma_wait3A_595 = arith.constant 0 : i32
    %dma_wait3A_596 = arith.constant 0 : i32
    %dma_wait3A_597 = tpu.memref_slice %arg4[%dma_wait3A_595, %dma_wait3A_596] : memref<2x320000xi32, #tpu.memory_space<hbm>> -> memref<1x40xi32, #tpu.memory_space<hbm>>
    %dma_wait3A_598 = tpu.memref_squeeze %dma_wait3A_597 : memref<1x40xi32, #tpu.memory_space<hbm>> -> memref<40xi32, #tpu.memory_space<hbm>>
    %dma_wait3A_599 = arith.constant 0 : i32
    %dma_wait3A_600 = tpu.memref_slice %arg4[%dma_wait3A_595, %dma_wait3A_599] : memref<2x320000xi32, #tpu.memory_space<hbm>> -> memref<1x40xi32, #tpu.memory_space<hbm>>
    %dma_wait3A_601 = tpu.memref_squeeze %dma_wait3A_600 : memref<1x40xi32, #tpu.memory_space<hbm>> -> memref<40xi32, #tpu.memory_space<hbm>>
    tpu.wait_dma2 semaphore(%arg27 : memref<!tpu.dma_semaphore, #tpu.memory_space<semaphore_mem>>) src(%dma_wait3A_601 : memref<40xi32, #tpu.memory_space<hbm>>) dst(%arg7 : memref<40xi32, #tpu.memory_space<vmem>>)
    %dma_wait3A_602 = arith.constant 1 : i32
    %dma_wait3A_603 = arith.constant 0 : i32
    %dma_wait3A_604 = tpu.memref_slice %arg4[%dma_wait3A_602, %dma_wait3A_603] : memref<2x320000xi32, #tpu.memory_space<hbm>> -> memref<1x40xi32, #tpu.memory_space<hbm>>
    %dma_wait3A_605 = tpu.memref_squeeze %dma_wait3A_604 : memref<1x40xi32, #tpu.memory_space<hbm>> -> memref<40xi32, #tpu.memory_space<hbm>>
    %dma_wait3A_606 = arith.constant 0 : i32
    %dma_wait3A_607 = tpu.memref_slice %arg4[%dma_wait3A_602, %dma_wait3A_606] : memref<2x320000xi32, #tpu.memory_space<hbm>> -> memref<1x40xi32, #tpu.memory_space<hbm>>
    %dma_wait3A_608 = tpu.memref_squeeze %dma_wait3A_607 : memref<1x40xi32, #tpu.memory_space<hbm>> -> memref<40xi32, #tpu.memory_space<hbm>>
    tpu.wait_dma2 semaphore(%arg27 : memref<!tpu.dma_semaphore, #tpu.memory_space<semaphore_mem>>) src(%dma_wait3A_608 : memref<40xi32, #tpu.memory_space<hbm>>) dst(%arg10 : memref<40xi32, #tpu.memory_space<vmem>>)
    %dma_start3A_609 = arith.constant 0 : i32
    %dma_start3A_610 = arith.constant 0 : i32
    %dma_start3A_611 = tpu.memref_slice %arg2[%dma_start3A_609, %dma_start3A_610] : memref<10000x144xf32, #tpu.memory_space<hbm>> -> memref<10000x144xf32, #tpu.memory_space<hbm>>
    tpu.enqueue_indirect_dma source(%dma_start3A_611 : memref<10000x144xf32, #tpu.memory_space<hbm>>) target(%arg15 : memref<40x144xf32, #tpu.memory_space<vmem>>) offsets(%arg7 : memref<40xi32, #tpu.memory_space<vmem>>) semaphore(%arg24 : memref<!tpu.dma_semaphore, #tpu.memory_space<semaphore_mem>>)
    %dma_start3A_612 = arith.constant 0 : i32
    %dma_start3A_613 = arith.constant 0 : i32
    %dma_start3A_614 = tpu.memref_slice %arg3[%dma_start3A_612, %dma_start3A_613] : memref<10000x16xf32, #tpu.memory_space<hbm>> -> memref<10000x16xf32, #tpu.memory_space<hbm>>
    tpu.enqueue_indirect_dma source(%dma_start3A_614 : memref<10000x16xf32, #tpu.memory_space<hbm>>) target(%arg18 : memref<40x16xf32, #tpu.memory_space<vmem>>) offsets(%arg10 : memref<40xi32, #tpu.memory_space<vmem>>) semaphore(%arg24 : memref<!tpu.dma_semaphore, #tpu.memory_space<semaphore_mem>>)
    %scan3A_615 = arith.constant 0 : i32
    %scan3A_616 = arith.constant 40 : i32
    %scan3A_617 = arith.addi %scan3A_615, %scan3A_616 : i32
    %scan3A_618 = arith.constant 1 : i32
    scf.for %scan3A_706 = %scan3A_615 to %scan3A_617 step %scan3A_618  : i32 {
      %mul3A_707 = arith.constant 1 : i32
      %mul3A_708 = arith.muli %scan3A_706, %mul3A_707 : i32
      %add3A_709 = arith.constant 0 : i32
      %add3A_710 = arith.addi %add3A_709, %mul3A_708 : i32
      %get3A_711 = arith.index_cast %add3A_710 : i32 to index
      %get3A_712 = arith.constant 128 : index
      %get3A_713 = tpu.vector_load %arg16[%get3A_711, %get3A_712] {strides = array<i32>} : memref<40x144xf32, #tpu.memory_space<vmem>>, vector<1x16xf32>,
      %get3A_714 = vector.shape_cast %get3A_713 : vector<1x16xf32> to vector<16xf32>
      %get3A_715 = arith.index_cast %add3A_710 : i32 to index
      %get3A_716 = arith.constant 0 : index
      %get3A_717 = tpu.vector_load %arg19[%get3A_715, %get3A_716] {strides = array<i32>} : memref<40x16xf32, #tpu.memory_space<vmem>>, vector<1x16xf32>,
      %get3A_718 = vector.shape_cast %get3A_717 : vector<1x16xf32> to vector<16xf32>
      %add3A_719 = arith.addf %get3A_714, %get3A_718 : vector<16xf32>
      %mul3A_720 = arith.constant 2.000000e-01 : f32
      %mul3A_721 = vector.broadcast %mul3A_720 : f32 to vector<16xf32>
      %mul3A_722 = arith.mulf %add3A_719, %mul3A_721 : vector<16xf32>
      %max3A = arith.maximumf %add3A_719, %mul3A_722 : vector<16xf32>
      %exp3A = math.exp %max3A : vector<16xf32>
      %swap3A_723 = arith.index_cast %add3A_710 : i32 to index
      %swap3A_724 = arith.constant 128 : index
      %swap3A_725 = tpu.vector_load %arg22[%swap3A_723, %swap3A_724] {strides = array<i32>} : memref<40x144xf32, #tpu.memory_space<vmem>>, vector<1x16xf32>,
      %swap3A_726 = vector.shape_cast %swap3A_725 : vector<1x16xf32> to vector<16xf32>
      %swap3A_727 = vector.shape_cast %exp3A : vector<16xf32> to vector<1x16xf32>
      tpu.vector_store %arg22[%swap3A_723, %swap3A_724], %swap3A_727 {strides = array<i32>} : memref<40x144xf32, #tpu.memory_space<vmem>>, vector<1x16xf32>,
      %broadcast_in_dim3A = arith.constant 0 : i32
      %broadcast_in_dim3A_728 = vector.broadcast %broadcast_in_dim3A : i32 to vector<16x1xi32>
      %gather3A = vector.shape_cast %broadcast_in_dim3A_728 : vector<16x1xi32> to vector<16xi32>
      %gather3A_729 = tpu.dynamic_gather %exp3A[%gather3A] in [0] : vector<16xf32>, vector<16xi32> -> vector<16xf32>
      %get3A_730 = arith.index_cast %add3A_710 : i32 to index
      %get3A_731 = arith.constant 0 : index
      %get3A_732 = tpu.vector_load %arg16[%get3A_730, %get3A_731] {strides = array<i32>} : memref<40x144xf32, #tpu.memory_space<vmem>>, vector<1x16xf32>,
      %get3A_733 = vector.shape_cast %get3A_732 : vector<1x16xf32> to vector<16xf32>
      %mul3A_734 = arith.mulf %get3A_733, %gather3A_729 : vector<16xf32>
      %swap3A_735 = arith.index_cast %add3A_710 : i32 to index
      %swap3A_736 = arith.constant 0 : index
      %swap3A_737 = tpu.vector_load %arg22[%swap3A_735, %swap3A_736] {strides = array<i32>} : memref<40x144xf32, #tpu.memory_space<vmem>>, vector<1x16xf32>,
      %swap3A_738 = vector.shape_cast %swap3A_737 : vector<1x16xf32> to vector<16xf32>
      %swap3A_739 = vector.shape_cast %mul3A_734 : vector<16xf32> to vector<1x16xf32>
      tpu.vector_store %arg22[%swap3A_735, %swap3A_736], %swap3A_739 {strides = array<i32>} : memref<40x144xf32, #tpu.memory_space<vmem>>, vector<1x16xf32>,
      %broadcast_in_dim3A_740 = arith.constant 1 : i32
      %broadcast_in_dim3A_741 = vector.broadcast %broadcast_in_dim3A_740 : i32 to vector<16x1xi32>
      %gather3A_742 = vector.shape_cast %broadcast_in_dim3A_741 : vector<16x1xi32> to vector<16xi32>
      %gather3A_743 = tpu.dynamic_gather %exp3A[%gather3A_742] in [0] : vector<16xf32>, vector<16xi32> -> vector<16xf32>
      %get3A_744 = arith.index_cast %add3A_710 : i32 to index
      %get3A_745 = arith.constant 16 : index
      %get3A_746 = tpu.vector_load %arg16[%get3A_744, %get3A_745] {strides = array<i32>} : memref<40x144xf32, #tpu.memory_space<vmem>>, vector<1x16xf32>,
      %get3A_747 = vector.shape_cast %get3A_746 : vector<1x16xf32> to vector<16xf32>
      %mul3A_748 = arith.mulf %get3A_747, %gather3A_743 : vector<16xf32>
      %swap3A_749 = arith.index_cast %add3A_710 : i32 to index
      %swap3A_750 = arith.constant 16 : index
      %swap3A_751 = tpu.vector_load %arg22[%swap3A_749, %swap3A_750] {strides = array<i32>} : memref<40x144xf32, #tpu.memory_space<vmem>>, vector<1x16xf32>,
      %swap3A_752 = vector.shape_cast %swap3A_751 : vector<1x16xf32> to vector<16xf32>
      %swap3A_753 = vector.shape_cast %mul3A_748 : vector<16xf32> to vector<1x16xf32>
      tpu.vector_store %arg22[%swap3A_749, %swap3A_750], %swap3A_753 {strides = array<i32>} : memref<40x144xf32, #tpu.memory_space<vmem>>, vector<1x16xf32>,
      %broadcast_in_dim3A_754 = arith.constant 2 : i32
      %broadcast_in_dim3A_755 = vector.broadcast %broadcast_in_dim3A_754 : i32 to vector<16x1xi32>
      %gather3A_756 = vector.shape_cast %broadcast_in_dim3A_755 : vector<16x1xi32> to vector<16xi32>
      %gather3A_757 = tpu.dynamic_gather %exp3A[%gather3A_756] in [0] : vector<16xf32>, vector<16xi32> -> vector<16xf32>
      %get3A_758 = arith.index_cast %add3A_710 : i32 to index
      %get3A_759 = arith.constant 32 : index
      %get3A_760 = tpu.vector_load %arg16[%get3A_758, %get3A_759] {strides = array<i32>} : memref<40x144xf32, #tpu.memory_space<vmem>>, vector<1x16xf32>,
      %get3A_761 = vector.shape_cast %get3A_760 : vector<1x16xf32> to vector<16xf32>
      %mul3A_762 = arith.mulf %get3A_761, %gather3A_757 : vector<16xf32>
      %swap3A_763 = arith.index_cast %add3A_710 : i32 to index
      %swap3A_764 = arith.constant 32 : index
      %swap3A_765 = tpu.vector_load %arg22[%swap3A_763, %swap3A_764] {strides = array<i32>} : memref<40x144xf32, #tpu.memory_space<vmem>>, vector<1x16xf32>,
      %swap3A_766 = vector.shape_cast %swap3A_765 : vector<1x16xf32> to vector<16xf32>
      %swap3A_767 = vector.shape_cast %mul3A_762 : vector<16xf32> to vector<1x16xf32>
      tpu.vector_store %arg22[%swap3A_763, %swap3A_764], %swap3A_767 {strides = array<i32>} : memref<40x144xf32, #tpu.memory_space<vmem>>, vector<1x16xf32>,
      %broadcast_in_dim3A_768 = arith.constant 3 : i32
      %broadcast_in_dim3A_769 = vector.broadcast %broadcast_in_dim3A_768 : i32 to vector<16x1xi32>
      %gather3A_770 = vector.shape_cast %broadcast_in_dim3A_769 : vector<16x1xi32> to vector<16xi32>
      %gather3A_771 = tpu.dynamic_gather %exp3A[%gather3A_770] in [0] : vector<16xf32>, vector<16xi32> -> vector<16xf32>
      %get3A_772 = arith.index_cast %add3A_710 : i32 to index
      %get3A_773 = arith.constant 48 : index
      %get3A_774 = tpu.vector_load %arg16[%get3A_772, %get3A_773] {strides = array<i32>} : memref<40x144xf32, #tpu.memory_space<vmem>>, vector<1x16xf32>,
      %get3A_775 = vector.shape_cast %get3A_774 : vector<1x16xf32> to vector<16xf32>
      %mul3A_776 = arith.mulf %get3A_775, %gather3A_771 : vector<16xf32>
      %swap3A_777 = arith.index_cast %add3A_710 : i32 to index
      %swap3A_778 = arith.constant 48 : index
      %swap3A_779 = tpu.vector_load %arg22[%swap3A_777, %swap3A_778] {strides = array<i32>} : memref<40x144xf32, #tpu.memory_space<vmem>>, vector<1x16xf32>,
      %swap3A_780 = vector.shape_cast %swap3A_779 : vector<1x16xf32> to vector<16xf32>
      %swap3A_781 = vector.shape_cast %mul3A_776 : vector<16xf32> to vector<1x16xf32>
      tpu.vector_store %arg22[%swap3A_777, %swap3A_778], %swap3A_781 {strides = array<i32>} : memref<40x144xf32, #tpu.memory_space<vmem>>, vector<1x16xf32>,
      %broadcast_in_dim3A_782 = arith.constant 4 : i32
      %broadcast_in_dim3A_783 = vector.broadcast %broadcast_in_dim3A_782 : i32 to vector<16x1xi32>
      %gather3A_784 = vector.shape_cast %broadcast_in_dim3A_783 : vector<16x1xi32> to vector<16xi32>
      %gather3A_785 = tpu.dynamic_gather %exp3A[%gather3A_784] in [0] : vector<16xf32>, vector<16xi32> -> vector<16xf32>
      %get3A_786 = arith.index_cast %add3A_710 : i32 to index
      %get3A_787 = arith.constant 64 : index
      %get3A_788 = tpu.vector_load %arg16[%get3A_786, %get3A_787] {strides = array<i32>} : memref<40x144xf32, #tpu.memory_space<vmem>>, vector<1x16xf32>,
      %get3A_789 = vector.shape_cast %get3A_788 : vector<1x16xf32> to vector<16xf32>
      %mul3A_790 = arith.mulf %get3A_789, %gather3A_785 : vector<16xf32>
      %swap3A_791 = arith.index_cast %add3A_710 : i32 to index
      %swap3A_792 = arith.constant 64 : index
      %swap3A_793 = tpu.vector_load %arg22[%swap3A_791, %swap3A_792] {strides = array<i32>} : memref<40x144xf32, #tpu.memory_space<vmem>>, vector<1x16xf32>,
      %swap3A_794 = vector.shape_cast %swap3A_793 : vector<1x16xf32> to vector<16xf32>
      %swap3A_795 = vector.shape_cast %mul3A_790 : vector<16xf32> to vector<1x16xf32>
      tpu.vector_store %arg22[%swap3A_791, %swap3A_792], %swap3A_795 {strides = array<i32>} : memref<40x144xf32, #tpu.memory_space<vmem>>, vector<1x16xf32>,
      %broadcast_in_dim3A_796 = arith.constant 5 : i32
      %broadcast_in_dim3A_797 = vector.broadcast %broadcast_in_dim3A_796 : i32 to vector<16x1xi32>
      %gather3A_798 = vector.shape_cast %broadcast_in_dim3A_797 : vector<16x1xi32> to vector<16xi32>
      %gather3A_799 = tpu.dynamic_gather %exp3A[%gather3A_798] in [0] : vector<16xf32>, vector<16xi32> -> vector<16xf32>
      %get3A_800 = arith.index_cast %add3A_710 : i32 to index
      %get3A_801 = arith.constant 80 : index
      %get3A_802 = tpu.vector_load %arg16[%get3A_800, %get3A_801] {strides = array<i32>} : memref<40x144xf32, #tpu.memory_space<vmem>>, vector<1x16xf32>,
      %get3A_803 = vector.shape_cast %get3A_802 : vector<1x16xf32> to vector<16xf32>
      %mul3A_804 = arith.mulf %get3A_803, %gather3A_799 : vector<16xf32>
      %swap3A_805 = arith.index_cast %add3A_710 : i32 to index
      %swap3A_806 = arith.constant 80 : index
      %swap3A_807 = tpu.vector_load %arg22[%swap3A_805, %swap3A_806] {strides = array<i32>} : memref<40x144xf32, #tpu.memory_space<vmem>>, vector<1x16xf32>,
      %swap3A_808 = vector.shape_cast %swap3A_807 : vector<1x16xf32> to vector<16xf32>
      %swap3A_809 = vector.shape_cast %mul3A_804 : vector<16xf32> to vector<1x16xf32>
      tpu.vector_store %arg22[%swap3A_805, %swap3A_806], %swap3A_809 {strides = array<i32>} : memref<40x144xf32, #tpu.memory_space<vmem>>, vector<1x16xf32>,
      %broadcast_in_dim3A_810 = arith.constant 6 : i32
      %broadcast_in_dim3A_811 = vector.broadcast %broadcast_in_dim3A_810 : i32 to vector<16x1xi32>
      %gather3A_812 = vector.shape_cast %broadcast_in_dim3A_811 : vector<16x1xi32> to vector<16xi32>
      %gather3A_813 = tpu.dynamic_gather %exp3A[%gather3A_812] in [0] : vector<16xf32>, vector<16xi32> -> vector<16xf32>
      %get3A_814 = arith.index_cast %add3A_710 : i32 to index
      %get3A_815 = arith.constant 96 : index
      %get3A_816 = tpu.vector_load %arg16[%get3A_814, %get3A_815] {strides = array<i32>} : memref<40x144xf32, #tpu.memory_space<vmem>>, vector<1x16xf32>,
      %get3A_817 = vector.shape_cast %get3A_816 : vector<1x16xf32> to vector<16xf32>
      %mul3A_818 = arith.mulf %get3A_817, %gather3A_813 : vector<16xf32>
      %swap3A_819 = arith.index_cast %add3A_710 : i32 to index
      %swap3A_820 = arith.constant 96 : index
      %swap3A_821 = tpu.vector_load %arg22[%swap3A_819, %swap3A_820] {strides = array<i32>} : memref<40x144xf32, #tpu.memory_space<vmem>>, vector<1x16xf32>,
      %swap3A_822 = vector.shape_cast %swap3A_821 : vector<1x16xf32> to vector<16xf32>
      %swap3A_823 = vector.shape_cast %mul3A_818 : vector<16xf32> to vector<1x16xf32>
      tpu.vector_store %arg22[%swap3A_819, %swap3A_820], %swap3A_823 {strides = array<i32>} : memref<40x144xf32, #tpu.memory_space<vmem>>, vector<1x16xf32>,
      %broadcast_in_dim3A_824 = arith.constant 7 : i32
      %broadcast_in_dim3A_825 = vector.broadcast %broadcast_in_dim3A_824 : i32 to vector<16x1xi32>
      %gather3A_826 = vector.shape_cast %broadcast_in_dim3A_825 : vector<16x1xi32> to vector<16xi32>
      %gather3A_827 = tpu.dynamic_gather %exp3A[%gather3A_826] in [0] : vector<16xf32>, vector<16xi32> -> vector<16xf32>
      %get3A_828 = arith.index_cast %add3A_710 : i32 to index
      %get3A_829 = arith.constant 112 : index
      %get3A_830 = tpu.vector_load %arg16[%get3A_828, %get3A_829] {strides = array<i32>} : memref<40x144xf32, #tpu.memory_space<vmem>>, vector<1x16xf32>,
      %get3A_831 = vector.shape_cast %get3A_830 : vector<1x16xf32> to vector<16xf32>
      %mul3A_832 = arith.mulf %get3A_831, %gather3A_827 : vector<16xf32>
      %swap3A_833 = arith.index_cast %add3A_710 : i32 to index
      %swap3A_834 = arith.constant 112 : index
      %swap3A_835 = tpu.vector_load %arg22[%swap3A_833, %swap3A_834] {strides = array<i32>} : memref<40x144xf32, #tpu.memory_space<vmem>>, vector<1x16xf32>,
      %swap3A_836 = vector.shape_cast %swap3A_835 : vector<1x16xf32> to vector<16xf32>
      %swap3A_837 = vector.shape_cast %mul3A_832 : vector<16xf32> to vector<1x16xf32>
      tpu.vector_store %arg22[%swap3A_833, %swap3A_834], %swap3A_837 {strides = array<i32>} : memref<40x144xf32, #tpu.memory_space<vmem>>, vector<1x16xf32>,
    }
    %scan3A_619 = arith.constant 40 : i32
    %dma_start3A_620 = arith.constant 0 : i32
    %dma_start3A_621 = arith.constant 0 : i32
    %dma_start3A_622 = tpu.memref_slice %arg23[%dma_start3A_620, %dma_start3A_621] : memref<10000x144xf32, #tpu.memory_space<vmem_shared>> -> memref<10000x144xf32, #tpu.memory_space<vmem_shared>>
    tpu.enqueue_indirect_dma source(%arg22 : memref<40x144xf32, #tpu.memory_space<vmem>>) target(%dma_start3A_622 : memref<10000x144xf32, #tpu.memory_space<vmem_shared>>) offsets(%arg14 : memref<40xi32, #tpu.memory_space<vmem>>) semaphore(%arg31 : memref<!tpu.dma_semaphore, #tpu.memory_space<semaphore_mem>>) {add = true}
    %dma_wait3A_623 = arith.constant 0 : i32
    %dma_wait3A_624 = arith.constant 0 : i32
    %dma_wait3A_625 = tpu.memref_slice %arg2[%dma_wait3A_623, %dma_wait3A_624] : memref<10000x144xf32, #tpu.memory_space<hbm>> -> memref<10000x144xf32, #tpu.memory_space<hbm>>
    tpu.wait_indirect_dma semaphore(%arg26 : memref<!tpu.dma_semaphore, #tpu.memory_space<semaphore_mem>>) src(%dma_wait3A_625 : memref<10000x144xf32, #tpu.memory_space<hbm>>) dst(%arg17 : memref<40x144xf32, #tpu.memory_space<vmem>>)
    %dma_wait3A_626 = arith.constant 0 : i32
    %dma_wait3A_627 = arith.constant 0 : i32
    %dma_wait3A_628 = tpu.memref_slice %arg3[%dma_wait3A_626, %dma_wait3A_627] : memref<10000x16xf32, #tpu.memory_space<hbm>> -> memref<10000x16xf32, #tpu.memory_space<hbm>>
    tpu.wait_indirect_dma semaphore(%arg26 : memref<!tpu.dma_semaphore, #tpu.memory_space<semaphore_mem>>) src(%dma_wait3A_628 : memref<10000x16xf32, #tpu.memory_space<hbm>>) dst(%arg20 : memref<40x16xf32, #tpu.memory_space<vmem>>)
    %dma_wait3A_629 = arith.constant 0 : i32
    %dma_wait3A_630 = arith.constant 0 : i32
    %dma_wait3A_631 = tpu.memref_slice %arg23[%dma_wait3A_629, %dma_wait3A_630] : memref<10000x144xf32, #tpu.memory_space<vmem_shared>> -> memref<10000x144xf32, #tpu.memory_space<vmem_shared>>
    tpu.wait_indirect_dma semaphore(%arg30 : memref<!tpu.dma_semaphore, #tpu.memory_space<semaphore_mem>>) src(%arg21 : memref<40x144xf32, #tpu.memory_space<vmem>>) dst(%dma_wait3A_631 : memref<10000x144xf32, #tpu.memory_space<vmem_shared>>)
    %get3A_632 = arith.constant 0 : index
    %get3A_633 = tpu.vector_load %arg12[%get3A_632] {strides = array<i32>} : memref<40xi32, #tpu.memory_space<vmem>>, vector<16xi32>,
    %get3A_634 = vector.shape_cast %get3A_633 : vector<16xi32> to vector<16xi32>
    %swap3A_635 = arith.constant 0 : index
    %swap3A_636 = tpu.vector_load %arg13[%swap3A_635] {strides = array<i32>} : memref<40xi32, #tpu.memory_space<vmem>>, vector<16xi32>,
    %swap3A_637 = vector.shape_cast %swap3A_636 : vector<16xi32> to vector<16xi32>
    %swap3A_638 = vector.shape_cast %get3A_634 : vector<16xi32> to vector<16xi32>
    tpu.vector_store %arg13[%swap3A_635], %swap3A_638 {strides = array<i32>} : memref<40xi32, #tpu.memory_space<vmem>>, vector<16xi32>,
    %get3A_639 = arith.constant 16 : index
    %get3A_640 = tpu.vector_load %arg12[%get3A_639] {strides = array<i32>} : memref<40xi32, #tpu.memory_space<vmem>>, vector<16xi32>,
    %get3A_641 = vector.shape_cast %get3A_640 : vector<16xi32> to vector<16xi32>
    %swap3A_642 = arith.constant 16 : index
    %swap3A_643 = tpu.vector_load %arg13[%swap3A_642] {strides = array<i32>} : memref<40xi32, #tpu.memory_space<vmem>>, vector<16xi32>,
    %swap3A_644 = vector.shape_cast %swap3A_643 : vector<16xi32> to vector<16xi32>
    %swap3A_645 = vector.shape_cast %get3A_641 : vector<16xi32> to vector<16xi32>
    tpu.vector_store %arg13[%swap3A_642], %swap3A_645 {strides = array<i32>} : memref<40xi32, #tpu.memory_space<vmem>>, vector<16xi32>,
    %get3A_646 = arith.constant 24 : index
    %get3A_647 = tpu.vector_load %arg12[%get3A_646] {strides = array<i32>} : memref<40xi32, #tpu.memory_space<vmem>>, vector<16xi32>,
    %get3A_648 = vector.shape_cast %get3A_647 : vector<16xi32> to vector<16xi32>
    %swap3A_649 = arith.constant 24 : index
    %swap3A_650 = tpu.vector_load %arg13[%swap3A_649] {strides = array<i32>} : memref<40xi32, #tpu.memory_space<vmem>>, vector<16xi32>,
    %swap3A_651 = vector.shape_cast %swap3A_650 : vector<16xi32> to vector<16xi32>
    %swap3A_652 = vector.shape_cast %get3A_648 : vector<16xi32> to vector<16xi32>
    tpu.vector_store %arg13[%swap3A_649], %swap3A_652 {strides = array<i32>} : memref<40xi32, #tpu.memory_space<vmem>>, vector<16xi32>,
    %scan3A_653 = arith.constant 0 : i32
    %scan3A_654 = arith.constant 40 : i32
    %scan3A_655 = arith.addi %scan3A_653, %scan3A_654 : i32
    %scan3A_656 = arith.constant 1 : i32
    scf.for %scan3A_706 = %scan3A_653 to %scan3A_655 step %scan3A_656  : i32 {
      %mul3A_707 = arith.constant 1 : i32
      %mul3A_708 = arith.muli %scan3A_706, %mul3A_707 : i32
      %add3A_709 = arith.constant 0 : i32
      %add3A_710 = arith.addi %add3A_709, %mul3A_708 : i32
      %get3A_711 = arith.index_cast %add3A_710 : i32 to index
      %get3A_712 = arith.constant 128 : index
      %get3A_713 = tpu.vector_load %arg17[%get3A_711, %get3A_712] {strides = array<i32>} : memref<40x144xf32, #tpu.memory_space<vmem>>, vector<1x16xf32>,
      %get3A_714 = vector.shape_cast %get3A_713 : vector<1x16xf32> to vector<16xf32>
      %get3A_715 = arith.index_cast %add3A_710 : i32 to index
      %get3A_716 = arith.constant 0 : index
      %get3A_717 = tpu.vector_load %arg20[%get3A_715, %get3A_716] {strides = array<i32>} : memref<40x16xf32, #tpu.memory_space<vmem>>, vector<1x16xf32>,
      %get3A_718 = vector.shape_cast %get3A_717 : vector<1x16xf32> to vector<16xf32>
      %add3A_719 = arith.addf %get3A_714, %get3A_718 : vector<16xf32>
      %mul3A_720 = arith.constant 2.000000e-01 : f32
      %mul3A_721 = vector.broadcast %mul3A_720 : f32 to vector<16xf32>
      %mul3A_722 = arith.mulf %add3A_719, %mul3A_721 : vector<16xf32>
      %max3A = arith.maximumf %add3A_719, %mul3A_722 : vector<16xf32>
      %exp3A = math.exp %max3A : vector<16xf32>
      %swap3A_723 = arith.index_cast %add3A_710 : i32 to index
      %swap3A_724 = arith.constant 128 : index
      %swap3A_725 = tpu.vector_load %arg21[%swap3A_723, %swap3A_724] {strides = array<i32>} : memref<40x144xf32, #tpu.memory_space<vmem>>, vector<1x16xf32>,
      %swap3A_726 = vector.shape_cast %swap3A_725 : vector<1x16xf32> to vector<16xf32>
      %swap3A_727 = vector.shape_cast %exp3A : vector<16xf32> to vector<1x16xf32>
      tpu.vector_store %arg21[%swap3A_723, %swap3A_724], %swap3A_727 {strides = array<i32>} : memref<40x144xf32, #tpu.memory_space<vmem>>, vector<1x16xf32>,
      %broadcast_in_dim3A = arith.constant 0 : i32
      %broadcast_in_dim3A_728 = vector.broadcast %broadcast_in_dim3A : i32 to vector<16x1xi32>
      %gather3A = vector.shape_cast %broadcast_in_dim3A_728 : vector<16x1xi32> to vector<16xi32>
      %gather3A_729 = tpu.dynamic_gather %exp3A[%gather3A] in [0] : vector<16xf32>, vector<16xi32> -> vector<16xf32>
      %get3A_730 = arith.index_cast %add3A_710 : i32 to index
      %get3A_731 = arith.constant 0 : index
      %get3A_732 = tpu.vector_load %arg17[%get3A_730, %get3A_731] {strides = array<i32>} : memref<40x144xf32, #tpu.memory_space<vmem>>, vector<1x16xf32>,
      %get3A_733 = vector.shape_cast %get3A_732 : vector<1x16xf32> to vector<16xf32>
      %mul3A_734 = arith.mulf %get3A_733, %gather3A_729 : vector<16xf32>
      %swap3A_735 = arith.index_cast %add3A_710 : i32 to index
      %swap3A_736 = arith.constant 0 : index
      %swap3A_737 = tpu.vector_load %arg21[%swap3A_735, %swap3A_736] {strides = array<i32>} : memref<40x144xf32, #tpu.memory_space<vmem>>, vector<1x16xf32>,
      %swap3A_738 = vector.shape_cast %swap3A_737 : vector<1x16xf32> to vector<16xf32>
      %swap3A_739 = vector.shape_cast %mul3A_734 : vector<16xf32> to vector<1x16xf32>
      tpu.vector_store %arg21[%swap3A_735, %swap3A_736], %swap3A_739 {strides = array<i32>} : memref<40x144xf32, #tpu.memory_space<vmem>>, vector<1x16xf32>,
      %broadcast_in_dim3A_740 = arith.constant 1 : i32
      %broadcast_in_dim3A_741 = vector.broadcast %broadcast_in_dim3A_740 : i32 to vector<16x1xi32>
      %gather3A_742 = vector.shape_cast %broadcast_in_dim3A_741 : vector<16x1xi32> to vector<16xi32>
      %gather3A_743 = tpu.dynamic_gather %exp3A[%gather3A_742] in [0] : vector<16xf32>, vector<16xi32> -> vector<16xf32>
      %get3A_744 = arith.index_cast %add3A_710 : i32 to index
      %get3A_745 = arith.constant 16 : index
      %get3A_746 = tpu.vector_load %arg17[%get3A_744, %get3A_745] {strides = array<i32>} : memref<40x144xf32, #tpu.memory_space<vmem>>, vector<1x16xf32>,
      %get3A_747 = vector.shape_cast %get3A_746 : vector<1x16xf32> to vector<16xf32>
      %mul3A_748 = arith.mulf %get3A_747, %gather3A_743 : vector<16xf32>
      %swap3A_749 = arith.index_cast %add3A_710 : i32 to index
      %swap3A_750 = arith.constant 16 : index
      %swap3A_751 = tpu.vector_load %arg21[%swap3A_749, %swap3A_750] {strides = array<i32>} : memref<40x144xf32, #tpu.memory_space<vmem>>, vector<1x16xf32>,
      %swap3A_752 = vector.shape_cast %swap3A_751 : vector<1x16xf32> to vector<16xf32>
      %swap3A_753 = vector.shape_cast %mul3A_748 : vector<16xf32> to vector<1x16xf32>
      tpu.vector_store %arg21[%swap3A_749, %swap3A_750], %swap3A_753 {strides = array<i32>} : memref<40x144xf32, #tpu.memory_space<vmem>>, vector<1x16xf32>,
      %broadcast_in_dim3A_754 = arith.constant 2 : i32
      %broadcast_in_dim3A_755 = vector.broadcast %broadcast_in_dim3A_754 : i32 to vector<16x1xi32>
      %gather3A_756 = vector.shape_cast %broadcast_in_dim3A_755 : vector<16x1xi32> to vector<16xi32>
      %gather3A_757 = tpu.dynamic_gather %exp3A[%gather3A_756] in [0] : vector<16xf32>, vector<16xi32> -> vector<16xf32>
      %get3A_758 = arith.index_cast %add3A_710 : i32 to index
      %get3A_759 = arith.constant 32 : index
      %get3A_760 = tpu.vector_load %arg17[%get3A_758, %get3A_759] {strides = array<i32>} : memref<40x144xf32, #tpu.memory_space<vmem>>, vector<1x16xf32>,
      %get3A_761 = vector.shape_cast %get3A_760 : vector<1x16xf32> to vector<16xf32>
      %mul3A_762 = arith.mulf %get3A_761, %gather3A_757 : vector<16xf32>
      %swap3A_763 = arith.index_cast %add3A_710 : i32 to index
      %swap3A_764 = arith.constant 32 : index
      %swap3A_765 = tpu.vector_load %arg21[%swap3A_763, %swap3A_764] {strides = array<i32>} : memref<40x144xf32, #tpu.memory_space<vmem>>, vector<1x16xf32>,
      %swap3A_766 = vector.shape_cast %swap3A_765 : vector<1x16xf32> to vector<16xf32>
      %swap3A_767 = vector.shape_cast %mul3A_762 : vector<16xf32> to vector<1x16xf32>
      tpu.vector_store %arg21[%swap3A_763, %swap3A_764], %swap3A_767 {strides = array<i32>} : memref<40x144xf32, #tpu.memory_space<vmem>>, vector<1x16xf32>,
      %broadcast_in_dim3A_768 = arith.constant 3 : i32
      %broadcast_in_dim3A_769 = vector.broadcast %broadcast_in_dim3A_768 : i32 to vector<16x1xi32>
      %gather3A_770 = vector.shape_cast %broadcast_in_dim3A_769 : vector<16x1xi32> to vector<16xi32>
      %gather3A_771 = tpu.dynamic_gather %exp3A[%gather3A_770] in [0] : vector<16xf32>, vector<16xi32> -> vector<16xf32>
      %get3A_772 = arith.index_cast %add3A_710 : i32 to index
      %get3A_773 = arith.constant 48 : index
      %get3A_774 = tpu.vector_load %arg17[%get3A_772, %get3A_773] {strides = array<i32>} : memref<40x144xf32, #tpu.memory_space<vmem>>, vector<1x16xf32>,
      %get3A_775 = vector.shape_cast %get3A_774 : vector<1x16xf32> to vector<16xf32>
      %mul3A_776 = arith.mulf %get3A_775, %gather3A_771 : vector<16xf32>
      %swap3A_777 = arith.index_cast %add3A_710 : i32 to index
      %swap3A_778 = arith.constant 48 : index
      %swap3A_779 = tpu.vector_load %arg21[%swap3A_777, %swap3A_778] {strides = array<i32>} : memref<40x144xf32, #tpu.memory_space<vmem>>, vector<1x16xf32>,
      %swap3A_780 = vector.shape_cast %swap3A_779 : vector<1x16xf32> to vector<16xf32>
      %swap3A_781 = vector.shape_cast %mul3A_776 : vector<16xf32> to vector<1x16xf32>
      tpu.vector_store %arg21[%swap3A_777, %swap3A_778], %swap3A_781 {strides = array<i32>} : memref<40x144xf32, #tpu.memory_space<vmem>>, vector<1x16xf32>,
      %broadcast_in_dim3A_782 = arith.constant 4 : i32
      %broadcast_in_dim3A_783 = vector.broadcast %broadcast_in_dim3A_782 : i32 to vector<16x1xi32>
      %gather3A_784 = vector.shape_cast %broadcast_in_dim3A_783 : vector<16x1xi32> to vector<16xi32>
      %gather3A_785 = tpu.dynamic_gather %exp3A[%gather3A_784] in [0] : vector<16xf32>, vector<16xi32> -> vector<16xf32>
      %get3A_786 = arith.index_cast %add3A_710 : i32 to index
      %get3A_787 = arith.constant 64 : index
      %get3A_788 = tpu.vector_load %arg17[%get3A_786, %get3A_787] {strides = array<i32>} : memref<40x144xf32, #tpu.memory_space<vmem>>, vector<1x16xf32>,
      %get3A_789 = vector.shape_cast %get3A_788 : vector<1x16xf32> to vector<16xf32>
      %mul3A_790 = arith.mulf %get3A_789, %gather3A_785 : vector<16xf32>
      %swap3A_791 = arith.index_cast %add3A_710 : i32 to index
      %swap3A_792 = arith.constant 64 : index
      %swap3A_793 = tpu.vector_load %arg21[%swap3A_791, %swap3A_792] {strides = array<i32>} : memref<40x144xf32, #tpu.memory_space<vmem>>, vector<1x16xf32>,
      %swap3A_794 = vector.shape_cast %swap3A_793 : vector<1x16xf32> to vector<16xf32>
      %swap3A_795 = vector.shape_cast %mul3A_790 : vector<16xf32> to vector<1x16xf32>
      tpu.vector_store %arg21[%swap3A_791, %swap3A_792], %swap3A_795 {strides = array<i32>} : memref<40x144xf32, #tpu.memory_space<vmem>>, vector<1x16xf32>,
      %broadcast_in_dim3A_796 = arith.constant 5 : i32
      %broadcast_in_dim3A_797 = vector.broadcast %broadcast_in_dim3A_796 : i32 to vector<16x1xi32>
      %gather3A_798 = vector.shape_cast %broadcast_in_dim3A_797 : vector<16x1xi32> to vector<16xi32>
      %gather3A_799 = tpu.dynamic_gather %exp3A[%gather3A_798] in [0] : vector<16xf32>, vector<16xi32> -> vector<16xf32>
      %get3A_800 = arith.index_cast %add3A_710 : i32 to index
      %get3A_801 = arith.constant 80 : index
      %get3A_802 = tpu.vector_load %arg17[%get3A_800, %get3A_801] {strides = array<i32>} : memref<40x144xf32, #tpu.memory_space<vmem>>, vector<1x16xf32>,
      %get3A_803 = vector.shape_cast %get3A_802 : vector<1x16xf32> to vector<16xf32>
      %mul3A_804 = arith.mulf %get3A_803, %gather3A_799 : vector<16xf32>
      %swap3A_805 = arith.index_cast %add3A_710 : i32 to index
      %swap3A_806 = arith.constant 80 : index
      %swap3A_807 = tpu.vector_load %arg21[%swap3A_805, %swap3A_806] {strides = array<i32>} : memref<40x144xf32, #tpu.memory_space<vmem>>, vector<1x16xf32>,
      %swap3A_808 = vector.shape_cast %swap3A_807 : vector<1x16xf32> to vector<16xf32>
      %swap3A_809 = vector.shape_cast %mul3A_804 : vector<16xf32> to vector<1x16xf32>
      tpu.vector_store %arg21[%swap3A_805, %swap3A_806], %swap3A_809 {strides = array<i32>} : memref<40x144xf32, #tpu.memory_space<vmem>>, vector<1x16xf32>,
      %broadcast_in_dim3A_810 = arith.constant 6 : i32
      %broadcast_in_dim3A_811 = vector.broadcast %broadcast_in_dim3A_810 : i32 to vector<16x1xi32>
      %gather3A_812 = vector.shape_cast %broadcast_in_dim3A_811 : vector<16x1xi32> to vector<16xi32>
      %gather3A_813 = tpu.dynamic_gather %exp3A[%gather3A_812] in [0] : vector<16xf32>, vector<16xi32> -> vector<16xf32>
      %get3A_814 = arith.index_cast %add3A_710 : i32 to index
      %get3A_815 = arith.constant 96 : index
      %get3A_816 = tpu.vector_load %arg17[%get3A_814, %get3A_815] {strides = array<i32>} : memref<40x144xf32, #tpu.memory_space<vmem>>, vector<1x16xf32>,
      %get3A_817 = vector.shape_cast %get3A_816 : vector<1x16xf32> to vector<16xf32>
      %mul3A_818 = arith.mulf %get3A_817, %gather3A_813 : vector<16xf32>
      %swap3A_819 = arith.index_cast %add3A_710 : i32 to index
      %swap3A_820 = arith.constant 96 : index
      %swap3A_821 = tpu.vector_load %arg21[%swap3A_819, %swap3A_820] {strides = array<i32>} : memref<40x144xf32, #tpu.memory_space<vmem>>, vector<1x16xf32>,
      %swap3A_822 = vector.shape_cast %swap3A_821 : vector<1x16xf32> to vector<16xf32>
      %swap3A_823 = vector.shape_cast %mul3A_818 : vector<16xf32> to vector<1x16xf32>
      tpu.vector_store %arg21[%swap3A_819, %swap3A_820], %swap3A_823 {strides = array<i32>} : memref<40x144xf32, #tpu.memory_space<vmem>>, vector<1x16xf32>,
      %broadcast_in_dim3A_824 = arith.constant 7 : i32
      %broadcast_in_dim3A_825 = vector.broadcast %broadcast_in_dim3A_824 : i32 to vector<16x1xi32>
      %gather3A_826 = vector.shape_cast %broadcast_in_dim3A_825 : vector<16x1xi32> to vector<16xi32>
      %gather3A_827 = tpu.dynamic_gather %exp3A[%gather3A_826] in [0] : vector<16xf32>, vector<16xi32> -> vector<16xf32>
      %get3A_828 = arith.index_cast %add3A_710 : i32 to index
      %get3A_829 = arith.constant 112 : index
      %get3A_830 = tpu.vector_load %arg17[%get3A_828, %get3A_829] {strides = array<i32>} : memref<40x144xf32, #tpu.memory_space<vmem>>, vector<1x16xf32>,
      %get3A_831 = vector.shape_cast %get3A_830 : vector<1x16xf32> to vector<16xf32>
      %mul3A_832 = arith.mulf %get3A_831, %gather3A_827 : vector<16xf32>
      %swap3A_833 = arith.index_cast %add3A_710 : i32 to index
      %swap3A_834 = arith.constant 112 : index
      %swap3A_835 = tpu.vector_load %arg21[%swap3A_833, %swap3A_834] {strides = array<i32>} : memref<40x144xf32, #tpu.memory_space<vmem>>, vector<1x16xf32>,
      %swap3A_836 = vector.shape_cast %swap3A_835 : vector<1x16xf32> to vector<16xf32>
      %swap3A_837 = vector.shape_cast %mul3A_832 : vector<16xf32> to vector<1x16xf32>
      tpu.vector_store %arg21[%swap3A_833, %swap3A_834], %swap3A_837 {strides = array<i32>} : memref<40x144xf32, #tpu.memory_space<vmem>>, vector<1x16xf32>,
    }
    %scan3A_657 = arith.constant 40 : i32
    %dma_start3A_658 = arith.constant 0 : i32
    %dma_start3A_659 = arith.constant 0 : i32
    %dma_start3A_660 = tpu.memref_slice %arg23[%dma_start3A_658, %dma_start3A_659] : memref<10000x144xf32, #tpu.memory_space<vmem_shared>> -> memref<10000x144xf32, #tpu.memory_space<vmem_shared>>
    tpu.enqueue_indirect_dma source(%arg21 : memref<40x144xf32, #tpu.memory_space<vmem>>) target(%dma_start3A_660 : memref<10000x144xf32, #tpu.memory_space<vmem_shared>>) offsets(%arg13 : memref<40xi32, #tpu.memory_space<vmem>>) semaphore(%arg30 : memref<!tpu.dma_semaphore, #tpu.memory_space<semaphore_mem>>) {add = true}
    %dma_wait3A_661 = arith.constant 0 : i32
    %dma_wait3A_662 = arith.constant 0 : i32
    %dma_wait3A_663 = tpu.memref_slice %arg2[%dma_wait3A_661, %dma_wait3A_662] : memref<10000x144xf32, #tpu.memory_space<hbm>> -> memref<10000x144xf32, #tpu.memory_space<hbm>>
    tpu.wait_indirect_dma semaphore(%arg24 : memref<!tpu.dma_semaphore, #tpu.memory_space<semaphore_mem>>) src(%dma_wait3A_663 : memref<10000x144xf32, #tpu.memory_space<hbm>>) dst(%arg15 : memref<40x144xf32, #tpu.memory_space<vmem>>)
    %dma_wait3A_664 = arith.constant 0 : i32
    %dma_wait3A_665 = arith.constant 0 : i32
    %dma_wait3A_666 = tpu.memref_slice %arg3[%dma_wait3A_664, %dma_wait3A_665] : memref<10000x16xf32, #tpu.memory_space<hbm>> -> memref<10000x16xf32, #tpu.memory_space<hbm>>
    tpu.wait_indirect_dma semaphore(%arg24 : memref<!tpu.dma_semaphore, #tpu.memory_space<semaphore_mem>>) src(%dma_wait3A_666 : memref<10000x16xf32, #tpu.memory_space<hbm>>) dst(%arg18 : memref<40x16xf32, #tpu.memory_space<vmem>>)
    %dma_wait3A_667 = arith.constant 0 : i32
    %dma_wait3A_668 = arith.constant 0 : i32
    %dma_wait3A_669 = tpu.memref_slice %arg23[%dma_wait3A_667, %dma_wait3A_668] : memref<10000x144xf32, #tpu.memory_space<vmem_shared>> -> memref<10000x144xf32, #tpu.memory_space<vmem_shared>>
    tpu.wait_indirect_dma semaphore(%arg31 : memref<!tpu.dma_semaphore, #tpu.memory_space<semaphore_mem>>) src(%arg22 : memref<40x144xf32, #tpu.memory_space<vmem>>) dst(%dma_wait3A_669 : memref<10000x144xf32, #tpu.memory_space<vmem_shared>>)
    %get3A_670 = arith.constant 0 : index
    %get3A_671 = tpu.vector_load %arg10[%get3A_670] {strides = array<i32>} : memref<40xi32, #tpu.memory_space<vmem>>, vector<16xi32>,
    %get3A_672 = vector.shape_cast %get3A_671 : vector<16xi32> to vector<16xi32>
    %swap3A_673 = arith.constant 0 : index
    %swap3A_674 = tpu.vector_load %arg14[%swap3A_673] {strides = array<i32>} : memref<40xi32, #tpu.memory_space<vmem>>, vector<16xi32>,
    %swap3A_675 = vector.shape_cast %swap3A_674 : vector<16xi32> to vector<16xi32>
    %swap3A_676 = vector.shape_cast %get3A_672 : vector<16xi32> to vector<16xi32>
    tpu.vector_store %arg14[%swap3A_673], %swap3A_676 {strides = array<i32>} : memref<40xi32, #tpu.memory_space<vmem>>, vector<16xi32>,
    %get3A_677 = arith.constant 16 : index
    %get3A_678 = tpu.vector_load %arg10[%get3A_677] {strides = array<i32>} : memref<40xi32, #tpu.memory_space<vmem>>, vector<16xi32>,
    %get3A_679 = vector.shape_cast %get3A_678 : vector<16xi32> to vector<16xi32>
    %swap3A_680 = arith.constant 16 : index
    %swap3A_681 = tpu.vector_load %arg14[%swap3A_680] {strides = array<i32>} : memref<40xi32, #tpu.memory_space<vmem>>, vector<16xi32>,
    %swap3A_682 = vector.shape_cast %swap3A_681 : vector<16xi32> to vector<16xi32>
    %swap3A_683 = vector.shape_cast %get3A_679 : vector<16xi32> to vector<16xi32>
    tpu.vector_store %arg14[%swap3A_680], %swap3A_683 {strides = array<i32>} : memref<40xi32, #tpu.memory_space<vmem>>, vector<16xi32>,
    %get3A_684 = arith.constant 24 : index
    %get3A_685 = tpu.vector_load %arg10[%get3A_684] {strides = array<i32>} : memref<40xi32, #tpu.memory_space<vmem>>, vector<16xi32>,
    %get3A_686 = vector.shape_cast %get3A_685 : vector<16xi32> to vector<16xi32>
    %swap3A_687 = arith.constant 24 : index
    %swap3A_688 = tpu.vector_load %arg14[%swap3A_687] {strides = array<i32>} : memref<40xi32, #tpu.memory_space<vmem>>, vector<16xi32>,
    %swap3A_689 = vector.shape_cast %swap3A_688 : vector<16xi32> to vector<16xi32>
    %swap3A_690 = vector.shape_cast %get3A_686 : vector<16xi32> to vector<16xi32>
    tpu.vector_store %arg14[%swap3A_687], %swap3A_690 {strides = array<i32>} : memref<40xi32, #tpu.memory_space<vmem>>, vector<16xi32>,
    %scan3A_691 = arith.constant 0 : i32
    %scan3A_692 = arith.constant 40 : i32
    %scan3A_693 = arith.addi %scan3A_691, %scan3A_692 : i32
    %scan3A_694 = arith.constant 1 : i32
    scf.for %scan3A_706 = %scan3A_691 to %scan3A_693 step %scan3A_694  : i32 {
      %mul3A_707 = arith.constant 1 : i32
      %mul3A_708 = arith.muli %scan3A_706, %mul3A_707 : i32
      %add3A_709 = arith.constant 0 : i32
      %add3A_710 = arith.addi %add3A_709, %mul3A_708 : i32
      %get3A_711 = arith.index_cast %add3A_710 : i32 to index
      %get3A_712 = arith.constant 128 : index
      %get3A_713 = tpu.vector_load %arg15[%get3A_711, %get3A_712] {strides = array<i32>} : memref<40x144xf32, #tpu.memory_space<vmem>>, vector<1x16xf32>,
      %get3A_714 = vector.shape_cast %get3A_713 : vector<1x16xf32> to vector<16xf32>
      %get3A_715 = arith.index_cast %add3A_710 : i32 to index
      %get3A_716 = arith.constant 0 : index
      %get3A_717 = tpu.vector_load %arg18[%get3A_715, %get3A_716] {strides = array<i32>} : memref<40x16xf32, #tpu.memory_space<vmem>>, vector<1x16xf32>,
      %get3A_718 = vector.shape_cast %get3A_717 : vector<1x16xf32> to vector<16xf32>
      %add3A_719 = arith.addf %get3A_714, %get3A_718 : vector<16xf32>
      %mul3A_720 = arith.constant 2.000000e-01 : f32
      %mul3A_721 = vector.broadcast %mul3A_720 : f32 to vector<16xf32>
      %mul3A_722 = arith.mulf %add3A_719, %mul3A_721 : vector<16xf32>
      %max3A = arith.maximumf %add3A_719, %mul3A_722 : vector<16xf32>
      %exp3A = math.exp %max3A : vector<16xf32>
      %swap3A_723 = arith.index_cast %add3A_710 : i32 to index
      %swap3A_724 = arith.constant 128 : index
      %swap3A_725 = tpu.vector_load %arg22[%swap3A_723, %swap3A_724] {strides = array<i32>} : memref<40x144xf32, #tpu.memory_space<vmem>>, vector<1x16xf32>,
      %swap3A_726 = vector.shape_cast %swap3A_725 : vector<1x16xf32> to vector<16xf32>
      %swap3A_727 = vector.shape_cast %exp3A : vector<16xf32> to vector<1x16xf32>
      tpu.vector_store %arg22[%swap3A_723, %swap3A_724], %swap3A_727 {strides = array<i32>} : memref<40x144xf32, #tpu.memory_space<vmem>>, vector<1x16xf32>,
      %broadcast_in_dim3A = arith.constant 0 : i32
      %broadcast_in_dim3A_728 = vector.broadcast %broadcast_in_dim3A : i32 to vector<16x1xi32>
      %gather3A = vector.shape_cast %broadcast_in_dim3A_728 : vector<16x1xi32> to vector<16xi32>
      %gather3A_729 = tpu.dynamic_gather %exp3A[%gather3A] in [0] : vector<16xf32>, vector<16xi32> -> vector<16xf32>
      %get3A_730 = arith.index_cast %add3A_710 : i32 to index
      %get3A_731 = arith.constant 0 : index
      %get3A_732 = tpu.vector_load %arg15[%get3A_730, %get3A_731] {strides = array<i32>} : memref<40x144xf32, #tpu.memory_space<vmem>>, vector<1x16xf32>,
      %get3A_733 = vector.shape_cast %get3A_732 : vector<1x16xf32> to vector<16xf32>
      %mul3A_734 = arith.mulf %get3A_733, %gather3A_729 : vector<16xf32>
      %swap3A_735 = arith.index_cast %add3A_710 : i32 to index
      %swap3A_736 = arith.constant 0 : index
      %swap3A_737 = tpu.vector_load %arg22[%swap3A_735, %swap3A_736] {strides = array<i32>} : memref<40x144xf32, #tpu.memory_space<vmem>>, vector<1x16xf32>,
      %swap3A_738 = vector.shape_cast %swap3A_737 : vector<1x16xf32> to vector<16xf32>
      %swap3A_739 = vector.shape_cast %mul3A_734 : vector<16xf32> to vector<1x16xf32>
      tpu.vector_store %arg22[%swap3A_735, %swap3A_736], %swap3A_739 {strides = array<i32>} : memref<40x144xf32, #tpu.memory_space<vmem>>, vector<1x16xf32>,
      %broadcast_in_dim3A_740 = arith.constant 1 : i32
      %broadcast_in_dim3A_741 = vector.broadcast %broadcast_in_dim3A_740 : i32 to vector<16x1xi32>
      %gather3A_742 = vector.shape_cast %broadcast_in_dim3A_741 : vector<16x1xi32> to vector<16xi32>
      %gather3A_743 = tpu.dynamic_gather %exp3A[%gather3A_742] in [0] : vector<16xf32>, vector<16xi32> -> vector<16xf32>
      %get3A_744 = arith.index_cast %add3A_710 : i32 to index
      %get3A_745 = arith.constant 16 : index
      %get3A_746 = tpu.vector_load %arg15[%get3A_744, %get3A_745] {strides = array<i32>} : memref<40x144xf32, #tpu.memory_space<vmem>>, vector<1x16xf32>,
      %get3A_747 = vector.shape_cast %get3A_746 : vector<1x16xf32> to vector<16xf32>
      %mul3A_748 = arith.mulf %get3A_747, %gather3A_743 : vector<16xf32>
      %swap3A_749 = arith.index_cast %add3A_710 : i32 to index
      %swap3A_750 = arith.constant 16 : index
      %swap3A_751 = tpu.vector_load %arg22[%swap3A_749, %swap3A_750] {strides = array<i32>} : memref<40x144xf32, #tpu.memory_space<vmem>>, vector<1x16xf32>,
      %swap3A_752 = vector.shape_cast %swap3A_751 : vector<1x16xf32> to vector<16xf32>
      %swap3A_753 = vector.shape_cast %mul3A_748 : vector<16xf32> to vector<1x16xf32>
      tpu.vector_store %arg22[%swap3A_749, %swap3A_750], %swap3A_753 {strides = array<i32>} : memref<40x144xf32, #tpu.memory_space<vmem>>, vector<1x16xf32>,
      %broadcast_in_dim3A_754 = arith.constant 2 : i32
      %broadcast_in_dim3A_755 = vector.broadcast %broadcast_in_dim3A_754 : i32 to vector<16x1xi32>
      %gather3A_756 = vector.shape_cast %broadcast_in_dim3A_755 : vector<16x1xi32> to vector<16xi32>
      %gather3A_757 = tpu.dynamic_gather %exp3A[%gather3A_756] in [0] : vector<16xf32>, vector<16xi32> -> vector<16xf32>
      %get3A_758 = arith.index_cast %add3A_710 : i32 to index
      %get3A_759 = arith.constant 32 : index
      %get3A_760 = tpu.vector_load %arg15[%get3A_758, %get3A_759] {strides = array<i32>} : memref<40x144xf32, #tpu.memory_space<vmem>>, vector<1x16xf32>,
      %get3A_761 = vector.shape_cast %get3A_760 : vector<1x16xf32> to vector<16xf32>
      %mul3A_762 = arith.mulf %get3A_761, %gather3A_757 : vector<16xf32>
      %swap3A_763 = arith.index_cast %add3A_710 : i32 to index
      %swap3A_764 = arith.constant 32 : index
      %swap3A_765 = tpu.vector_load %arg22[%swap3A_763, %swap3A_764] {strides = array<i32>} : memref<40x144xf32, #tpu.memory_space<vmem>>, vector<1x16xf32>,
      %swap3A_766 = vector.shape_cast %swap3A_765 : vector<1x16xf32> to vector<16xf32>
      %swap3A_767 = vector.shape_cast %mul3A_762 : vector<16xf32> to vector<1x16xf32>
      tpu.vector_store %arg22[%swap3A_763, %swap3A_764], %swap3A_767 {strides = array<i32>} : memref<40x144xf32, #tpu.memory_space<vmem>>, vector<1x16xf32>,
      %broadcast_in_dim3A_768 = arith.constant 3 : i32
      %broadcast_in_dim3A_769 = vector.broadcast %broadcast_in_dim3A_768 : i32 to vector<16x1xi32>
      %gather3A_770 = vector.shape_cast %broadcast_in_dim3A_769 : vector<16x1xi32> to vector<16xi32>
      %gather3A_771 = tpu.dynamic_gather %exp3A[%gather3A_770] in [0] : vector<16xf32>, vector<16xi32> -> vector<16xf32>
      %get3A_772 = arith.index_cast %add3A_710 : i32 to index
      %get3A_773 = arith.constant 48 : index
      %get3A_774 = tpu.vector_load %arg15[%get3A_772, %get3A_773] {strides = array<i32>} : memref<40x144xf32, #tpu.memory_space<vmem>>, vector<1x16xf32>,
      %get3A_775 = vector.shape_cast %get3A_774 : vector<1x16xf32> to vector<16xf32>
      %mul3A_776 = arith.mulf %get3A_775, %gather3A_771 : vector<16xf32>
      %swap3A_777 = arith.index_cast %add3A_710 : i32 to index
      %swap3A_778 = arith.constant 48 : index
      %swap3A_779 = tpu.vector_load %arg22[%swap3A_777, %swap3A_778] {strides = array<i32>} : memref<40x144xf32, #tpu.memory_space<vmem>>, vector<1x16xf32>,
      %swap3A_780 = vector.shape_cast %swap3A_779 : vector<1x16xf32> to vector<16xf32>
      %swap3A_781 = vector.shape_cast %mul3A_776 : vector<16xf32> to vector<1x16xf32>
      tpu.vector_store %arg22[%swap3A_777, %swap3A_778], %swap3A_781 {strides = array<i32>} : memref<40x144xf32, #tpu.memory_space<vmem>>, vector<1x16xf32>,
      %broadcast_in_dim3A_782 = arith.constant 4 : i32
      %broadcast_in_dim3A_783 = vector.broadcast %broadcast_in_dim3A_782 : i32 to vector<16x1xi32>
      %gather3A_784 = vector.shape_cast %broadcast_in_dim3A_783 : vector<16x1xi32> to vector<16xi32>
      %gather3A_785 = tpu.dynamic_gather %exp3A[%gather3A_784] in [0] : vector<16xf32>, vector<16xi32> -> vector<16xf32>
      %get3A_786 = arith.index_cast %add3A_710 : i32 to index
      %get3A_787 = arith.constant 64 : index
      %get3A_788 = tpu.vector_load %arg15[%get3A_786, %get3A_787] {strides = array<i32>} : memref<40x144xf32, #tpu.memory_space<vmem>>, vector<1x16xf32>,
      %get3A_789 = vector.shape_cast %get3A_788 : vector<1x16xf32> to vector<16xf32>
      %mul3A_790 = arith.mulf %get3A_789, %gather3A_785 : vector<16xf32>
      %swap3A_791 = arith.index_cast %add3A_710 : i32 to index
      %swap3A_792 = arith.constant 64 : index
      %swap3A_793 = tpu.vector_load %arg22[%swap3A_791, %swap3A_792] {strides = array<i32>} : memref<40x144xf32, #tpu.memory_space<vmem>>, vector<1x16xf32>,
      %swap3A_794 = vector.shape_cast %swap3A_793 : vector<1x16xf32> to vector<16xf32>
      %swap3A_795 = vector.shape_cast %mul3A_790 : vector<16xf32> to vector<1x16xf32>
      tpu.vector_store %arg22[%swap3A_791, %swap3A_792], %swap3A_795 {strides = array<i32>} : memref<40x144xf32, #tpu.memory_space<vmem>>, vector<1x16xf32>,
      %broadcast_in_dim3A_796 = arith.constant 5 : i32
      %broadcast_in_dim3A_797 = vector.broadcast %broadcast_in_dim3A_796 : i32 to vector<16x1xi32>
      %gather3A_798 = vector.shape_cast %broadcast_in_dim3A_797 : vector<16x1xi32> to vector<16xi32>
      %gather3A_799 = tpu.dynamic_gather %exp3A[%gather3A_798] in [0] : vector<16xf32>, vector<16xi32> -> vector<16xf32>
      %get3A_800 = arith.index_cast %add3A_710 : i32 to index
      %get3A_801 = arith.constant 80 : index
      %get3A_802 = tpu.vector_load %arg15[%get3A_800, %get3A_801] {strides = array<i32>} : memref<40x144xf32, #tpu.memory_space<vmem>>, vector<1x16xf32>,
      %get3A_803 = vector.shape_cast %get3A_802 : vector<1x16xf32> to vector<16xf32>
      %mul3A_804 = arith.mulf %get3A_803, %gather3A_799 : vector<16xf32>
      %swap3A_805 = arith.index_cast %add3A_710 : i32 to index
      %swap3A_806 = arith.constant 80 : index
      %swap3A_807 = tpu.vector_load %arg22[%swap3A_805, %swap3A_806] {strides = array<i32>} : memref<40x144xf32, #tpu.memory_space<vmem>>, vector<1x16xf32>,
      %swap3A_808 = vector.shape_cast %swap3A_807 : vector<1x16xf32> to vector<16xf32>
      %swap3A_809 = vector.shape_cast %mul3A_804 : vector<16xf32> to vector<1x16xf32>
      tpu.vector_store %arg22[%swap3A_805, %swap3A_806], %swap3A_809 {strides = array<i32>} : memref<40x144xf32, #tpu.memory_space<vmem>>, vector<1x16xf32>,
      %broadcast_in_dim3A_810 = arith.constant 6 : i32
      %broadcast_in_dim3A_811 = vector.broadcast %broadcast_in_dim3A_810 : i32 to vector<16x1xi32>
      %gather3A_812 = vector.shape_cast %broadcast_in_dim3A_811 : vector<16x1xi32> to vector<16xi32>
      %gather3A_813 = tpu.dynamic_gather %exp3A[%gather3A_812] in [0] : vector<16xf32>, vector<16xi32> -> vector<16xf32>
      %get3A_814 = arith.index_cast %add3A_710 : i32 to index
      %get3A_815 = arith.constant 96 : index
      %get3A_816 = tpu.vector_load %arg15[%get3A_814, %get3A_815] {strides = array<i32>} : memref<40x144xf32, #tpu.memory_space<vmem>>, vector<1x16xf32>,
      %get3A_817 = vector.shape_cast %get3A_816 : vector<1x16xf32> to vector<16xf32>
      %mul3A_818 = arith.mulf %get3A_817, %gather3A_813 : vector<16xf32>
      %swap3A_819 = arith.index_cast %add3A_710 : i32 to index
      %swap3A_820 = arith.constant 96 : index
      %swap3A_821 = tpu.vector_load %arg22[%swap3A_819, %swap3A_820] {strides = array<i32>} : memref<40x144xf32, #tpu.memory_space<vmem>>, vector<1x16xf32>,
      %swap3A_822 = vector.shape_cast %swap3A_821 : vector<1x16xf32> to vector<16xf32>
      %swap3A_823 = vector.shape_cast %mul3A_818 : vector<16xf32> to vector<1x16xf32>
      tpu.vector_store %arg22[%swap3A_819, %swap3A_820], %swap3A_823 {strides = array<i32>} : memref<40x144xf32, #tpu.memory_space<vmem>>, vector<1x16xf32>,
      %broadcast_in_dim3A_824 = arith.constant 7 : i32
      %broadcast_in_dim3A_825 = vector.broadcast %broadcast_in_dim3A_824 : i32 to vector<16x1xi32>
      %gather3A_826 = vector.shape_cast %broadcast_in_dim3A_825 : vector<16x1xi32> to vector<16xi32>
      %gather3A_827 = tpu.dynamic_gather %exp3A[%gather3A_826] in [0] : vector<16xf32>, vector<16xi32> -> vector<16xf32>
      %get3A_828 = arith.index_cast %add3A_710 : i32 to index
      %get3A_829 = arith.constant 112 : index
      %get3A_830 = tpu.vector_load %arg15[%get3A_828, %get3A_829] {strides = array<i32>} : memref<40x144xf32, #tpu.memory_space<vmem>>, vector<1x16xf32>,
      %get3A_831 = vector.shape_cast %get3A_830 : vector<1x16xf32> to vector<16xf32>
      %mul3A_832 = arith.mulf %get3A_831, %gather3A_827 : vector<16xf32>
      %swap3A_833 = arith.index_cast %add3A_710 : i32 to index
      %swap3A_834 = arith.constant 112 : index
      %swap3A_835 = tpu.vector_load %arg22[%swap3A_833, %swap3A_834] {strides = array<i32>} : memref<40x144xf32, #tpu.memory_space<vmem>>, vector<1x16xf32>,
      %swap3A_836 = vector.shape_cast %swap3A_835 : vector<1x16xf32> to vector<16xf32>
      %swap3A_837 = vector.shape_cast %mul3A_832 : vector<16xf32> to vector<1x16xf32>
      tpu.vector_store %arg22[%swap3A_833, %swap3A_834], %swap3A_837 {strides = array<i32>} : memref<40x144xf32, #tpu.memory_space<vmem>>, vector<1x16xf32>,
    }
    %scan3A_695 = arith.constant 40 : i32
    %dma_start3A_696 = arith.constant 0 : i32
    %dma_start3A_697 = arith.constant 0 : i32
    %dma_start3A_698 = tpu.memref_slice %arg23[%dma_start3A_696, %dma_start3A_697] : memref<10000x144xf32, #tpu.memory_space<vmem_shared>> -> memref<10000x144xf32, #tpu.memory_space<vmem_shared>>
    tpu.enqueue_indirect_dma source(%arg22 : memref<40x144xf32, #tpu.memory_space<vmem>>) target(%dma_start3A_698 : memref<10000x144xf32, #tpu.memory_space<vmem_shared>>) offsets(%arg14 : memref<40xi32, #tpu.memory_space<vmem>>) semaphore(%arg31 : memref<!tpu.dma_semaphore, #tpu.memory_space<semaphore_mem>>) {add = true}
    %dma_wait3A_699 = arith.constant 0 : i32
    %dma_wait3A_700 = arith.constant 0 : i32
    %dma_wait3A_701 = tpu.memref_slice %arg23[%dma_wait3A_699, %dma_wait3A_700] : memref<10000x144xf32, #tpu.memory_space<vmem_shared>> -> memref<10000x144xf32, #tpu.memory_space<vmem_shared>>
    tpu.wait_indirect_dma semaphore(%arg30 : memref<!tpu.dma_semaphore, #tpu.memory_space<semaphore_mem>>) src(%arg21 : memref<40x144xf32, #tpu.memory_space<vmem>>) dst(%dma_wait3A_701 : memref<10000x144xf32, #tpu.memory_space<vmem_shared>>)
    %dma_wait3A_702 = arith.constant 0 : i32
    %dma_wait3A_703 = arith.constant 0 : i32
    %dma_wait3A_704 = tpu.memref_slice %arg23[%dma_wait3A_702, %dma_wait3A_703] : memref<10000x144xf32, #tpu.memory_space<vmem_shared>> -> memref<10000x144xf32, #tpu.memory_space<vmem_shared>>
    tpu.wait_indirect_dma semaphore(%arg31 : memref<!tpu.dma_semaphore, #tpu.memory_space<semaphore_mem>>) src(%arg22 : memref<40x144xf32, #tpu.memory_space<vmem>>) dst(%dma_wait3A_704 : memref<10000x144xf32, #tpu.memory_space<vmem_shared>>)
    %barrier3A_705 = arith.constant 0 : index
    tpu.barrier barrier_id(%barrier3A_705)
    "tpu.region"() ({
      %run_scoped3A = tpu.sem_alloc : memref<!tpu.dma_semaphore, #tpu.memory_space<semaphore_mem>>
      %dma_start3A_706 = arith.constant 0 : i32
      %dma_start3A_707 = tpu.memref_slice %arg6[%arg0, %mul3A_4, %dma_start3A_706] : memref<2x10000x144xf32, #tpu.memory_space<hbm>> -> memref<1x625x144xf32, #tpu.memory_space<hbm>>
      %dma_start3A_708 = tpu.memref_squeeze %dma_start3A_707 : memref<1x625x144xf32, #tpu.memory_space<hbm>> -> memref<625x144xf32, #tpu.memory_space<hbm>>
      %dma_start3A_709 = arith.constant 0 : i32
      %dma_start3A_710 = tpu.memref_slice %arg23[%mul3A_4, %dma_start3A_709] : memref<10000x144xf32, #tpu.memory_space<vmem_shared>> -> memref<625x144xf32, #tpu.memory_space<vmem_shared>>
      tpu.enqueue_dma source(%dma_start3A_710 : memref<625x144xf32, #tpu.memory_space<vmem_shared>>) target(%dma_start3A_708 : memref<625x144xf32, #tpu.memory_space<hbm>>) target_semaphore(%run_scoped3A : memref<!tpu.dma_semaphore, #tpu.memory_space<semaphore_mem>>)
      %dma_wait3A_711 = arith.constant 0 : i32
      %dma_wait3A_712 = tpu.memref_slice %arg6[%arg0, %mul3A_4, %dma_wait3A_711] : memref<2x10000x144xf32, #tpu.memory_space<hbm>> -> memref<1x625x144xf32, #tpu.memory_space<hbm>>
      %dma_wait3A_713 = tpu.memref_squeeze %dma_wait3A_712 : memref<1x625x144xf32, #tpu.memory_space<hbm>> -> memref<625x144xf32, #tpu.memory_space<hbm>>
      %dma_wait3A_714 = arith.constant 0 : i32
      %dma_wait3A_715 = tpu.memref_slice %arg23[%mul3A_4, %dma_wait3A_714] : memref<10000x144xf32, #tpu.memory_space<vmem_shared>> -> memref<625x144xf32, #tpu.memory_space<vmem_shared>>
      tpu.wait_dma2 semaphore(%run_scoped3A : memref<!tpu.dma_semaphore, #tpu.memory_space<semaphore_mem>>) src(%dma_wait3A_715 : memref<625x144xf32, #tpu.memory_space<vmem_shared>>) dst(%dma_wait3A_713 : memref<625x144xf32, #tpu.memory_space<hbm>>)
      tpu.yield
    }) : () -> ()
    return
  }
}

module attributes {stable_mosaic.version = 14 : i64} {
  func.func @_prep_body(%arg0: memref<10000x128xf32, #tpu.memory_space<vmem>>, %arg1: memref<128x144xf32, #tpu.memory_space<vmem>>, %arg2: memref<128x16xf32, #tpu.memory_space<vmem>>, %arg3: memref<10000x144xf32, #tpu.memory_space<vmem>>, %arg4: memref<10000x16xf32, #tpu.memory_space<vmem>>) attributes {dimension_semantics = [], scalar_prefetch = 0 : i64, scratch_operands = 0 : i64, tpu.core_type = #tpu.core_type<tc>} {
    %get3A = arith.constant 0 : index
    %get3A_0 = arith.constant 0 : index
    %get3A_1 = vector.load %arg0[%get3A, %get3A_0] : memref<10000x128xf32, #tpu.memory_space<vmem>>, vector<10000x128xf32>
    %get3A_2 = arith.constant 0 : index
    %get3A_3 = arith.constant 0 : index
    %get3A_4 = vector.load %arg1[%get3A_2, %get3A_3] : memref<128x144xf32, #tpu.memory_space<vmem>>, vector<128x144xf32>
    %dot_general3A = arith.constant dense<0.000000e+00> : vector<10000x144xf32>
    %dot_general3A_5 = tpu.matmul %get3A_1, %get3A_4, %dot_general3A {dimension_numbers = #tpu.dot_dimension_numbers<[1], [0], [0], [1], [0, 0, 1, 1], [], []>, transpose_lhs_hint = false} : vector<10000x128xf32>, vector<128x144xf32>, vector<10000x144xf32> -> vector<10000x144xf32>
    %swap3A = arith.constant 0 : index
    %swap3A_6 = arith.constant 0 : index
    %swap3A_7 = vector.load %arg3[%swap3A, %swap3A_6] : memref<10000x144xf32, #tpu.memory_space<vmem>>, vector<10000x144xf32>
    tpu.vector_store %arg3[%swap3A, %swap3A_6], %dot_general3A_5 {strides = array<i32>} : memref<10000x144xf32, #tpu.memory_space<vmem>>, vector<10000x144xf32>,
    %get3A_8 = arith.constant 0 : index
    %get3A_9 = arith.constant 0 : index
    %get3A_10 = vector.load %arg2[%get3A_8, %get3A_9] : memref<128x16xf32, #tpu.memory_space<vmem>>, vector<128x16xf32>
    %dot_general3A_11 = arith.constant dense<0.000000e+00> : vector<10000x16xf32>
    %dot_general3A_12 = tpu.matmul %get3A_1, %get3A_10, %dot_general3A_11 {dimension_numbers = #tpu.dot_dimension_numbers<[1], [0], [0], [1], [0, 0, 1, 1], [], []>, transpose_lhs_hint = false} : vector<10000x128xf32>, vector<128x16xf32>, vector<10000x16xf32> -> vector<10000x16xf32>
    %swap3A_13 = arith.constant 0 : index
    %swap3A_14 = arith.constant 0 : index
    %swap3A_15 = vector.load %arg4[%swap3A_13, %swap3A_14] : memref<10000x16xf32, #tpu.memory_space<vmem>>, vector<10000x16xf32>
    tpu.vector_store %arg4[%swap3A_13, %swap3A_14], %dot_general3A_12 {strides = array<i32>} : memref<10000x16xf32, #tpu.memory_space<vmem>>, vector<10000x16xf32>,
    return
  }
}

module attributes {stable_mosaic.version = 14 : i64} {
  func.func @_div_body(%arg0: memref<2x10000x144xf32, #tpu.memory_space<vmem>>, %arg1: memref<8x128xf32, #tpu.memory_space<vmem>>, %arg2: memref<10000x128xf32, #tpu.memory_space<vmem>>) attributes {dimension_semantics = [], scalar_prefetch = 0 : i64, scratch_operands = 0 : i64, tpu.core_type = #tpu.core_type<tc>} {
    %get3A = arith.constant 0 : index
    %get3A_0 = arith.constant 0 : index
    %get3A_1 = arith.constant 0 : index
    %get3A_2 = vector.load %arg0[%get3A, %get3A_0, %get3A_1] : memref<2x10000x144xf32, #tpu.memory_space<vmem>>, vector<1x10000x144xf32>
    %get3A_3 = vector.shape_cast %get3A_2 : vector<1x10000x144xf32> to vector<10000x144xf32>
    %get3A_4 = arith.constant 1 : index
    %get3A_5 = arith.constant 0 : index
    %get3A_6 = arith.constant 0 : index
    %get3A_7 = vector.load %arg0[%get3A_4, %get3A_5, %get3A_6] : memref<2x10000x144xf32, #tpu.memory_space<vmem>>, vector<1x10000x144xf32>
    %get3A_8 = vector.shape_cast %get3A_7 : vector<1x10000x144xf32> to vector<10000x144xf32>
    %add3A = arith.addf %get3A_3, %get3A_8 : vector<10000x144xf32>
    %slice3A = vector.extract_strided_slice %add3A {offsets = [0, 128], sizes = [10000, 8], strides = [1, 1]} : vector<10000x144xf32> to vector<10000x8xf32>
    %get3A_9 = arith.constant 0 : index
    %get3A_10 = arith.constant 0 : index
    %get3A_11 = vector.load %arg1[%get3A_9, %get3A_10] : memref<8x128xf32, #tpu.memory_space<vmem>>, vector<8x128xf32>
    %dot_general3A = arith.constant dense<0.000000e+00> : vector<10000x128xf32>
    %dot_general3A_12 = tpu.matmul %slice3A, %get3A_11, %dot_general3A {dimension_numbers = #tpu.dot_dimension_numbers<[1], [0], [0], [1], [0, 0, 1, 1], [], []>, transpose_lhs_hint = false} : vector<10000x8xf32>, vector<8x128xf32>, vector<10000x128xf32> -> vector<10000x128xf32>
    %slice3A_13 = vector.extract_strided_slice %add3A {offsets = [0, 0], sizes = [10000, 128], strides = [1, 1]} : vector<10000x144xf32> to vector<10000x128xf32>
    %gt3A = arith.constant 0.000000e+00 : f32
    %gt3A_14 = vector.broadcast %gt3A : f32 to vector<10000x128xf32>
    %gt3A_15 = arith.cmpf ogt, %dot_general3A_12, %gt3A_14 : vector<10000x128xf32>
    %div3A = arith.divf %slice3A_13, %dot_general3A_12 : vector<10000x128xf32>
    %jit3A = arith.constant 0.000000e+00 : f32
    %broadcast_in_dim3A = vector.broadcast %jit3A : f32 to vector<10000x128xf32>
    %select_n3A = arith.select %gt3A_15, %div3A, %broadcast_in_dim3A : vector<10000x128xi1>, vector<10000x128xf32>
    %swap3A = arith.constant 0 : index
    %swap3A_16 = arith.constant 0 : index
    %swap3A_17 = vector.load %arg2[%swap3A, %swap3A_16] : memref<10000x128xf32, #tpu.memory_space<vmem>>, vector<10000x128xf32>
    tpu.vector_store %arg2[%swap3A, %swap3A_16], %select_n3A {strides = array<i32>} : memref<10000x128xf32, #tpu.memory_space<vmem>>, vector<10000x128xf32>,
    return
  }
}

</mosaic_0001>

<sc_bundles>
// kernel: kernel.5.cloned.1.call-start
scs
__scs_entry_jumppad:
0x0: {  	(pc) =	sbr.rel $0x88, $3  }
0x1: {  	(tag) =	ssettag $0x0;
	lr =	simm.s32 $0x1  }
0x2: {  	[smem:$0x3F9C] =	sst lr;
	_ =	strace $0xD0000000  }
0x3: {  	_ = 	snop  }
0x4: {  	_ = 	snop  }
0x5: {  	_ = 	snop  }
0x6: {  	_ = 	snop  }
0x7: {  	_ = 	snop  }
__scs_overlays_trampoline_lowered:
0x8: {  	[smem:$0x3FAB] =	sst s0  }
0x9: {  	[smem:$0x3FAC] =	sst s1  }
0xa: {  	[smem:$0x3FAD] =	sst s2  }
0xb: {  	[smem:$0x3FAE] =	sst s3  }
0xc: {  	[smem:$0x3FAF] =	sst s4  }
0xd: {  	[smem:$0x3FB0] =	sst s5  }
0xe: {  	[smem:$0x3FB1] =	sst s6  }
0xf: {  	[smem:$0x3FB2] =	sst s7  }
0x10: {  	[smem:$0x3FB3] =	sst s8  }
0x11: {  	[smem:$0x3FB4] =	sst s9;
	s0 =	simm.s32 @!p0 $0x0  }
0x12: {  	s1 =	sld [smem:$0x3F9A];
	s0 =	simm.s32 @p0 $0x1  }
0x13: {  	[smem:$0x3FB5] =	sst s0;
	s0 =	simm.s32 @!p1 $0x0  }
0x14: {  	s2 =	sld [smem:$0x3F99];
	s0 =	simm.s32 @p1 $0x1  }
0x15: {  	[smem:$0x3FB6] =	sst s0;
	s0 =	simm.s32 @!p2 $0x0  }
0x16: {  	s3 =	sld [smem:$0x3FDB];
	s0 =	simm.s32 @p2 $0x1  }
0x17: {  	s4 =	simm.s32 $0x1BF5;
	[smem:$0x3FB8] =	sst s0  }
0x18: {  	s0 =	sld [smem:$0x3F9B];
	_ =	swait.ge [sflag:s4], $0x0  }
0x19: {  	s7 =	sld [smem:$0x3F9C]  }
0x1a: {  	s8 =	sadd.s32 $0xFFFFE003, lr  }
0x1b: {  	s9 =	sadd.s32 $0xFFFFFEF7, lr;
	s5 =	simm.s32 $0xFFFFFFFF;
	p2 =	slt.u32 s8, $0xFFFFF086  }
0x1c: {  	p1 =	slt.u32 s9, $0xF7A;
	s5 =	simm.s32 @!p2 $0x0  }
0x1d: {  	s5 =	simm.s32 @p1 $0x1;
	p0 =	seq.s32 s7, s2  }
0x1e: {  	s7 =	smul.u32 @!p0 $0xF7A, s2;
	p2 =	seq.s32 @!p0 s5, $0x0  }
0x1f: {  	s9 =	smul.u32 $0xF7A, s1;
	s8 =	simm.s32 @!p0 $0x1BF5;
	p2 =	por !p2, p0  }
0x20: {  	[sflag:s8] =	ssyncset.s32 @!p0 $0xFFFFF086;
	s6 =	sadd.s32 @!p0 s3, s7;
	s7 =	simm.s32 @!p0 $0x108  }
0x21: {  	s3 =	sadd.s32 s3, s9;
	s6 =	sadd.s32 @!p0 $0x88, s6;
	s7 =	simm.s32 @p2 $0x1082  }
0x22: {  	[simem:s7], [sflag:s8] =	dma.local @!p0 [hbm:s6], $0xF7A  }
0x23: {  	s9 =	sor.u32 $0xD0000000, s2;
	s6 =	simm.s32 $0x108;
	_ =	swait.ge @!p0 [sflag:s8], $0x0  }
0x24: {  	s3 =	sadd.s32 $0x88, s3;
	s6 =	simm.s32 @!p1 $0x1082;
	[sflag:s4] =	ssyncset.s32 $0xFFFFF086  }
0x25: {  	[simem:s6], [sflag:s4] =	dma.local [hbm:s3], $0xF7A  }
0x26: {  	[smem:$0x3F9C] =	sst s1;
	(tag) =	ssettag s2;
	_ =	strace s9  }
0x27: {  	s1 =	sld [smem:$0x3FAC]  }
0x28: {  	s2 =	sld [smem:$0x3FAD]  }
0x29: {  	s4 =	sld [smem:$0x3FAF]  }
0x2a: {  	p0 =	seq.s32 s5, $0x0;
	s5 =	sld [smem:$0x3FB0]  }
0x2b: {  	s6 =	sld [smem:$0x3FB1]  }
0x2c: {  	s7 =	sld [smem:$0x3FB2]  }
0x2d: {  	s3 =	simm.s32 $0x108;
	s8 =	sld [smem:$0x3FB3]  }
0x2e: {  	s3 =	simm.s32 @!p0 $0x1082;
	s9 =	sld [smem:$0x3FB4]  }
0x2f: {  	lr =	sadd.s32 s0, s3;
	s0 =	sld [smem:$0x3FAB]  }
0x30: {  	s3 =	sld [smem:$0x3FAE]  }
0x31: {  	[smem:$0x3FB7] =	sst s10  }
0x32: {  	s10 =	sld [smem:$0x3FB5];
	_ =	sdelay $0x3  }
0x33: {  	p0 =	seq.s32 s10, $0x1;
	s10 =	sld [smem:$0x3FB7];
	_ =	sdelay $0x3  }
0x34: {  	[smem:$0x3FB7] =	sst s10  }
0x35: {  	s10 =	sld [smem:$0x3FB6];
	_ =	sdelay $0x3  }
0x36: {  	p1 =	seq.s32 s10, $0x1;
	s10 =	sld [smem:$0x3FB7];
	_ =	sdelay $0x3  }
0x37: {  	[smem:$0x3FB7] =	sst s10  }
0x38: {  	s10 =	sld [smem:$0x3FB8]  }
0x39: {  	_ = 	snop;
	(pc) =	sbr.ind lr, $3  }
0x3a: {  	_ = 	snop  }
0x3b: {  	_ = 	snop  }
0x3c: {  	p2 =	seq.s32 s10, $0x1;
	s10 =	sld [smem:$0x3FB7]  }
0x3d: {  	_ =	shalt  }
0x3e: {  	_ =	shalt  }
0x3f: {  	_ =	shalt  }
0x40: {  	_ =	shalt  }
0x41: {  	_ =	shalt  }
0x42: {  	_ =	shalt  }
0x43: {  	_ =	shalt  }
0x44: {  	_ =	shalt  }
0x45: {  	_ =	shalt  }
0x46: {  	_ =	shalt  }
0x47: {  	_ =	shalt  }
0x48: {  	_ =	shalt  }
0x49: {  	_ =	shalt  }
0x4a: {  	_ =	shalt  }
0x4b: {  	_ =	shalt  }
0x4c: {  	_ =	shalt  }
0x4d: {  	_ =	shalt  }
0x4e: {  	_ =	shalt  }
0x4f: {  	_ =	shalt  }
0x50: {  	_ =	shalt  }
0x51: {  	_ =	shalt  }
0x52: {  	_ =	shalt  }
0x53: {  	_ =	shalt  }
0x54: {  	_ =	shalt  }
0x55: {  	_ =	shalt  }
0x56: {  	_ =	shalt  }
0x57: {  	_ =	shalt  }
0x58: {  	_ =	shalt  }
0x59: {  	_ =	shalt  }
0x5a: {  	_ =	shalt  }
0x5b: {  	_ =	shalt  }
0x5c: {  	_ =	shalt  }
0x5d: {  	_ =	shalt  }
0x5e: {  	_ =	shalt  }
0x5f: {  	_ =	shalt  }
0x60: {  	_ =	shalt  }
0x61: {  	_ =	shalt  }
0x62: {  	_ =	shalt  }
0x63: {  	_ =	shalt  }
0x64: {  	_ =	shalt  }
0x65: {  	_ =	shalt  }
0x66: {  	_ =	shalt  }
0x67: {  	_ =	shalt  }
0x68: {  	_ =	shalt  }
0x69: {  	_ =	shalt  }
0x6a: {  	_ =	shalt  }
0x6b: {  	_ =	shalt  }
0x6c: {  	_ =	shalt  }
0x6d: {  	_ =	shalt  }
0x6e: {  	_ =	shalt  }
0x6f: {  	_ =	shalt  }
0x70: {  	_ =	shalt  }
0x71: {  	_ =	shalt  }
0x72: {  	_ =	shalt  }
0x73: {  	_ =	shalt  }
0x74: {  	_ =	shalt  }
0x75: {  	_ =	shalt  }
0x76: {  	_ =	shalt  }
0x77: {  	_ =	shalt  }
0x78: {  	_ =	shalt  }
0x79: {  	_ =	shalt  }
0x7a: {  	_ =	shalt  }
0x7b: {  	_ =	shalt  }
0x7c: {  	_ =	shalt  }
0x7d: {  	_ =	shalt  }
0x7e: {  	_ =	shalt  }
0x7f: {  	_ =	shalt  }
0x80: {  	_ =	shalt  }
0x81: {  	_ =	shalt  }
0x82: {  	_ =	shalt  }
0x83: {  	_ =	shalt  }
0x84: {  	_ =	shalt  }
0x85: {  	_ =	shalt  }
0x86: {  	_ =	shalt  }
0x87: {  	_ =	shalt  }
.Lfunc_end0:
.L_simem_size_0:
called_computation_lowered:
.L_overlay_start_0:
0x88: {  	s2 =	sld [smem:$0x3FD9]  }
0x89: {  	s3 =	sld [smem:$0x3FFE];
	_ =	sdelay $0x1  }
0x8a: {  	s1 =	srdreg.scid  }
0x8b: {  	s0 =	sand.u32 $0x1, s1  }
0x8c: {  	s17 =	sshll.u32 s0, $0xA;
	s2 =	sadd.s32 s3, s2  }
0x8d: {  	s2 =	sadd.s32 s2, s17  }
0x8e: {  	[smem:$0x3FC3] =	sst s2  }
0x8f: {  	_ = 	snop  }
0x90: {  	s2 =	sld [smem:$0x3FD0];
	(tm) =	ssettm $0x1  }
0x91: {  	s18 =	sld [smem:$0x3FFB];
	_ =	sdelay $0x3  }
0x92: {  	_ =	strace s18  }
0x93: {  	s3 =	sld [smem:$0x3FFC];
	_ =	sdelay $0x3  }
0x94: {  	_ =	strace s3  }
0x95: {  	s3 =	sld [smem:$0x3FFD];
	_ =	sdelay $0x3  }
0x96: {  	_ =	strace s3  }
0x97: {  	_ =	strace $0x8FFFFFFF  }
0x98: {  	s19 =	sld [smem:$0x3FDB];
	_ =	sdelay $0x1  }
0x99: {  	s4 =	simm.s32 $_scs_section_size  }
0x9a: {  	s5 =	simm.s32 $_size__tile_overlayer_lowered;
	s6 =	simm.s32 $_tile_overlayer_lowered  }
0x9b: {  	s22 =	simm.s32 $0x1BFF;
	s21 =	sshll.u32 s6, $0x1;
	s3 =	sadd.s32 s4, s19  }
0x9c: {  	s7 =	simm.s32 $0x0;
	s20 =	sshll.u32 s5, $0x1;
	s5 =	sadd.s32 s21, s3  }
0x9d: {  	[timem:s7], [sflag:s22] =	dma.local [hbm:s5], s20  }
0x9e: {  	_ =	swait.ge [sflag:s22], s20  }
0x9f: {  	s4 =	ssub.s32 $0x0, s20;
	[sflag:s22] =	ssyncset.done $0x0  }
0xa0: {  	[sflag:s22] =	ssyncadd.s32 s4;
	_ =	sdelay $0x1  }
0xa1: {  	s23 =	simm.s32 $0x1B8B  }
0xa2: {  	_ =	swait.ge [sflag:s23], $0x1  }
0xa3: {  	[sflag:s23] =	ssyncset.done $0x0  }
0xa4: {  	s25 =	simm.s32 $0x1B8E;
	s24 =	sld [smem:$0x3FFE];
	[sflag:s23] =	ssyncadd.s32 $0xFFFFFFFF  }
0xa5: {  	s26 =	simm.s32 $execute0_lowered;
	[smem:$0x3FD2] =	sst s25  }
0xa6: {  	s5 =	sshll.u32 s26, $0x1;
	_ =	strace $0x80000046;
	[dreg:$0x1] =	wrdreg $0xFFFFFFFF  }
0xa7: {  	s28 =	simm.s32 $_size_execute0_lowered;
	s3 =	sadd.s32 s3, s5;
	[dreg:$0x0] =	wrdreg $0x0  }
0xa8: {  	s5 =	sshll.u32 s28, $0x1;
	[dreg:$0x2] =	wrdreg s3  }
0xa9: {  	[dreg:$0x3] =	wrdreg s5  }
0xaa: {  	[dreg:$0x4] =	wrdreg $0xC0  }
0xab: {  	_ =	task [dreg:s7], $0x5FFFF  }
0xac: {  	[dreg:$0x1] =	wrdreg $0xFFFFFFFF  }
0xad: {  	[dreg:$0x0] =	wrdreg $0x60  }
0xae: {  	[dreg:$0x2] =	wrdreg s24  }
0xaf: {  	[dreg:$0x3] =	wrdreg s2  }
0xb0: {  	[dreg:$0x4] =	wrdreg $0x79400  }
0xb1: {  	[dreg:$0x5] =	wrdreg $0x9  }
0xb2: {  	_ =	task.clear_ibuf [dreg:s7], $0x6FFFF;
	_ =	strace $0x90000046  }
0xb3: {  	s29 =	simm.s32 $0x9;
	_ =	strace $0x80000048  }
0xb4: {  	_ =	swait.ge [sflag:s29], $0x1  }
0xb5: {  	[sflag:s29] =	ssyncadd.s32 $0xFFFFFFFF  }
0xb6: {  	_ =	strace $0x90000048  }
0xb7: {  	_ =	sfence  }
0xb8: {  	s30 =	sld [smem:$0x0];
	_ =	sdelay $0x2  }
0xb9: {  	s31 =	sshll.u32 s1, $0xD;
	s1 =	sshrl.u32 s1, $0x2  }
0xba: {  	s3 =	sand.u32 $0x4000, s31;
	s1 =	sadd.s32 s1, s30  }
0xbb: {  	s0 =	sor.u32 s3, s0;
	s1 =	sshll.u32 s1, $0x11  }
0xbc: {  	s0 =	sor.u32 s1, s0  }
0xbd: {  	s0 =	sadd.s32 $0x8F2B, s0  }
0xbe: {  	[sflag:s0] =	ssyncadd.remote.s32 $0x1  }
0xbf: {  	_ =	sfence.sel $0xFFFF  }
0xc0: {  	[dreg:$0x0] =	wrdreg $0xFFFFFFFF;
	(pc) =	sbr.abs _section_cstart, $3  }
0xc1: {  	[dreg:$0x1] =	wrdreg $0xFFFFFFFF  }
0xc2: {  	_ =	task.clear_ibuf [dreg:s7], $0x2FFFF;
	_ =	strace $0x9FFFFFFF  }
0xc3: {  	(tm) =	ssettm $0x7FFFFFFF  }
tec
execute0_lowered:
.L_overlay_start_1:
0x0: {  	(tag) =	ssettag $0x1  }
0x1: {  	s0 =	rddreg [dreg:$0x0]  }
0x2: {  	s2 =	rddreg [dreg:$0x1]  }
0x3: {  	s3 =	rddreg [dreg:$0x2]  }
0x4: {  	s1 =	srdreg.scid;
	s11 =	stileid.u32  }
0x5: {  	s5 =	simm.s32 $0x0;
	s28 =	simm.s32 $0x140;
	s29 =	simm.s32 $0x5  }
0x6: {  	s1 =	sand.u32 $0x1, s1;
	s4 =	smul.u32 $0x15F90, s11;
	[smem:$0x7FF] =	sst s5  }
0x7: {  	s5 =	sadd.s32 $0xA00, s0;
	s8 =	sshll.u32 s11, $0x1;
	s6 =	sadd.s32 $0x2CA00, s0  }
0x8: {  	s9 =	sadd.s32 $0x31A00, s0;
	s19 =	sshll.u32 s11, $0x6;
	s7 =	smul.u32 $0x15F900, s1  }
0x9: {  	_ =	strace $0x80000047;
	s8 =	sor.u32 s1, s8;
	s1 =	ssub.s32 $0x2, s1  }
0xa: {  	[dreg:$0x4] =	wrdreg s9;
	s8 =	smul.u32 $0x2710, s8;
	s13 =	sshrl.u32 s1, $0x1  }
0xb: {  	s7 =	sadd.s32 s4, s7;
	s1 =	ssub.s32 s1, s13;
	s4 =	sadd.s32 s4, s3  }
0xc: {  	s7 =	sshrl.u32 s7, $0x3;
	s14 =	sadd.s32 $0x28, s8;
	s15 =	sadd.s32 $0x4E228, s8  }
0xd: {  	s10 =	sshrl.u32 s8, $0x3;
	[dreg:$0x8] =	wrdreg s4;
	s17 =	sadd.s32 $0x78, s8  }
0xe: {  	s18 =	sadd.s32 $0x4E278, s8;
	s21 =	sadd.s32 $0xC8, s8;
	s22 =	sadd.s32 $0xF0, s8  }
0xf: {  	s23 =	sadd.s32 $0x118, s8;
	s24 =	sadd.s32 $0x140, s8;
	s25 =	sadd.s32 $0x168, s8  }
0x10: {  	s26 =	sadd.s32 $0x2648, s8;
	s30 =	sadd.s32 $0x50848, s8;
	[dreg:$0xc] =	wrdreg s21  }
0x11: {  	s31 =	sadd.s32 $0x2698, s8;
	s13 =	sadd.s32 $0x190, s8;
	[dreg:$0xd] =	wrdreg s22  }
0x12: {  	s0 =	sadd.s32 s7, s0;
	s7 =	sshrl.u32 s14, $0x3;
	[dreg:$0xe] =	wrdreg s23  }
0x13: {  	s9 =	sshrl.u32 s15, $0x3;
	s10 =	sadd.s32 s2, s10;
	[dreg:$0xf] =	wrdreg s24  }
0x14: {  	s4 =	sshrl.u32 s17, $0x3;
	[dreg:$0x10] =	wrdreg s25;
	s11 =	sshrl.u32 s31, $0x3  }
0x15: {  	[dreg:$0x14] =	wrdreg s13;
	s14 =	sadd.s32 $0x50898, s8;
	s15 =	sadd.s32 $0x26E8, s8  }
0x16: {  	s8 =	sadd.s32 $0x508E8, s8;
	s7 =	sadd.s32 s2, s7;
	[dreg:$0x5] =	wrdreg s10  }
0x17: {  	s13 =	simm.s32 $0x2;
	s16 =	sadd.s32 s2, s9;
	[dreg:$0x6] =	wrdreg s7  }
0x18: {  	s4 =	sadd.s32 s2, s4;
	s12 =	sadd.s32 s2, s11;
	[dreg:$0x7] =	wrdreg s16  }
0x19: {  	s8 =	sshrl.u32 s8, $0x3;
	s0 =	sadd.s32 $0x34600, s0;
	[dreg:$0xa] =	wrdreg s4  }
0x1a: {  	s21 =	sadd.s32 $0xA, s10;
	s22 =	sadd.s32 $0x9C4A, s10;
	[dreg:$0x13] =	wrdreg s12  }
0x1b: {  	s23 =	sadd.s32 $0x14, s10;
	s24 =	sadd.s32 $0x9C54, s10;
	[dreg:$0x18] =	wrdreg s0  }
0x1c: {  	s25 =	sadd.s32 $0x4CE, s10;
	s31 =	sadd.s32 $0xA118, s10;
	[dreg:$0x1b] =	wrdreg s21  }
0x1d: {  	s9 =	simm.s32 $0x49C0;
	s11 =	simm.s32 $0x4C40;
	[dreg:$0x1c] =	wrdreg s22  }
0x1e: {  	s7 =	sshrl.u32 s18, $0x3;
	s18 =	sor.u32 $0x1C09, s19;
	[dreg:$0x1d] =	wrdreg s23  }
0x1f: {  	s4 =	sshrl.u32 s26, $0x3;
	s17 =	sadd.s32 s2, s8;
	[dreg:$0x1e] =	wrdreg s24  }
0x20: {  	s19 =	smax.u32 s1, $0x1;
	[dreg:$0x1f] =	wrdreg s25;
	s26 =	sadd.s32 $0xA10E, s10  }
0x21: {  	[smem:$0x7FD] =	sst s31;
	s21 =	simm.s32 $0xA0;
	s22 =	simm.s32 $0x50  }
0x22: {  	s24 =	simm.s32 $0xC8;
	s0 =	simm.s32 $0x1;
	s1 =	simm.s32 $0x6  }
0x23: {  	s8 =	simm.s32 $0x44C0;
	s12 =	simm.s32 $0x118;
	[dreg:$0x17] =	wrdreg s17  }
0x24: {  	s25 =	simm.s32 $0x62C0;
	s20 =	sadd.s32 s2, s7;
	[dreg:$0x19] =	wrdreg s19  }
0x25: {  	s4 =	sadd.s32 s2, s4;
	s7 =	sshrl.u32 s30, $0x3;
	[smem:$0x7FB] =	sst s26  }
0x26: {  	s30 =	sadd.s32 $0x4D8, s10;
	s19 =	simm.s32 $0x9;
	[dreg:$0x9] =	wrdreg s18  }
0x27: {  	s26 =	simm.s32 $0x4;
	s17 =	simm.s32 $0x0;
	[dreg:$0xb] =	wrdreg s20  }
0x28: {  	[dreg:$0x11] =	wrdreg s4;
	s4 =	sadd.s32 s2, s7;
	s7 =	sshrl.u32 s15, $0x3  }
0x29: {  	s20 =	sadd.s32 $0x9C40, s10;
	[smem:$0x7FC] =	sst s30;
	s10 =	simm.s32 $0xF0  }
0x2a: {  	s15 =	simm.s32 $0x7;
	[dreg:$0x12] =	wrdreg s4;
	s4 =	sshrl.u32 s14, $0x3  }
0x2b: {  	v0 =	vimm.s32 $0x0;
	v1 =	vimm.s32 $0x1;
	s16 =	sadd.s32 s2, s7;
	[dreg:$0x1a] =	wrdreg s20;
	s14 =	simm.s32 $0x78  }
0x2c: {  	v2 =	vimm.s32 $0x2;
	v3 =	vimm.s32 $0x3;
	v4 =	vimm.s32 $0x4;
	s20 =	simm.s32 $0x28;
	s4 =	sadd.s32 s2, s4;
	[dreg:$0x16] =	wrdreg s16  }
0x2d: {  	v5 =	vimm.s32 $0x5;
	v6 =	vimm.s32 $0x6;
	v7 =	vimm.s32 $0x7;
	s16 =	simm.s32 $0x8;
	[dreg:$0x15] =	wrdreg s4;
	s4 =	simm.s32 $0x3  }
.LBB2_1:
0x2e: {  	[smem:$0x7F9] =	sst s17  }
0x2f: {  	s30 =	rddreg [dreg:$0x5]  }
0x30: {  	s7 =	simm.s32 $0x0;
	s31 =	rddreg [dreg:$0x1a]  }
0x31: {  	[tilespmem:s7], [sflag:$0x4] =	stream.linear.gather [hbm4b:s30+s7], $0x28, $0x38;
	[tilespmem:$0x1D8D0] =	vst v63  }
0x32: {  	s23 =	rddreg [dreg:$0x6]  }
0x33: {  	[tilespmem:s14], [sflag:$0x4] =	stream.linear.gather [hbm4b:s31+s7], $0x28, $0x38;
	[tilespmem:$0x1D8D0] =	vst v63  }
0x34: {  	s30 =	rddreg [dreg:$0x7]  }
0x35: {  	[tilespmem:s20], [sflag:$0x5] =	stream.linear.gather [hbm4b:s23+s7], $0x28, $0x38;
	[tilespmem:$0x1D8D0] =	vst v63  }
0x36: {  	s31 =	rddreg [dreg:$0x1b]  }
0x37: {  	[tilespmem:s21], [sflag:$0x5] =	stream.linear.gather [hbm4b:s30+s7], $0x28, $0x38;
	[tilespmem:$0x1D8D0] =	vst v63  }
0x38: {  	s23 =	rddreg [dreg:$0x1c]  }
0x39: {  	[tilespmem:s22], [sflag:$0x6] =	stream.linear.gather [hbm4b:s31+s7], $0x28, $0x38;
	[tilespmem:$0x1D8D0] =	vst v63  }
0x3a: {  	s30 =	rddreg [dreg:$0x8]  }
0x3b: {  	[tilespmem:s24], [sflag:$0x6] =	stream.linear.gather [hbm4b:s23+s7], $0x28, $0x38;
	[tilespmem:$0x1D8D0] =	vst v63  }
0x3c: {  	s31 =	rddreg [dreg:$0x4];
	s23 =	sshrl.u32 s30, $0x3  }
0x3d: {  	[smem:$0x7FA] =	sst s23  }
0x3e: {  	[spmem:s23], [sflag:s18] =	dma.local [hbm:s31], $0x2BF2  }
0x3f: {  	_ =	swait.ge [sflag:s19], $0x2BF2  }
0x40: {  	[sflag:s19] =	ssyncset.done $0x0  }
0x41: {  	[sflag:s19] =	ssyncadd.s32 $0xFFFFD40E  }
0x42: {  	_ =	swait.ge [sflag:s26], $0x28  }
0x43: {  	[sflag:s26] =	ssyncset.done $0x0  }
0x44: {  	[sflag:s26] =	ssyncadd.s32 $0xFFFFFFD8  }
0x45: {  	_ =	swait.ge [sflag:s26], $0x28  }
0x46: {  	[sflag:s26] =	ssyncset.done $0x0  }
0x47: {  	[sflag:s26] =	ssyncadd.s32 $0xFFFFFFD8  }
0x48: {  	[tilespmem:s28], [sflag:$0x1] =	stream.indirect.gather [hbm4b:s5+s20], $0x90, s7, s20, $0xb8;
	[tilespmem:$0x1D8D0] =	vst v63  }
0x49: {  	_ = 	snop  }
0x4a: {  	[tilespmem:s8], [sflag:$0x1] =	stream.indirect.gather [hbm4b:s6+s20], $0x10, s14, s20, $0xb8;
	[tilespmem:$0x1D8D0] =	vst v63  }
0x4b: {  	_ =	swait.ge [sflag:s29], $0x28  }
0x4c: {  	[sflag:s29] =	ssyncset.done $0x0  }
0x4d: {  	[sflag:s29] =	ssyncadd.s32 $0xFFFFFFD8  }
0x4e: {  	_ =	swait.ge [sflag:s29], $0x28  }
0x4f: {  	[sflag:s29] =	ssyncset.done $0x0  }
0x50: {  	s18 =	simm.s32 $0x17C0;
	[sflag:s29] =	ssyncadd.s32 $0xFFFFFFD8  }
0x51: {  	[tilespmem:s18], [sflag:$0x2] =	stream.indirect.gather [hbm4b:s5+s20], $0x90, s20, s20, $0xb8;
	[tilespmem:$0x1D8D0] =	vst v63  }
0x52: {  	s19 =	simm.s32 $0x4740  }
0x53: {  	[tilespmem:s19], [sflag:$0x2] =	stream.indirect.gather [hbm4b:s6+s20], $0x10, s21, s20, $0xb8;
	[tilespmem:$0x1D8D0] =	vst v63  }
0x54: {  	[bflag:$0x0] =	sbarrier.arrive $0xFFFF  }
0x55: {  	_ =	swait.ge [sflag:s0], $0x1680  }
0x56: {  	[sflag:s0] =	ssyncset.done $0x0  }
0x57: {  	[sflag:s0] =	ssyncadd.s32 $0xFFFFE980  }
0x58: {  	_ =	swait.ge [sflag:s0], $0x280  }
0x59: {  	[sflag:s0] =	ssyncset.done $0x0  }
0x5a: {  	[sflag:s0] =	ssyncadd.s32 $0xFFFFFD80  }
0x5b: {  	v8 =	vld [tilespmem:$0x78]  }
0x5c: {  	v9 =	vld [tilespmem:$0x88]  }
0x5d: {  	v10 =	vld [tilespmem:$0x90];
	_ =	sdelay $0x2  }
0x5e: {  	[tilespmem:$0xF0] =	vst v8  }
0x5f: {  	[tilespmem:$0x100] =	vst v9  }
0x60: {  	s23 =	rddreg [dreg:$0xa];
	[tilespmem:$0x108] =	vst v10  }
0x61: {  	[tilespmem:s7], [sflag:$0x4] =	stream.linear.gather [hbm4b:s23+s7], $0x28, $0x38;
	[tilespmem:$0x1D8D0] =	vst v63  }
0x62: {  	s30 =	rddreg [dreg:$0xb]  }
0x63: {  	[tilespmem:s14], [sflag:$0x4] =	stream.linear.gather [hbm4b:s30+s7], $0x28, $0x38;
	[tilespmem:$0x1D8D0] =	vst v63  }
0x64: {  	_ =	swait.ge [sflag:s1], $0x28  }
0x65: {  	[sflag:s1] =	ssyncset.done $0x0  }
0x66: {  	[sflag:s1] =	ssyncadd.s32 $0xFFFFFFD8  }
0x67: {  	_ =	swait.ge [sflag:s1], $0x28  }
0x68: {  	[sflag:s1] =	ssyncset.done $0x0  }
0x69: {  	s31 =	simm.s32 $0x2E40;
	[sflag:s1] =	ssyncadd.s32 $0xFFFFFFD8  }
0x6a: {  	[tilespmem:s31], [sflag:$0x3] =	stream.indirect.gather [hbm4b:s5+s20], $0x90, s22, s20, $0xb8;
	[tilespmem:$0x1D8D0] =	vst v63  }
0x6b: {  	s17 =	simm.s32 $0x0  }
0x6c: {  	[tilespmem:s9], [sflag:$0x3] =	stream.indirect.gather [hbm4b:s6+s20], $0x10, s24, s20, $0xb8;
	[tilespmem:$0x1D8D0] =	vst v63  }
0x6d: {  	s18 =	simm.s32 $0x44C0;
	s19 =	simm.s32 $0x240;
	v8 =	vld [tilespmem:s17+$0x1C0]  }
.LBB2_2:
0x6e: {  	p0 =	sne.s32 s19, $0x57C0;
	v9 =	vld [tilespmem:s18+$0x0];
	_ =	sdelay $0x4  }
0x6f: {  	v8 =	vadd.f32 v9, v8;
	_ =	sdelay $0x1  }
0x70: {  	v9 =	vmul.f32 $2.000000030e-01, v8;
	_ =	sdelay $0x1  }
0x71: {  	v8 =	vmax.f32 v8, v9  }
0x72: {  	v8 =	vmul.f32 $1.442695020e+00, v8;
	_ =	sdelay $0x1  }
0x73: {  	(erf) = vpow2.f32 v8;
	_ =	sdelay $0x4  }
0x74: {  	v8 =	vld [tilespmem:s17+$0x140]  }
0x75: {  	v9 =	vld [tilespmem:s17+$0x150]  }
0x76: {  	v10 =	vld [tilespmem:s17+$0x160]  }
0x77: {  	v11 =	vld [tilespmem:s17+$0x170]  }
0x78: {  	v12 =	vld [tilespmem:s17+$0x180];
	v13 =	vpop (erf)  }
0x79: {  	[tilespmem:s17+$0x4CC0] =	vst v13;
	v14 =	vperm.xlane v13, v0;
	v15 =	vperm.xlane v13, v1;
	v16 =	vld [tilespmem:s17+$0x190]  }
0x7a: {  	v17 =	vperm.xlane v13, v2;
	v18 =	vperm.xlane v13, v3;
	v19 =	vld [tilespmem:s17+$0x1A0]  }
0x7b: {  	v8 =	vmul.f32 v8, v14;
	v9 =	vmul.f32 v9, v15;
	v14 =	vld [tilespmem:s17+$0x1B0]  }
0x7c: {  	v10 =	vmul.f32 v10, v17;
	v11 =	vmul.f32 v11, v18  }
0x7d: {  	v15 =	vperm.xlane v13, v5;
	[tilespmem:s17+$0x4C40] =	vst v8;
	v8 =	vperm.xlane v13, v4  }
0x7e: {  	[tilespmem:s17+$0x4C50] =	vst v9;
	v9 =	vperm.xlane v13, v6;
	v13 =	vperm.xlane v13, v7  }
0x7f: {  	[tilespmem:s17+$0x4C60] =	vst v10;
	v8 =	vmul.f32 v12, v8;
	v10 =	vmul.f32 v16, v15  }
.Ltmp0:
0x80: {  	[tilespmem:s17+$0x4C70] =	vst v11;
	v9 =	vmul.f32 v19, v9;
	v11 =	vmul.f32 v14, v13;
	(pc) =	sbr.rel @p0 .LBB2_2-.Ltmp0, $4  }
0x81: {  	[tilespmem:s17+$0x4C80] =	vst v8  }
0x82: {  	[tilespmem:s17+$0x4C90] =	vst v10  }
0x83: {  	s23 =	sshra.s32 s19, $0x2;
	[tilespmem:s17+$0x4CA0] =	vst v9  }
0x84: {  	s19 =	sadd.s32 $0x240, s19;
	s18 =	sadd.s32 $0x10, s18;
	v8 =	vld [tilespmem:s23+$0x1C0];
	[tilespmem:s17+$0x4CB0] =	vst v11;
	s17 =	smov.u32 s23  }
0x85: {  	v9 =	vld [tilespmem:s18+$0x0];
	_ =	sdelay $0x4  }
0x86: {  	v8 =	vadd.f32 v9, v8;
	_ =	sdelay $0x1  }
0x87: {  	v9 =	vmul.f32 $2.000000030e-01, v8;
	_ =	sdelay $0x1  }
0x88: {  	v8 =	vmax.f32 v8, v9  }
0x89: {  	v8 =	vmul.f32 $1.442695020e+00, v8;
	_ =	sdelay $0x1  }
0x8a: {  	(erf) = vpow2.f32 v8;
	_ =	sdelay $0x6  }
0x8b: {  	v8 =	vld [tilespmem:s17+$0x140]  }
0x8c: {  	v9 =	vld [tilespmem:s17+$0x150]  }
0x8d: {  	v10 =	vld [tilespmem:s17+$0x160];
	v13 =	vpop (erf)  }
0x8e: {  	v11 =	vld [tilespmem:s17+$0x170];
	v14 =	vperm.xlane v13, v0  }
0x8f: {  	v16 =	vld [tilespmem:s17+$0x190];
	v15 =	vperm.xlane v13, v1  }
0x90: {  	v12 =	vld [tilespmem:s17+$0x180];
	v17 =	vperm.xlane v13, v2;
	v8 =	vmul.f32 v8, v14  }
0x91: {  	v18 =	vld [tilespmem:s17+$0x1A0];
	[tilespmem:s17+$0x4CC0] =	vst v13;
	v60 =	vperm.xlane v13, v3;
	v9 =	vmul.f32 v9, v15  }
0x92: {  	v61 =	vld [tilespmem:s17+$0x1B0];
	v62 =	vperm.xlane v13, v5;
	v10 =	vmul.f32 v10, v17;
	[tilespmem:s17+$0x4C40] =	vst v8  }
0x93: {  	v11 =	vmul.f32 v11, v60;
	v8 =	vperm.xlane v13, v4;
	[tilespmem:s17+$0x4C50] =	vst v9  }
0x94: {  	v63 =	vmul.f32 v16, v62;
	v9 =	vperm.xlane v13, v6;
	[tilespmem:s17+$0x4C60] =	vst v10  }
0x95: {  	v10 =	vperm.xlane v13, v7;
	[tilespmem:s17+$0x4C70] =	vst v11;
	v8 =	vmul.f32 v12, v8  }
0x96: {  	[tilespmem:s17+$0x4C90] =	vst v63;
	v9 =	vmul.f32 v18, v9  }
0x97: {  	[tilespmem:s17+$0x4C80] =	vst v8;
	v8 =	vmul.f32 v61, v10  }
0x98: {  	[tilespmem:s17+$0x4CA0] =	vst v9  }
0x99: {  	[tilespmem:s17+$0x4CB0] =	vst v8  }
0x9a: {  	[spmem:s3] =	stream.indirect.scatter.add.f32 [tilespmem:s11], [sflag:$0x7], $0x90, s10, s20, $0xb8;
	[tilespmem:$0x1D8D0] =	vst v63  }
0x9b: {  	_ =	swait.ge [sflag:s13], $0x1680  }
0x9c: {  	[sflag:s13] =	ssyncset.done $0x0  }
0x9d: {  	[sflag:s13] =	ssyncadd.s32 $0xFFFFE980  }
0x9e: {  	_ =	swait.ge [sflag:s13], $0x280  }
0x9f: {  	[sflag:s13] =	ssyncset.done $0x0  }
0xa0: {  	[sflag:s13] =	ssyncadd.s32 $0xFFFFFD80  }
0xa1: {  	v8 =	vld [tilespmem:$0xA0]  }
0xa2: {  	v9 =	vld [tilespmem:$0xB0]  }
0xa3: {  	v10 =	vld [tilespmem:$0xB8];
	_ =	sdelay $0x2  }
0xa4: {  	[tilespmem:$0x118] =	vst v8  }
0xa5: {  	[tilespmem:$0x128] =	vst v9  }
0xa6: {  	s30 =	simm.s32 $0x0;
	s7 =	rddreg [dreg:$0x1d];
	[tilespmem:$0x130] =	vst v10  }
0xa7: {  	[tilespmem:s20], [sflag:$0x5] =	stream.linear.gather [hbm4b:s7+s30], $0x28, $0x38;
	[tilespmem:$0x1D8D0] =	vst v63  }
0xa8: {  	s31 =	rddreg [dreg:$0x1e]  }
0xa9: {  	[tilespmem:s21], [sflag:$0x5] =	stream.linear.gather [hbm4b:s31+s30], $0x28, $0x38;
	[tilespmem:$0x1D8D0] =	vst v63  }
0xaa: {  	_ =	swait.ge [sflag:s26], $0x28  }
0xab: {  	[sflag:s26] =	ssyncset.done $0x0  }
0xac: {  	[sflag:s26] =	ssyncadd.s32 $0xFFFFFFD8  }
0xad: {  	_ =	swait.ge [sflag:s26], $0x28  }
0xae: {  	[sflag:s26] =	ssyncset.done $0x0  }
0xaf: {  	[sflag:s26] =	ssyncadd.s32 $0xFFFFFFD8  }
0xb0: {  	[tilespmem:s28], [sflag:$0x1] =	stream.indirect.gather [hbm4b:s5+s20], $0x90, s30, s20, $0xb8;
	[tilespmem:$0x1D8D0] =	vst v63  }
0xb1: {  	s17 =	simm.s32 $0x0  }
0xb2: {  	[tilespmem:s8], [sflag:$0x1] =	stream.indirect.gather [hbm4b:s6+s20], $0x10, s14, s20, $0xb8;
	[tilespmem:$0x1D8D0] =	vst v63  }
0xb3: {  	s18 =	simm.s32 $0x4740;
	s19 =	simm.s32 $0x240;
	v8 =	vld [tilespmem:s17+$0x1840]  }
.LBB2_4:
0xb4: {  	p0 =	sne.s32 s19, $0x57C0;
	v9 =	vld [tilespmem:s18+$0x0];
	_ =	sdelay $0x4  }
0xb5: {  	v8 =	vadd.f32 v9, v8;
	_ =	sdelay $0x1  }
0xb6: {  	v9 =	vmul.f32 $2.000000030e-01, v8;
	_ =	sdelay $0x1  }
0xb7: {  	v8 =	vmax.f32 v8, v9  }
0xb8: {  	v8 =	vmul.f32 $1.442695020e+00, v8;
	_ =	sdelay $0x1  }
0xb9: {  	(erf) = vpow2.f32 v8;
	_ =	sdelay $0x4  }
0xba: {  	v8 =	vld [tilespmem:s17+$0x17C0]  }
0xbb: {  	v9 =	vld [tilespmem:s17+$0x17D0]  }
0xbc: {  	v10 =	vld [tilespmem:s17+$0x17E0]  }
0xbd: {  	v11 =	vld [tilespmem:s17+$0x17F0]  }
0xbe: {  	v12 =	vld [tilespmem:s17+$0x1800];
	v13 =	vpop (erf)  }
0xbf: {  	[tilespmem:s17+$0x6340] =	vst v13;
	v14 =	vperm.xlane v13, v0;
	v15 =	vperm.xlane v13, v1;
	v16 =	vld [tilespmem:s17+$0x1810]  }
0xc0: {  	v17 =	vperm.xlane v13, v2;
	v18 =	vperm.xlane v13, v3;
	v19 =	vld [tilespmem:s17+$0x1820]  }
0xc1: {  	v8 =	vmul.f32 v8, v14;
	v9 =	vmul.f32 v9, v15;
	v14 =	vld [tilespmem:s17+$0x1830]  }
0xc2: {  	v10 =	vmul.f32 v10, v17;
	v11 =	vmul.f32 v11, v18  }
0xc3: {  	v15 =	vperm.xlane v13, v5;
	[tilespmem:s17+$0x62C0] =	vst v8;
	v8 =	vperm.xlane v13, v4  }
0xc4: {  	[tilespmem:s17+$0x62D0] =	vst v9;
	v9 =	vperm.xlane v13, v6;
	v13 =	vperm.xlane v13, v7  }
0xc5: {  	[tilespmem:s17+$0x62E0] =	vst v10;
	v8 =	vmul.f32 v12, v8;
	v10 =	vmul.f32 v16, v15  }
.Ltmp1:
0xc6: {  	[tilespmem:s17+$0x62F0] =	vst v11;
	v9 =	vmul.f32 v19, v9;
	v11 =	vmul.f32 v14, v13;
	(pc) =	sbr.rel @p0 .LBB2_4-.Ltmp1, $4  }
0xc7: {  	[tilespmem:s17+$0x6300] =	vst v8  }
0xc8: {  	[tilespmem:s17+$0x6310] =	vst v10  }
0xc9: {  	s23 =	sshra.s32 s19, $0x2;
	[tilespmem:s17+$0x6320] =	vst v9  }
0xca: {  	s19 =	sadd.s32 $0x240, s19;
	s18 =	sadd.s32 $0x10, s18;
	v8 =	vld [tilespmem:s23+$0x1840];
	[tilespmem:s17+$0x6330] =	vst v11;
	s17 =	smov.u32 s23  }
0xcb: {  	v9 =	vld [tilespmem:s18+$0x0];
	_ =	sdelay $0x4  }
0xcc: {  	v8 =	vadd.f32 v9, v8;
	_ =	sdelay $0x1  }
0xcd: {  	v9 =	vmul.f32 $2.000000030e-01, v8;
	_ =	sdelay $0x1  }
0xce: {  	v8 =	vmax.f32 v8, v9  }
0xcf: {  	v8 =	vmul.f32 $1.442695020e+00, v8;
	_ =	sdelay $0x1  }
0xd0: {  	(erf) = vpow2.f32 v8;
	_ =	sdelay $0x6  }
0xd1: {  	v8 =	vld [tilespmem:s17+$0x17C0]  }
0xd2: {  	v57 =	vld [tilespmem:s17+$0x17D0]  }
0xd3: {  	v10 =	vld [tilespmem:s17+$0x17E0];
	v13 =	vpop (erf)  }
0xd4: {  	v11 =	vld [tilespmem:s17+$0x17F0];
	v14 =	vperm.xlane v13, v0  }
0xd5: {  	v16 =	vld [tilespmem:s17+$0x1810];
	v15 =	vperm.xlane v13, v1  }
0xd6: {  	v12 =	vld [tilespmem:s17+$0x1800];
	v17 =	vperm.xlane v13, v2;
	v8 =	vmul.f32 v8, v14  }
0xd7: {  	v18 =	vld [tilespmem:s17+$0x1820];
	[tilespmem:s17+$0x6340] =	vst v13;
	v58 =	vperm.xlane v13, v3;
	v9 =	vmul.f32 v57, v15  }
0xd8: {  	v59 =	vld [tilespmem:s17+$0x1830];
	v60 =	vperm.xlane v13, v5;
	v10 =	vmul.f32 v10, v17;
	[tilespmem:s17+$0x62C0] =	vst v8  }
0xd9: {  	v11 =	vmul.f32 v11, v58;
	v8 =	vperm.xlane v13, v4;
	[tilespmem:s17+$0x62D0] =	vst v9  }
0xda: {  	v61 =	vperm.xlane v13, v6;
	v63 =	vmul.f32 v16, v60;
	[tilespmem:s17+$0x62E0] =	vst v10  }
0xdb: {  	v62 =	vperm.xlane v13, v7;
	[tilespmem:s17+$0x62F0] =	vst v11;
	v8 =	vmul.f32 v12, v8  }
0xdc: {  	v9 =	vmul.f32 v18, v61;
	[tilespmem:s17+$0x6310] =	vst v63  }
0xdd: {  	[tilespmem:s17+$0x6300] =	vst v8;
	v8 =	vmul.f32 v59, v62  }
0xde: {  	[tilespmem:s17+$0x6320] =	vst v9  }
0xdf: {  	s18 =	simm.s32 $0x0;
	[tilespmem:s17+$0x6330] =	vst v8;
	s17 =	simm.s32 $0x0  }
0xe0: {  	[spmem:s3] =	stream.indirect.scatter.add.f32 [tilespmem:s25], [sflag:$0x8], $0x90, s12, s20, $0xb8;
	[tilespmem:$0x1D8D0] =	vst v63  }
.LBB2_6:
0xe1: {  	_ =	swait.ge [sflag:s4], $0x1680  }
0xe2: {  	[sflag:s4] =	ssyncset.done $0x0  }
0xe3: {  	[sflag:s4] =	ssyncadd.s32 $0xFFFFE980  }
0xe4: {  	_ =	swait.ge [sflag:s4], $0x280  }
0xe5: {  	[sflag:s4] =	ssyncset.done $0x0  }
0xe6: {  	[sflag:s4] =	ssyncadd.s32 $0xFFFFFD80  }
0xe7: {  	_ =	swait.ge [sflag:s15], $0x1680  }
0xe8: {  	[sflag:s15] =	ssyncset.done $0x0  }
0xe9: {  	[sflag:s15] =	ssyncadd.s32 $0xFFFFE980  }
0xea: {  	v8 =	vld [tilespmem:$0xC8]  }
0xeb: {  	v9 =	vld [tilespmem:$0xD8]  }
0xec: {  	v10 =	vld [tilespmem:$0xE0]  }
0xed: {  	s19 =	smul.u32 $0xF0, s18  }
0xee: {  	s7 =	rddreg [dreg:$0xc]  }
0xef: {  	s23 =	sadd.s32 s19, s7;
	[tilespmem:$0xF0] =	vst v8  }
0xf0: {  	s23 =	sshrl.u32 s23, $0x3;
	[tilespmem:$0x100] =	vst v9  }
0xf1: {  	s23 =	sadd.s32 s2, s23;
	[tilespmem:$0x108] =	vst v10  }
0xf2: {  	[tilespmem:s22], [sflag:$0x6] =	stream.linear.gather [hbm4b:s23+s17], $0x28, $0x38;
	[tilespmem:$0x1D8D0] =	vst v63  }
0xf3: {  	s23 =	sadd.s32 $0x9C40, s23  }
0xf4: {  	[tilespmem:s24], [sflag:$0x6] =	stream.linear.gather [hbm4b:s23+s17], $0x28, $0x38;
	[tilespmem:$0x1D8D0] =	vst v63  }
0xf5: {  	_ =	swait.ge [sflag:s29], $0x28  }
0xf6: {  	[sflag:s29] =	ssyncset.done $0x0  }
0xf7: {  	[sflag:s29] =	ssyncadd.s32 $0xFFFFFFD8  }
0xf8: {  	_ =	swait.ge [sflag:s29], $0x28  }
0xf9: {  	[sflag:s29] =	ssyncset.done $0x0  }
0xfa: {  	s23 =	simm.s32 $0x17C0;
	[sflag:s29] =	ssyncadd.s32 $0xFFFFFFD8  }
0xfb: {  	[tilespmem:s23], [sflag:$0x2] =	stream.indirect.gather [hbm4b:s5+s20], $0x90, s20, s20, $0xb8;
	[tilespmem:$0x1D8D0] =	vst v63  }
0xfc: {  	s23 =	simm.s32 $0x4740  }
0xfd: {  	[tilespmem:s23], [sflag:$0x2] =	stream.indirect.gather [hbm4b:s6+s20], $0x10, s21, s20, $0xb8;
	[tilespmem:$0x1D8D0] =	vst v63  }
0xfe: {  	s23 =	simm.s32 $0x0  }
0xff: {  	s30 =	simm.s32 $0x49C0;
	s31 =	simm.s32 $0x240;
	v8 =	vld [tilespmem:s23+$0x2EC0]  }
.LBB2_7:
0x100: {  	p0 =	sne.s32 s31, $0x57C0;
	v9 =	vld [tilespmem:s30+$0x0];
	_ =	sdelay $0x4  }
0x101: {  	v8 =	vadd.f32 v9, v8;
	_ =	sdelay $0x1  }
0x102: {  	v9 =	vmul.f32 $2.000000030e-01, v8;
	_ =	sdelay $0x1  }
0x103: {  	v8 =	vmax.f32 v8, v9  }
0x104: {  	v8 =	vmul.f32 $1.442695020e+00, v8;
	_ =	sdelay $0x1  }
0x105: {  	(erf) = vpow2.f32 v8;
	_ =	sdelay $0x4  }
0x106: {  	v8 =	vld [tilespmem:s23+$0x2E40]  }
0x107: {  	v9 =	vld [tilespmem:s23+$0x2E50]  }
0x108: {  	v10 =	vld [tilespmem:s23+$0x2E60]  }
0x109: {  	v11 =	vld [tilespmem:s23+$0x2E70]  }
0x10a: {  	v12 =	vld [tilespmem:s23+$0x2E80];
	v13 =	vpop (erf)  }
0x10b: {  	[tilespmem:s23+$0x4CC0] =	vst v13;
	v14 =	vperm.xlane v13, v0;
	v15 =	vperm.xlane v13, v1;
	v16 =	vld [tilespmem:s23+$0x2E90]  }
0x10c: {  	v17 =	vperm.xlane v13, v2;
	v18 =	vperm.xlane v13, v3;
	v19 =	vld [tilespmem:s23+$0x2EA0]  }
0x10d: {  	v8 =	vmul.f32 v8, v14;
	v9 =	vmul.f32 v9, v15;
	v14 =	vld [tilespmem:s23+$0x2EB0]  }
0x10e: {  	v10 =	vmul.f32 v10, v17;
	v11 =	vmul.f32 v11, v18  }
0x10f: {  	v15 =	vperm.xlane v13, v5;
	[tilespmem:s23+$0x4C40] =	vst v8;
	v8 =	vperm.xlane v13, v4  }
0x110: {  	[tilespmem:s23+$0x4C50] =	vst v9;
	v9 =	vperm.xlane v13, v6;
	v13 =	vperm.xlane v13, v7  }
0x111: {  	[tilespmem:s23+$0x4C60] =	vst v10;
	v8 =	vmul.f32 v12, v8;
	v10 =	vmul.f32 v16, v15  }
.Ltmp2:
0x112: {  	[tilespmem:s23+$0x4C70] =	vst v11;
	v9 =	vmul.f32 v19, v9;
	v11 =	vmul.f32 v14, v13;
	(pc) =	sbr.rel @p0 .LBB2_7-.Ltmp2, $4  }
0x113: {  	[tilespmem:s23+$0x4C80] =	vst v8  }
0x114: {  	[tilespmem:s23+$0x4C90] =	vst v10  }
0x115: {  	s7 =	sshra.s32 s31, $0x2;
	[tilespmem:s23+$0x4CA0] =	vst v9  }
0x116: {  	s31 =	sadd.s32 $0x240, s31;
	s30 =	sadd.s32 $0x10, s30;
	v8 =	vld [tilespmem:s7+$0x2EC0];
	[tilespmem:s23+$0x4CB0] =	vst v11;
	s23 =	smov.u32 s7  }
0x117: {  	v9 =	vld [tilespmem:s30+$0x0];
	_ =	sdelay $0x4  }
0x118: {  	v8 =	vadd.f32 v9, v8;
	_ =	sdelay $0x1  }
0x119: {  	v9 =	vmul.f32 $2.000000030e-01, v8;
	_ =	sdelay $0x1  }
0x11a: {  	v8 =	vmax.f32 v8, v9  }
0x11b: {  	v8 =	vmul.f32 $1.442695020e+00, v8;
	_ =	sdelay $0x1  }
0x11c: {  	(erf) = vpow2.f32 v8;
	_ =	sdelay $0x6  }
0x11d: {  	v8 =	vld [tilespmem:s23+$0x2E40]  }
0x11e: {  	v9 =	vld [tilespmem:s23+$0x2E50]  }
0x11f: {  	v10 =	vld [tilespmem:s23+$0x2E60];
	v13 =	vpop (erf)  }
0x120: {  	v11 =	vld [tilespmem:s23+$0x2E70];
	v14 =	vperm.xlane v13, v0  }
0x121: {  	v16 =	vld [tilespmem:s23+$0x2E90];
	v15 =	vperm.xlane v13, v1  }
0x122: {  	v12 =	vld [tilespmem:s23+$0x2E80];
	v17 =	vperm.xlane v13, v2;
	v8 =	vmul.f32 v8, v14  }
0x123: {  	v18 =	vld [tilespmem:s23+$0x2EA0];
	[tilespmem:s23+$0x4CC0] =	vst v13;
	v60 =	vperm.xlane v13, v3;
	v9 =	vmul.f32 v9, v15  }
0x124: {  	v61 =	vld [tilespmem:s23+$0x2EB0];
	v62 =	vperm.xlane v13, v5;
	v10 =	vmul.f32 v10, v17;
	[tilespmem:s23+$0x4C40] =	vst v8  }
0x125: {  	v11 =	vmul.f32 v11, v60;
	v8 =	vperm.xlane v13, v4;
	[tilespmem:s23+$0x4C50] =	vst v9  }
0x126: {  	v63 =	vmul.f32 v16, v62;
	v9 =	vperm.xlane v13, v6;
	[tilespmem:s23+$0x4C60] =	vst v10  }
0x127: {  	v10 =	vperm.xlane v13, v7;
	[tilespmem:s23+$0x4C70] =	vst v11;
	v8 =	vmul.f32 v12, v8  }
0x128: {  	[tilespmem:s23+$0x4C90] =	vst v63;
	v9 =	vmul.f32 v18, v9  }
0x129: {  	[tilespmem:s23+$0x4C80] =	vst v8;
	v8 =	vmul.f32 v61, v10  }
0x12a: {  	[tilespmem:s23+$0x4CA0] =	vst v9  }
0x12b: {  	[tilespmem:s23+$0x4CB0] =	vst v8  }
0x12c: {  	[spmem:s3] =	stream.indirect.scatter.add.f32 [tilespmem:s11], [sflag:$0x7], $0x90, s10, s20, $0xb8;
	[tilespmem:$0x1D8D0] =	vst v63  }
0x12d: {  	_ =	swait.ge [sflag:s0], $0x1680  }
0x12e: {  	[sflag:s0] =	ssyncset.done $0x0  }
0x12f: {  	[sflag:s0] =	ssyncadd.s32 $0xFFFFE980  }
0x130: {  	_ =	swait.ge [sflag:s0], $0x280  }
0x131: {  	[sflag:s0] =	ssyncset.done $0x0  }
0x132: {  	[sflag:s0] =	ssyncadd.s32 $0xFFFFFD80  }
0x133: {  	_ =	swait.ge [sflag:s16], $0x1680  }
0x134: {  	[sflag:s16] =	ssyncset.done $0x0  }
0x135: {  	[sflag:s16] =	ssyncadd.s32 $0xFFFFE980  }
0x136: {  	v8 =	vld [tilespmem:$0x78]  }
0x137: {  	v9 =	vld [tilespmem:$0x88]  }
0x138: {  	v10 =	vld [tilespmem:$0x90];
	_ =	sdelay $0x1  }
0x139: {  	s7 =	rddreg [dreg:$0xd]  }
0x13a: {  	s7 =	sadd.s32 s19, s7;
	[tilespmem:$0x118] =	vst v8  }
0x13b: {  	s7 =	sshrl.u32 s7, $0x3;
	[tilespmem:$0x128] =	vst v9  }
0x13c: {  	s23 =	simm.s32 $0x0;
	s7 =	sadd.s32 s2, s7;
	[tilespmem:$0x130] =	vst v10  }
0x13d: {  	[tilespmem:s23], [sflag:$0x4] =	stream.linear.gather [hbm4b:s7+s23], $0x28, $0x38;
	[tilespmem:$0x1D8D0] =	vst v63  }
0x13e: {  	s7 =	sadd.s32 $0x9C40, s7  }
0x13f: {  	[tilespmem:s14], [sflag:$0x4] =	stream.linear.gather [hbm4b:s7+s23], $0x28, $0x38;
	[tilespmem:$0x1D8D0] =	vst v63  }
0x140: {  	_ =	swait.ge [sflag:s1], $0x28  }
0x141: {  	[sflag:s1] =	ssyncset.done $0x0  }
0x142: {  	[sflag:s1] =	ssyncadd.s32 $0xFFFFFFD8  }
0x143: {  	_ =	swait.ge [sflag:s1], $0x28  }
0x144: {  	[sflag:s1] =	ssyncset.done $0x0  }
0x145: {  	s23 =	simm.s32 $0x2E40;
	[sflag:s1] =	ssyncadd.s32 $0xFFFFFFD8  }
0x146: {  	[tilespmem:s23], [sflag:$0x3] =	stream.indirect.gather [hbm4b:s5+s20], $0x90, s22, s20, $0xb8;
	[tilespmem:$0x1D8D0] =	vst v63  }
0x147: {  	s23 =	simm.s32 $0x0  }
0x148: {  	[tilespmem:s9], [sflag:$0x3] =	stream.indirect.gather [hbm4b:s6+s20], $0x10, s24, s20, $0xb8;
	[tilespmem:$0x1D8D0] =	vst v63  }
0x149: {  	s30 =	simm.s32 $0x44C0;
	s31 =	simm.s32 $0x240;
	v8 =	vld [tilespmem:s23+$0x1C0]  }
.LBB2_9:
0x14a: {  	p0 =	sne.s32 s31, $0x57C0;
	v9 =	vld [tilespmem:s30+$0x0];
	_ =	sdelay $0x4  }
0x14b: {  	v8 =	vadd.f32 v9, v8;
	_ =	sdelay $0x1  }
0x14c: {  	v9 =	vmul.f32 $2.000000030e-01, v8;
	_ =	sdelay $0x1  }
0x14d: {  	v8 =	vmax.f32 v8, v9  }
0x14e: {  	v8 =	vmul.f32 $1.442695020e+00, v8;
	_ =	sdelay $0x1  }
0x14f: {  	(erf) = vpow2.f32 v8;
	_ =	sdelay $0x4  }
0x150: {  	v8 =	vld [tilespmem:s23+$0x140]  }
0x151: {  	v9 =	vld [tilespmem:s23+$0x150]  }
0x152: {  	v10 =	vld [tilespmem:s23+$0x160]  }
0x153: {  	v11 =	vld [tilespmem:s23+$0x170]  }
0x154: {  	v12 =	vld [tilespmem:s23+$0x180];
	v13 =	vpop (erf)  }
0x155: {  	[tilespmem:s23+$0x6340] =	vst v13;
	v14 =	vperm.xlane v13, v0;
	v15 =	vperm.xlane v13, v1;
	v16 =	vld [tilespmem:s23+$0x190]  }
0x156: {  	v17 =	vperm.xlane v13, v2;
	v18 =	vperm.xlane v13, v3;
	v19 =	vld [tilespmem:s23+$0x1A0]  }
0x157: {  	v8 =	vmul.f32 v8, v14;
	v9 =	vmul.f32 v9, v15;
	v14 =	vld [tilespmem:s23+$0x1B0]  }
0x158: {  	v10 =	vmul.f32 v10, v17;
	v11 =	vmul.f32 v11, v18  }
0x159: {  	v15 =	vperm.xlane v13, v5;
	[tilespmem:s23+$0x62C0] =	vst v8;
	v8 =	vperm.xlane v13, v4  }
0x15a: {  	[tilespmem:s23+$0x62D0] =	vst v9;
	v9 =	vperm.xlane v13, v6;
	v13 =	vperm.xlane v13, v7  }
0x15b: {  	[tilespmem:s23+$0x62E0] =	vst v10;
	v8 =	vmul.f32 v12, v8;
	v10 =	vmul.f32 v16, v15  }
.Ltmp3:
0x15c: {  	[tilespmem:s23+$0x62F0] =	vst v11;
	v9 =	vmul.f32 v19, v9;
	v11 =	vmul.f32 v14, v13;
	(pc) =	sbr.rel @p0 .LBB2_9-.Ltmp3, $4  }
0x15d: {  	[tilespmem:s23+$0x6300] =	vst v8  }
0x15e: {  	[tilespmem:s23+$0x6310] =	vst v10  }
0x15f: {  	s7 =	sshra.s32 s31, $0x2;
	[tilespmem:s23+$0x6320] =	vst v9  }
0x160: {  	s31 =	sadd.s32 $0x240, s31;
	s30 =	sadd.s32 $0x10, s30;
	v8 =	vld [tilespmem:s7+$0x1C0];
	[tilespmem:s23+$0x6330] =	vst v11;
	s23 =	smov.u32 s7  }
0x161: {  	v9 =	vld [tilespmem:s30+$0x0];
	_ =	sdelay $0x4  }
0x162: {  	v8 =	vadd.f32 v9, v8;
	_ =	sdelay $0x1  }
0x163: {  	v9 =	vmul.f32 $2.000000030e-01, v8;
	_ =	sdelay $0x1  }
0x164: {  	v8 =	vmax.f32 v8, v9  }
0x165: {  	v8 =	vmul.f32 $1.442695020e+00, v8;
	_ =	sdelay $0x1  }
0x166: {  	(erf) = vpow2.f32 v8;
	_ =	sdelay $0x6  }
0x167: {  	v8 =	vld [tilespmem:s23+$0x140]  }
0x168: {  	v9 =	vld [tilespmem:s23+$0x150]  }
0x169: {  	v10 =	vld [tilespmem:s23+$0x160];
	v13 =	vpop (erf)  }
0x16a: {  	v11 =	vld [tilespmem:s23+$0x170];
	v14 =	vperm.xlane v13, v0  }
0x16b: {  	v16 =	vld [tilespmem:s23+$0x190];
	v15 =	vperm.xlane v13, v1  }
0x16c: {  	v12 =	vld [tilespmem:s23+$0x180];
	v17 =	vperm.xlane v13, v2;
	v8 =	vmul.f32 v8, v14  }
0x16d: {  	v18 =	vld [tilespmem:s23+$0x1A0];
	[tilespmem:s23+$0x6340] =	vst v13;
	v60 =	vperm.xlane v13, v3;
	v9 =	vmul.f32 v9, v15  }
0x16e: {  	v61 =	vld [tilespmem:s23+$0x1B0];
	v62 =	vperm.xlane v13, v5;
	v10 =	vmul.f32 v10, v17;
	[tilespmem:s23+$0x62C0] =	vst v8  }
0x16f: {  	v11 =	vmul.f32 v11, v60;
	v8 =	vperm.xlane v13, v4;
	[tilespmem:s23+$0x62D0] =	vst v9  }
0x170: {  	v63 =	vmul.f32 v16, v62;
	v9 =	vperm.xlane v13, v6;
	[tilespmem:s23+$0x62E0] =	vst v10  }
0x171: {  	v10 =	vperm.xlane v13, v7;
	[tilespmem:s23+$0x62F0] =	vst v11;
	v8 =	vmul.f32 v12, v8  }
0x172: {  	[tilespmem:s23+$0x6310] =	vst v63;
	v9 =	vmul.f32 v18, v9  }
0x173: {  	[tilespmem:s23+$0x6300] =	vst v8;
	v8 =	vmul.f32 v61, v10  }
0x174: {  	[tilespmem:s23+$0x6320] =	vst v9  }
0x175: {  	[tilespmem:s23+$0x6330] =	vst v8  }
0x176: {  	[spmem:s3] =	stream.indirect.scatter.add.f32 [tilespmem:s25], [sflag:$0x8], $0x90, s12, s20, $0xb8;
	[tilespmem:$0x1D8D0] =	vst v63  }
0x177: {  	_ =	swait.ge [sflag:s13], $0x1680  }
0x178: {  	[sflag:s13] =	ssyncset.done $0x0  }
0x179: {  	[sflag:s13] =	ssyncadd.s32 $0xFFFFE980  }
0x17a: {  	_ =	swait.ge [sflag:s13], $0x280  }
0x17b: {  	[sflag:s13] =	ssyncset.done $0x0  }
0x17c: {  	[sflag:s13] =	ssyncadd.s32 $0xFFFFFD80  }
0x17d: {  	_ =	swait.ge [sflag:s15], $0x1680  }
0x17e: {  	[sflag:s15] =	ssyncset.done $0x0  }
0x17f: {  	[sflag:s15] =	ssyncadd.s32 $0xFFFFE980  }
0x180: {  	v8 =	vld [tilespmem:$0xA0]  }
0x181: {  	v9 =	vld [tilespmem:$0xB0]  }
0x182: {  	v10 =	vld [tilespmem:$0xB8];
	_ =	sdelay $0x1  }
0x183: {  	s7 =	rddreg [dreg:$0xe]  }
0x184: {  	s7 =	sadd.s32 s19, s7;
	[tilespmem:$0xF0] =	vst v8  }
0x185: {  	s7 =	sshrl.u32 s7, $0x3;
	[tilespmem:$0x100] =	vst v9  }
0x186: {  	s23 =	simm.s32 $0x0;
	s7 =	sadd.s32 s2, s7;
	[tilespmem:$0x108] =	vst v10  }
0x187: {  	[tilespmem:s20], [sflag:$0x5] =	stream.linear.gather [hbm4b:s7+s23], $0x28, $0x38;
	[tilespmem:$0x1D8D0] =	vst v63  }
0x188: {  	s7 =	sadd.s32 $0x9C40, s7  }
0x189: {  	[tilespmem:s21], [sflag:$0x5] =	stream.linear.gather [hbm4b:s7+s23], $0x28, $0x38;
	[tilespmem:$0x1D8D0] =	vst v63  }
0x18a: {  	_ =	swait.ge [sflag:s26], $0x28  }
0x18b: {  	[sflag:s26] =	ssyncset.done $0x0  }
0x18c: {  	[sflag:s26] =	ssyncadd.s32 $0xFFFFFFD8  }
0x18d: {  	_ =	swait.ge [sflag:s26], $0x28  }
0x18e: {  	[sflag:s26] =	ssyncset.done $0x0  }
0x18f: {  	[sflag:s26] =	ssyncadd.s32 $0xFFFFFFD8  }
0x190: {  	[tilespmem:s28], [sflag:$0x1] =	stream.indirect.gather [hbm4b:s5+s20], $0x90, s23, s20, $0xb8;
	[tilespmem:$0x1D8D0] =	vst v63  }
0x191: {  	s23 =	simm.s32 $0x0  }
0x192: {  	[tilespmem:s8], [sflag:$0x1] =	stream.indirect.gather [hbm4b:s6+s20], $0x10, s14, s20, $0xb8;
	[tilespmem:$0x1D8D0] =	vst v63  }
0x193: {  	s30 =	simm.s32 $0x4740;
	s31 =	simm.s32 $0x240;
	v8 =	vld [tilespmem:s23+$0x1840]  }
.LBB2_11:
0x194: {  	p0 =	sne.s32 s31, $0x57C0;
	v9 =	vld [tilespmem:s30+$0x0];
	_ =	sdelay $0x4  }
0x195: {  	v8 =	vadd.f32 v9, v8;
	_ =	sdelay $0x1  }
0x196: {  	v9 =	vmul.f32 $2.000000030e-01, v8;
	_ =	sdelay $0x1  }
0x197: {  	v8 =	vmax.f32 v8, v9  }
0x198: {  	v8 =	vmul.f32 $1.442695020e+00, v8;
	_ =	sdelay $0x1  }
0x199: {  	(erf) = vpow2.f32 v8;
	_ =	sdelay $0x4  }
0x19a: {  	v8 =	vld [tilespmem:s23+$0x17C0]  }
0x19b: {  	v9 =	vld [tilespmem:s23+$0x17D0]  }
0x19c: {  	v10 =	vld [tilespmem:s23+$0x17E0]  }
0x19d: {  	v11 =	vld [tilespmem:s23+$0x17F0]  }
0x19e: {  	v12 =	vld [tilespmem:s23+$0x1800];
	v13 =	vpop (erf)  }
0x19f: {  	[tilespmem:s23+$0x4CC0] =	vst v13;
	v14 =	vperm.xlane v13, v0;
	v15 =	vperm.xlane v13, v1;
	v16 =	vld [tilespmem:s23+$0x1810]  }
0x1a0: {  	v17 =	vperm.xlane v13, v2;
	v18 =	vperm.xlane v13, v3;
	v19 =	vld [tilespmem:s23+$0x1820]  }
0x1a1: {  	v8 =	vmul.f32 v8, v14;
	v9 =	vmul.f32 v9, v15;
	v14 =	vld [tilespmem:s23+$0x1830]  }
0x1a2: {  	v10 =	vmul.f32 v10, v17;
	v11 =	vmul.f32 v11, v18  }
0x1a3: {  	v15 =	vperm.xlane v13, v5;
	[tilespmem:s23+$0x4C40] =	vst v8;
	v8 =	vperm.xlane v13, v4  }
0x1a4: {  	[tilespmem:s23+$0x4C50] =	vst v9;
	v9 =	vperm.xlane v13, v6;
	v13 =	vperm.xlane v13, v7  }
0x1a5: {  	[tilespmem:s23+$0x4C60] =	vst v10;
	v8 =	vmul.f32 v12, v8;
	v10 =	vmul.f32 v16, v15  }
.Ltmp4:
0x1a6: {  	[tilespmem:s23+$0x4C70] =	vst v11;
	v9 =	vmul.f32 v19, v9;
	v11 =	vmul.f32 v14, v13;
	(pc) =	sbr.rel @p0 .LBB2_11-.Ltmp4, $4  }
0x1a7: {  	[tilespmem:s23+$0x4C80] =	vst v8  }
0x1a8: {  	[tilespmem:s23+$0x4C90] =	vst v10  }
0x1a9: {  	s7 =	sshra.s32 s31, $0x2;
	[tilespmem:s23+$0x4CA0] =	vst v9  }
0x1aa: {  	s31 =	sadd.s32 $0x240, s31;
	s30 =	sadd.s32 $0x10, s30;
	v8 =	vld [tilespmem:s7+$0x1840];
	[tilespmem:s23+$0x4CB0] =	vst v11;
	s23 =	smov.u32 s7  }
0x1ab: {  	v9 =	vld [tilespmem:s30+$0x0];
	_ =	sdelay $0x4  }
0x1ac: {  	v8 =	vadd.f32 v9, v8;
	_ =	sdelay $0x1  }
0x1ad: {  	v9 =	vmul.f32 $2.000000030e-01, v8;
	_ =	sdelay $0x1  }
0x1ae: {  	v8 =	vmax.f32 v8, v9  }
0x1af: {  	v8 =	vmul.f32 $1.442695020e+00, v8;
	_ =	sdelay $0x1  }
0x1b0: {  	(erf) = vpow2.f32 v8;
	_ =	sdelay $0x6  }
0x1b1: {  	v8 =	vld [tilespmem:s23+$0x17C0]  }
0x1b2: {  	v9 =	vld [tilespmem:s23+$0x17D0]  }
0x1b3: {  	v10 =	vld [tilespmem:s23+$0x17E0];
	v13 =	vpop (erf)  }
0x1b4: {  	v11 =	vld [tilespmem:s23+$0x17F0];
	v14 =	vperm.xlane v13, v0  }
0x1b5: {  	v16 =	vld [tilespmem:s23+$0x1810];
	v15 =	vperm.xlane v13, v1  }
0x1b6: {  	v12 =	vld [tilespmem:s23+$0x1800];
	v17 =	vperm.xlane v13, v2;
	v8 =	vmul.f32 v8, v14  }
0x1b7: {  	v18 =	vld [tilespmem:s23+$0x1820];
	[tilespmem:s23+$0x4CC0] =	vst v13;
	v60 =	vperm.xlane v13, v3;
	v9 =	vmul.f32 v9, v15  }
0x1b8: {  	v61 =	vld [tilespmem:s23+$0x1830];
	v62 =	vperm.xlane v13, v5;
	v10 =	vmul.f32 v10, v17;
	[tilespmem:s23+$0x4C40] =	vst v8  }
0x1b9: {  	v11 =	vmul.f32 v11, v60;
	v8 =	vperm.xlane v13, v4;
	[tilespmem:s23+$0x4C50] =	vst v9  }
0x1ba: {  	v63 =	vmul.f32 v16, v62;
	v9 =	vperm.xlane v13, v6;
	[tilespmem:s23+$0x4C60] =	vst v10  }
0x1bb: {  	v10 =	vperm.xlane v13, v7;
	[tilespmem:s23+$0x4C70] =	vst v11;
	v8 =	vmul.f32 v12, v8  }
0x1bc: {  	[tilespmem:s23+$0x4C90] =	vst v63;
	v9 =	vmul.f32 v18, v9  }
0x1bd: {  	[tilespmem:s23+$0x4C80] =	vst v8;
	v8 =	vmul.f32 v61, v10  }
0x1be: {  	[tilespmem:s23+$0x4CA0] =	vst v9  }
0x1bf: {  	[tilespmem:s23+$0x4CB0] =	vst v8  }
0x1c0: {  	[spmem:s3] =	stream.indirect.scatter.add.f32 [tilespmem:s11], [sflag:$0x7], $0x90, s10, s20, $0xb8;
	[tilespmem:$0x1D8D0] =	vst v63  }
0x1c1: {  	_ =	swait.ge [sflag:s4], $0x1680  }
0x1c2: {  	[sflag:s4] =	ssyncset.done $0x0  }
0x1c3: {  	[sflag:s4] =	ssyncadd.s32 $0xFFFFE980  }
0x1c4: {  	_ =	swait.ge [sflag:s4], $0x280  }
0x1c5: {  	[sflag:s4] =	ssyncset.done $0x0  }
0x1c6: {  	[sflag:s4] =	ssyncadd.s32 $0xFFFFFD80  }
0x1c7: {  	_ =	swait.ge [sflag:s16], $0x1680  }
0x1c8: {  	[sflag:s16] =	ssyncset.done $0x0  }
0x1c9: {  	[sflag:s16] =	ssyncadd.s32 $0xFFFFE980  }
0x1ca: {  	v8 =	vld [tilespmem:$0xC8]  }
0x1cb: {  	v9 =	vld [tilespmem:$0xD8]  }
0x1cc: {  	v10 =	vld [tilespmem:$0xE0];
	_ =	sdelay $0x1  }
0x1cd: {  	s7 =	rddreg [dreg:$0xf]  }
0x1ce: {  	s7 =	sadd.s32 s19, s7;
	[tilespmem:$0x118] =	vst v8  }
0x1cf: {  	s7 =	sshrl.u32 s7, $0x3;
	[tilespmem:$0x128] =	vst v9  }
0x1d0: {  	s23 =	simm.s32 $0x0;
	s7 =	sadd.s32 s2, s7;
	[tilespmem:$0x130] =	vst v10  }
0x1d1: {  	[tilespmem:s22], [sflag:$0x6] =	stream.linear.gather [hbm4b:s7+s23], $0x28, $0x38;
	[tilespmem:$0x1D8D0] =	vst v63  }
0x1d2: {  	s7 =	sadd.s32 $0x9C40, s7  }
0x1d3: {  	[tilespmem:s24], [sflag:$0x6] =	stream.linear.gather [hbm4b:s7+s23], $0x28, $0x38;
	[tilespmem:$0x1D8D0] =	vst v63  }
0x1d4: {  	_ =	swait.ge [sflag:s29], $0x28  }
0x1d5: {  	[sflag:s29] =	ssyncset.done $0x0  }
0x1d6: {  	[sflag:s29] =	ssyncadd.s32 $0xFFFFFFD8  }
0x1d7: {  	_ =	swait.ge [sflag:s29], $0x28  }
0x1d8: {  	[sflag:s29] =	ssyncset.done $0x0  }
0x1d9: {  	s23 =	simm.s32 $0x17C0;
	[sflag:s29] =	ssyncadd.s32 $0xFFFFFFD8  }
0x1da: {  	[tilespmem:s23], [sflag:$0x2] =	stream.indirect.gather [hbm4b:s5+s20], $0x90, s20, s20, $0xb8;
	[tilespmem:$0x1D8D0] =	vst v63  }
0x1db: {  	s23 =	simm.s32 $0x4740  }
0x1dc: {  	[tilespmem:s23], [sflag:$0x2] =	stream.indirect.gather [hbm4b:s6+s20], $0x10, s21, s20, $0xb8;
	[tilespmem:$0x1D8D0] =	vst v63  }
0x1dd: {  	s23 =	simm.s32 $0x0  }
0x1de: {  	s30 =	simm.s32 $0x49C0;
	s31 =	simm.s32 $0x240;
	v8 =	vld [tilespmem:s23+$0x2EC0]  }
.LBB2_13:
0x1df: {  	p0 =	sne.s32 s31, $0x57C0;
	v9 =	vld [tilespmem:s30+$0x0];
	_ =	sdelay $0x4  }
0x1e0: {  	v8 =	vadd.f32 v9, v8;
	_ =	sdelay $0x1  }
0x1e1: {  	v9 =	vmul.f32 $2.000000030e-01, v8;
	_ =	sdelay $0x1  }
0x1e2: {  	v8 =	vmax.f32 v8, v9  }
0x1e3: {  	v8 =	vmul.f32 $1.442695020e+00, v8;
	_ =	sdelay $0x1  }
0x1e4: {  	(erf) = vpow2.f32 v8;
	_ =	sdelay $0x4  }
0x1e5: {  	v8 =	vld [tilespmem:s23+$0x2E40]  }
0x1e6: {  	v9 =	vld [tilespmem:s23+$0x2E50]  }
0x1e7: {  	v10 =	vld [tilespmem:s23+$0x2E60]  }
0x1e8: {  	v11 =	vld [tilespmem:s23+$0x2E70]  }
0x1e9: {  	v12 =	vld [tilespmem:s23+$0x2E80];
	v13 =	vpop (erf)  }
0x1ea: {  	[tilespmem:s23+$0x6340] =	vst v13;
	v14 =	vperm.xlane v13, v0;
	v15 =	vperm.xlane v13, v1;
	v16 =	vld [tilespmem:s23+$0x2E90]  }
0x1eb: {  	v17 =	vperm.xlane v13, v2;
	v18 =	vperm.xlane v13, v3;
	v19 =	vld [tilespmem:s23+$0x2EA0]  }
0x1ec: {  	v8 =	vmul.f32 v8, v14;
	v9 =	vmul.f32 v9, v15;
	v14 =	vld [tilespmem:s23+$0x2EB0]  }
0x1ed: {  	v10 =	vmul.f32 v10, v17;
	v11 =	vmul.f32 v11, v18  }
0x1ee: {  	v15 =	vperm.xlane v13, v5;
	[tilespmem:s23+$0x62C0] =	vst v8;
	v8 =	vperm.xlane v13, v4  }
0x1ef: {  	[tilespmem:s23+$0x62D0] =	vst v9;
	v9 =	vperm.xlane v13, v6;
	v13 =	vperm.xlane v13, v7  }
0x1f0: {  	[tilespmem:s23+$0x62E0] =	vst v10;
	v8 =	vmul.f32 v12, v8;
	v10 =	vmul.f32 v16, v15  }
.Ltmp5:
0x1f1: {  	[tilespmem:s23+$0x62F0] =	vst v11;
	v9 =	vmul.f32 v19, v9;
	v11 =	vmul.f32 v14, v13;
	(pc) =	sbr.rel @p0 .LBB2_13-.Ltmp5, $4  }
0x1f2: {  	[tilespmem:s23+$0x6300] =	vst v8  }
0x1f3: {  	[tilespmem:s23+$0x6310] =	vst v10  }
0x1f4: {  	s7 =	sshra.s32 s31, $0x2;
	[tilespmem:s23+$0x6320] =	vst v9  }
0x1f5: {  	s31 =	sadd.s32 $0x240, s31;
	s30 =	sadd.s32 $0x10, s30;
	v8 =	vld [tilespmem:s7+$0x2EC0];
	[tilespmem:s23+$0x6330] =	vst v11;
	s23 =	smov.u32 s7  }
0x1f6: {  	v9 =	vld [tilespmem:s30+$0x0];
	_ =	sdelay $0x4  }
0x1f7: {  	v8 =	vadd.f32 v9, v8;
	_ =	sdelay $0x1  }
0x1f8: {  	v9 =	vmul.f32 $2.000000030e-01, v8;
	_ =	sdelay $0x1  }
0x1f9: {  	v8 =	vmax.f32 v8, v9  }
0x1fa: {  	v8 =	vmul.f32 $1.442695020e+00, v8;
	_ =	sdelay $0x1  }
0x1fb: {  	(erf) = vpow2.f32 v8;
	_ =	sdelay $0x6  }
0x1fc: {  	v8 =	vld [tilespmem:s23+$0x2E40]  }
0x1fd: {  	v9 =	vld [tilespmem:s23+$0x2E50]  }
0x1fe: {  	v10 =	vld [tilespmem:s23+$0x2E60];
	v13 =	vpop (erf)  }
0x1ff: {  	v11 =	vld [tilespmem:s23+$0x2E70];
	v14 =	vperm.xlane v13, v0  }
0x200: {  	v16 =	vld [tilespmem:s23+$0x2E90];
	v15 =	vperm.xlane v13, v1  }
0x201: {  	v12 =	vld [tilespmem:s23+$0x2E80];
	v17 =	vperm.xlane v13, v2;
	v8 =	vmul.f32 v8, v14  }
0x202: {  	v18 =	vld [tilespmem:s23+$0x2EA0];
	[tilespmem:s23+$0x6340] =	vst v13;
	v60 =	vperm.xlane v13, v3;
	v9 =	vmul.f32 v9, v15  }
0x203: {  	v61 =	vld [tilespmem:s23+$0x2EB0];
	v62 =	vperm.xlane v13, v5;
	v10 =	vmul.f32 v10, v17;
	[tilespmem:s23+$0x62C0] =	vst v8  }
0x204: {  	v11 =	vmul.f32 v11, v60;
	v8 =	vperm.xlane v13, v4;
	[tilespmem:s23+$0x62D0] =	vst v9  }
0x205: {  	v63 =	vmul.f32 v16, v62;
	v9 =	vperm.xlane v13, v6;
	[tilespmem:s23+$0x62E0] =	vst v10  }
0x206: {  	v10 =	vperm.xlane v13, v7;
	[tilespmem:s23+$0x62F0] =	vst v11;
	v8 =	vmul.f32 v12, v8  }
0x207: {  	[tilespmem:s23+$0x6310] =	vst v63;
	v9 =	vmul.f32 v18, v9  }
0x208: {  	[tilespmem:s23+$0x6300] =	vst v8;
	v8 =	vmul.f32 v61, v10  }
0x209: {  	[tilespmem:s23+$0x6320] =	vst v9  }
0x20a: {  	[tilespmem:s23+$0x6330] =	vst v8  }
0x20b: {  	[spmem:s3] =	stream.indirect.scatter.add.f32 [tilespmem:s25], [sflag:$0x8], $0x90, s12, s20, $0xb8;
	[tilespmem:$0x1D8D0] =	vst v63  }
0x20c: {  	_ =	swait.ge [sflag:s0], $0x1680  }
0x20d: {  	[sflag:s0] =	ssyncset.done $0x0  }
0x20e: {  	[sflag:s0] =	ssyncadd.s32 $0xFFFFE980  }
0x20f: {  	_ =	swait.ge [sflag:s0], $0x280  }
0x210: {  	[sflag:s0] =	ssyncset.done $0x0  }
0x211: {  	[sflag:s0] =	ssyncadd.s32 $0xFFFFFD80  }
0x212: {  	_ =	swait.ge [sflag:s15], $0x1680  }
0x213: {  	[sflag:s15] =	ssyncset.done $0x0  }
0x214: {  	[sflag:s15] =	ssyncadd.s32 $0xFFFFE980  }
0x215: {  	v8 =	vld [tilespmem:$0x78]  }
0x216: {  	v9 =	vld [tilespmem:$0x88]  }
0x217: {  	v10 =	vld [tilespmem:$0x90];
	_ =	sdelay $0x1  }
0x218: {  	s7 =	rddreg [dreg:$0x10]  }
0x219: {  	s7 =	sadd.s32 s19, s7;
	[tilespmem:$0xF0] =	vst v8  }
0x21a: {  	s7 =	sshrl.u32 s7, $0x3;
	[tilespmem:$0x100] =	vst v9  }
0x21b: {  	s23 =	simm.s32 $0x0;
	s7 =	sadd.s32 s2, s7;
	[tilespmem:$0x108] =	vst v10  }
0x21c: {  	[tilespmem:s23], [sflag:$0x4] =	stream.linear.gather [hbm4b:s7+s23], $0x28, $0x38;
	[tilespmem:$0x1D8D0] =	vst v63  }
0x21d: {  	s7 =	sadd.s32 $0x9C40, s7  }
0x21e: {  	[tilespmem:s14], [sflag:$0x4] =	stream.linear.gather [hbm4b:s7+s23], $0x28, $0x38;
	[tilespmem:$0x1D8D0] =	vst v63  }
0x21f: {  	_ =	swait.ge [sflag:s1], $0x28  }
0x220: {  	[sflag:s1] =	ssyncset.done $0x0  }
0x221: {  	[sflag:s1] =	ssyncadd.s32 $0xFFFFFFD8  }
0x222: {  	_ =	swait.ge [sflag:s1], $0x28  }
0x223: {  	[sflag:s1] =	ssyncset.done $0x0  }
0x224: {  	s23 =	simm.s32 $0x2E40;
	[sflag:s1] =	ssyncadd.s32 $0xFFFFFFD8  }
0x225: {  	[tilespmem:s23], [sflag:$0x3] =	stream.indirect.gather [hbm4b:s5+s20], $0x90, s22, s20, $0xb8;
	[tilespmem:$0x1D8D0] =	vst v63  }
0x226: {  	s23 =	simm.s32 $0x0  }
0x227: {  	[tilespmem:s9], [sflag:$0x3] =	stream.indirect.gather [hbm4b:s6+s20], $0x10, s24, s20, $0xb8;
	[tilespmem:$0x1D8D0] =	vst v63  }
0x228: {  	s30 =	simm.s32 $0x44C0;
	s31 =	simm.s32 $0x240;
	v8 =	vld [tilespmem:s23+$0x1C0]  }
.LBB2_15:
0x229: {  	p0 =	sne.s32 s31, $0x57C0;
	v9 =	vld [tilespmem:s30+$0x0];
	_ =	sdelay $0x4  }
0x22a: {  	v8 =	vadd.f32 v9, v8;
	_ =	sdelay $0x1  }
0x22b: {  	v9 =	vmul.f32 $2.000000030e-01, v8;
	_ =	sdelay $0x1  }
0x22c: {  	v8 =	vmax.f32 v8, v9  }
0x22d: {  	v8 =	vmul.f32 $1.442695020e+00, v8;
	_ =	sdelay $0x1  }
0x22e: {  	(erf) = vpow2.f32 v8;
	_ =	sdelay $0x4  }
0x22f: {  	v8 =	vld [tilespmem:s23+$0x140]  }
0x230: {  	v9 =	vld [tilespmem:s23+$0x150]  }
0x231: {  	v10 =	vld [tilespmem:s23+$0x160]  }
0x232: {  	v11 =	vld [tilespmem:s23+$0x170]  }
0x233: {  	v12 =	vld [tilespmem:s23+$0x180];
	v13 =	vpop (erf)  }
0x234: {  	[tilespmem:s23+$0x4CC0] =	vst v13;
	v14 =	vperm.xlane v13, v0;
	v15 =	vperm.xlane v13, v1;
	v16 =	vld [tilespmem:s23+$0x190]  }
0x235: {  	v17 =	vperm.xlane v13, v2;
	v18 =	vperm.xlane v13, v3;
	v19 =	vld [tilespmem:s23+$0x1A0]  }
0x236: {  	v8 =	vmul.f32 v8, v14;
	v9 =	vmul.f32 v9, v15;
	v14 =	vld [tilespmem:s23+$0x1B0]  }
0x237: {  	v10 =	vmul.f32 v10, v17;
	v11 =	vmul.f32 v11, v18  }
0x238: {  	v15 =	vperm.xlane v13, v5;
	[tilespmem:s23+$0x4C40] =	vst v8;
	v8 =	vperm.xlane v13, v4  }
0x239: {  	[tilespmem:s23+$0x4C50] =	vst v9;
	v9 =	vperm.xlane v13, v6;
	v13 =	vperm.xlane v13, v7  }
0x23a: {  	[tilespmem:s23+$0x4C60] =	vst v10;
	v8 =	vmul.f32 v12, v8;
	v10 =	vmul.f32 v16, v15  }
.Ltmp6:
0x23b: {  	[tilespmem:s23+$0x4C70] =	vst v11;
	v9 =	vmul.f32 v19, v9;
	v11 =	vmul.f32 v14, v13;
	(pc) =	sbr.rel @p0 .LBB2_15-.Ltmp6, $4  }
0x23c: {  	[tilespmem:s23+$0x4C80] =	vst v8  }
0x23d: {  	[tilespmem:s23+$0x4C90] =	vst v10  }
0x23e: {  	s7 =	sshra.s32 s31, $0x2;
	[tilespmem:s23+$0x4CA0] =	vst v9  }
0x23f: {  	s31 =	sadd.s32 $0x240, s31;
	s30 =	sadd.s32 $0x10, s30;
	v8 =	vld [tilespmem:s7+$0x1C0];
	[tilespmem:s23+$0x4CB0] =	vst v11;
	s23 =	smov.u32 s7  }
0x240: {  	v9 =	vld [tilespmem:s30+$0x0];
	_ =	sdelay $0x4  }
0x241: {  	v8 =	vadd.f32 v9, v8;
	_ =	sdelay $0x1  }
0x242: {  	v9 =	vmul.f32 $2.000000030e-01, v8;
	_ =	sdelay $0x1  }
0x243: {  	v8 =	vmax.f32 v8, v9  }
0x244: {  	v8 =	vmul.f32 $1.442695020e+00, v8;
	_ =	sdelay $0x1  }
0x245: {  	(erf) = vpow2.f32 v8;
	_ =	sdelay $0x6  }
0x246: {  	v8 =	vld [tilespmem:s23+$0x140]  }
0x247: {  	v9 =	vld [tilespmem:s23+$0x150]  }
0x248: {  	v10 =	vld [tilespmem:s23+$0x160];
	v13 =	vpop (erf)  }
0x249: {  	v11 =	vld [tilespmem:s23+$0x170];
	v14 =	vperm.xlane v13, v0  }
0x24a: {  	v16 =	vld [tilespmem:s23+$0x190];
	v15 =	vperm.xlane v13, v1  }
0x24b: {  	v12 =	vld [tilespmem:s23+$0x180];
	v17 =	vperm.xlane v13, v2;
	v8 =	vmul.f32 v8, v14  }
0x24c: {  	v18 =	vld [tilespmem:s23+$0x1A0];
	[tilespmem:s23+$0x4CC0] =	vst v13;
	v60 =	vperm.xlane v13, v3;
	v9 =	vmul.f32 v9, v15  }
0x24d: {  	v61 =	vld [tilespmem:s23+$0x1B0];
	v62 =	vperm.xlane v13, v5;
	v10 =	vmul.f32 v10, v17;
	[tilespmem:s23+$0x4C40] =	vst v8  }
0x24e: {  	v11 =	vmul.f32 v11, v60;
	v8 =	vperm.xlane v13, v4;
	[tilespmem:s23+$0x4C50] =	vst v9  }
0x24f: {  	v63 =	vmul.f32 v16, v62;
	v9 =	vperm.xlane v13, v6;
	[tilespmem:s23+$0x4C60] =	vst v10  }
0x250: {  	v10 =	vperm.xlane v13, v7;
	[tilespmem:s23+$0x4C70] =	vst v11;
	v8 =	vmul.f32 v12, v8  }
0x251: {  	[tilespmem:s23+$0x4C90] =	vst v63;
	v9 =	vmul.f32 v18, v9  }
0x252: {  	[tilespmem:s23+$0x4C80] =	vst v8;
	v8 =	vmul.f32 v61, v10  }
0x253: {  	[tilespmem:s23+$0x4CA0] =	vst v9  }
0x254: {  	[tilespmem:s23+$0x4CB0] =	vst v8  }
0x255: {  	[spmem:s3] =	stream.indirect.scatter.add.f32 [tilespmem:s11], [sflag:$0x7], $0x90, s10, s20, $0xb8;
	[tilespmem:$0x1D8D0] =	vst v63  }
0x256: {  	_ =	swait.ge [sflag:s13], $0x1680  }
0x257: {  	[sflag:s13] =	ssyncset.done $0x0  }
0x258: {  	[sflag:s13] =	ssyncadd.s32 $0xFFFFE980  }
0x259: {  	_ =	swait.ge [sflag:s13], $0x280  }
0x25a: {  	[sflag:s13] =	ssyncset.done $0x0  }
0x25b: {  	[sflag:s13] =	ssyncadd.s32 $0xFFFFFD80  }
0x25c: {  	_ =	swait.ge [sflag:s16], $0x1680  }
0x25d: {  	[sflag:s16] =	ssyncset.done $0x0  }
0x25e: {  	[sflag:s16] =	ssyncadd.s32 $0xFFFFE980  }
0x25f: {  	v8 =	vld [tilespmem:$0xA0]  }
0x260: {  	v9 =	vld [tilespmem:$0xB0]  }
0x261: {  	v10 =	vld [tilespmem:$0xB8];
	_ =	sdelay $0x1  }
0x262: {  	s7 =	rddreg [dreg:$0x14]  }
0x263: {  	s7 =	sadd.s32 s19, s7;
	[tilespmem:$0x118] =	vst v8  }
0x264: {  	s7 =	sshrl.u32 s7, $0x3;
	[tilespmem:$0x128] =	vst v9  }
0x265: {  	s31 =	simm.s32 $0x0;
	s7 =	sadd.s32 s2, s7;
	[tilespmem:$0x130] =	vst v10  }
0x266: {  	[tilespmem:s20], [sflag:$0x5] =	stream.linear.gather [hbm4b:s7+s31], $0x28, $0x38;
	[tilespmem:$0x1D8D0] =	vst v63  }
0x267: {  	s7 =	sadd.s32 $0x9C40, s7  }
0x268: {  	[tilespmem:s21], [sflag:$0x5] =	stream.linear.gather [hbm4b:s7+s31], $0x28, $0x38;
	[tilespmem:$0x1D8D0] =	vst v63  }
0x269: {  	_ =	swait.ge [sflag:s26], $0x28  }
0x26a: {  	[sflag:s26] =	ssyncset.done $0x0  }
0x26b: {  	[sflag:s26] =	ssyncadd.s32 $0xFFFFFFD8  }
0x26c: {  	_ =	swait.ge [sflag:s26], $0x28  }
0x26d: {  	[sflag:s26] =	ssyncset.done $0x0  }
0x26e: {  	[sflag:s26] =	ssyncadd.s32 $0xFFFFFFD8  }
0x26f: {  	[tilespmem:s28], [sflag:$0x1] =	stream.indirect.gather [hbm4b:s5+s20], $0x90, s31, s20, $0xb8;
	[tilespmem:$0x1D8D0] =	vst v63  }
0x270: {  	s19 =	simm.s32 $0x0  }
0x271: {  	[tilespmem:s8], [sflag:$0x1] =	stream.indirect.gather [hbm4b:s6+s20], $0x10, s14, s20, $0xb8;
	[tilespmem:$0x1D8D0] =	vst v63  }
0x272: {  	s30 =	simm.s32 $0x240;
	s23 =	simm.s32 $0x4740;
	v8 =	vld [tilespmem:s19+$0x1840]  }
.LBB2_17:
0x273: {  	p0 =	sne.s32 s30, $0x57C0;
	v9 =	vld [tilespmem:s23+$0x0];
	_ =	sdelay $0x4  }
0x274: {  	v8 =	vadd.f32 v9, v8;
	_ =	sdelay $0x1  }
0x275: {  	v9 =	vmul.f32 $2.000000030e-01, v8;
	_ =	sdelay $0x1  }
0x276: {  	v8 =	vmax.f32 v8, v9  }
0x277: {  	v8 =	vmul.f32 $1.442695020e+00, v8;
	_ =	sdelay $0x1  }
0x278: {  	(erf) = vpow2.f32 v8;
	_ =	sdelay $0x4  }
0x279: {  	v8 =	vld [tilespmem:s19+$0x17C0]  }
0x27a: {  	v9 =	vld [tilespmem:s19+$0x17D0]  }
0x27b: {  	v10 =	vld [tilespmem:s19+$0x17E0]  }
0x27c: {  	v11 =	vld [tilespmem:s19+$0x17F0]  }
0x27d: {  	v12 =	vld [tilespmem:s19+$0x1800];
	v13 =	vpop (erf)  }
0x27e: {  	[tilespmem:s19+$0x6340] =	vst v13;
	v14 =	vperm.xlane v13, v0;
	v15 =	vperm.xlane v13, v1;
	v16 =	vld [tilespmem:s19+$0x1810]  }
0x27f: {  	v17 =	vperm.xlane v13, v2;
	v18 =	vperm.xlane v13, v3;
	v19 =	vld [tilespmem:s19+$0x1820]  }
0x280: {  	v8 =	vmul.f32 v8, v14;
	v9 =	vmul.f32 v9, v15;
	v14 =	vld [tilespmem:s19+$0x1830]  }
0x281: {  	v10 =	vmul.f32 v10, v17;
	v11 =	vmul.f32 v11, v18  }
0x282: {  	v15 =	vperm.xlane v13, v5;
	[tilespmem:s19+$0x62C0] =	vst v8;
	v8 =	vperm.xlane v13, v4  }
0x283: {  	[tilespmem:s19+$0x62D0] =	vst v9;
	v9 =	vperm.xlane v13, v6;
	v13 =	vperm.xlane v13, v7  }
0x284: {  	[tilespmem:s19+$0x62E0] =	vst v10;
	v8 =	vmul.f32 v12, v8;
	v10 =	vmul.f32 v16, v15  }
.Ltmp7:
0x285: {  	[tilespmem:s19+$0x62F0] =	vst v11;
	v9 =	vmul.f32 v19, v9;
	v11 =	vmul.f32 v14, v13;
	(pc) =	sbr.rel @p0 .LBB2_17-.Ltmp7, $4  }
0x286: {  	[tilespmem:s19+$0x6300] =	vst v8  }
0x287: {  	[tilespmem:s19+$0x6310] =	vst v10  }
0x288: {  	s7 =	sshra.s32 s30, $0x2;
	[tilespmem:s19+$0x6320] =	vst v9  }
0x289: {  	s30 =	sadd.s32 $0x240, s30;
	s23 =	sadd.s32 $0x10, s23;
	v8 =	vld [tilespmem:s7+$0x1840];
	[tilespmem:s19+$0x6330] =	vst v11;
	s19 =	smov.u32 s7  }
0x28a: {  	v9 =	vld [tilespmem:s23+$0x0];
	_ =	sdelay $0x4  }
0x28b: {  	v8 =	vadd.f32 v9, v8;
	_ =	sdelay $0x1  }
0x28c: {  	v9 =	vmul.f32 $2.000000030e-01, v8;
	_ =	sdelay $0x1  }
0x28d: {  	v8 =	vmax.f32 v8, v9  }
0x28e: {  	v8 =	vmul.f32 $1.442695020e+00, v8;
	_ =	sdelay $0x1  }
0x28f: {  	(erf) = vpow2.f32 v8;
	_ =	sdelay $0x6  }
0x290: {  	v8 =	vld [tilespmem:s19+$0x17C0]  }
0x291: {  	v57 =	vld [tilespmem:s19+$0x17D0]  }
0x292: {  	v10 =	vld [tilespmem:s19+$0x17E0];
	v13 =	vpop (erf)  }
0x293: {  	v11 =	vld [tilespmem:s19+$0x17F0];
	v14 =	vperm.xlane v13, v0  }
0x294: {  	v16 =	vld [tilespmem:s19+$0x1810];
	v15 =	vperm.xlane v13, v1  }
0x295: {  	v12 =	vld [tilespmem:s19+$0x1800];
	v17 =	vperm.xlane v13, v2;
	v8 =	vmul.f32 v8, v14  }
0x296: {  	v18 =	vld [tilespmem:s19+$0x1820];
	[tilespmem:s19+$0x6340] =	vst v13;
	v58 =	vperm.xlane v13, v3;
	v9 =	vmul.f32 v57, v15  }
0x297: {  	v59 =	vld [tilespmem:s19+$0x1830];
	v60 =	vperm.xlane v13, v5;
	v10 =	vmul.f32 v10, v17;
	[tilespmem:s19+$0x62C0] =	vst v8  }
0x298: {  	v11 =	vmul.f32 v11, v58;
	v8 =	vperm.xlane v13, v4;
	[tilespmem:s19+$0x62D0] =	vst v9  }
0x299: {  	s18 =	sadd.s32 $0x1, s18;
	v61 =	vperm.xlane v13, v6;
	v63 =	vmul.f32 v16, v60;
	[tilespmem:s19+$0x62E0] =	vst v10  }
0x29a: {  	p0 =	sne.s32 s18, $0x28;
	v62 =	vperm.xlane v13, v7;
	[tilespmem:s19+$0x62F0] =	vst v11;
	v8 =	vmul.f32 v12, v8  }
.Ltmp8:
0x29b: {  	v9 =	vmul.f32 v18, v61;
	[tilespmem:s19+$0x6310] =	vst v63;
	(pc) =	sbr.rel @p0 .LBB2_6-.Ltmp8, $4  }
0x29c: {  	[tilespmem:s19+$0x6300] =	vst v8;
	v8 =	vmul.f32 v59, v62  }
0x29d: {  	[tilespmem:s19+$0x6320] =	vst v9  }
0x29e: {  	[tilespmem:s19+$0x6330] =	vst v8  }
0x29f: {  	[spmem:s3] =	stream.indirect.scatter.add.f32 [tilespmem:s25], [sflag:$0x8], $0x90, s12, s20, $0xb8;
	[tilespmem:$0x1D8D0] =	vst v63  }
0x2a0: {  	_ =	swait.ge [sflag:s4], $0x1680  }
0x2a1: {  	[sflag:s4] =	ssyncset.done $0x0  }
0x2a2: {  	[sflag:s4] =	ssyncadd.s32 $0xFFFFE980  }
0x2a3: {  	_ =	swait.ge [sflag:s4], $0x280  }
0x2a4: {  	[sflag:s4] =	ssyncset.done $0x0  }
0x2a5: {  	[sflag:s4] =	ssyncadd.s32 $0xFFFFFD80  }
0x2a6: {  	_ =	swait.ge [sflag:s15], $0x1680  }
0x2a7: {  	[sflag:s15] =	ssyncset.done $0x0  }
0x2a8: {  	[sflag:s15] =	ssyncadd.s32 $0xFFFFE980  }
0x2a9: {  	v8 =	vld [tilespmem:$0xC8]  }
0x2aa: {  	v9 =	vld [tilespmem:$0xD8]  }
0x2ab: {  	v10 =	vld [tilespmem:$0xE0];
	_ =	sdelay $0x2  }
0x2ac: {  	[tilespmem:$0xF0] =	vst v8  }
0x2ad: {  	[tilespmem:$0x100] =	vst v9  }
0x2ae: {  	s7 =	simm.s32 $0x0;
	s17 =	rddreg [dreg:$0x11];
	[tilespmem:$0x108] =	vst v10  }
0x2af: {  	[tilespmem:s22], [sflag:$0x6] =	stream.linear.gather [hbm4b:s17+s7], $0x28, $0x38;
	[tilespmem:$0x1D8D0] =	vst v63  }
0x2b0: {  	s23 =	rddreg [dreg:$0x12]  }
0x2b1: {  	[tilespmem:s24], [sflag:$0x6] =	stream.linear.gather [hbm4b:s23+s7], $0x28, $0x38;
	[tilespmem:$0x1D8D0] =	vst v63  }
0x2b2: {  	_ =	swait.ge [sflag:s29], $0x28  }
0x2b3: {  	[sflag:s29] =	ssyncset.done $0x0  }
0x2b4: {  	[sflag:s29] =	ssyncadd.s32 $0xFFFFFFD8  }
0x2b5: {  	_ =	swait.ge [sflag:s29], $0x28  }
0x2b6: {  	[sflag:s29] =	ssyncset.done $0x0  }
0x2b7: {  	s30 =	simm.s32 $0x17C0;
	[sflag:s29] =	ssyncadd.s32 $0xFFFFFFD8  }
0x2b8: {  	[tilespmem:s30], [sflag:$0x2] =	stream.indirect.gather [hbm4b:s5+s20], $0x90, s20, s20, $0xb8;
	[tilespmem:$0x1D8D0] =	vst v63  }
0x2b9: {  	s31 =	simm.s32 $0x4740;
	s17 =	simm.s32 $0x0  }
0x2ba: {  	[tilespmem:s31], [sflag:$0x2] =	stream.indirect.gather [hbm4b:s6+s20], $0x10, s21, s20, $0xb8;
	[tilespmem:$0x1D8D0] =	vst v63  }
0x2bb: {  	s18 =	simm.s32 $0x49C0;
	s19 =	simm.s32 $0x240;
	v8 =	vld [tilespmem:s17+$0x2EC0]  }
.LBB2_20:
0x2bc: {  	p0 =	sne.s32 s19, $0x57C0;
	v9 =	vld [tilespmem:s18+$0x0];
	_ =	sdelay $0x4  }
0x2bd: {  	v8 =	vadd.f32 v9, v8;
	_ =	sdelay $0x1  }
0x2be: {  	v9 =	vmul.f32 $2.000000030e-01, v8;
	_ =	sdelay $0x1  }
0x2bf: {  	v8 =	vmax.f32 v8, v9  }
0x2c0: {  	v8 =	vmul.f32 $1.442695020e+00, v8;
	_ =	sdelay $0x1  }
0x2c1: {  	(erf) = vpow2.f32 v8;
	_ =	sdelay $0x4  }
0x2c2: {  	v8 =	vld [tilespmem:s17+$0x2E40]  }
0x2c3: {  	v9 =	vld [tilespmem:s17+$0x2E50]  }
0x2c4: {  	v10 =	vld [tilespmem:s17+$0x2E60]  }
0x2c5: {  	v11 =	vld [tilespmem:s17+$0x2E70]  }
0x2c6: {  	v12 =	vld [tilespmem:s17+$0x2E80];
	v13 =	vpop (erf)  }
0x2c7: {  	[tilespmem:s17+$0x4CC0] =	vst v13;
	v14 =	vperm.xlane v13, v0;
	v15 =	vperm.xlane v13, v1;
	v16 =	vld [tilespmem:s17+$0x2E90]  }
0x2c8: {  	v17 =	vperm.xlane v13, v2;
	v18 =	vperm.xlane v13, v3;
	v19 =	vld [tilespmem:s17+$0x2EA0]  }
0x2c9: {  	v8 =	vmul.f32 v8, v14;
	v9 =	vmul.f32 v9, v15;
	v14 =	vld [tilespmem:s17+$0x2EB0]  }
0x2ca: {  	v10 =	vmul.f32 v10, v17;
	v11 =	vmul.f32 v11, v18  }
0x2cb: {  	v15 =	vperm.xlane v13, v5;
	[tilespmem:s17+$0x4C40] =	vst v8;
	v8 =	vperm.xlane v13, v4  }
0x2cc: {  	[tilespmem:s17+$0x4C50] =	vst v9;
	v9 =	vperm.xlane v13, v6;
	v13 =	vperm.xlane v13, v7  }
0x2cd: {  	[tilespmem:s17+$0x4C60] =	vst v10;
	v8 =	vmul.f32 v12, v8;
	v10 =	vmul.f32 v16, v15  }
.Ltmp9:
0x2ce: {  	[tilespmem:s17+$0x4C70] =	vst v11;
	v9 =	vmul.f32 v19, v9;
	v11 =	vmul.f32 v14, v13;
	(pc) =	sbr.rel @p0 .LBB2_20-.Ltmp9, $4  }
0x2cf: {  	[tilespmem:s17+$0x4C80] =	vst v8  }
0x2d0: {  	[tilespmem:s17+$0x4C90] =	vst v10  }
0x2d1: {  	s7 =	sshra.s32 s19, $0x2;
	[tilespmem:s17+$0x4CA0] =	vst v9  }
0x2d2: {  	s19 =	sadd.s32 $0x240, s19;
	s18 =	sadd.s32 $0x10, s18;
	v8 =	vld [tilespmem:s7+$0x2EC0];
	[tilespmem:s17+$0x4CB0] =	vst v11;
	s17 =	smov.u32 s7  }
0x2d3: {  	v9 =	vld [tilespmem:s18+$0x0];
	_ =	sdelay $0x4  }
0x2d4: {  	v8 =	vadd.f32 v9, v8;
	_ =	sdelay $0x1  }
0x2d5: {  	v9 =	vmul.f32 $2.000000030e-01, v8;
	_ =	sdelay $0x1  }
0x2d6: {  	v8 =	vmax.f32 v8, v9  }
0x2d7: {  	v8 =	vmul.f32 $1.442695020e+00, v8;
	_ =	sdelay $0x1  }
0x2d8: {  	(erf) = vpow2.f32 v8;
	_ =	sdelay $0x6  }
0x2d9: {  	v8 =	vld [tilespmem:s17+$0x2E40]  }
0x2da: {  	v9 =	vld [tilespmem:s17+$0x2E50]  }
0x2db: {  	v10 =	vld [tilespmem:s17+$0x2E60];
	v13 =	vpop (erf)  }
0x2dc: {  	v11 =	vld [tilespmem:s17+$0x2E70];
	v14 =	vperm.xlane v13, v0  }
0x2dd: {  	v16 =	vld [tilespmem:s17+$0x2E90];
	v15 =	vperm.xlane v13, v1  }
0x2de: {  	v12 =	vld [tilespmem:s17+$0x2E80];
	v17 =	vperm.xlane v13, v2;
	v8 =	vmul.f32 v8, v14  }
0x2df: {  	v18 =	vld [tilespmem:s17+$0x2EA0];
	[tilespmem:s17+$0x4CC0] =	vst v13;
	v60 =	vperm.xlane v13, v3;
	v9 =	vmul.f32 v9, v15  }
0x2e0: {  	v61 =	vld [tilespmem:s17+$0x2EB0];
	v62 =	vperm.xlane v13, v5;
	v10 =	vmul.f32 v10, v17;
	[tilespmem:s17+$0x4C40] =	vst v8  }
0x2e1: {  	v11 =	vmul.f32 v11, v60;
	v8 =	vperm.xlane v13, v4;
	[tilespmem:s17+$0x4C50] =	vst v9  }
0x2e2: {  	v63 =	vmul.f32 v16, v62;
	v9 =	vperm.xlane v13, v6;
	[tilespmem:s17+$0x4C60] =	vst v10  }
0x2e3: {  	v10 =	vperm.xlane v13, v7;
	[tilespmem:s17+$0x4C70] =	vst v11;
	v8 =	vmul.f32 v12, v8  }
0x2e4: {  	[tilespmem:s17+$0x4C90] =	vst v63;
	v9 =	vmul.f32 v18, v9  }
0x2e5: {  	[tilespmem:s17+$0x4C80] =	vst v8;
	v8 =	vmul.f32 v61, v10  }
0x2e6: {  	[tilespmem:s17+$0x4CA0] =	vst v9  }
0x2e7: {  	[tilespmem:s17+$0x4CB0] =	vst v8  }
0x2e8: {  	[spmem:s3] =	stream.indirect.scatter.add.f32 [tilespmem:s11], [sflag:$0x7], $0x90, s10, s20, $0xb8;
	[tilespmem:$0x1D8D0] =	vst v63  }
0x2e9: {  	_ =	swait.ge [sflag:s0], $0x1680  }
0x2ea: {  	[sflag:s0] =	ssyncset.done $0x0  }
0x2eb: {  	[sflag:s0] =	ssyncadd.s32 $0xFFFFE980  }
0x2ec: {  	_ =	swait.ge [sflag:s0], $0x280  }
0x2ed: {  	[sflag:s0] =	ssyncset.done $0x0  }
0x2ee: {  	[sflag:s0] =	ssyncadd.s32 $0xFFFFFD80  }
0x2ef: {  	_ =	swait.ge [sflag:s16], $0x1680  }
0x2f0: {  	[sflag:s16] =	ssyncset.done $0x0  }
0x2f1: {  	[sflag:s16] =	ssyncadd.s32 $0xFFFFE980  }
0x2f2: {  	v8 =	vld [tilespmem:$0x78]  }
0x2f3: {  	v9 =	vld [tilespmem:$0x88]  }
0x2f4: {  	v10 =	vld [tilespmem:$0x90];
	_ =	sdelay $0x2  }
0x2f5: {  	[tilespmem:$0x118] =	vst v8  }
0x2f6: {  	s23 =	rddreg [dreg:$0x1f];
	[tilespmem:$0x128] =	vst v9  }
0x2f7: {  	s7 =	simm.s32 $0x0;
	s30 =	sld [smem:$0x7FB];
	[tilespmem:$0x130] =	vst v10  }
0x2f8: {  	[tilespmem:s7], [sflag:$0x4] =	stream.linear.gather [hbm4b:s23+s7], $0x28, $0x38;
	[tilespmem:$0x1D8D0] =	vst v63  }
0x2f9: {  	_ = 	snop  }
0x2fa: {  	[tilespmem:s14], [sflag:$0x4] =	stream.linear.gather [hbm4b:s30+s7], $0x28, $0x38;
	[tilespmem:$0x1D8D0] =	vst v63  }
0x2fb: {  	_ =	swait.ge [sflag:s1], $0x28  }
0x2fc: {  	[sflag:s1] =	ssyncset.done $0x0  }
0x2fd: {  	[sflag:s1] =	ssyncadd.s32 $0xFFFFFFD8  }
0x2fe: {  	_ =	swait.ge [sflag:s1], $0x28  }
0x2ff: {  	[sflag:s1] =	ssyncset.done $0x0  }
0x300: {  	s31 =	simm.s32 $0x2E40;
	[sflag:s1] =	ssyncadd.s32 $0xFFFFFFD8  }
0x301: {  	[tilespmem:s31], [sflag:$0x3] =	stream.indirect.gather [hbm4b:s5+s20], $0x90, s22, s20, $0xb8;
	[tilespmem:$0x1D8D0] =	vst v63  }
0x302: {  	s17 =	simm.s32 $0x0  }
0x303: {  	[tilespmem:s9], [sflag:$0x3] =	stream.indirect.gather [hbm4b:s6+s20], $0x10, s24, s20, $0xb8;
	[tilespmem:$0x1D8D0] =	vst v63  }
0x304: {  	s18 =	simm.s32 $0x44C0;
	s19 =	simm.s32 $0x240;
	v8 =	vld [tilespmem:s17+$0x1C0]  }
.LBB2_22:
0x305: {  	p0 =	sne.s32 s19, $0x57C0;
	v9 =	vld [tilespmem:s18+$0x0];
	_ =	sdelay $0x4  }
0x306: {  	v8 =	vadd.f32 v9, v8;
	_ =	sdelay $0x1  }
0x307: {  	v9 =	vmul.f32 $2.000000030e-01, v8;
	_ =	sdelay $0x1  }
0x308: {  	v8 =	vmax.f32 v8, v9  }
0x309: {  	v8 =	vmul.f32 $1.442695020e+00, v8;
	_ =	sdelay $0x1  }
0x30a: {  	(erf) = vpow2.f32 v8;
	_ =	sdelay $0x4  }
0x30b: {  	v8 =	vld [tilespmem:s17+$0x140]  }
0x30c: {  	v9 =	vld [tilespmem:s17+$0x150]  }
0x30d: {  	v10 =	vld [tilespmem:s17+$0x160]  }
0x30e: {  	v11 =	vld [tilespmem:s17+$0x170]  }
0x30f: {  	v12 =	vld [tilespmem:s17+$0x180];
	v13 =	vpop (erf)  }
0x310: {  	[tilespmem:s17+$0x6340] =	vst v13;
	v14 =	vperm.xlane v13, v0;
	v15 =	vperm.xlane v13, v1;
	v16 =	vld [tilespmem:s17+$0x190]  }
0x311: {  	v17 =	vperm.xlane v13, v2;
	v18 =	vperm.xlane v13, v3;
	v19 =	vld [tilespmem:s17+$0x1A0]  }
0x312: {  	v8 =	vmul.f32 v8, v14;
	v9 =	vmul.f32 v9, v15;
	v14 =	vld [tilespmem:s17+$0x1B0]  }
0x313: {  	v10 =	vmul.f32 v10, v17;
	v11 =	vmul.f32 v11, v18  }
0x314: {  	v15 =	vperm.xlane v13, v5;
	[tilespmem:s17+$0x62C0] =	vst v8;
	v8 =	vperm.xlane v13, v4  }
0x315: {  	[tilespmem:s17+$0x62D0] =	vst v9;
	v9 =	vperm.xlane v13, v6;
	v13 =	vperm.xlane v13, v7  }
0x316: {  	[tilespmem:s17+$0x62E0] =	vst v10;
	v8 =	vmul.f32 v12, v8;
	v10 =	vmul.f32 v16, v15  }
.Ltmp10:
0x317: {  	[tilespmem:s17+$0x62F0] =	vst v11;
	v9 =	vmul.f32 v19, v9;
	v11 =	vmul.f32 v14, v13;
	(pc) =	sbr.rel @p0 .LBB2_22-.Ltmp10, $4  }
0x318: {  	[tilespmem:s17+$0x6300] =	vst v8  }
0x319: {  	[tilespmem:s17+$0x6310] =	vst v10  }
0x31a: {  	s7 =	sshra.s32 s19, $0x2;
	[tilespmem:s17+$0x6320] =	vst v9  }
0x31b: {  	s19 =	sadd.s32 $0x240, s19;
	s18 =	sadd.s32 $0x10, s18;
	v8 =	vld [tilespmem:s7+$0x1C0];
	[tilespmem:s17+$0x6330] =	vst v11;
	s17 =	smov.u32 s7  }
0x31c: {  	v9 =	vld [tilespmem:s18+$0x0];
	_ =	sdelay $0x4  }
0x31d: {  	v8 =	vadd.f32 v9, v8;
	_ =	sdelay $0x1  }
0x31e: {  	v9 =	vmul.f32 $2.000000030e-01, v8;
	_ =	sdelay $0x1  }
0x31f: {  	v8 =	vmax.f32 v8, v9  }
0x320: {  	v8 =	vmul.f32 $1.442695020e+00, v8;
	_ =	sdelay $0x1  }
0x321: {  	(erf) = vpow2.f32 v8;
	_ =	sdelay $0x6  }
0x322: {  	v8 =	vld [tilespmem:s17+$0x140]  }
0x323: {  	v9 =	vld [tilespmem:s17+$0x150]  }
0x324: {  	v10 =	vld [tilespmem:s17+$0x160];
	v13 =	vpop (erf)  }
0x325: {  	v11 =	vld [tilespmem:s17+$0x170];
	v14 =	vperm.xlane v13, v0  }
0x326: {  	v16 =	vld [tilespmem:s17+$0x190];
	v15 =	vperm.xlane v13, v1  }
0x327: {  	v12 =	vld [tilespmem:s17+$0x180];
	v17 =	vperm.xlane v13, v2;
	v8 =	vmul.f32 v8, v14  }
0x328: {  	v18 =	vld [tilespmem:s17+$0x1A0];
	[tilespmem:s17+$0x6340] =	vst v13;
	v60 =	vperm.xlane v13, v3;
	v9 =	vmul.f32 v9, v15  }
0x329: {  	v61 =	vld [tilespmem:s17+$0x1B0];
	v62 =	vperm.xlane v13, v5;
	v10 =	vmul.f32 v10, v17;
	[tilespmem:s17+$0x62C0] =	vst v8  }
0x32a: {  	v11 =	vmul.f32 v11, v60;
	v8 =	vperm.xlane v13, v4;
	[tilespmem:s17+$0x62D0] =	vst v9  }
0x32b: {  	v63 =	vmul.f32 v16, v62;
	v9 =	vperm.xlane v13, v6;
	[tilespmem:s17+$0x62E0] =	vst v10  }
0x32c: {  	v10 =	vperm.xlane v13, v7;
	[tilespmem:s17+$0x62F0] =	vst v11;
	v8 =	vmul.f32 v12, v8  }
0x32d: {  	[tilespmem:s17+$0x6310] =	vst v63;
	v9 =	vmul.f32 v18, v9  }
0x32e: {  	[tilespmem:s17+$0x6300] =	vst v8;
	v8 =	vmul.f32 v61, v10  }
0x32f: {  	[tilespmem:s17+$0x6320] =	vst v9  }
0x330: {  	[tilespmem:s17+$0x6330] =	vst v8  }
0x331: {  	[spmem:s3] =	stream.indirect.scatter.add.f32 [tilespmem:s25], [sflag:$0x8], $0x90, s12, s20, $0xb8;
	[tilespmem:$0x1D8D0] =	vst v63  }
0x332: {  	_ =	swait.ge [sflag:s13], $0x1680  }
0x333: {  	[sflag:s13] =	ssyncset.done $0x0  }
0x334: {  	[sflag:s13] =	ssyncadd.s32 $0xFFFFE980  }
0x335: {  	_ =	swait.ge [sflag:s13], $0x280  }
0x336: {  	[sflag:s13] =	ssyncset.done $0x0  }
0x337: {  	[sflag:s13] =	ssyncadd.s32 $0xFFFFFD80  }
0x338: {  	_ =	swait.ge [sflag:s15], $0x1680  }
0x339: {  	[sflag:s15] =	ssyncset.done $0x0  }
0x33a: {  	[sflag:s15] =	ssyncadd.s32 $0xFFFFE980  }
0x33b: {  	v8 =	vld [tilespmem:$0xA0]  }
0x33c: {  	v9 =	vld [tilespmem:$0xB0]  }
0x33d: {  	v10 =	vld [tilespmem:$0xB8];
	_ =	sdelay $0x2  }
0x33e: {  	[tilespmem:$0xF0] =	vst v8  }
0x33f: {  	[tilespmem:$0x100] =	vst v9  }
0x340: {  	s7 =	simm.s32 $0x0;
	s30 =	rddreg [dreg:$0x13];
	[tilespmem:$0x108] =	vst v10  }
0x341: {  	[tilespmem:s20], [sflag:$0x5] =	stream.linear.gather [hbm4b:s30+s7], $0x28, $0x38;
	[tilespmem:$0x1D8D0] =	vst v63  }
0x342: {  	s31 =	rddreg [dreg:$0x15]  }
0x343: {  	[tilespmem:s21], [sflag:$0x5] =	stream.linear.gather [hbm4b:s31+s7], $0x28, $0x38;
	[tilespmem:$0x1D8D0] =	vst v63  }
0x344: {  	_ =	swait.ge [sflag:s26], $0x28  }
0x345: {  	[sflag:s26] =	ssyncset.done $0x0  }
0x346: {  	[sflag:s26] =	ssyncadd.s32 $0xFFFFFFD8  }
0x347: {  	_ =	swait.ge [sflag:s26], $0x28  }
0x348: {  	[sflag:s26] =	ssyncset.done $0x0  }
0x349: {  	[sflag:s26] =	ssyncadd.s32 $0xFFFFFFD8  }
0x34a: {  	[tilespmem:s28], [sflag:$0x1] =	stream.indirect.gather [hbm4b:s5+s20], $0x90, s7, s20, $0xb8;
	[tilespmem:$0x1D8D0] =	vst v63  }
0x34b: {  	s17 =	simm.s32 $0x0  }
0x34c: {  	[tilespmem:s8], [sflag:$0x1] =	stream.indirect.gather [hbm4b:s6+s20], $0x10, s14, s20, $0xb8;
	[tilespmem:$0x1D8D0] =	vst v63  }
0x34d: {  	s18 =	simm.s32 $0x4740;
	s19 =	simm.s32 $0x240;
	v8 =	vld [tilespmem:s17+$0x1840]  }
.LBB2_24:
0x34e: {  	p0 =	sne.s32 s19, $0x57C0;
	v9 =	vld [tilespmem:s18+$0x0];
	_ =	sdelay $0x4  }
0x34f: {  	v8 =	vadd.f32 v9, v8;
	_ =	sdelay $0x1  }
0x350: {  	v9 =	vmul.f32 $2.000000030e-01, v8;
	_ =	sdelay $0x1  }
0x351: {  	v8 =	vmax.f32 v8, v9  }
0x352: {  	v8 =	vmul.f32 $1.442695020e+00, v8;
	_ =	sdelay $0x1  }
0x353: {  	(erf) = vpow2.f32 v8;
	_ =	sdelay $0x4  }
0x354: {  	v8 =	vld [tilespmem:s17+$0x17C0]  }
0x355: {  	v9 =	vld [tilespmem:s17+$0x17D0]  }
0x356: {  	v10 =	vld [tilespmem:s17+$0x17E0]  }
0x357: {  	v11 =	vld [tilespmem:s17+$0x17F0]  }
0x358: {  	v12 =	vld [tilespmem:s17+$0x1800];
	v13 =	vpop (erf)  }
0x359: {  	[tilespmem:s17+$0x4CC0] =	vst v13;
	v14 =	vperm.xlane v13, v0;
	v15 =	vperm.xlane v13, v1;
	v16 =	vld [tilespmem:s17+$0x1810]  }
0x35a: {  	v17 =	vperm.xlane v13, v2;
	v18 =	vperm.xlane v13, v3;
	v19 =	vld [tilespmem:s17+$0x1820]  }
0x35b: {  	v8 =	vmul.f32 v8, v14;
	v9 =	vmul.f32 v9, v15;
	v14 =	vld [tilespmem:s17+$0x1830]  }
0x35c: {  	v10 =	vmul.f32 v10, v17;
	v11 =	vmul.f32 v11, v18  }
0x35d: {  	v15 =	vperm.xlane v13, v5;
	[tilespmem:s17+$0x4C40] =	vst v8;
	v8 =	vperm.xlane v13, v4  }
0x35e: {  	[tilespmem:s17+$0x4C50] =	vst v9;
	v9 =	vperm.xlane v13, v6;
	v13 =	vperm.xlane v13, v7  }
0x35f: {  	[tilespmem:s17+$0x4C60] =	vst v10;
	v8 =	vmul.f32 v12, v8;
	v10 =	vmul.f32 v16, v15  }
.Ltmp11:
0x360: {  	[tilespmem:s17+$0x4C70] =	vst v11;
	v9 =	vmul.f32 v19, v9;
	v11 =	vmul.f32 v14, v13;
	(pc) =	sbr.rel @p0 .LBB2_24-.Ltmp11, $4  }
0x361: {  	[tilespmem:s17+$0x4C80] =	vst v8  }
0x362: {  	[tilespmem:s17+$0x4C90] =	vst v10  }
0x363: {  	s7 =	sshra.s32 s19, $0x2;
	[tilespmem:s17+$0x4CA0] =	vst v9  }
0x364: {  	s19 =	sadd.s32 $0x240, s19;
	s18 =	sadd.s32 $0x10, s18;
	v8 =	vld [tilespmem:s7+$0x1840];
	[tilespmem:s17+$0x4CB0] =	vst v11;
	s17 =	smov.u32 s7  }
0x365: {  	v9 =	vld [tilespmem:s18+$0x0];
	_ =	sdelay $0x4  }
0x366: {  	v8 =	vadd.f32 v9, v8;
	_ =	sdelay $0x1  }
0x367: {  	v9 =	vmul.f32 $2.000000030e-01, v8;
	_ =	sdelay $0x1  }
0x368: {  	v8 =	vmax.f32 v8, v9  }
0x369: {  	v8 =	vmul.f32 $1.442695020e+00, v8;
	_ =	sdelay $0x1  }
0x36a: {  	(erf) = vpow2.f32 v8;
	_ =	sdelay $0x6  }
0x36b: {  	v8 =	vld [tilespmem:s17+$0x17C0]  }
0x36c: {  	v9 =	vld [tilespmem:s17+$0x17D0]  }
0x36d: {  	v10 =	vld [tilespmem:s17+$0x17E0];
	v13 =	vpop (erf)  }
0x36e: {  	v11 =	vld [tilespmem:s17+$0x17F0];
	v14 =	vperm.xlane v13, v0  }
0x36f: {  	v16 =	vld [tilespmem:s17+$0x1810];
	v15 =	vperm.xlane v13, v1  }
0x370: {  	v12 =	vld [tilespmem:s17+$0x1800];
	v17 =	vperm.xlane v13, v2;
	v8 =	vmul.f32 v8, v14  }
0x371: {  	v18 =	vld [tilespmem:s17+$0x1820];
	[tilespmem:s17+$0x4CC0] =	vst v13;
	v60 =	vperm.xlane v13, v3;
	v9 =	vmul.f32 v9, v15  }
0x372: {  	v61 =	vld [tilespmem:s17+$0x1830];
	v62 =	vperm.xlane v13, v5;
	v10 =	vmul.f32 v10, v17;
	[tilespmem:s17+$0x4C40] =	vst v8  }
0x373: {  	v11 =	vmul.f32 v11, v60;
	v8 =	vperm.xlane v13, v4;
	[tilespmem:s17+$0x4C50] =	vst v9  }
0x374: {  	v63 =	vmul.f32 v16, v62;
	v9 =	vperm.xlane v13, v6;
	[tilespmem:s17+$0x4C60] =	vst v10  }
0x375: {  	v10 =	vperm.xlane v13, v7;
	[tilespmem:s17+$0x4C70] =	vst v11;
	v8 =	vmul.f32 v12, v8  }
0x376: {  	[tilespmem:s17+$0x4C90] =	vst v63;
	v9 =	vmul.f32 v18, v9  }
0x377: {  	[tilespmem:s17+$0x4C80] =	vst v8;
	v8 =	vmul.f32 v61, v10  }
0x378: {  	[tilespmem:s17+$0x4CA0] =	vst v9  }
0x379: {  	[tilespmem:s17+$0x4CB0] =	vst v8  }
0x37a: {  	[spmem:s3] =	stream.indirect.scatter.add.f32 [tilespmem:s11], [sflag:$0x7], $0x90, s10, s20, $0xb8;
	[tilespmem:$0x1D8D0] =	vst v63  }
0x37b: {  	_ =	swait.ge [sflag:s4], $0x1680  }
0x37c: {  	[sflag:s4] =	ssyncset.done $0x0  }
0x37d: {  	[sflag:s4] =	ssyncadd.s32 $0xFFFFE980  }
0x37e: {  	_ =	swait.ge [sflag:s4], $0x280  }
0x37f: {  	[sflag:s4] =	ssyncset.done $0x0  }
0x380: {  	[sflag:s4] =	ssyncadd.s32 $0xFFFFFD80  }
0x381: {  	_ =	swait.ge [sflag:s16], $0x1680  }
0x382: {  	[sflag:s16] =	ssyncset.done $0x0  }
0x383: {  	[sflag:s16] =	ssyncadd.s32 $0xFFFFE980  }
0x384: {  	v8 =	vld [tilespmem:$0xC8]  }
0x385: {  	v9 =	vld [tilespmem:$0xD8]  }
0x386: {  	v10 =	vld [tilespmem:$0xE0];
	_ =	sdelay $0x2  }
0x387: {  	s19 =	sld [smem:$0x7FC];
	[tilespmem:$0x118] =	vst v8  }
0x388: {  	[tilespmem:$0x128] =	vst v9  }
0x389: {  	s7 =	simm.s32 $0x0;
	s23 =	sld [smem:$0x7FD];
	[tilespmem:$0x130] =	vst v10  }
0x38a: {  	[tilespmem:s22], [sflag:$0x6] =	stream.linear.gather [hbm4b:s19+s7], $0x28, $0x38;
	[tilespmem:$0x1D8D0] =	vst v63  }
0x38b: {  	_ = 	snop  }
0x38c: {  	[tilespmem:s24], [sflag:$0x6] =	stream.linear.gather [hbm4b:s23+s7], $0x28, $0x38;
	[tilespmem:$0x1D8D0] =	vst v63  }
0x38d: {  	_ =	swait.ge [sflag:s29], $0x28  }
0x38e: {  	[sflag:s29] =	ssyncset.done $0x0  }
0x38f: {  	[sflag:s29] =	ssyncadd.s32 $0xFFFFFFD8  }
0x390: {  	_ =	swait.ge [sflag:s29], $0x28  }
0x391: {  	[sflag:s29] =	ssyncset.done $0x0  }
0x392: {  	s30 =	simm.s32 $0x17C0;
	[sflag:s29] =	ssyncadd.s32 $0xFFFFFFD8  }
0x393: {  	[tilespmem:s30], [sflag:$0x2] =	stream.indirect.gather [hbm4b:s5+s20], $0x90, s20, s20, $0xb8;
	[tilespmem:$0x1D8D0] =	vst v63  }
0x394: {  	s31 =	simm.s32 $0x4740;
	s17 =	simm.s32 $0x0  }
0x395: {  	[tilespmem:s31], [sflag:$0x2] =	stream.indirect.gather [hbm4b:s6+s20], $0x10, s21, s20, $0xb8;
	[tilespmem:$0x1D8D0] =	vst v63  }
0x396: {  	s18 =	simm.s32 $0x49C0;
	s19 =	simm.s32 $0x240;
	v8 =	vld [tilespmem:s17+$0x2EC0]  }
.LBB2_26:
0x397: {  	p0 =	sne.s32 s19, $0x57C0;
	v9 =	vld [tilespmem:s18+$0x0];
	_ =	sdelay $0x4  }
0x398: {  	v8 =	vadd.f32 v9, v8;
	_ =	sdelay $0x1  }
0x399: {  	v9 =	vmul.f32 $2.000000030e-01, v8;
	_ =	sdelay $0x1  }
0x39a: {  	v8 =	vmax.f32 v8, v9  }
0x39b: {  	v8 =	vmul.f32 $1.442695020e+00, v8;
	_ =	sdelay $0x1  }
0x39c: {  	(erf) = vpow2.f32 v8;
	_ =	sdelay $0x4  }
0x39d: {  	v8 =	vld [tilespmem:s17+$0x2E40]  }
0x39e: {  	v9 =	vld [tilespmem:s17+$0x2E50]  }
0x39f: {  	v10 =	vld [tilespmem:s17+$0x2E60]  }
0x3a0: {  	v11 =	vld [tilespmem:s17+$0x2E70]  }
0x3a1: {  	v12 =	vld [tilespmem:s17+$0x2E80];
	v13 =	vpop (erf)  }
0x3a2: {  	[tilespmem:s17+$0x6340] =	vst v13;
	v14 =	vperm.xlane v13, v0;
	v15 =	vperm.xlane v13, v1;
	v16 =	vld [tilespmem:s17+$0x2E90]  }
0x3a3: {  	v17 =	vperm.xlane v13, v2;
	v18 =	vperm.xlane v13, v3;
	v19 =	vld [tilespmem:s17+$0x2EA0]  }
0x3a4: {  	v8 =	vmul.f32 v8, v14;
	v9 =	vmul.f32 v9, v15;
	v14 =	vld [tilespmem:s17+$0x2EB0]  }
0x3a5: {  	v10 =	vmul.f32 v10, v17;
	v11 =	vmul.f32 v11, v18  }
0x3a6: {  	v15 =	vperm.xlane v13, v5;
	[tilespmem:s17+$0x62C0] =	vst v8;
	v8 =	vperm.xlane v13, v4  }
0x3a7: {  	[tilespmem:s17+$0x62D0] =	vst v9;
	v9 =	vperm.xlane v13, v6;
	v13 =	vperm.xlane v13, v7  }
0x3a8: {  	[tilespmem:s17+$0x62E0] =	vst v10;
	v8 =	vmul.f32 v12, v8;
	v10 =	vmul.f32 v16, v15  }
.Ltmp12:
0x3a9: {  	[tilespmem:s17+$0x62F0] =	vst v11;
	v9 =	vmul.f32 v19, v9;
	v11 =	vmul.f32 v14, v13;
	(pc) =	sbr.rel @p0 .LBB2_26-.Ltmp12, $4  }
0x3aa: {  	[tilespmem:s17+$0x6300] =	vst v8  }
0x3ab: {  	[tilespmem:s17+$0x6310] =	vst v10  }
0x3ac: {  	s7 =	sshra.s32 s19, $0x2;
	[tilespmem:s17+$0x6320] =	vst v9  }
0x3ad: {  	s19 =	sadd.s32 $0x240, s19;
	s18 =	sadd.s32 $0x10, s18;
	v8 =	vld [tilespmem:s7+$0x2EC0];
	[tilespmem:s17+$0x6330] =	vst v11;
	s17 =	smov.u32 s7  }
0x3ae: {  	v9 =	vld [tilespmem:s18+$0x0];
	_ =	sdelay $0x4  }
0x3af: {  	v8 =	vadd.f32 v9, v8;
	_ =	sdelay $0x1  }
0x3b0: {  	v9 =	vmul.f32 $2.000000030e-01, v8;
	_ =	sdelay $0x1  }
0x3b1: {  	v8 =	vmax.f32 v8, v9  }
0x3b2: {  	v8 =	vmul.f32 $1.442695020e+00, v8;
	_ =	sdelay $0x1  }
0x3b3: {  	(erf) = vpow2.f32 v8;
	_ =	sdelay $0x6  }
0x3b4: {  	v8 =	vld [tilespmem:s17+$0x2E40]  }
0x3b5: {  	v9 =	vld [tilespmem:s17+$0x2E50]  }
0x3b6: {  	v10 =	vld [tilespmem:s17+$0x2E60];
	v13 =	vpop (erf)  }
0x3b7: {  	v11 =	vld [tilespmem:s17+$0x2E70];
	v14 =	vperm.xlane v13, v0  }
0x3b8: {  	v16 =	vld [tilespmem:s17+$0x2E90];
	v15 =	vperm.xlane v13, v1  }
0x3b9: {  	v12 =	vld [tilespmem:s17+$0x2E80];
	v17 =	vperm.xlane v13, v2;
	v8 =	vmul.f32 v8, v14  }
0x3ba: {  	v18 =	vld [tilespmem:s17+$0x2EA0];
	[tilespmem:s17+$0x6340] =	vst v13;
	v60 =	vperm.xlane v13, v3;
	v9 =	vmul.f32 v9, v15  }
0x3bb: {  	v61 =	vld [tilespmem:s17+$0x2EB0];
	v62 =	vperm.xlane v13, v5;
	v10 =	vmul.f32 v10, v17;
	[tilespmem:s17+$0x62C0] =	vst v8  }
0x3bc: {  	v11 =	vmul.f32 v11, v60;
	v8 =	vperm.xlane v13, v4;
	[tilespmem:s17+$0x62D0] =	vst v9  }
0x3bd: {  	v63 =	vmul.f32 v16, v62;
	v9 =	vperm.xlane v13, v6;
	[tilespmem:s17+$0x62E0] =	vst v10  }
0x3be: {  	v10 =	vperm.xlane v13, v7;
	[tilespmem:s17+$0x62F0] =	vst v11;
	v8 =	vmul.f32 v12, v8  }
0x3bf: {  	[tilespmem:s17+$0x6310] =	vst v63;
	v9 =	vmul.f32 v18, v9  }
0x3c0: {  	[tilespmem:s17+$0x6300] =	vst v8;
	v8 =	vmul.f32 v61, v10  }
0x3c1: {  	[tilespmem:s17+$0x6320] =	vst v9  }
0x3c2: {  	[tilespmem:s17+$0x6330] =	vst v8  }
0x3c3: {  	[spmem:s3] =	stream.indirect.scatter.add.f32 [tilespmem:s25], [sflag:$0x8], $0x90, s12, s20, $0xb8;
	[tilespmem:$0x1D8D0] =	vst v63  }
0x3c4: {  	_ =	swait.ge [sflag:s0], $0x1680  }
0x3c5: {  	[sflag:s0] =	ssyncset.done $0x0  }
0x3c6: {  	[sflag:s0] =	ssyncadd.s32 $0xFFFFE980  }
0x3c7: {  	_ =	swait.ge [sflag:s0], $0x280  }
0x3c8: {  	[sflag:s0] =	ssyncset.done $0x0  }
0x3c9: {  	[sflag:s0] =	ssyncadd.s32 $0xFFFFFD80  }
0x3ca: {  	_ =	swait.ge [sflag:s15], $0x1680  }
0x3cb: {  	[sflag:s15] =	ssyncset.done $0x0  }
0x3cc: {  	[sflag:s15] =	ssyncadd.s32 $0xFFFFE980  }
0x3cd: {  	v8 =	vld [tilespmem:$0x78]  }
0x3ce: {  	v9 =	vld [tilespmem:$0x88]  }
0x3cf: {  	v10 =	vld [tilespmem:$0x90];
	_ =	sdelay $0x2  }
0x3d0: {  	[tilespmem:$0xF0] =	vst v8  }
0x3d1: {  	[tilespmem:$0x100] =	vst v9  }
0x3d2: {  	s7 =	simm.s32 $0x0;
	s23 =	rddreg [dreg:$0x16];
	[tilespmem:$0x108] =	vst v10  }
0x3d3: {  	[tilespmem:s7], [sflag:$0x4] =	stream.linear.gather [hbm4b:s23+s7], $0x28, $0x38;
	[tilespmem:$0x1D8D0] =	vst v63  }
0x3d4: {  	s30 =	rddreg [dreg:$0x17]  }
0x3d5: {  	[tilespmem:s14], [sflag:$0x4] =	stream.linear.gather [hbm4b:s30+s7], $0x28, $0x38;
	[tilespmem:$0x1D8D0] =	vst v63  }
0x3d6: {  	_ =	swait.ge [sflag:s1], $0x28  }
0x3d7: {  	[sflag:s1] =	ssyncset.done $0x0  }
0x3d8: {  	[sflag:s1] =	ssyncadd.s32 $0xFFFFFFD8  }
0x3d9: {  	_ =	swait.ge [sflag:s1], $0x28  }
0x3da: {  	[sflag:s1] =	ssyncset.done $0x0  }
0x3db: {  	s31 =	simm.s32 $0x2E40;
	[sflag:s1] =	ssyncadd.s32 $0xFFFFFFD8  }
0x3dc: {  	[tilespmem:s31], [sflag:$0x3] =	stream.indirect.gather [hbm4b:s5+s20], $0x90, s22, s20, $0xb8;
	[tilespmem:$0x1D8D0] =	vst v63  }
0x3dd: {  	s17 =	simm.s32 $0x0  }
0x3de: {  	[tilespmem:s9], [sflag:$0x3] =	stream.indirect.gather [hbm4b:s6+s20], $0x10, s24, s20, $0xb8;
	[tilespmem:$0x1D8D0] =	vst v63  }
0x3df: {  	s18 =	simm.s32 $0x44C0;
	s19 =	simm.s32 $0x240;
	v8 =	vld [tilespmem:s17+$0x1C0]  }
.LBB2_28:
0x3e0: {  	p0 =	sne.s32 s19, $0x57C0;
	v9 =	vld [tilespmem:s18+$0x0];
	_ =	sdelay $0x4  }
0x3e1: {  	v8 =	vadd.f32 v9, v8;
	_ =	sdelay $0x1  }
0x3e2: {  	v9 =	vmul.f32 $2.000000030e-01, v8;
	_ =	sdelay $0x1  }
0x3e3: {  	v8 =	vmax.f32 v8, v9  }
0x3e4: {  	v8 =	vmul.f32 $1.442695020e+00, v8;
	_ =	sdelay $0x1  }
0x3e5: {  	(erf) = vpow2.f32 v8;
	_ =	sdelay $0x4  }
0x3e6: {  	v8 =	vld [tilespmem:s17+$0x140]  }
0x3e7: {  	v9 =	vld [tilespmem:s17+$0x150]  }
0x3e8: {  	v10 =	vld [tilespmem:s17+$0x160]  }
0x3e9: {  	v11 =	vld [tilespmem:s17+$0x170]  }
0x3ea: {  	v12 =	vld [tilespmem:s17+$0x180];
	v13 =	vpop (erf)  }
0x3eb: {  	[tilespmem:s17+$0x4CC0] =	vst v13;
	v14 =	vperm.xlane v13, v0;
	v15 =	vperm.xlane v13, v1;
	v16 =	vld [tilespmem:s17+$0x190]  }
0x3ec: {  	v17 =	vperm.xlane v13, v2;
	v18 =	vperm.xlane v13, v3;
	v19 =	vld [tilespmem:s17+$0x1A0]  }
0x3ed: {  	v8 =	vmul.f32 v8, v14;
	v9 =	vmul.f32 v9, v15;
	v14 =	vld [tilespmem:s17+$0x1B0]  }
0x3ee: {  	v10 =	vmul.f32 v10, v17;
	v11 =	vmul.f32 v11, v18  }
0x3ef: {  	v15 =	vperm.xlane v13, v5;
	[tilespmem:s17+$0x4C40] =	vst v8;
	v8 =	vperm.xlane v13, v4  }
0x3f0: {  	[tilespmem:s17+$0x4C50] =	vst v9;
	v9 =	vperm.xlane v13, v6;
	v13 =	vperm.xlane v13, v7  }
0x3f1: {  	[tilespmem:s17+$0x4C60] =	vst v10;
	v8 =	vmul.f32 v12, v8;
	v10 =	vmul.f32 v16, v15  }
.Ltmp13:
0x3f2: {  	[tilespmem:s17+$0x4C70] =	vst v11;
	v9 =	vmul.f32 v19, v9;
	v11 =	vmul.f32 v14, v13;
	(pc) =	sbr.rel @p0 .LBB2_28-.Ltmp13, $4  }
0x3f3: {  	[tilespmem:s17+$0x4C80] =	vst v8  }
0x3f4: {  	[tilespmem:s17+$0x4C90] =	vst v10  }
0x3f5: {  	s7 =	sshra.s32 s19, $0x2;
	[tilespmem:s17+$0x4CA0] =	vst v9  }
0x3f6: {  	s19 =	sadd.s32 $0x240, s19;
	s18 =	sadd.s32 $0x10, s18;
	v8 =	vld [tilespmem:s7+$0x1C0];
	[tilespmem:s17+$0x4CB0] =	vst v11;
	s17 =	smov.u32 s7  }
0x3f7: {  	v9 =	vld [tilespmem:s18+$0x0];
	_ =	sdelay $0x4  }
0x3f8: {  	v8 =	vadd.f32 v9, v8;
	_ =	sdelay $0x1  }
0x3f9: {  	v9 =	vmul.f32 $2.000000030e-01, v8;
	_ =	sdelay $0x1  }
0x3fa: {  	v8 =	vmax.f32 v8, v9  }
0x3fb: {  	v8 =	vmul.f32 $1.442695020e+00, v8;
	_ =	sdelay $0x1  }
0x3fc: {  	(erf) = vpow2.f32 v8;
	_ =	sdelay $0x6  }
0x3fd: {  	v8 =	vld [tilespmem:s17+$0x140]  }
0x3fe: {  	v9 =	vld [tilespmem:s17+$0x150]  }
0x3ff: {  	v10 =	vld [tilespmem:s17+$0x160];
	v13 =	vpop (erf)  }
0x400: {  	v11 =	vld [tilespmem:s17+$0x170];
	v14 =	vperm.xlane v13, v0  }
0x401: {  	v16 =	vld [tilespmem:s17+$0x190];
	v15 =	vperm.xlane v13, v1  }
0x402: {  	v12 =	vld [tilespmem:s17+$0x180];
	v17 =	vperm.xlane v13, v2;
	v8 =	vmul.f32 v8, v14  }
0x403: {  	v18 =	vld [tilespmem:s17+$0x1A0];
	[tilespmem:s17+$0x4CC0] =	vst v13;
	v60 =	vperm.xlane v13, v3;
	v9 =	vmul.f32 v9, v15  }
0x404: {  	v61 =	vld [tilespmem:s17+$0x1B0];
	v62 =	vperm.xlane v13, v5;
	v10 =	vmul.f32 v10, v17;
	[tilespmem:s17+$0x4C40] =	vst v8  }
0x405: {  	v11 =	vmul.f32 v11, v60;
	v8 =	vperm.xlane v13, v4;
	[tilespmem:s17+$0x4C50] =	vst v9  }
0x406: {  	v63 =	vmul.f32 v16, v62;
	v9 =	vperm.xlane v13, v6;
	[tilespmem:s17+$0x4C60] =	vst v10  }
0x407: {  	v10 =	vperm.xlane v13, v7;
	[tilespmem:s17+$0x4C70] =	vst v11;
	v8 =	vmul.f32 v12, v8  }
0x408: {  	[tilespmem:s17+$0x4C90] =	vst v63;
	v9 =	vmul.f32 v18, v9  }
0x409: {  	[tilespmem:s17+$0x4C80] =	vst v8;
	v8 =	vmul.f32 v61, v10  }
0x40a: {  	[tilespmem:s17+$0x4CA0] =	vst v9  }
0x40b: {  	[tilespmem:s17+$0x4CB0] =	vst v8  }
0x40c: {  	[spmem:s3] =	stream.indirect.scatter.add.f32 [tilespmem:s11], [sflag:$0x7], $0x90, s10, s20, $0xb8;
	[tilespmem:$0x1D8D0] =	vst v63  }
0x40d: {  	_ =	swait.ge [sflag:s13], $0x1680  }
0x40e: {  	[sflag:s13] =	ssyncset.done $0x0  }
0x40f: {  	[sflag:s13] =	ssyncadd.s32 $0xFFFFE980  }
0x410: {  	_ =	swait.ge [sflag:s13], $0x280  }
0x411: {  	[sflag:s13] =	ssyncset.done $0x0  }
0x412: {  	[sflag:s13] =	ssyncadd.s32 $0xFFFFFD80  }
0x413: {  	_ =	swait.ge [sflag:s16], $0x1680  }
0x414: {  	[sflag:s16] =	ssyncset.done $0x0  }
0x415: {  	[sflag:s16] =	ssyncadd.s32 $0xFFFFE980  }
0x416: {  	v8 =	vld [tilespmem:$0xA0]  }
0x417: {  	v9 =	vld [tilespmem:$0xB0]  }
0x418: {  	v10 =	vld [tilespmem:$0xB8];
	_ =	sdelay $0x2  }
0x419: {  	[tilespmem:$0x118] =	vst v8  }
0x41a: {  	[tilespmem:$0x128] =	vst v9  }
0x41b: {  	[tilespmem:$0x130] =	vst v10  }
0x41c: {  	_ =	swait.ge [sflag:s26], $0x28  }
0x41d: {  	[sflag:s26] =	ssyncset.done $0x0  }
0x41e: {  	[sflag:s26] =	ssyncadd.s32 $0xFFFFFFD8  }
0x41f: {  	_ =	swait.ge [sflag:s26], $0x28  }
0x420: {  	[sflag:s26] =	ssyncset.done $0x0  }
0x421: {  	s7 =	simm.s32 $0x0;
	[sflag:s26] =	ssyncadd.s32 $0xFFFFFFD8  }
0x422: {  	[tilespmem:s28], [sflag:$0x1] =	stream.indirect.gather [hbm4b:s5+s20], $0x90, s7, s20, $0xb8;
	[tilespmem:$0x1D8D0] =	vst v63  }
0x423: {  	s17 =	simm.s32 $0x0  }
0x424: {  	[tilespmem:s8], [sflag:$0x1] =	stream.indirect.gather [hbm4b:s6+s20], $0x10, s14, s20, $0xb8;
	[tilespmem:$0x1D8D0] =	vst v63  }
0x425: {  	s18 =	simm.s32 $0x4740;
	s19 =	simm.s32 $0x240;
	v8 =	vld [tilespmem:s17+$0x1840]  }
.LBB2_30:
0x426: {  	p0 =	sne.s32 s19, $0x57C0;
	v9 =	vld [tilespmem:s18+$0x0];
	_ =	sdelay $0x4  }
0x427: {  	v8 =	vadd.f32 v9, v8;
	_ =	sdelay $0x1  }
0x428: {  	v9 =	vmul.f32 $2.000000030e-01, v8;
	_ =	sdelay $0x1  }
0x429: {  	v8 =	vmax.f32 v8, v9  }
0x42a: {  	v8 =	vmul.f32 $1.442695020e+00, v8;
	_ =	sdelay $0x1  }
0x42b: {  	(erf) = vpow2.f32 v8;
	_ =	sdelay $0x4  }
0x42c: {  	v8 =	vld [tilespmem:s17+$0x17C0]  }
0x42d: {  	v9 =	vld [tilespmem:s17+$0x17D0]  }
0x42e: {  	v10 =	vld [tilespmem:s17+$0x17E0]  }
0x42f: {  	v11 =	vld [tilespmem:s17+$0x17F0]  }
0x430: {  	v12 =	vld [tilespmem:s17+$0x1800];
	v13 =	vpop (erf)  }
0x431: {  	[tilespmem:s17+$0x6340] =	vst v13;
	v14 =	vperm.xlane v13, v0;
	v15 =	vperm.xlane v13, v1;
	v16 =	vld [tilespmem:s17+$0x1810]  }
0x432: {  	v17 =	vperm.xlane v13, v2;
	v18 =	vperm.xlane v13, v3;
	v19 =	vld [tilespmem:s17+$0x1820]  }
0x433: {  	v8 =	vmul.f32 v8, v14;
	v9 =	vmul.f32 v9, v15;
	v14 =	vld [tilespmem:s17+$0x1830]  }
0x434: {  	v10 =	vmul.f32 v10, v17;
	v11 =	vmul.f32 v11, v18  }
0x435: {  	v15 =	vperm.xlane v13, v5;
	[tilespmem:s17+$0x62C0] =	vst v8;
	v8 =	vperm.xlane v13, v4  }
0x436: {  	[tilespmem:s17+$0x62D0] =	vst v9;
	v9 =	vperm.xlane v13, v6;
	v13 =	vperm.xlane v13, v7  }
0x437: {  	[tilespmem:s17+$0x62E0] =	vst v10;
	v8 =	vmul.f32 v12, v8;
	v10 =	vmul.f32 v16, v15  }
.Ltmp14:
0x438: {  	[tilespmem:s17+$0x62F0] =	vst v11;
	v9 =	vmul.f32 v19, v9;
	v11 =	vmul.f32 v14, v13;
	(pc) =	sbr.rel @p0 .LBB2_30-.Ltmp14, $4  }
0x439: {  	[tilespmem:s17+$0x6300] =	vst v8  }
0x43a: {  	[tilespmem:s17+$0x6310] =	vst v10  }
0x43b: {  	s7 =	sshra.s32 s19, $0x2;
	[tilespmem:s17+$0x6320] =	vst v9  }
0x43c: {  	s19 =	sadd.s32 $0x240, s19;
	s18 =	sadd.s32 $0x10, s18;
	v8 =	vld [tilespmem:s7+$0x1840];
	[tilespmem:s17+$0x6330] =	vst v11;
	s17 =	smov.u32 s7  }
0x43d: {  	v9 =	vld [tilespmem:s18+$0x0];
	_ =	sdelay $0x4  }
0x43e: {  	v8 =	vadd.f32 v9, v8;
	_ =	sdelay $0x1  }
0x43f: {  	v9 =	vmul.f32 $2.000000030e-01, v8;
	_ =	sdelay $0x1  }
0x440: {  	v8 =	vmax.f32 v8, v9  }
0x441: {  	v8 =	vmul.f32 $1.442695020e+00, v8;
	_ =	sdelay $0x1  }
0x442: {  	(erf) = vpow2.f32 v8;
	_ =	sdelay $0x6  }
0x443: {  	v8 =	vld [tilespmem:s17+$0x17C0]  }
0x444: {  	v9 =	vld [tilespmem:s17+$0x17D0]  }
0x445: {  	v10 =	vld [tilespmem:s17+$0x17E0];
	v13 =	vpop (erf)  }
0x446: {  	v11 =	vld [tilespmem:s17+$0x17F0];
	v14 =	vperm.xlane v13, v0  }
0x447: {  	v16 =	vld [tilespmem:s17+$0x1810];
	v15 =	vperm.xlane v13, v1  }
0x448: {  	v12 =	vld [tilespmem:s17+$0x1800];
	v17 =	vperm.xlane v13, v2;
	v8 =	vmul.f32 v8, v14  }
0x449: {  	v18 =	vld [tilespmem:s17+$0x1820];
	[tilespmem:s17+$0x6340] =	vst v13;
	v60 =	vperm.xlane v13, v3;
	v9 =	vmul.f32 v9, v15  }
0x44a: {  	v61 =	vld [tilespmem:s17+$0x1830];
	v62 =	vperm.xlane v13, v5;
	v10 =	vmul.f32 v10, v17;
	[tilespmem:s17+$0x62C0] =	vst v8  }
0x44b: {  	v11 =	vmul.f32 v11, v60;
	v8 =	vperm.xlane v13, v4;
	[tilespmem:s17+$0x62D0] =	vst v9  }
0x44c: {  	v63 =	vmul.f32 v16, v62;
	v9 =	vperm.xlane v13, v6;
	[tilespmem:s17+$0x62E0] =	vst v10  }
0x44d: {  	v10 =	vperm.xlane v13, v7;
	[tilespmem:s17+$0x62F0] =	vst v11;
	v8 =	vmul.f32 v12, v8  }
0x44e: {  	[tilespmem:s17+$0x6310] =	vst v63;
	v9 =	vmul.f32 v18, v9  }
0x44f: {  	[tilespmem:s17+$0x6300] =	vst v8;
	v8 =	vmul.f32 v61, v10  }
0x450: {  	[tilespmem:s17+$0x6320] =	vst v9  }
0x451: {  	[tilespmem:s17+$0x6330] =	vst v8  }
0x452: {  	[spmem:s3] =	stream.indirect.scatter.add.f32 [tilespmem:s25], [sflag:$0x8], $0x90, s12, s20, $0xb8;
	[tilespmem:$0x1D8D0] =	vst v63  }
0x453: {  	_ =	swait.ge [sflag:s4], $0x1680  }
0x454: {  	[sflag:s4] =	ssyncset.done $0x0  }
0x455: {  	[sflag:s4] =	ssyncadd.s32 $0xFFFFE980  }
0x456: {  	_ =	swait.ge [sflag:s4], $0x280  }
0x457: {  	[sflag:s4] =	ssyncset.done $0x0  }
0x458: {  	[sflag:s4] =	ssyncadd.s32 $0xFFFFFD80  }
0x459: {  	_ =	swait.ge [sflag:s15], $0x1680  }
0x45a: {  	[sflag:s15] =	ssyncset.done $0x0  }
0x45b: {  	[sflag:s15] =	ssyncadd.s32 $0xFFFFE980  }
0x45c: {  	v8 =	vld [tilespmem:$0xC8]  }
0x45d: {  	v9 =	vld [tilespmem:$0xD8]  }
0x45e: {  	v10 =	vld [tilespmem:$0xE0];
	_ =	sdelay $0x2  }
0x45f: {  	[tilespmem:$0xF0] =	vst v8  }
0x460: {  	[tilespmem:$0x100] =	vst v9  }
0x461: {  	s17 =	simm.s32 $0x0;
	[tilespmem:$0x108] =	vst v10  }
0x462: {  	s18 =	simm.s32 $0x49C0;
	s19 =	simm.s32 $0x240;
	v8 =	vld [tilespmem:s17+$0x2EC0]  }
.LBB2_32:
0x463: {  	p0 =	sne.s32 s19, $0x57C0;
	v9 =	vld [tilespmem:s18+$0x0];
	_ =	sdelay $0x4  }
0x464: {  	v8 =	vadd.f32 v9, v8;
	_ =	sdelay $0x1  }
0x465: {  	v9 =	vmul.f32 $2.000000030e-01, v8;
	_ =	sdelay $0x1  }
0x466: {  	v8 =	vmax.f32 v8, v9  }
0x467: {  	v8 =	vmul.f32 $1.442695020e+00, v8;
	_ =	sdelay $0x1  }
0x468: {  	(erf) = vpow2.f32 v8;
	_ =	sdelay $0x4  }
0x469: {  	v8 =	vld [tilespmem:s17+$0x2E40]  }
0x46a: {  	v9 =	vld [tilespmem:s17+$0x2E50]  }
0x46b: {  	v10 =	vld [tilespmem:s17+$0x2E60]  }
0x46c: {  	v11 =	vld [tilespmem:s17+$0x2E70]  }
0x46d: {  	v12 =	vld [tilespmem:s17+$0x2E80];
	v13 =	vpop (erf)  }
0x46e: {  	[tilespmem:s17+$0x4CC0] =	vst v13;
	v14 =	vperm.xlane v13, v0;
	v15 =	vperm.xlane v13, v1;
	v16 =	vld [tilespmem:s17+$0x2E90]  }
0x46f: {  	v17 =	vperm.xlane v13, v2;
	v18 =	vperm.xlane v13, v3;
	v19 =	vld [tilespmem:s17+$0x2EA0]  }
0x470: {  	v8 =	vmul.f32 v8, v14;
	v9 =	vmul.f32 v9, v15;
	v14 =	vld [tilespmem:s17+$0x2EB0]  }
0x471: {  	v10 =	vmul.f32 v10, v17;
	v11 =	vmul.f32 v11, v18  }
0x472: {  	v15 =	vperm.xlane v13, v5;
	[tilespmem:s17+$0x4C40] =	vst v8;
	v8 =	vperm.xlane v13, v4  }
0x473: {  	[tilespmem:s17+$0x4C50] =	vst v9;
	v9 =	vperm.xlane v13, v6;
	v13 =	vperm.xlane v13, v7  }
0x474: {  	[tilespmem:s17+$0x4C60] =	vst v10;
	v8 =	vmul.f32 v12, v8;
	v10 =	vmul.f32 v16, v15  }
.Ltmp15:
0x475: {  	[tilespmem:s17+$0x4C70] =	vst v11;
	v9 =	vmul.f32 v19, v9;
	v11 =	vmul.f32 v14, v13;
	(pc) =	sbr.rel @p0 .LBB2_32-.Ltmp15, $4  }
0x476: {  	[tilespmem:s17+$0x4C80] =	vst v8  }
0x477: {  	[tilespmem:s17+$0x4C90] =	vst v10  }
0x478: {  	s7 =	sshra.s32 s19, $0x2;
	[tilespmem:s17+$0x4CA0] =	vst v9  }
0x479: {  	s19 =	sadd.s32 $0x240, s19;
	s18 =	sadd.s32 $0x10, s18;
	v8 =	vld [tilespmem:s7+$0x2EC0];
	[tilespmem:s17+$0x4CB0] =	vst v11;
	s17 =	smov.u32 s7  }
0x47a: {  	v9 =	vld [tilespmem:s18+$0x0];
	_ =	sdelay $0x4  }
0x47b: {  	v8 =	vadd.f32 v9, v8;
	_ =	sdelay $0x1  }
0x47c: {  	v9 =	vmul.f32 $2.000000030e-01, v8;
	_ =	sdelay $0x1  }
0x47d: {  	v8 =	vmax.f32 v8, v9  }
0x47e: {  	v8 =	vmul.f32 $1.442695020e+00, v8;
	_ =	sdelay $0x1  }
0x47f: {  	(erf) = vpow2.f32 v8;
	_ =	sdelay $0x6  }
0x480: {  	v8 =	vld [tilespmem:s17+$0x2E40]  }
0x481: {  	v9 =	vld [tilespmem:s17+$0x2E50]  }
0x482: {  	v10 =	vld [tilespmem:s17+$0x2E60];
	v13 =	vpop (erf)  }
0x483: {  	v11 =	vld [tilespmem:s17+$0x2E70];
	v14 =	vperm.xlane v13, v0  }
0x484: {  	v16 =	vld [tilespmem:s17+$0x2E90];
	v15 =	vperm.xlane v13, v1  }
0x485: {  	v12 =	vld [tilespmem:s17+$0x2E80];
	v17 =	vperm.xlane v13, v2;
	v8 =	vmul.f32 v8, v14  }
0x486: {  	v18 =	vld [tilespmem:s17+$0x2EA0];
	[tilespmem:s17+$0x4CC0] =	vst v13;
	v60 =	vperm.xlane v13, v3;
	v9 =	vmul.f32 v9, v15  }
0x487: {  	v61 =	vld [tilespmem:s17+$0x2EB0];
	v62 =	vperm.xlane v13, v5;
	v10 =	vmul.f32 v10, v17;
	[tilespmem:s17+$0x4C40] =	vst v8  }
0x488: {  	v11 =	vmul.f32 v11, v60;
	v8 =	vperm.xlane v13, v4;
	[tilespmem:s17+$0x4C50] =	vst v9  }
0x489: {  	v63 =	vmul.f32 v16, v62;
	v9 =	vperm.xlane v13, v6;
	[tilespmem:s17+$0x4C60] =	vst v10  }
0x48a: {  	v10 =	vperm.xlane v13, v7;
	[tilespmem:s17+$0x4C70] =	vst v11;
	v8 =	vmul.f32 v12, v8  }
0x48b: {  	[tilespmem:s17+$0x4C90] =	vst v63;
	v9 =	vmul.f32 v18, v9  }
0x48c: {  	[tilespmem:s17+$0x4C80] =	vst v8;
	v8 =	vmul.f32 v61, v10  }
0x48d: {  	[tilespmem:s17+$0x4CA0] =	vst v9  }
0x48e: {  	[tilespmem:s17+$0x4CB0] =	vst v8  }
0x48f: {  	[spmem:s3] =	stream.indirect.scatter.add.f32 [tilespmem:s11], [sflag:$0x7], $0x90, s10, s20, $0xb8;
	[tilespmem:$0x1D8D0] =	vst v63  }
0x490: {  	_ =	swait.ge [sflag:s0], $0x1680  }
0x491: {  	[sflag:s0] =	ssyncset.done $0x0  }
0x492: {  	[sflag:s0] =	ssyncadd.s32 $0xFFFFE980  }
0x493: {  	_ =	swait.ge [sflag:s0], $0x280  }
0x494: {  	[sflag:s0] =	ssyncset.done $0x0  }
0x495: {  	[sflag:s0] =	ssyncadd.s32 $0xFFFFFD80  }
0x496: {  	_ =	swait.ge [sflag:s16], $0x1680  }
0x497: {  	[sflag:s16] =	ssyncset.done $0x0  }
0x498: {  	[sflag:s16] =	ssyncadd.s32 $0xFFFFE980  }
0x499: {  	v8 =	vld [tilespmem:$0x78]  }
0x49a: {  	v9 =	vld [tilespmem:$0x88]  }
0x49b: {  	v10 =	vld [tilespmem:$0x90];
	_ =	sdelay $0x2  }
0x49c: {  	[tilespmem:$0x118] =	vst v8  }
0x49d: {  	[tilespmem:$0x128] =	vst v9  }
0x49e: {  	s17 =	simm.s32 $0x0;
	[tilespmem:$0x130] =	vst v10  }
0x49f: {  	s18 =	simm.s32 $0x44C0;
	s19 =	simm.s32 $0x240;
	v8 =	vld [tilespmem:s17+$0x1C0]  }
.LBB2_34:
0x4a0: {  	p0 =	sne.s32 s19, $0x57C0;
	v9 =	vld [tilespmem:s18+$0x0];
	_ =	sdelay $0x4  }
0x4a1: {  	v8 =	vadd.f32 v9, v8;
	_ =	sdelay $0x1  }
0x4a2: {  	v9 =	vmul.f32 $2.000000030e-01, v8;
	_ =	sdelay $0x1  }
0x4a3: {  	v8 =	vmax.f32 v8, v9  }
0x4a4: {  	v8 =	vmul.f32 $1.442695020e+00, v8;
	_ =	sdelay $0x1  }
0x4a5: {  	(erf) = vpow2.f32 v8;
	_ =	sdelay $0x4  }
0x4a6: {  	v8 =	vld [tilespmem:s17+$0x140]  }
0x4a7: {  	v9 =	vld [tilespmem:s17+$0x150]  }
0x4a8: {  	v10 =	vld [tilespmem:s17+$0x160]  }
0x4a9: {  	v11 =	vld [tilespmem:s17+$0x170]  }
0x4aa: {  	v12 =	vld [tilespmem:s17+$0x180];
	v13 =	vpop (erf)  }
0x4ab: {  	[tilespmem:s17+$0x6340] =	vst v13;
	v14 =	vperm.xlane v13, v0;
	v15 =	vperm.xlane v13, v1;
	v16 =	vld [tilespmem:s17+$0x190]  }
0x4ac: {  	v17 =	vperm.xlane v13, v2;
	v18 =	vperm.xlane v13, v3;
	v19 =	vld [tilespmem:s17+$0x1A0]  }
0x4ad: {  	v8 =	vmul.f32 v8, v14;
	v9 =	vmul.f32 v9, v15;
	v14 =	vld [tilespmem:s17+$0x1B0]  }
0x4ae: {  	v10 =	vmul.f32 v10, v17;
	v11 =	vmul.f32 v11, v18  }
0x4af: {  	v15 =	vperm.xlane v13, v5;
	[tilespmem:s17+$0x62C0] =	vst v8;
	v8 =	vperm.xlane v13, v4  }
0x4b0: {  	[tilespmem:s17+$0x62D0] =	vst v9;
	v9 =	vperm.xlane v13, v6;
	v13 =	vperm.xlane v13, v7  }
0x4b1: {  	[tilespmem:s17+$0x62E0] =	vst v10;
	v8 =	vmul.f32 v12, v8;
	v10 =	vmul.f32 v16, v15  }
.Ltmp16:
0x4b2: {  	[tilespmem:s17+$0x62F0] =	vst v11;
	v9 =	vmul.f32 v19, v9;
	v11 =	vmul.f32 v14, v13;
	(pc) =	sbr.rel @p0 .LBB2_34-.Ltmp16, $4  }
0x4b3: {  	[tilespmem:s17+$0x6300] =	vst v8  }
0x4b4: {  	[tilespmem:s17+$0x6310] =	vst v10  }
0x4b5: {  	s7 =	sshra.s32 s19, $0x2;
	[tilespmem:s17+$0x6320] =	vst v9  }
0x4b6: {  	s19 =	sadd.s32 $0x240, s19;
	s18 =	sadd.s32 $0x10, s18;
	v8 =	vld [tilespmem:s7+$0x1C0];
	[tilespmem:s17+$0x6330] =	vst v11;
	s17 =	smov.u32 s7  }
0x4b7: {  	v9 =	vld [tilespmem:s18+$0x0];
	_ =	sdelay $0x4  }
0x4b8: {  	v8 =	vadd.f32 v9, v8;
	_ =	sdelay $0x1  }
0x4b9: {  	v9 =	vmul.f32 $2.000000030e-01, v8;
	_ =	sdelay $0x1  }
0x4ba: {  	v8 =	vmax.f32 v8, v9  }
0x4bb: {  	v8 =	vmul.f32 $1.442695020e+00, v8;
	_ =	sdelay $0x1  }
0x4bc: {  	(erf) = vpow2.f32 v8;
	_ =	sdelay $0x6  }
0x4bd: {  	v8 =	vld [tilespmem:s17+$0x140]  }
0x4be: {  	v57 =	vld [tilespmem:s17+$0x150]  }
0x4bf: {  	v10 =	vld [tilespmem:s17+$0x160];
	v13 =	vpop (erf)  }
0x4c0: {  	v11 =	vld [tilespmem:s17+$0x170];
	v14 =	vperm.xlane v13, v0  }
0x4c1: {  	v16 =	vld [tilespmem:s17+$0x190];
	v15 =	vperm.xlane v13, v1  }
0x4c2: {  	v12 =	vld [tilespmem:s17+$0x180];
	v17 =	vperm.xlane v13, v2;
	v8 =	vmul.f32 v8, v14  }
0x4c3: {  	v18 =	vld [tilespmem:s17+$0x1A0];
	[tilespmem:s17+$0x6340] =	vst v13;
	v58 =	vperm.xlane v13, v3;
	v9 =	vmul.f32 v57, v15  }
0x4c4: {  	v59 =	vld [tilespmem:s17+$0x1B0];
	v60 =	vperm.xlane v13, v5;
	v10 =	vmul.f32 v10, v17;
	[tilespmem:s17+$0x62C0] =	vst v8  }
0x4c5: {  	v11 =	vmul.f32 v11, v58;
	v8 =	vperm.xlane v13, v4;
	[tilespmem:s17+$0x62D0] =	vst v9  }
0x4c6: {  	v61 =	vperm.xlane v13, v6;
	v63 =	vmul.f32 v16, v60;
	[tilespmem:s17+$0x62E0] =	vst v10  }
0x4c7: {  	v62 =	vperm.xlane v13, v7;
	[tilespmem:s17+$0x62F0] =	vst v11;
	v8 =	vmul.f32 v12, v8  }
0x4c8: {  	v9 =	vmul.f32 v18, v61;
	[tilespmem:s17+$0x6310] =	vst v63  }
0x4c9: {  	[tilespmem:s17+$0x6300] =	vst v8;
	v8 =	vmul.f32 v59, v62  }
0x4ca: {  	[tilespmem:s17+$0x6320] =	vst v9  }
0x4cb: {  	[tilespmem:s17+$0x6330] =	vst v8  }
0x4cc: {  	[spmem:s3] =	stream.indirect.scatter.add.f32 [tilespmem:s25], [sflag:$0x8], $0x90, s12, s20, $0xb8;
	[tilespmem:$0x1D8D0] =	vst v63  }
0x4cd: {  	_ =	swait.ge [sflag:s15], $0x1680  }
0x4ce: {  	[sflag:s15] =	ssyncset.done $0x0  }
0x4cf: {  	[sflag:s15] =	ssyncadd.s32 $0xFFFFE980  }
0x4d0: {  	_ =	swait.ge [sflag:s16], $0x1680  }
0x4d1: {  	[sflag:s16] =	ssyncset.done $0x0  }
0x4d2: {  	[sflag:s16] =	ssyncadd.s32 $0xFFFFE980  }
0x4d3: {  	[bflag:$0x0] =	sbarrier.arrive $0xFFFF  }
0x4d4: {  	s23 =	sld [smem:$0x7FA]  }
0x4d5: {  	s18 =	rddreg [dreg:$0x9]  }
0x4d6: {  	s19 =	simm.s32 $0x9;
	s7 =	rddreg [dreg:$0x18]  }
0x4d7: {  	[hbm:s7], [sflag:s18] =	dma.local [spmem:s23], $0x2BF2  }
0x4d8: {  	_ =	swait.ge [sflag:s19], $0x2BF2  }
0x4d9: {  	s30 =	sld [smem:$0x7F9];
	_ =	sdelay $0x2  }
0x4da: {  	s31 =	rddreg [dreg:$0x19];
	s17 =	sadd.s32 $0x1, s30  }
0x4db: {  	p0 =	sne.s32 s17, s31  }
.Ltmp17:
0x4dc: {  	_ = 	snop;
	(pc) =	sbr.rel @p0 .LBB2_1-.Ltmp17, $3  }
0x4dd: {  	_ =	sdelay $0x1  }
0x4de: {  	[sflag:s19] =	ssyncset.done $0x0  }
0x4df: {  	[sflag:s19] =	ssyncadd.s32 $0xFFFFD40E  }
0x4e0: {  	_ =	sfence.sel $0x180000  }
0x4e1: {  	[bflag:$0x0] =	sbarrier.arrive $0xFFFF  }
0x4e2: {  	_ =	strace $0x90000047  }
0x4e3: {  	s0 =	stileid.u32;
	[bflag:$0x2] =	sbarrier.arrive $0xFFFF  }
0x4e4: {  	p0 =	sne.s32 s0, $0x0;
	s0 =	rddreg [dreg:$0x3]  }
0x4e5: {  	s0 =	sadd.s32 @!p0 $0x100000, s0  }
0x4e6: {  	[sflag:s0] =	ssyncadd.tile.s32 @!p0 $0x1;
	_ =	shalt  }
.Lfunc_end2:
_tile_overlayer_lowered:
.L_overlay_start_2:
0x4e7: {  	(tag) =	ssettag $0x2  }
0x4e8: {  	s0 =	rddreg [dreg:$0x0];
	s2 =	stileid.u32  }
0x4e9: {  	s1 =	rddreg [dreg:$0x1];
	p0 =	sne.s32 s2, $0x0  }
0x4ea: {  	s3 =	rddreg [dreg:$0x2];
	[bflag:$0x3] =	sbarrier.arrive $0xFFFF;
	s2 =	simm.s32 @!p0 $0x1C09  }
0x4eb: {  	[timem:s3], [sflag:s2] =	dma.local @!p0 [hbm:s0], s1  }
0x4ec: {  	s0 =	simm.s32 @!p0 $0x9  }
0x4ed: {  	_ =	swait.ge @!p0 [sflag:s0], s1  }
0x4ee: {  	s1 =	ssub.s32 @!p0 $0x0, s1;
	[sflag:s0] =	ssyncset.done @!p0 $0x0  }
0x4ef: {  	[sflag:s0] =	ssyncadd.s32 @!p0 s1  }
0x4f0: {  	[bflag:$0x3] =	sbarrier.arrive $0xFFFF  }
0x4f1: {  	_ =	shalt  }

</sc_bundles>
